<compile_context>
chip_gen: v7x
topology: tpu7x:2x2x1
jax: 0.10.2.dev20260603
libtpu: 0.0.44.dev20260713+nightly
codegen_flags: <defaults>
</compile_context>

<pallas_src>
import jax
import jax.numpy as jnp
from jax import lax
from jax.experimental import pallas as pl
from jax.experimental.pallas import tpu as pltpu
from jax.experimental.pallas import tpu_sc as plsc

N = 10000
E = 320000
IN_CH = 128
HID = 16
OUT_CH = 128

NC, NS = 2, 16
NW = NC * NS
CHUNK = 128
NCH = E // CHUNK
CPT = NCH // NW
NEXTRA = NCH - CPT * NW
NBUF = 6
ROUNDS = CPT // NBUF
SLAB = 632
NPAD = NS * SLAB
TSLAB = N // NS
OSLAB = TSLAB

_mesh = plsc.VectorSubcoreMesh(core_axis_name="c", subcore_axis_name="s")
_sc_params = pltpu.CompilerParams(use_tc_tiling_on_sc=False)
_f32 = jnp.float32



def _edge_pipeline(tab, sd_v, acc, bufs, gsems, ssems,
                   ones_v=None, cnt_acc=None, csems=None):

    def gather(j, b):
        pltpu.async_copy(tab.at[sd_v.at[j, 0]], bufs[b], gsems[b])

    def gather_wait(b):
        pltpu.make_async_copy(tab.at[sd_v.at[0, 0]], bufs[b], gsems[b]).wait()

    def scatter(j, b):
        pltpu.async_copy(bufs[b], acc.at[sd_v.at[j, 1]], ssems[b], add=True)

    def scatter_wait(b):
        pltpu.make_async_copy(bufs[b], acc.at[sd_v.at[0, 1]], ssems[b]).wait()

    def cnt_wait(b):
        pltpu.make_async_copy(ones_v, cnt_acc.at[sd_v.at[0, 1]],
                              csems[b]).wait()

    for b in range(NBUF):
        gather(b, b)

    def round_body(g, carry):
        for b in range(NBUF):
            j = g * NBUF + b
            gather_wait(b)
            scatter(j, b)
            if cnt_acc is not None:
                @pl.when(g > 0)
                def _():
                    cnt_wait(b)
                pltpu.async_copy(ones_v, cnt_acc.at[sd_v.at[j, 1]], csems[b],
                                 add=True)
        for b in range(NBUF):
            scatter_wait(b)
            gather((g + 1) * NBUF + b, b)
        return carry

    lax.fori_loop(0, ROUNDS - 1, round_body, 0)
    g = ROUNDS - 1
    for b in range(NBUF):
        j = g * NBUF + b
        gather_wait(b)
        scatter(j, b)
        if cnt_acc is not None:
            cnt_wait(b)
            pltpu.async_copy(ones_v, cnt_acc.at[sd_v.at[j, 1]], csems[b],
                             add=True)
    for b in range(NBUF):
        scatter_wait(b)
        if cnt_acc is not None:
            cnt_wait(b)


def _extra_chunk(wid, edges, tab, acc, buf, gsem, ssem, sdx,
                 ones_v=None, cnt_acc=None, csem=None):
    @pl.when(wid < NEXTRA)
    def _():
        pltpu.sync_copy(edges.at[pl.ds(CPT * NW + wid, 1)], sdx)
        pltpu.async_copy(tab.at[sdx.at[0, 0]], buf, gsem).wait()
        pltpu.async_copy(buf, acc.at[sdx.at[0, 1]], ssem, add=True).wait()
        if cnt_acc is not None:
            pltpu.async_copy(ones_v, cnt_acc.at[sdx.at[0, 1]], csem,
                             add=True).wait()


def _sc_segsum_cnt_body(table, edges, zeros, ones_h,
                        out, cnt_out,
                        sd_v, sdx, ones_v,
                        b0, b1, b2, b3, b4, b5, tab, acc, cnt_acc,
                        gs0, gs1, gs2, gs3, gs4, gs5,
                        ss0, ss1, ss2, ss3, ss4, ss5,
                        cs0, cs1, cs2, cs3, cs4, cs5):
    cid = lax.axis_index("c")
    sid = lax.axis_index("s")
    wid = cid * NS + sid
    zsl = pl.ds(sid * SLAB, SLAB)
    tsl = pl.ds(sid * TSLAB, TSLAB)
    pltpu.sync_copy(table.at[tsl], tab.at[tsl])
    pltpu.sync_copy(zeros, acc.at[zsl])
    pltpu.sync_copy(zeros, cnt_acc.at[zsl])
    pltpu.sync_copy(ones_h, ones_v)
    pltpu.sync_copy(edges.at[pl.ds(wid * CPT, CPT)], sd_v)
    plsc.subcore_barrier()
    _extra_chunk(wid, edges, tab, acc, b0, gs0, ss0, sdx,
                 ones_v=ones_v, cnt_acc=cnt_acc, csem=cs0)
    _edge_pipeline(tab, sd_v, acc,
                   [b0, b1, b2, b3, b4, b5],
                   [gs0, gs1, gs2, gs3, gs4, gs5],
                   [ss0, ss1, ss2, ss3, ss4, ss5],
                   ones_v=ones_v, cnt_acc=cnt_acc,
                   csems=[cs0, cs1, cs2, cs3, cs4, cs5])
    plsc.subcore_barrier()
    pltpu.sync_copy(acc.at[tsl], out.at[cid, tsl])
    pltpu.sync_copy(cnt_acc.at[tsl], cnt_out.at[cid, tsl])


def _sc_segsum_body(table, edges, zeros,
                    out,
                    sd_v, sdx, b0, b1, b2, b3, b4, b5, tab, acc,
                    gs0, gs1, gs2, gs3, gs4, gs5,
                    ss0, ss1, ss2, ss3, ss4, ss5):
    cid = lax.axis_index("c")
    sid = lax.axis_index("s")
    wid = cid * NS + sid
    zsl = pl.ds(sid * SLAB, SLAB)
    tsl = pl.ds(sid * TSLAB, TSLAB)
    pltpu.sync_copy(table.at[tsl], tab.at[tsl])
    pltpu.sync_copy(zeros, acc.at[zsl])
    pltpu.sync_copy(edges.at[pl.ds(wid * CPT, CPT)], sd_v)
    plsc.subcore_barrier()
    _extra_chunk(wid, edges, tab, acc, b0, gs0, ss0, sdx)
    _edge_pipeline(tab, sd_v, acc,
                   [b0, b1, b2, b3, b4, b5],
                   [gs0, gs1, gs2, gs3, gs4, gs5],
                   [ss0, ss1, ss2, ss3, ss4, ss5])
    plsc.subcore_barrier()
    pltpu.sync_copy(acc.at[tsl], out.at[cid, tsl])


_DMA = pltpu.SemaphoreType.DMA

_seg_cnt = pl.kernel(
    _sc_segsum_cnt_body,
    out_type=(jax.ShapeDtypeStruct((NC, N, HID), _f32),
              jax.ShapeDtypeStruct((NC, N, HID), _f32)),
    mesh=_mesh,
    scratch_types=(
        [pltpu.VMEM((CPT, 2, CHUNK), jnp.int32),
         pltpu.VMEM((1, 2, CHUNK), jnp.int32)]
        + [pltpu.VMEM((CHUNK, HID), _f32)] * (1 + NBUF)
        + [pltpu.VMEM_SHARED((NPAD, HID), _f32)] * 3
        + [_DMA] * (3 * NBUF)
    ),
    compiler_params=_sc_params,
)

_seg = pl.kernel(
    _sc_segsum_body,
    out_type=jax.ShapeDtypeStruct((NC, N, HID), _f32),
    mesh=_mesh,
    scratch_types=(
        [pltpu.VMEM((CPT, 2, CHUNK), jnp.int32),
         pltpu.VMEM((1, 2, CHUNK), jnp.int32)]
        + [pltpu.VMEM((CHUNK, HID), _f32)] * NBUF
        + [pltpu.VMEM_SHARED((NPAD, HID), _f32)] * 2
        + [_DMA] * (2 * NBUF)
    ),
    compiler_params=_sc_params,
)



PK = 8
NR = N // PK


def _proj_body(x3_ref, wl_ref, wr_ref, p_ref, r_ref):
    x3 = x3_ref[...]
    wl = wl_ref[...]
    wr = wr_ref[...]
    pparts, rparts = [], []
    for b in range(PK):
        xb = x3[:, b, :]
        pparts.append(lax.dot_general(xb, wl, (((1,), (1,)), ((), ())),
                                      preferred_element_type=_f32))
        rparts.append(lax.dot_general(xb, wr, (((1,), (1,)), ((), ())),
                                      preferred_element_type=_f32))
    p_ref[...] = jnp.concatenate(pparts, axis=1)
    r_ref[...] = jnp.concatenate(rparts, axis=1)


def _mid_body(s_ref, c_ref, bl_ref, r_ref,
              wl_ref, wr_ref, p_out, r_out, inv_out):
    inv = 1.0 / jnp.maximum(c_ref[0] + c_ref[1], 1.0)
    h = jnp.maximum((s_ref[0] + s_ref[1]) * inv
                    + bl_ref[...] + r_ref[...], 0.0)
    p_out[...] = jnp.dot(h, wl_ref[...], preferred_element_type=_f32)
    r_out[...] = jnp.dot(h, wr_ref[...], preferred_element_type=_f32)
    inv_out[...] = inv


def _act_body(s_ref, inv_ref, bl_ref, r_ref, h_out):
    h_out[...] = jnp.maximum((s_ref[0] + s_ref[1]) * inv_ref[...]
                             + bl_ref[...] + r_ref[...], 0.0)


def _final_body(s_ref, inv_ref, h_ref, wl_ref, wr_ref, bl_ref, out_ref):
    mean = (s_ref[0] + s_ref[1]) * inv_ref[...]
    out_ref[...] = (jnp.dot(mean, wl_ref[...], preferred_element_type=_f32)
                    + jnp.dot(h_ref[...], wr_ref[...],
                              preferred_element_type=_f32)
                    + bl_ref[...])


_proj = pl.pallas_call(
    _proj_body,
    out_shape=(jax.ShapeDtypeStruct((NR, 128), _f32),
               jax.ShapeDtypeStruct((NR, 128), _f32)))

_mid = pl.pallas_call(
    _mid_body,
    out_shape=(jax.ShapeDtypeStruct((NR, 128), _f32),
               jax.ShapeDtypeStruct((NR, 128), _f32),
               jax.ShapeDtypeStruct((NR, 128), _f32)))

_act = pl.pallas_call(
    _act_body,
    out_shape=jax.ShapeDtypeStruct((NR, 128), _f32))

_final = pl.pallas_call(
    _final_body,
    out_shape=jax.ShapeDtypeStruct((NR, PK * OUT_CH), _f32))



def kernel(edge_index, features, Wl0, bl0, Wr0, Wl1, bl1, Wr1, Wl2, bl2, Wr2):
    edges_t = edge_index.astype(jnp.int32).reshape(2, NCH, CHUNK).transpose(
        1, 0, 2)
    zeros = jnp.zeros((SLAB, HID), _f32)
    ones = jnp.ones((CHUNK, HID), _f32)
    x3 = features.reshape(NR, PK, IN_CH)
    eye8 = jnp.eye(PK, dtype=_f32)
    bd1l = jnp.kron(eye8, Wl1.T)
    bd1r = jnp.kron(eye8, Wr1.T)
    ws2l = jnp.kron(eye8, Wl2.T)
    ws2r = jnp.kron(eye8, Wr2.T)
    blt0 = jnp.tile(bl0, PK).reshape(1, 128)
    blt1 = jnp.tile(bl1, PK).reshape(1, 128)
    blt2 = jnp.tile(bl2, PK).reshape(1, PK * OUT_CH)

    p0p, r0p = _proj(x3, Wl0, Wr0)
    s0, c0 = _seg_cnt(p0p.reshape(N, HID), edges_t, zeros, ones)
    p1p, r1p, invp = _mid(s0.reshape(NC, NR, 128), c0.reshape(NC, NR, 128),
                          blt0, r0p, bd1l, bd1r)
    s1 = _seg(p1p.reshape(N, HID), edges_t, zeros)
    h1p = _act(s1.reshape(NC, NR, 128), invp, blt1, r1p)
    s2 = _seg(h1p.reshape(N, HID), edges_t, zeros)
    outb = _final(s2.reshape(NC, NR, 128), invp, h1p, ws2l, ws2r, blt2)
    return outb.reshape(N, OUT_CH)

# --- scband reference (transcript-rebuilt; emitter-appended) ---
"""Pipeline reference for scband-net-57561151701542 (READ-ONLY COPY).

The authoritative reference and input builder live on the scoring server;
editing this copy changes nothing except your own understanding.
"""

import jax, jax.numpy as jnp
import numpy as np

N_NODES = 10000
N_EDGES = 320000
IN_CH = 128
HID = 16
OUT_CH = 128


def _glorot(key, shape):
    fan_in, fan_out = shape[1], shape[0]
    limit = jnp.sqrt(6.0 / (fan_in + fan_out))
    return jax.random.uniform(key, shape, jnp.float32, -limit, limit)


def setup_inputs(seed: int = 0) -> dict:
    key = jax.random.key(seed)
    ks = jax.random.split(key, 12)
    edge_index = jax.random.randint(ks[0], (2, N_EDGES), 0, N_NODES, dtype=jnp.int64)
    features = jax.random.normal(ks[1], (N_NODES, IN_CH), dtype=jnp.float32)
    # SAGEConv layers: 128->16, 16->16, 16->128
    # each layer: lin_l (weight [out,in], bias [out]) applied to aggregated neighbors,
    #             lin_r (weight [out,in], no bias) applied to root features
    Wl0 = _glorot(ks[2], (HID, IN_CH)); bl0 = jnp.zeros((HID,), jnp.float32)
    Wr0 = _glorot(ks[3], (HID, IN_CH))
    Wl1 = _glorot(ks[4], (HID, HID)); bl1 = jnp.zeros((HID,), jnp.float32)
    Wr1 = _glorot(ks[5], (HID, HID))
    Wl2 = _glorot(ks[6], (OUT_CH, HID)); bl2 = jnp.zeros((OUT_CH,), jnp.float32)
    Wr2 = _glorot(ks[7], (OUT_CH, HID))
    return {"edge_index": edge_index, "features": features,
            "Wl0": Wl0, "bl0": bl0, "Wr0": Wr0,
            "Wl1": Wl1, "bl1": bl1, "Wr1": Wr1,
            "Wl2": Wl2, "bl2": bl2, "Wr2": Wr2}


def _sage_conv(x, src, dst, Wl, bl, Wr):
    # mean aggregation of source-node features at destination nodes
    msg = jnp.take(x, src, axis=0)
    summed = jax.ops.segment_sum(msg, dst, num_segments=N_NODES)
    cnt = jax.ops.segment_sum(jnp.ones((msg.shape[0],), x.dtype), dst, num_segments=N_NODES)
    mean = summed / jnp.clip(cnt, 1.0, None)[:, None]
    return mean @ Wl.T + bl + x @ Wr.T


def reference(edge_index, features, Wl0, bl0, Wr0, Wl1, bl1, Wr1, Wl2, bl2, Wr2):
    src = edge_index[0]
    dst = edge_index[1]
    h = _sage_conv(features, src, dst, Wl0, bl0, Wr0)
    h = jax.nn.relu(h)
    # dropout is identity in eval mode
    h = _sage_conv(h, src, dst, Wl1, bl1, Wr1)
    h = jax.nn.relu(h)
    h = _sage_conv(h, src, dst, Wl2, bl2, Wr2)
    return h

if __name__ == "__main__":
    import jax
    _d = setup_inputs()
    print(jax.jit(kernel)(*tuple(_d.values())))

</pallas_src>

<mosaic_0001>
#map = affine_map<(d0, d1) -> (0, 0)>
#map1 = affine_map<(d0, d1) -> (0, 0, 0)>
module attributes {stable_mosaic.version = 14 : i64} {
  func.func @_sc_segsum_body(%arg0: i32, %arg1: i32, %arg2: memref<10000x16xf32, #tpu.memory_space<hbm>>, %arg3: memref<2500x2x128xi32, #tpu.memory_space<hbm>>, %arg4: memref<632x16xf32, #tpu.memory_space<hbm>>, %arg5: memref<2x10000x16xf32, #tpu.memory_space<hbm>>, %arg6: memref<78x2x128xi32, #tpu.memory_space<vmem>>, %arg7: memref<1x2x128xi32, #tpu.memory_space<vmem>>, %arg8: memref<128x16xf32, #tpu.memory_space<vmem>>, %arg9: memref<128x16xf32, #tpu.memory_space<vmem>>, %arg10: memref<128x16xf32, #tpu.memory_space<vmem>>, %arg11: memref<128x16xf32, #tpu.memory_space<vmem>>, %arg12: memref<128x16xf32, #tpu.memory_space<vmem>>, %arg13: memref<128x16xf32, #tpu.memory_space<vmem>>, %arg14: memref<10112x16xf32, #tpu.memory_space<vmem_shared>>, %arg15: memref<10112x16xf32, #tpu.memory_space<vmem_shared>>, %arg16: memref<!tpu.dma_semaphore, #tpu.memory_space<semaphore_mem>>, %arg17: memref<!tpu.dma_semaphore, #tpu.memory_space<semaphore_mem>>, %arg18: memref<!tpu.dma_semaphore, #tpu.memory_space<semaphore_mem>>, %arg19: memref<!tpu.dma_semaphore, #tpu.memory_space<semaphore_mem>>, %arg20: memref<!tpu.dma_semaphore, #tpu.memory_space<semaphore_mem>>, %arg21: memref<!tpu.dma_semaphore, #tpu.memory_space<semaphore_mem>>, %arg22: memref<!tpu.dma_semaphore, #tpu.memory_space<semaphore_mem>>, %arg23: memref<!tpu.dma_semaphore, #tpu.memory_space<semaphore_mem>>, %arg24: memref<!tpu.dma_semaphore, #tpu.memory_space<semaphore_mem>>, %arg25: memref<!tpu.dma_semaphore, #tpu.memory_space<semaphore_mem>>, %arg26: memref<!tpu.dma_semaphore, #tpu.memory_space<semaphore_mem>>, %arg27: memref<!tpu.dma_semaphore, #tpu.memory_space<semaphore_mem>>) attributes {dimension_semantics = [#tpu.dimension_semantics<core_parallel>, #tpu.dimension_semantics<subcore_parallel>], iteration_bounds = array<i64: 2, 16>, scalar_prefetch = 0 : i64, scratch_operands = 22 : i64, tpu.core_type = #tpu.core_type<sc_vector_subcore>, window_params = [{transform_indices = #map}, {transform_indices = #map1}, {transform_indices = #map}, {transform_indices = #map1}]} {
    %mul3A = arith.constant 16 : i32
    %mul3A_0 = arith.muli %arg0, %mul3A : i32
    %add3A = arith.addi %mul3A_0, %arg1 : i32
    %mul3A_1 = arith.constant 632 : i32
    %mul3A_2 = arith.muli %arg1, %mul3A_1 : i32
    %mul3A_3 = arith.constant 625 : i32
    %mul3A_4 = arith.muli %arg1, %mul3A_3 : i32
    "tpu.region"() ({
      %run_scoped3A = tpu.sem_alloc : memref<!tpu.dma_semaphore, #tpu.memory_space<semaphore_mem>>
      %dma_start3A_205 = arith.constant 0 : i32
      %dma_start3A_206 = tpu.memref_slice %arg14[%mul3A_4, %dma_start3A_205] : memref<10112x16xf32, #tpu.memory_space<vmem_shared>> -> memref<625x16xf32, #tpu.memory_space<vmem_shared>>
      %dma_start3A_207 = arith.constant 0 : i32
      %dma_start3A_208 = tpu.memref_slice %arg2[%mul3A_4, %dma_start3A_207] : memref<10000x16xf32, #tpu.memory_space<hbm>> -> memref<625x16xf32, #tpu.memory_space<hbm>>
      tpu.enqueue_dma source(%dma_start3A_208 : memref<625x16xf32, #tpu.memory_space<hbm>>) target(%dma_start3A_206 : memref<625x16xf32, #tpu.memory_space<vmem_shared>>) target_semaphore(%run_scoped3A : memref<!tpu.dma_semaphore, #tpu.memory_space<semaphore_mem>>)
      %dma_wait3A_209 = arith.constant 0 : i32
      %dma_wait3A_210 = tpu.memref_slice %arg14[%mul3A_4, %dma_wait3A_209] : memref<10112x16xf32, #tpu.memory_space<vmem_shared>> -> memref<625x16xf32, #tpu.memory_space<vmem_shared>>
      %dma_wait3A_211 = arith.constant 0 : i32
      %dma_wait3A_212 = tpu.memref_slice %arg2[%mul3A_4, %dma_wait3A_211] : memref<10000x16xf32, #tpu.memory_space<hbm>> -> memref<625x16xf32, #tpu.memory_space<hbm>>
      tpu.wait_dma2 semaphore(%run_scoped3A : memref<!tpu.dma_semaphore, #tpu.memory_space<semaphore_mem>>) src(%dma_wait3A_212 : memref<625x16xf32, #tpu.memory_space<hbm>>) dst(%dma_wait3A_210 : memref<625x16xf32, #tpu.memory_space<vmem_shared>>)
      tpu.yield
    }) : () -> ()
    "tpu.region"() ({
      %run_scoped3A = tpu.sem_alloc : memref<!tpu.dma_semaphore, #tpu.memory_space<semaphore_mem>>
      %dma_start3A_205 = arith.constant 0 : i32
      %dma_start3A_206 = tpu.memref_slice %arg15[%mul3A_2, %dma_start3A_205] : memref<10112x16xf32, #tpu.memory_space<vmem_shared>> -> memref<632x16xf32, #tpu.memory_space<vmem_shared>>
      tpu.enqueue_dma source(%arg4 : memref<632x16xf32, #tpu.memory_space<hbm>>) target(%dma_start3A_206 : memref<632x16xf32, #tpu.memory_space<vmem_shared>>) target_semaphore(%run_scoped3A : memref<!tpu.dma_semaphore, #tpu.memory_space<semaphore_mem>>)
      %dma_wait3A_207 = arith.constant 0 : i32
      %dma_wait3A_208 = tpu.memref_slice %arg15[%mul3A_2, %dma_wait3A_207] : memref<10112x16xf32, #tpu.memory_space<vmem_shared>> -> memref<632x16xf32, #tpu.memory_space<vmem_shared>>
      tpu.wait_dma2 semaphore(%run_scoped3A : memref<!tpu.dma_semaphore, #tpu.memory_space<semaphore_mem>>) src(%arg4 : memref<632x16xf32, #tpu.memory_space<hbm>>) dst(%dma_wait3A_208 : memref<632x16xf32, #tpu.memory_space<vmem_shared>>)
      tpu.yield
    }) : () -> ()
    %mul3A_5 = arith.constant 78 : i32
    %mul3A_6 = arith.muli %add3A, %mul3A_5 : i32
    "tpu.region"() ({
      %run_scoped3A = tpu.sem_alloc : memref<!tpu.dma_semaphore, #tpu.memory_space<semaphore_mem>>
      %dma_start3A_205 = arith.constant 0 : i32
      %dma_start3A_206 = arith.constant 0 : i32
      %dma_start3A_207 = tpu.memref_slice %arg3[%mul3A_6, %dma_start3A_205, %dma_start3A_206] : memref<2500x2x128xi32, #tpu.memory_space<hbm>> -> memref<78x2x128xi32, #tpu.memory_space<hbm>>
      %dma_start3A_208 = arith.constant 0 : i32
      %dma_start3A_209 = arith.constant 0 : i32
      %dma_start3A_210 = tpu.memref_slice %arg3[%mul3A_6, %dma_start3A_208, %dma_start3A_209] : memref<2500x2x128xi32, #tpu.memory_space<hbm>> -> memref<78x2x128xi32, #tpu.memory_space<hbm>>
      tpu.enqueue_dma source(%dma_start3A_210 : memref<78x2x128xi32, #tpu.memory_space<hbm>>) target(%arg6 : memref<78x2x128xi32, #tpu.memory_space<vmem>>) target_semaphore(%run_scoped3A : memref<!tpu.dma_semaphore, #tpu.memory_space<semaphore_mem>>)
      %dma_wait3A_211 = arith.constant 0 : i32
      %dma_wait3A_212 = arith.constant 0 : i32
      %dma_wait3A_213 = tpu.memref_slice %arg3[%mul3A_6, %dma_wait3A_211, %dma_wait3A_212] : memref<2500x2x128xi32, #tpu.memory_space<hbm>> -> memref<78x2x128xi32, #tpu.memory_space<hbm>>
      %dma_wait3A_214 = arith.constant 0 : i32
      %dma_wait3A_215 = arith.constant 0 : i32
      %dma_wait3A_216 = tpu.memref_slice %arg3[%mul3A_6, %dma_wait3A_214, %dma_wait3A_215] : memref<2500x2x128xi32, #tpu.memory_space<hbm>> -> memref<78x2x128xi32, #tpu.memory_space<hbm>>
      tpu.wait_dma2 semaphore(%run_scoped3A : memref<!tpu.dma_semaphore, #tpu.memory_space<semaphore_mem>>) src(%dma_wait3A_216 : memref<78x2x128xi32, #tpu.memory_space<hbm>>) dst(%arg6 : memref<78x2x128xi32, #tpu.memory_space<vmem>>)
      tpu.yield
    }) : () -> ()
    %barrier3A = arith.constant 0 : index
    tpu.barrier barrier_id(%barrier3A)
    %lt3A = arith.constant 4 : i32
    %lt3A_7 = arith.cmpi slt, %add3A, %lt3A : i32
    %convert_element_type3A = arith.extui %lt3A_7 : i1 to i32
    %cond3A = arith.constant 0 : i32
    %cond3A_8 = arith.cmpi ne, %convert_element_type3A, %cond3A : i32
    scf.if %cond3A_8 {
      %add3A_205 = arith.constant 2496 : i32
      %add3A_206 = arith.addi %add3A_205, %add3A : i32
      "tpu.region"() ({
        %run_scoped3A = tpu.sem_alloc : memref<!tpu.dma_semaphore, #tpu.memory_space<semaphore_mem>>
        %dma_start3A_239 = arith.constant 0 : i32
        %dma_start3A_240 = arith.constant 0 : i32
        %dma_start3A_241 = tpu.memref_slice %arg3[%add3A_206, %dma_start3A_239, %dma_start3A_240] : memref<2500x2x128xi32, #tpu.memory_space<hbm>> -> memref<1x2x128xi32, #tpu.memory_space<hbm>>
        %dma_start3A_242 = arith.constant 0 : i32
        %dma_start3A_243 = arith.constant 0 : i32
        %dma_start3A_244 = tpu.memref_slice %arg3[%add3A_206, %dma_start3A_242, %dma_start3A_243] : memref<2500x2x128xi32, #tpu.memory_space<hbm>> -> memref<1x2x128xi32, #tpu.memory_space<hbm>>
        tpu.enqueue_dma source(%dma_start3A_244 : memref<1x2x128xi32, #tpu.memory_space<hbm>>) target(%arg7 : memref<1x2x128xi32, #tpu.memory_space<vmem>>) target_semaphore(%run_scoped3A : memref<!tpu.dma_semaphore, #tpu.memory_space<semaphore_mem>>)
        %dma_wait3A_245 = arith.constant 0 : i32
        %dma_wait3A_246 = arith.constant 0 : i32
        %dma_wait3A_247 = tpu.memref_slice %arg3[%add3A_206, %dma_wait3A_245, %dma_wait3A_246] : memref<2500x2x128xi32, #tpu.memory_space<hbm>> -> memref<1x2x128xi32, #tpu.memory_space<hbm>>
        %dma_wait3A_248 = arith.constant 0 : i32
        %dma_wait3A_249 = arith.constant 0 : i32
        %dma_wait3A_250 = tpu.memref_slice %arg3[%add3A_206, %dma_wait3A_248, %dma_wait3A_249] : memref<2500x2x128xi32, #tpu.memory_space<hbm>> -> memref<1x2x128xi32, #tpu.memory_space<hbm>>
        tpu.wait_dma2 semaphore(%run_scoped3A : memref<!tpu.dma_semaphore, #tpu.memory_space<semaphore_mem>>) src(%dma_wait3A_250 : memref<1x2x128xi32, #tpu.memory_space<hbm>>) dst(%arg7 : memref<1x2x128xi32, #tpu.memory_space<vmem>>)
        tpu.yield
      }) : () -> ()
      %dma_start3A_207 = arith.constant 0 : i32
      %dma_start3A_208 = arith.constant 0 : i32
      %dma_start3A_209 = arith.constant 0 : i32
      %dma_start3A_210 = tpu.memref_slice %arg7[%dma_start3A_207, %dma_start3A_208, %dma_start3A_209] : memref<1x2x128xi32, #tpu.memory_space<vmem>> -> memref<1x1x128xi32, #tpu.memory_space<vmem>>
      %dma_start3A_211 = tpu.memref_squeeze %dma_start3A_210 : memref<1x1x128xi32, #tpu.memory_space<vmem>> -> memref<128xi32, #tpu.memory_space<vmem>>
      %dma_start3A_212 = arith.constant 0 : i32
      %dma_start3A_213 = arith.constant 0 : i32
      %dma_start3A_214 = tpu.memref_slice %arg14[%dma_start3A_212, %dma_start3A_213] : memref<10112x16xf32, #tpu.memory_space<vmem_shared>> -> memref<10112x16xf32, #tpu.memory_space<vmem_shared>>
      tpu.enqueue_indirect_dma source(%dma_start3A_214 : memref<10112x16xf32, #tpu.memory_space<vmem_shared>>) target(%arg8 : memref<128x16xf32, #tpu.memory_space<vmem>>) offsets(%dma_start3A_211 : memref<128xi32, #tpu.memory_space<vmem>>) semaphore(%arg16 : memref<!tpu.dma_semaphore, #tpu.memory_space<semaphore_mem>>)
      %dma_wait3A_215 = arith.constant 0 : i32
      %dma_wait3A_216 = arith.constant 0 : i32
      %dma_wait3A_217 = arith.constant 0 : i32
      %dma_wait3A_218 = tpu.memref_slice %arg7[%dma_wait3A_215, %dma_wait3A_216, %dma_wait3A_217] : memref<1x2x128xi32, #tpu.memory_space<vmem>> -> memref<1x1x128xi32, #tpu.memory_space<vmem>>
      %dma_wait3A_219 = tpu.memref_squeeze %dma_wait3A_218 : memref<1x1x128xi32, #tpu.memory_space<vmem>> -> memref<128xi32, #tpu.memory_space<vmem>>
      %dma_wait3A_220 = arith.constant 0 : i32
      %dma_wait3A_221 = arith.constant 0 : i32
      %dma_wait3A_222 = tpu.memref_slice %arg14[%dma_wait3A_220, %dma_wait3A_221] : memref<10112x16xf32, #tpu.memory_space<vmem_shared>> -> memref<10112x16xf32, #tpu.memory_space<vmem_shared>>
      tpu.wait_indirect_dma semaphore(%arg16 : memref<!tpu.dma_semaphore, #tpu.memory_space<semaphore_mem>>) src(%dma_wait3A_222 : memref<10112x16xf32, #tpu.memory_space<vmem_shared>>) dst(%arg8 : memref<128x16xf32, #tpu.memory_space<vmem>>)
      %dma_start3A_223 = arith.constant 0 : i32
      %dma_start3A_224 = arith.constant 1 : i32
      %dma_start3A_225 = arith.constant 0 : i32
      %dma_start3A_226 = tpu.memref_slice %arg7[%dma_start3A_223, %dma_start3A_224, %dma_start3A_225] : memref<1x2x128xi32, #tpu.memory_space<vmem>> -> memref<1x1x128xi32, #tpu.memory_space<vmem>>
      %dma_start3A_227 = tpu.memref_squeeze %dma_start3A_226 : memref<1x1x128xi32, #tpu.memory_space<vmem>> -> memref<128xi32, #tpu.memory_space<vmem>>
      %dma_start3A_228 = arith.constant 0 : i32
      %dma_start3A_229 = arith.constant 0 : i32
      %dma_start3A_230 = tpu.memref_slice %arg15[%dma_start3A_228, %dma_start3A_229] : memref<10112x16xf32, #tpu.memory_space<vmem_shared>> -> memref<10112x16xf32, #tpu.memory_space<vmem_shared>>
      tpu.enqueue_indirect_dma source(%arg8 : memref<128x16xf32, #tpu.memory_space<vmem>>) target(%dma_start3A_230 : memref<10112x16xf32, #tpu.memory_space<vmem_shared>>) offsets(%dma_start3A_227 : memref<128xi32, #tpu.memory_space<vmem>>) semaphore(%arg22 : memref<!tpu.dma_semaphore, #tpu.memory_space<semaphore_mem>>) {add = true}
      %dma_wait3A_231 = arith.constant 0 : i32
      %dma_wait3A_232 = arith.constant 1 : i32
      %dma_wait3A_233 = arith.constant 0 : i32
      %dma_wait3A_234 = tpu.memref_slice %arg7[%dma_wait3A_231, %dma_wait3A_232, %dma_wait3A_233] : memref<1x2x128xi32, #tpu.memory_space<vmem>> -> memref<1x1x128xi32, #tpu.memory_space<vmem>>
      %dma_wait3A_235 = tpu.memref_squeeze %dma_wait3A_234 : memref<1x1x128xi32, #tpu.memory_space<vmem>> -> memref<128xi32, #tpu.memory_space<vmem>>
      %dma_wait3A_236 = arith.constant 0 : i32
      %dma_wait3A_237 = arith.constant 0 : i32
      %dma_wait3A_238 = tpu.memref_slice %arg15[%dma_wait3A_236, %dma_wait3A_237] : memref<10112x16xf32, #tpu.memory_space<vmem_shared>> -> memref<10112x16xf32, #tpu.memory_space<vmem_shared>>
      tpu.wait_indirect_dma semaphore(%arg22 : memref<!tpu.dma_semaphore, #tpu.memory_space<semaphore_mem>>) src(%arg8 : memref<128x16xf32, #tpu.memory_space<vmem>>) dst(%dma_wait3A_238 : memref<10112x16xf32, #tpu.memory_space<vmem_shared>>)
    } else {
    }
    %dma_start3A = arith.constant 0 : i32
    %dma_start3A_9 = arith.constant 0 : i32
    %dma_start3A_10 = arith.constant 0 : i32
    %dma_start3A_11 = tpu.memref_slice %arg6[%dma_start3A, %dma_start3A_9, %dma_start3A_10] : memref<78x2x128xi32, #tpu.memory_space<vmem>> -> memref<1x1x128xi32, #tpu.memory_space<vmem>>
    %dma_start3A_12 = tpu.memref_squeeze %dma_start3A_11 : memref<1x1x128xi32, #tpu.memory_space<vmem>> -> memref<128xi32, #tpu.memory_space<vmem>>
    %dma_start3A_13 = arith.constant 0 : i32
    %dma_start3A_14 = arith.constant 0 : i32
    %dma_start3A_15 = tpu.memref_slice %arg14[%dma_start3A_13, %dma_start3A_14] : memref<10112x16xf32, #tpu.memory_space<vmem_shared>> -> memref<10112x16xf32, #tpu.memory_space<vmem_shared>>
    tpu.enqueue_indirect_dma source(%dma_start3A_15 : memref<10112x16xf32, #tpu.memory_space<vmem_shared>>) target(%arg8 : memref<128x16xf32, #tpu.memory_space<vmem>>) offsets(%dma_start3A_12 : memref<128xi32, #tpu.memory_space<vmem>>) semaphore(%arg16 : memref<!tpu.dma_semaphore, #tpu.memory_space<semaphore_mem>>)
    %dma_start3A_16 = arith.constant 1 : i32
    %dma_start3A_17 = arith.constant 0 : i32
    %dma_start3A_18 = arith.constant 0 : i32
    %dma_start3A_19 = tpu.memref_slice %arg6[%dma_start3A_16, %dma_start3A_17, %dma_start3A_18] : memref<78x2x128xi32, #tpu.memory_space<vmem>> -> memref<1x1x128xi32, #tpu.memory_space<vmem>>
    %dma_start3A_20 = tpu.memref_squeeze %dma_start3A_19 : memref<1x1x128xi32, #tpu.memory_space<vmem>> -> memref<128xi32, #tpu.memory_space<vmem>>
    %dma_start3A_21 = arith.constant 0 : i32
    %dma_start3A_22 = arith.constant 0 : i32
    %dma_start3A_23 = tpu.memref_slice %arg14[%dma_start3A_21, %dma_start3A_22] : memref<10112x16xf32, #tpu.memory_space<vmem_shared>> -> memref<10112x16xf32, #tpu.memory_space<vmem_shared>>
    tpu.enqueue_indirect_dma source(%dma_start3A_23 : memref<10112x16xf32, #tpu.memory_space<vmem_shared>>) target(%arg9 : memref<128x16xf32, #tpu.memory_space<vmem>>) offsets(%dma_start3A_20 : memref<128xi32, #tpu.memory_space<vmem>>) semaphore(%arg17 : memref<!tpu.dma_semaphore, #tpu.memory_space<semaphore_mem>>)
    %dma_start3A_24 = arith.constant 2 : i32
    %dma_start3A_25 = arith.constant 0 : i32
    %dma_start3A_26 = arith.constant 0 : i32
    %dma_start3A_27 = tpu.memref_slice %arg6[%dma_start3A_24, %dma_start3A_25, %dma_start3A_26] : memref<78x2x128xi32, #tpu.memory_space<vmem>> -> memref<1x1x128xi32, #tpu.memory_space<vmem>>
    %dma_start3A_28 = tpu.memref_squeeze %dma_start3A_27 : memref<1x1x128xi32, #tpu.memory_space<vmem>> -> memref<128xi32, #tpu.memory_space<vmem>>
    %dma_start3A_29 = arith.constant 0 : i32
    %dma_start3A_30 = arith.constant 0 : i32
    %dma_start3A_31 = tpu.memref_slice %arg14[%dma_start3A_29, %dma_start3A_30] : memref<10112x16xf32, #tpu.memory_space<vmem_shared>> -> memref<10112x16xf32, #tpu.memory_space<vmem_shared>>
    tpu.enqueue_indirect_dma source(%dma_start3A_31 : memref<10112x16xf32, #tpu.memory_space<vmem_shared>>) target(%arg10 : memref<128x16xf32, #tpu.memory_space<vmem>>) offsets(%dma_start3A_28 : memref<128xi32, #tpu.memory_space<vmem>>) semaphore(%arg18 : memref<!tpu.dma_semaphore, #tpu.memory_space<semaphore_mem>>)
    %dma_start3A_32 = arith.constant 3 : i32
    %dma_start3A_33 = arith.constant 0 : i32
    %dma_start3A_34 = arith.constant 0 : i32
    %dma_start3A_35 = tpu.memref_slice %arg6[%dma_start3A_32, %dma_start3A_33, %dma_start3A_34] : memref<78x2x128xi32, #tpu.memory_space<vmem>> -> memref<1x1x128xi32, #tpu.memory_space<vmem>>
    %dma_start3A_36 = tpu.memref_squeeze %dma_start3A_35 : memref<1x1x128xi32, #tpu.memory_space<vmem>> -> memref<128xi32, #tpu.memory_space<vmem>>
    %dma_start3A_37 = arith.constant 0 : i32
    %dma_start3A_38 = arith.constant 0 : i32
    %dma_start3A_39 = tpu.memref_slice %arg14[%dma_start3A_37, %dma_start3A_38] : memref<10112x16xf32, #tpu.memory_space<vmem_shared>> -> memref<10112x16xf32, #tpu.memory_space<vmem_shared>>
    tpu.enqueue_indirect_dma source(%dma_start3A_39 : memref<10112x16xf32, #tpu.memory_space<vmem_shared>>) target(%arg11 : memref<128x16xf32, #tpu.memory_space<vmem>>) offsets(%dma_start3A_36 : memref<128xi32, #tpu.memory_space<vmem>>) semaphore(%arg19 : memref<!tpu.dma_semaphore, #tpu.memory_space<semaphore_mem>>)
    %dma_start3A_40 = arith.constant 4 : i32
    %dma_start3A_41 = arith.constant 0 : i32
    %dma_start3A_42 = arith.constant 0 : i32
    %dma_start3A_43 = tpu.memref_slice %arg6[%dma_start3A_40, %dma_start3A_41, %dma_start3A_42] : memref<78x2x128xi32, #tpu.memory_space<vmem>> -> memref<1x1x128xi32, #tpu.memory_space<vmem>>
    %dma_start3A_44 = tpu.memref_squeeze %dma_start3A_43 : memref<1x1x128xi32, #tpu.memory_space<vmem>> -> memref<128xi32, #tpu.memory_space<vmem>>
    %dma_start3A_45 = arith.constant 0 : i32
    %dma_start3A_46 = arith.constant 0 : i32
    %dma_start3A_47 = tpu.memref_slice %arg14[%dma_start3A_45, %dma_start3A_46] : memref<10112x16xf32, #tpu.memory_space<vmem_shared>> -> memref<10112x16xf32, #tpu.memory_space<vmem_shared>>
    tpu.enqueue_indirect_dma source(%dma_start3A_47 : memref<10112x16xf32, #tpu.memory_space<vmem_shared>>) target(%arg12 : memref<128x16xf32, #tpu.memory_space<vmem>>) offsets(%dma_start3A_44 : memref<128xi32, #tpu.memory_space<vmem>>) semaphore(%arg20 : memref<!tpu.dma_semaphore, #tpu.memory_space<semaphore_mem>>)
    %dma_start3A_48 = arith.constant 5 : i32
    %dma_start3A_49 = arith.constant 0 : i32
    %dma_start3A_50 = arith.constant 0 : i32
    %dma_start3A_51 = tpu.memref_slice %arg6[%dma_start3A_48, %dma_start3A_49, %dma_start3A_50] : memref<78x2x128xi32, #tpu.memory_space<vmem>> -> memref<1x1x128xi32, #tpu.memory_space<vmem>>
    %dma_start3A_52 = tpu.memref_squeeze %dma_start3A_51 : memref<1x1x128xi32, #tpu.memory_space<vmem>> -> memref<128xi32, #tpu.memory_space<vmem>>
    %dma_start3A_53 = arith.constant 0 : i32
    %dma_start3A_54 = arith.constant 0 : i32
    %dma_start3A_55 = tpu.memref_slice %arg14[%dma_start3A_53, %dma_start3A_54] : memref<10112x16xf32, #tpu.memory_space<vmem_shared>> -> memref<10112x16xf32, #tpu.memory_space<vmem_shared>>
    tpu.enqueue_indirect_dma source(%dma_start3A_55 : memref<10112x16xf32, #tpu.memory_space<vmem_shared>>) target(%arg13 : memref<128x16xf32, #tpu.memory_space<vmem>>) offsets(%dma_start3A_52 : memref<128xi32, #tpu.memory_space<vmem>>) semaphore(%arg21 : memref<!tpu.dma_semaphore, #tpu.memory_space<semaphore_mem>>)
    %scan3A = arith.constant 0 : i32
    %scan3A_56 = arith.constant 0 : i32
    %scan3A_57 = arith.constant 12 : i32
    %scan3A_58 = arith.addi %scan3A_56, %scan3A_57 : i32
    %scan3A_59 = arith.constant 1 : i32
    scf.for %scan3A_205 = %scan3A_56 to %scan3A_58 step %scan3A_59  : i32 {
      %mul3A_206 = arith.constant 6 : i32
      %mul3A_207 = arith.muli %scan3A_205, %mul3A_206 : i32
      %add3A_208 = arith.constant 0 : i32
      %add3A_209 = arith.addi %mul3A_207, %add3A_208 : i32
      %dma_wait3A_210 = arith.constant 0 : i32
      %dma_wait3A_211 = arith.constant 0 : i32
      %dma_wait3A_212 = arith.constant 0 : i32
      %dma_wait3A_213 = tpu.memref_slice %arg6[%dma_wait3A_210, %dma_wait3A_211, %dma_wait3A_212] : memref<78x2x128xi32, #tpu.memory_space<vmem>> -> memref<1x1x128xi32, #tpu.memory_space<vmem>>
      %dma_wait3A_214 = tpu.memref_squeeze %dma_wait3A_213 : memref<1x1x128xi32, #tpu.memory_space<vmem>> -> memref<128xi32, #tpu.memory_space<vmem>>
      %dma_wait3A_215 = arith.constant 0 : i32
      %dma_wait3A_216 = arith.constant 0 : i32
      %dma_wait3A_217 = tpu.memref_slice %arg14[%dma_wait3A_215, %dma_wait3A_216] : memref<10112x16xf32, #tpu.memory_space<vmem_shared>> -> memref<10112x16xf32, #tpu.memory_space<vmem_shared>>
      tpu.wait_indirect_dma semaphore(%arg16 : memref<!tpu.dma_semaphore, #tpu.memory_space<semaphore_mem>>) src(%dma_wait3A_217 : memref<10112x16xf32, #tpu.memory_space<vmem_shared>>) dst(%arg8 : memref<128x16xf32, #tpu.memory_space<vmem>>)
      %dma_start3A_218 = arith.constant 1 : i32
      %dma_start3A_219 = arith.constant 0 : i32
      %dma_start3A_220 = tpu.memref_slice %arg6[%add3A_209, %dma_start3A_218, %dma_start3A_219] : memref<78x2x128xi32, #tpu.memory_space<vmem>> -> memref<1x1x128xi32, #tpu.memory_space<vmem>>
      %dma_start3A_221 = tpu.memref_squeeze %dma_start3A_220 : memref<1x1x128xi32, #tpu.memory_space<vmem>> -> memref<128xi32, #tpu.memory_space<vmem>>
      %dma_start3A_222 = arith.constant 0 : i32
      %dma_start3A_223 = arith.constant 0 : i32
      %dma_start3A_224 = tpu.memref_slice %arg15[%dma_start3A_222, %dma_start3A_223] : memref<10112x16xf32, #tpu.memory_space<vmem_shared>> -> memref<10112x16xf32, #tpu.memory_space<vmem_shared>>
      tpu.enqueue_indirect_dma source(%arg8 : memref<128x16xf32, #tpu.memory_space<vmem>>) target(%dma_start3A_224 : memref<10112x16xf32, #tpu.memory_space<vmem_shared>>) offsets(%dma_start3A_221 : memref<128xi32, #tpu.memory_space<vmem>>) semaphore(%arg22 : memref<!tpu.dma_semaphore, #tpu.memory_space<semaphore_mem>>) {add = true}
      %mul3A_225 = arith.constant 6 : i32
      %mul3A_226 = arith.muli %scan3A_205, %mul3A_225 : i32
      %add3A_227 = arith.constant 1 : i32
      %add3A_228 = arith.addi %mul3A_226, %add3A_227 : i32
      %dma_wait3A_229 = arith.constant 0 : i32
      %dma_wait3A_230 = arith.constant 0 : i32
      %dma_wait3A_231 = arith.constant 0 : i32
      %dma_wait3A_232 = tpu.memref_slice %arg6[%dma_wait3A_229, %dma_wait3A_230, %dma_wait3A_231] : memref<78x2x128xi32, #tpu.memory_space<vmem>> -> memref<1x1x128xi32, #tpu.memory_space<vmem>>
      %dma_wait3A_233 = tpu.memref_squeeze %dma_wait3A_232 : memref<1x1x128xi32, #tpu.memory_space<vmem>> -> memref<128xi32, #tpu.memory_space<vmem>>
      %dma_wait3A_234 = arith.constant 0 : i32
      %dma_wait3A_235 = arith.constant 0 : i32
      %dma_wait3A_236 = tpu.memref_slice %arg14[%dma_wait3A_234, %dma_wait3A_235] : memref<10112x16xf32, #tpu.memory_space<vmem_shared>> -> memref<10112x16xf32, #tpu.memory_space<vmem_shared>>
      tpu.wait_indirect_dma semaphore(%arg17 : memref<!tpu.dma_semaphore, #tpu.memory_space<semaphore_mem>>) src(%dma_wait3A_236 : memref<10112x16xf32, #tpu.memory_space<vmem_shared>>) dst(%arg9 : memref<128x16xf32, #tpu.memory_space<vmem>>)
      %dma_start3A_237 = arith.constant 1 : i32
      %dma_start3A_238 = arith.constant 0 : i32
      %dma_start3A_239 = tpu.memref_slice %arg6[%add3A_228, %dma_start3A_237, %dma_start3A_238] : memref<78x2x128xi32, #tpu.memory_space<vmem>> -> memref<1x1x128xi32, #tpu.memory_space<vmem>>
      %dma_start3A_240 = tpu.memref_squeeze %dma_start3A_239 : memref<1x1x128xi32, #tpu.memory_space<vmem>> -> memref<128xi32, #tpu.memory_space<vmem>>
      %dma_start3A_241 = arith.constant 0 : i32
      %dma_start3A_242 = arith.constant 0 : i32
      %dma_start3A_243 = tpu.memref_slice %arg15[%dma_start3A_241, %dma_start3A_242] : memref<10112x16xf32, #tpu.memory_space<vmem_shared>> -> memref<10112x16xf32, #tpu.memory_space<vmem_shared>>
      tpu.enqueue_indirect_dma source(%arg9 : memref<128x16xf32, #tpu.memory_space<vmem>>) target(%dma_start3A_243 : memref<10112x16xf32, #tpu.memory_space<vmem_shared>>) offsets(%dma_start3A_240 : memref<128xi32, #tpu.memory_space<vmem>>) semaphore(%arg23 : memref<!tpu.dma_semaphore, #tpu.memory_space<semaphore_mem>>) {add = true}
      %mul3A_244 = arith.constant 6 : i32
      %mul3A_245 = arith.muli %scan3A_205, %mul3A_244 : i32
      %add3A_246 = arith.constant 2 : i32
      %add3A_247 = arith.addi %mul3A_245, %add3A_246 : i32
      %dma_wait3A_248 = arith.constant 0 : i32
      %dma_wait3A_249 = arith.constant 0 : i32
      %dma_wait3A_250 = arith.constant 0 : i32
      %dma_wait3A_251 = tpu.memref_slice %arg6[%dma_wait3A_248, %dma_wait3A_249, %dma_wait3A_250] : memref<78x2x128xi32, #tpu.memory_space<vmem>> -> memref<1x1x128xi32, #tpu.memory_space<vmem>>
      %dma_wait3A_252 = tpu.memref_squeeze %dma_wait3A_251 : memref<1x1x128xi32, #tpu.memory_space<vmem>> -> memref<128xi32, #tpu.memory_space<vmem>>
      %dma_wait3A_253 = arith.constant 0 : i32
      %dma_wait3A_254 = arith.constant 0 : i32
      %dma_wait3A_255 = tpu.memref_slice %arg14[%dma_wait3A_253, %dma_wait3A_254] : memref<10112x16xf32, #tpu.memory_space<vmem_shared>> -> memref<10112x16xf32, #tpu.memory_space<vmem_shared>>
      tpu.wait_indirect_dma semaphore(%arg18 : memref<!tpu.dma_semaphore, #tpu.memory_space<semaphore_mem>>) src(%dma_wait3A_255 : memref<10112x16xf32, #tpu.memory_space<vmem_shared>>) dst(%arg10 : memref<128x16xf32, #tpu.memory_space<vmem>>)
      %dma_start3A_256 = arith.constant 1 : i32
      %dma_start3A_257 = arith.constant 0 : i32
      %dma_start3A_258 = tpu.memref_slice %arg6[%add3A_247, %dma_start3A_256, %dma_start3A_257] : memref<78x2x128xi32, #tpu.memory_space<vmem>> -> memref<1x1x128xi32, #tpu.memory_space<vmem>>
      %dma_start3A_259 = tpu.memref_squeeze %dma_start3A_258 : memref<1x1x128xi32, #tpu.memory_space<vmem>> -> memref<128xi32, #tpu.memory_space<vmem>>
      %dma_start3A_260 = arith.constant 0 : i32
      %dma_start3A_261 = arith.constant 0 : i32
      %dma_start3A_262 = tpu.memref_slice %arg15[%dma_start3A_260, %dma_start3A_261] : memref<10112x16xf32, #tpu.memory_space<vmem_shared>> -> memref<10112x16xf32, #tpu.memory_space<vmem_shared>>
      tpu.enqueue_indirect_dma source(%arg10 : memref<128x16xf32, #tpu.memory_space<vmem>>) target(%dma_start3A_262 : memref<10112x16xf32, #tpu.memory_space<vmem_shared>>) offsets(%dma_start3A_259 : memref<128xi32, #tpu.memory_space<vmem>>) semaphore(%arg24 : memref<!tpu.dma_semaphore, #tpu.memory_space<semaphore_mem>>) {add = true}
      %mul3A_263 = arith.constant 6 : i32
      %mul3A_264 = arith.muli %scan3A_205, %mul3A_263 : i32
      %add3A_265 = arith.constant 3 : i32
      %add3A_266 = arith.addi %mul3A_264, %add3A_265 : i32
      %dma_wait3A_267 = arith.constant 0 : i32
      %dma_wait3A_268 = arith.constant 0 : i32
      %dma_wait3A_269 = arith.constant 0 : i32
      %dma_wait3A_270 = tpu.memref_slice %arg6[%dma_wait3A_267, %dma_wait3A_268, %dma_wait3A_269] : memref<78x2x128xi32, #tpu.memory_space<vmem>> -> memref<1x1x128xi32, #tpu.memory_space<vmem>>
      %dma_wait3A_271 = tpu.memref_squeeze %dma_wait3A_270 : memref<1x1x128xi32, #tpu.memory_space<vmem>> -> memref<128xi32, #tpu.memory_space<vmem>>
      %dma_wait3A_272 = arith.constant 0 : i32
      %dma_wait3A_273 = arith.constant 0 : i32
      %dma_wait3A_274 = tpu.memref_slice %arg14[%dma_wait3A_272, %dma_wait3A_273] : memref<10112x16xf32, #tpu.memory_space<vmem_shared>> -> memref<10112x16xf32, #tpu.memory_space<vmem_shared>>
      tpu.wait_indirect_dma semaphore(%arg19 : memref<!tpu.dma_semaphore, #tpu.memory_space<semaphore_mem>>) src(%dma_wait3A_274 : memref<10112x16xf32, #tpu.memory_space<vmem_shared>>) dst(%arg11 : memref<128x16xf32, #tpu.memory_space<vmem>>)
      %dma_start3A_275 = arith.constant 1 : i32
      %dma_start3A_276 = arith.constant 0 : i32
      %dma_start3A_277 = tpu.memref_slice %arg6[%add3A_266, %dma_start3A_275, %dma_start3A_276] : memref<78x2x128xi32, #tpu.memory_space<vmem>> -> memref<1x1x128xi32, #tpu.memory_space<vmem>>
      %dma_start3A_278 = tpu.memref_squeeze %dma_start3A_277 : memref<1x1x128xi32, #tpu.memory_space<vmem>> -> memref<128xi32, #tpu.memory_space<vmem>>
      %dma_start3A_279 = arith.constant 0 : i32
      %dma_start3A_280 = arith.constant 0 : i32
      %dma_start3A_281 = tpu.memref_slice %arg15[%dma_start3A_279, %dma_start3A_280] : memref<10112x16xf32, #tpu.memory_space<vmem_shared>> -> memref<10112x16xf32, #tpu.memory_space<vmem_shared>>
      tpu.enqueue_indirect_dma source(%arg11 : memref<128x16xf32, #tpu.memory_space<vmem>>) target(%dma_start3A_281 : memref<10112x16xf32, #tpu.memory_space<vmem_shared>>) offsets(%dma_start3A_278 : memref<128xi32, #tpu.memory_space<vmem>>) semaphore(%arg25 : memref<!tpu.dma_semaphore, #tpu.memory_space<semaphore_mem>>) {add = true}
      %mul3A_282 = arith.constant 6 : i32
      %mul3A_283 = arith.muli %scan3A_205, %mul3A_282 : i32
      %add3A_284 = arith.constant 4 : i32
      %add3A_285 = arith.addi %mul3A_283, %add3A_284 : i32
      %dma_wait3A_286 = arith.constant 0 : i32
      %dma_wait3A_287 = arith.constant 0 : i32
      %dma_wait3A_288 = arith.constant 0 : i32
      %dma_wait3A_289 = tpu.memref_slice %arg6[%dma_wait3A_286, %dma_wait3A_287, %dma_wait3A_288] : memref<78x2x128xi32, #tpu.memory_space<vmem>> -> memref<1x1x128xi32, #tpu.memory_space<vmem>>
      %dma_wait3A_290 = tpu.memref_squeeze %dma_wait3A_289 : memref<1x1x128xi32, #tpu.memory_space<vmem>> -> memref<128xi32, #tpu.memory_space<vmem>>
      %dma_wait3A_291 = arith.constant 0 : i32
      %dma_wait3A_292 = arith.constant 0 : i32
      %dma_wait3A_293 = tpu.memref_slice %arg14[%dma_wait3A_291, %dma_wait3A_292] : memref<10112x16xf32, #tpu.memory_space<vmem_shared>> -> memref<10112x16xf32, #tpu.memory_space<vmem_shared>>
      tpu.wait_indirect_dma semaphore(%arg20 : memref<!tpu.dma_semaphore, #tpu.memory_space<semaphore_mem>>) src(%dma_wait3A_293 : memref<10112x16xf32, #tpu.memory_space<vmem_shared>>) dst(%arg12 : memref<128x16xf32, #tpu.memory_space<vmem>>)
      %dma_start3A_294 = arith.constant 1 : i32
      %dma_start3A_295 = arith.constant 0 : i32
      %dma_start3A_296 = tpu.memref_slice %arg6[%add3A_285, %dma_start3A_294, %dma_start3A_295] : memref<78x2x128xi32, #tpu.memory_space<vmem>> -> memref<1x1x128xi32, #tpu.memory_space<vmem>>
      %dma_start3A_297 = tpu.memref_squeeze %dma_start3A_296 : memref<1x1x128xi32, #tpu.memory_space<vmem>> -> memref<128xi32, #tpu.memory_space<vmem>>
      %dma_start3A_298 = arith.constant 0 : i32
      %dma_start3A_299 = arith.constant 0 : i32
      %dma_start3A_300 = tpu.memref_slice %arg15[%dma_start3A_298, %dma_start3A_299] : memref<10112x16xf32, #tpu.memory_space<vmem_shared>> -> memref<10112x16xf32, #tpu.memory_space<vmem_shared>>
      tpu.enqueue_indirect_dma source(%arg12 : memref<128x16xf32, #tpu.memory_space<vmem>>) target(%dma_start3A_300 : memref<10112x16xf32, #tpu.memory_space<vmem_shared>>) offsets(%dma_start3A_297 : memref<128xi32, #tpu.memory_space<vmem>>) semaphore(%arg26 : memref<!tpu.dma_semaphore, #tpu.memory_space<semaphore_mem>>) {add = true}
      %mul3A_301 = arith.constant 6 : i32
      %mul3A_302 = arith.muli %scan3A_205, %mul3A_301 : i32
      %add3A_303 = arith.constant 5 : i32
      %add3A_304 = arith.addi %mul3A_302, %add3A_303 : i32
      %dma_wait3A_305 = arith.constant 0 : i32
      %dma_wait3A_306 = arith.constant 0 : i32
      %dma_wait3A_307 = arith.constant 0 : i32
      %dma_wait3A_308 = tpu.memref_slice %arg6[%dma_wait3A_305, %dma_wait3A_306, %dma_wait3A_307] : memref<78x2x128xi32, #tpu.memory_space<vmem>> -> memref<1x1x128xi32, #tpu.memory_space<vmem>>
      %dma_wait3A_309 = tpu.memref_squeeze %dma_wait3A_308 : memref<1x1x128xi32, #tpu.memory_space<vmem>> -> memref<128xi32, #tpu.memory_space<vmem>>
      %dma_wait3A_310 = arith.constant 0 : i32
      %dma_wait3A_311 = arith.constant 0 : i32
      %dma_wait3A_312 = tpu.memref_slice %arg14[%dma_wait3A_310, %dma_wait3A_311] : memref<10112x16xf32, #tpu.memory_space<vmem_shared>> -> memref<10112x16xf32, #tpu.memory_space<vmem_shared>>
      tpu.wait_indirect_dma semaphore(%arg21 : memref<!tpu.dma_semaphore, #tpu.memory_space<semaphore_mem>>) src(%dma_wait3A_312 : memref<10112x16xf32, #tpu.memory_space<vmem_shared>>) dst(%arg13 : memref<128x16xf32, #tpu.memory_space<vmem>>)
      %dma_start3A_313 = arith.constant 1 : i32
      %dma_start3A_314 = arith.constant 0 : i32
      %dma_start3A_315 = tpu.memref_slice %arg6[%add3A_304, %dma_start3A_313, %dma_start3A_314] : memref<78x2x128xi32, #tpu.memory_space<vmem>> -> memref<1x1x128xi32, #tpu.memory_space<vmem>>
      %dma_start3A_316 = tpu.memref_squeeze %dma_start3A_315 : memref<1x1x128xi32, #tpu.memory_space<vmem>> -> memref<128xi32, #tpu.memory_space<vmem>>
      %dma_start3A_317 = arith.constant 0 : i32
      %dma_start3A_318 = arith.constant 0 : i32
      %dma_start3A_319 = tpu.memref_slice %arg15[%dma_start3A_317, %dma_start3A_318] : memref<10112x16xf32, #tpu.memory_space<vmem_shared>> -> memref<10112x16xf32, #tpu.memory_space<vmem_shared>>
      tpu.enqueue_indirect_dma source(%arg13 : memref<128x16xf32, #tpu.memory_space<vmem>>) target(%dma_start3A_319 : memref<10112x16xf32, #tpu.memory_space<vmem_shared>>) offsets(%dma_start3A_316 : memref<128xi32, #tpu.memory_space<vmem>>) semaphore(%arg27 : memref<!tpu.dma_semaphore, #tpu.memory_space<semaphore_mem>>) {add = true}
      %dma_wait3A_320 = arith.constant 0 : i32
      %dma_wait3A_321 = arith.constant 1 : i32
      %dma_wait3A_322 = arith.constant 0 : i32
      %dma_wait3A_323 = tpu.memref_slice %arg6[%dma_wait3A_320, %dma_wait3A_321, %dma_wait3A_322] : memref<78x2x128xi32, #tpu.memory_space<vmem>> -> memref<1x1x128xi32, #tpu.memory_space<vmem>>
      %dma_wait3A_324 = tpu.memref_squeeze %dma_wait3A_323 : memref<1x1x128xi32, #tpu.memory_space<vmem>> -> memref<128xi32, #tpu.memory_space<vmem>>
      %dma_wait3A_325 = arith.constant 0 : i32
      %dma_wait3A_326 = arith.constant 0 : i32
      %dma_wait3A_327 = tpu.memref_slice %arg15[%dma_wait3A_325, %dma_wait3A_326] : memref<10112x16xf32, #tpu.memory_space<vmem_shared>> -> memref<10112x16xf32, #tpu.memory_space<vmem_shared>>
      tpu.wait_indirect_dma semaphore(%arg22 : memref<!tpu.dma_semaphore, #tpu.memory_space<semaphore_mem>>) src(%arg8 : memref<128x16xf32, #tpu.memory_space<vmem>>) dst(%dma_wait3A_327 : memref<10112x16xf32, #tpu.memory_space<vmem_shared>>)
      %add3A_328 = arith.constant 1 : i32
      %add3A_329 = arith.addi %scan3A_205, %add3A_328 : i32
      %mul3A_330 = arith.constant 6 : i32
      %mul3A_331 = arith.muli %add3A_329, %mul3A_330 : i32
      %add3A_332 = arith.constant 0 : i32
      %add3A_333 = arith.addi %mul3A_331, %add3A_332 : i32
      %dma_start3A_334 = arith.constant 0 : i32
      %dma_start3A_335 = arith.constant 0 : i32
      %dma_start3A_336 = tpu.memref_slice %arg6[%add3A_333, %dma_start3A_334, %dma_start3A_335] : memref<78x2x128xi32, #tpu.memory_space<vmem>> -> memref<1x1x128xi32, #tpu.memory_space<vmem>>
      %dma_start3A_337 = tpu.memref_squeeze %dma_start3A_336 : memref<1x1x128xi32, #tpu.memory_space<vmem>> -> memref<128xi32, #tpu.memory_space<vmem>>
      %dma_start3A_338 = arith.constant 0 : i32
      %dma_start3A_339 = arith.constant 0 : i32
      %dma_start3A_340 = tpu.memref_slice %arg14[%dma_start3A_338, %dma_start3A_339] : memref<10112x16xf32, #tpu.memory_space<vmem_shared>> -> memref<10112x16xf32, #tpu.memory_space<vmem_shared>>
      tpu.enqueue_indirect_dma source(%dma_start3A_340 : memref<10112x16xf32, #tpu.memory_space<vmem_shared>>) target(%arg8 : memref<128x16xf32, #tpu.memory_space<vmem>>) offsets(%dma_start3A_337 : memref<128xi32, #tpu.memory_space<vmem>>) semaphore(%arg16 : memref<!tpu.dma_semaphore, #tpu.memory_space<semaphore_mem>>)
      %dma_wait3A_341 = arith.constant 0 : i32
      %dma_wait3A_342 = arith.constant 1 : i32
      %dma_wait3A_343 = arith.constant 0 : i32
      %dma_wait3A_344 = tpu.memref_slice %arg6[%dma_wait3A_341, %dma_wait3A_342, %dma_wait3A_343] : memref<78x2x128xi32, #tpu.memory_space<vmem>> -> memref<1x1x128xi32, #tpu.memory_space<vmem>>
      %dma_wait3A_345 = tpu.memref_squeeze %dma_wait3A_344 : memref<1x1x128xi32, #tpu.memory_space<vmem>> -> memref<128xi32, #tpu.memory_space<vmem>>
      %dma_wait3A_346 = arith.constant 0 : i32
      %dma_wait3A_347 = arith.constant 0 : i32
      %dma_wait3A_348 = tpu.memref_slice %arg15[%dma_wait3A_346, %dma_wait3A_347] : memref<10112x16xf32, #tpu.memory_space<vmem_shared>> -> memref<10112x16xf32, #tpu.memory_space<vmem_shared>>
      tpu.wait_indirect_dma semaphore(%arg23 : memref<!tpu.dma_semaphore, #tpu.memory_space<semaphore_mem>>) src(%arg9 : memref<128x16xf32, #tpu.memory_space<vmem>>) dst(%dma_wait3A_348 : memref<10112x16xf32, #tpu.memory_space<vmem_shared>>)
      %add3A_349 = arith.constant 1 : i32
      %add3A_350 = arith.addi %scan3A_205, %add3A_349 : i32
      %mul3A_351 = arith.constant 6 : i32
      %mul3A_352 = arith.muli %add3A_350, %mul3A_351 : i32
      %add3A_353 = arith.constant 1 : i32
      %add3A_354 = arith.addi %mul3A_352, %add3A_353 : i32
      %dma_start3A_355 = arith.constant 0 : i32
      %dma_start3A_356 = arith.constant 0 : i32
      %dma_start3A_357 = tpu.memref_slice %arg6[%add3A_354, %dma_start3A_355, %dma_start3A_356] : memref<78x2x128xi32, #tpu.memory_space<vmem>> -> memref<1x1x128xi32, #tpu.memory_space<vmem>>
      %dma_start3A_358 = tpu.memref_squeeze %dma_start3A_357 : memref<1x1x128xi32, #tpu.memory_space<vmem>> -> memref<128xi32, #tpu.memory_space<vmem>>
      %dma_start3A_359 = arith.constant 0 : i32
      %dma_start3A_360 = arith.constant 0 : i32
      %dma_start3A_361 = tpu.memref_slice %arg14[%dma_start3A_359, %dma_start3A_360] : memref<10112x16xf32, #tpu.memory_space<vmem_shared>> -> memref<10112x16xf32, #tpu.memory_space<vmem_shared>>
      tpu.enqueue_indirect_dma source(%dma_start3A_361 : memref<10112x16xf32, #tpu.memory_space<vmem_shared>>) target(%arg9 : memref<128x16xf32, #tpu.memory_space<vmem>>) offsets(%dma_start3A_358 : memref<128xi32, #tpu.memory_space<vmem>>) semaphore(%arg17 : memref<!tpu.dma_semaphore, #tpu.memory_space<semaphore_mem>>)
      %dma_wait3A_362 = arith.constant 0 : i32
      %dma_wait3A_363 = arith.constant 1 : i32
      %dma_wait3A_364 = arith.constant 0 : i32
      %dma_wait3A_365 = tpu.memref_slice %arg6[%dma_wait3A_362, %dma_wait3A_363, %dma_wait3A_364] : memref<78x2x128xi32, #tpu.memory_space<vmem>> -> memref<1x1x128xi32, #tpu.memory_space<vmem>>
      %dma_wait3A_366 = tpu.memref_squeeze %dma_wait3A_365 : memref<1x1x128xi32, #tpu.memory_space<vmem>> -> memref<128xi32, #tpu.memory_space<vmem>>
      %dma_wait3A_367 = arith.constant 0 : i32
      %dma_wait3A_368 = arith.constant 0 : i32
      %dma_wait3A_369 = tpu.memref_slice %arg15[%dma_wait3A_367, %dma_wait3A_368] : memref<10112x16xf32, #tpu.memory_space<vmem_shared>> -> memref<10112x16xf32, #tpu.memory_space<vmem_shared>>
      tpu.wait_indirect_dma semaphore(%arg24 : memref<!tpu.dma_semaphore, #tpu.memory_space<semaphore_mem>>) src(%arg10 : memref<128x16xf32, #tpu.memory_space<vmem>>) dst(%dma_wait3A_369 : memref<10112x16xf32, #tpu.memory_space<vmem_shared>>)
      %add3A_370 = arith.constant 1 : i32
      %add3A_371 = arith.addi %scan3A_205, %add3A_370 : i32
      %mul3A_372 = arith.constant 6 : i32
      %mul3A_373 = arith.muli %add3A_371, %mul3A_372 : i32
      %add3A_374 = arith.constant 2 : i32
      %add3A_375 = arith.addi %mul3A_373, %add3A_374 : i32
      %dma_start3A_376 = arith.constant 0 : i32
      %dma_start3A_377 = arith.constant 0 : i32
      %dma_start3A_378 = tpu.memref_slice %arg6[%add3A_375, %dma_start3A_376, %dma_start3A_377] : memref<78x2x128xi32, #tpu.memory_space<vmem>> -> memref<1x1x128xi32, #tpu.memory_space<vmem>>
      %dma_start3A_379 = tpu.memref_squeeze %dma_start3A_378 : memref<1x1x128xi32, #tpu.memory_space<vmem>> -> memref<128xi32, #tpu.memory_space<vmem>>
      %dma_start3A_380 = arith.constant 0 : i32
      %dma_start3A_381 = arith.constant 0 : i32
      %dma_start3A_382 = tpu.memref_slice %arg14[%dma_start3A_380, %dma_start3A_381] : memref<10112x16xf32, #tpu.memory_space<vmem_shared>> -> memref<10112x16xf32, #tpu.memory_space<vmem_shared>>
      tpu.enqueue_indirect_dma source(%dma_start3A_382 : memref<10112x16xf32, #tpu.memory_space<vmem_shared>>) target(%arg10 : memref<128x16xf32, #tpu.memory_space<vmem>>) offsets(%dma_start3A_379 : memref<128xi32, #tpu.memory_space<vmem>>) semaphore(%arg18 : memref<!tpu.dma_semaphore, #tpu.memory_space<semaphore_mem>>)
      %dma_wait3A_383 = arith.constant 0 : i32
      %dma_wait3A_384 = arith.constant 1 : i32
      %dma_wait3A_385 = arith.constant 0 : i32
      %dma_wait3A_386 = tpu.memref_slice %arg6[%dma_wait3A_383, %dma_wait3A_384, %dma_wait3A_385] : memref<78x2x128xi32, #tpu.memory_space<vmem>> -> memref<1x1x128xi32, #tpu.memory_space<vmem>>
      %dma_wait3A_387 = tpu.memref_squeeze %dma_wait3A_386 : memref<1x1x128xi32, #tpu.memory_space<vmem>> -> memref<128xi32, #tpu.memory_space<vmem>>
      %dma_wait3A_388 = arith.constant 0 : i32
      %dma_wait3A_389 = arith.constant 0 : i32
      %dma_wait3A_390 = tpu.memref_slice %arg15[%dma_wait3A_388, %dma_wait3A_389] : memref<10112x16xf32, #tpu.memory_space<vmem_shared>> -> memref<10112x16xf32, #tpu.memory_space<vmem_shared>>
      tpu.wait_indirect_dma semaphore(%arg25 : memref<!tpu.dma_semaphore, #tpu.memory_space<semaphore_mem>>) src(%arg11 : memref<128x16xf32, #tpu.memory_space<vmem>>) dst(%dma_wait3A_390 : memref<10112x16xf32, #tpu.memory_space<vmem_shared>>)
      %add3A_391 = arith.constant 1 : i32
      %add3A_392 = arith.addi %scan3A_205, %add3A_391 : i32
      %mul3A_393 = arith.constant 6 : i32
      %mul3A_394 = arith.muli %add3A_392, %mul3A_393 : i32
      %add3A_395 = arith.constant 3 : i32
      %add3A_396 = arith.addi %mul3A_394, %add3A_395 : i32
      %dma_start3A_397 = arith.constant 0 : i32
      %dma_start3A_398 = arith.constant 0 : i32
      %dma_start3A_399 = tpu.memref_slice %arg6[%add3A_396, %dma_start3A_397, %dma_start3A_398] : memref<78x2x128xi32, #tpu.memory_space<vmem>> -> memref<1x1x128xi32, #tpu.memory_space<vmem>>
      %dma_start3A_400 = tpu.memref_squeeze %dma_start3A_399 : memref<1x1x128xi32, #tpu.memory_space<vmem>> -> memref<128xi32, #tpu.memory_space<vmem>>
      %dma_start3A_401 = arith.constant 0 : i32
      %dma_start3A_402 = arith.constant 0 : i32
      %dma_start3A_403 = tpu.memref_slice %arg14[%dma_start3A_401, %dma_start3A_402] : memref<10112x16xf32, #tpu.memory_space<vmem_shared>> -> memref<10112x16xf32, #tpu.memory_space<vmem_shared>>
      tpu.enqueue_indirect_dma source(%dma_start3A_403 : memref<10112x16xf32, #tpu.memory_space<vmem_shared>>) target(%arg11 : memref<128x16xf32, #tpu.memory_space<vmem>>) offsets(%dma_start3A_400 : memref<128xi32, #tpu.memory_space<vmem>>) semaphore(%arg19 : memref<!tpu.dma_semaphore, #tpu.memory_space<semaphore_mem>>)
      %dma_wait3A_404 = arith.constant 0 : i32
      %dma_wait3A_405 = arith.constant 1 : i32
      %dma_wait3A_406 = arith.constant 0 : i32
      %dma_wait3A_407 = tpu.memref_slice %arg6[%dma_wait3A_404, %dma_wait3A_405, %dma_wait3A_406] : memref<78x2x128xi32, #tpu.memory_space<vmem>> -> memref<1x1x128xi32, #tpu.memory_space<vmem>>
      %dma_wait3A_408 = tpu.memref_squeeze %dma_wait3A_407 : memref<1x1x128xi32, #tpu.memory_space<vmem>> -> memref<128xi32, #tpu.memory_space<vmem>>
      %dma_wait3A_409 = arith.constant 0 : i32
      %dma_wait3A_410 = arith.constant 0 : i32
      %dma_wait3A_411 = tpu.memref_slice %arg15[%dma_wait3A_409, %dma_wait3A_410] : memref<10112x16xf32, #tpu.memory_space<vmem_shared>> -> memref<10112x16xf32, #tpu.memory_space<vmem_shared>>
      tpu.wait_indirect_dma semaphore(%arg26 : memref<!tpu.dma_semaphore, #tpu.memory_space<semaphore_mem>>) src(%arg12 : memref<128x16xf32, #tpu.memory_space<vmem>>) dst(%dma_wait3A_411 : memref<10112x16xf32, #tpu.memory_space<vmem_shared>>)
      %add3A_412 = arith.constant 1 : i32
      %add3A_413 = arith.addi %scan3A_205, %add3A_412 : i32
      %mul3A_414 = arith.constant 6 : i32
      %mul3A_415 = arith.muli %add3A_413, %mul3A_414 : i32
      %add3A_416 = arith.constant 4 : i32
      %add3A_417 = arith.addi %mul3A_415, %add3A_416 : i32
      %dma_start3A_418 = arith.constant 0 : i32
      %dma_start3A_419 = arith.constant 0 : i32
      %dma_start3A_420 = tpu.memref_slice %arg6[%add3A_417, %dma_start3A_418, %dma_start3A_419] : memref<78x2x128xi32, #tpu.memory_space<vmem>> -> memref<1x1x128xi32, #tpu.memory_space<vmem>>
      %dma_start3A_421 = tpu.memref_squeeze %dma_start3A_420 : memref<1x1x128xi32, #tpu.memory_space<vmem>> -> memref<128xi32, #tpu.memory_space<vmem>>
      %dma_start3A_422 = arith.constant 0 : i32
      %dma_start3A_423 = arith.constant 0 : i32
      %dma_start3A_424 = tpu.memref_slice %arg14[%dma_start3A_422, %dma_start3A_423] : memref<10112x16xf32, #tpu.memory_space<vmem_shared>> -> memref<10112x16xf32, #tpu.memory_space<vmem_shared>>
      tpu.enqueue_indirect_dma source(%dma_start3A_424 : memref<10112x16xf32, #tpu.memory_space<vmem_shared>>) target(%arg12 : memref<128x16xf32, #tpu.memory_space<vmem>>) offsets(%dma_start3A_421 : memref<128xi32, #tpu.memory_space<vmem>>) semaphore(%arg20 : memref<!tpu.dma_semaphore, #tpu.memory_space<semaphore_mem>>)
      %dma_wait3A_425 = arith.constant 0 : i32
      %dma_wait3A_426 = arith.constant 1 : i32
      %dma_wait3A_427 = arith.constant 0 : i32
      %dma_wait3A_428 = tpu.memref_slice %arg6[%dma_wait3A_425, %dma_wait3A_426, %dma_wait3A_427] : memref<78x2x128xi32, #tpu.memory_space<vmem>> -> memref<1x1x128xi32, #tpu.memory_space<vmem>>
      %dma_wait3A_429 = tpu.memref_squeeze %dma_wait3A_428 : memref<1x1x128xi32, #tpu.memory_space<vmem>> -> memref<128xi32, #tpu.memory_space<vmem>>
      %dma_wait3A_430 = arith.constant 0 : i32
      %dma_wait3A_431 = arith.constant 0 : i32
      %dma_wait3A_432 = tpu.memref_slice %arg15[%dma_wait3A_430, %dma_wait3A_431] : memref<10112x16xf32, #tpu.memory_space<vmem_shared>> -> memref<10112x16xf32, #tpu.memory_space<vmem_shared>>
      tpu.wait_indirect_dma semaphore(%arg27 : memref<!tpu.dma_semaphore, #tpu.memory_space<semaphore_mem>>) src(%arg13 : memref<128x16xf32, #tpu.memory_space<vmem>>) dst(%dma_wait3A_432 : memref<10112x16xf32, #tpu.memory_space<vmem_shared>>)
      %add3A_433 = arith.constant 1 : i32
      %add3A_434 = arith.addi %scan3A_205, %add3A_433 : i32
      %mul3A_435 = arith.constant 6 : i32
      %mul3A_436 = arith.muli %add3A_434, %mul3A_435 : i32
      %add3A_437 = arith.constant 5 : i32
      %add3A_438 = arith.addi %mul3A_436, %add3A_437 : i32
      %dma_start3A_439 = arith.constant 0 : i32
      %dma_start3A_440 = arith.constant 0 : i32
      %dma_start3A_441 = tpu.memref_slice %arg6[%add3A_438, %dma_start3A_439, %dma_start3A_440] : memref<78x2x128xi32, #tpu.memory_space<vmem>> -> memref<1x1x128xi32, #tpu.memory_space<vmem>>
      %dma_start3A_442 = tpu.memref_squeeze %dma_start3A_441 : memref<1x1x128xi32, #tpu.memory_space<vmem>> -> memref<128xi32, #tpu.memory_space<vmem>>
      %dma_start3A_443 = arith.constant 0 : i32
      %dma_start3A_444 = arith.constant 0 : i32
      %dma_start3A_445 = tpu.memref_slice %arg14[%dma_start3A_443, %dma_start3A_444] : memref<10112x16xf32, #tpu.memory_space<vmem_shared>> -> memref<10112x16xf32, #tpu.memory_space<vmem_shared>>
      tpu.enqueue_indirect_dma source(%dma_start3A_445 : memref<10112x16xf32, #tpu.memory_space<vmem_shared>>) target(%arg13 : memref<128x16xf32, #tpu.memory_space<vmem>>) offsets(%dma_start3A_442 : memref<128xi32, #tpu.memory_space<vmem>>) semaphore(%arg21 : memref<!tpu.dma_semaphore, #tpu.memory_space<semaphore_mem>>)
    }
    %scan3A_60 = arith.constant 12 : i32
    %dma_wait3A = arith.constant 0 : i32
    %dma_wait3A_61 = arith.constant 0 : i32
    %dma_wait3A_62 = arith.constant 0 : i32
    %dma_wait3A_63 = tpu.memref_slice %arg6[%dma_wait3A, %dma_wait3A_61, %dma_wait3A_62] : memref<78x2x128xi32, #tpu.memory_space<vmem>> -> memref<1x1x128xi32, #tpu.memory_space<vmem>>
    %dma_wait3A_64 = tpu.memref_squeeze %dma_wait3A_63 : memref<1x1x128xi32, #tpu.memory_space<vmem>> -> memref<128xi32, #tpu.memory_space<vmem>>
    %dma_wait3A_65 = arith.constant 0 : i32
    %dma_wait3A_66 = arith.constant 0 : i32
    %dma_wait3A_67 = tpu.memref_slice %arg14[%dma_wait3A_65, %dma_wait3A_66] : memref<10112x16xf32, #tpu.memory_space<vmem_shared>> -> memref<10112x16xf32, #tpu.memory_space<vmem_shared>>
    tpu.wait_indirect_dma semaphore(%arg16 : memref<!tpu.dma_semaphore, #tpu.memory_space<semaphore_mem>>) src(%dma_wait3A_67 : memref<10112x16xf32, #tpu.memory_space<vmem_shared>>) dst(%arg8 : memref<128x16xf32, #tpu.memory_space<vmem>>)
    %dma_start3A_68 = arith.constant 72 : i32
    %dma_start3A_69 = arith.constant 1 : i32
    %dma_start3A_70 = arith.constant 0 : i32
    %dma_start3A_71 = tpu.memref_slice %arg6[%dma_start3A_68, %dma_start3A_69, %dma_start3A_70] : memref<78x2x128xi32, #tpu.memory_space<vmem>> -> memref<1x1x128xi32, #tpu.memory_space<vmem>>
    %dma_start3A_72 = tpu.memref_squeeze %dma_start3A_71 : memref<1x1x128xi32, #tpu.memory_space<vmem>> -> memref<128xi32, #tpu.memory_space<vmem>>
    %dma_start3A_73 = arith.constant 0 : i32
    %dma_start3A_74 = arith.constant 0 : i32
    %dma_start3A_75 = tpu.memref_slice %arg15[%dma_start3A_73, %dma_start3A_74] : memref<10112x16xf32, #tpu.memory_space<vmem_shared>> -> memref<10112x16xf32, #tpu.memory_space<vmem_shared>>
    tpu.enqueue_indirect_dma source(%arg8 : memref<128x16xf32, #tpu.memory_space<vmem>>) target(%dma_start3A_75 : memref<10112x16xf32, #tpu.memory_space<vmem_shared>>) offsets(%dma_start3A_72 : memref<128xi32, #tpu.memory_space<vmem>>) semaphore(%arg22 : memref<!tpu.dma_semaphore, #tpu.memory_space<semaphore_mem>>) {add = true}
    %dma_wait3A_76 = arith.constant 0 : i32
    %dma_wait3A_77 = arith.constant 0 : i32
    %dma_wait3A_78 = arith.constant 0 : i32
    %dma_wait3A_79 = tpu.memref_slice %arg6[%dma_wait3A_76, %dma_wait3A_77, %dma_wait3A_78] : memref<78x2x128xi32, #tpu.memory_space<vmem>> -> memref<1x1x128xi32, #tpu.memory_space<vmem>>
    %dma_wait3A_80 = tpu.memref_squeeze %dma_wait3A_79 : memref<1x1x128xi32, #tpu.memory_space<vmem>> -> memref<128xi32, #tpu.memory_space<vmem>>
    %dma_wait3A_81 = arith.constant 0 : i32
    %dma_wait3A_82 = arith.constant 0 : i32
    %dma_wait3A_83 = tpu.memref_slice %arg14[%dma_wait3A_81, %dma_wait3A_82] : memref<10112x16xf32, #tpu.memory_space<vmem_shared>> -> memref<10112x16xf32, #tpu.memory_space<vmem_shared>>
    tpu.wait_indirect_dma semaphore(%arg17 : memref<!tpu.dma_semaphore, #tpu.memory_space<semaphore_mem>>) src(%dma_wait3A_83 : memref<10112x16xf32, #tpu.memory_space<vmem_shared>>) dst(%arg9 : memref<128x16xf32, #tpu.memory_space<vmem>>)
    %dma_start3A_84 = arith.constant 73 : i32
    %dma_start3A_85 = arith.constant 1 : i32
    %dma_start3A_86 = arith.constant 0 : i32
    %dma_start3A_87 = tpu.memref_slice %arg6[%dma_start3A_84, %dma_start3A_85, %dma_start3A_86] : memref<78x2x128xi32, #tpu.memory_space<vmem>> -> memref<1x1x128xi32, #tpu.memory_space<vmem>>
    %dma_start3A_88 = tpu.memref_squeeze %dma_start3A_87 : memref<1x1x128xi32, #tpu.memory_space<vmem>> -> memref<128xi32, #tpu.memory_space<vmem>>
    %dma_start3A_89 = arith.constant 0 : i32
    %dma_start3A_90 = arith.constant 0 : i32
    %dma_start3A_91 = tpu.memref_slice %arg15[%dma_start3A_89, %dma_start3A_90] : memref<10112x16xf32, #tpu.memory_space<vmem_shared>> -> memref<10112x16xf32, #tpu.memory_space<vmem_shared>>
    tpu.enqueue_indirect_dma source(%arg9 : memref<128x16xf32, #tpu.memory_space<vmem>>) target(%dma_start3A_91 : memref<10112x16xf32, #tpu.memory_space<vmem_shared>>) offsets(%dma_start3A_88 : memref<128xi32, #tpu.memory_space<vmem>>) semaphore(%arg23 : memref<!tpu.dma_semaphore, #tpu.memory_space<semaphore_mem>>) {add = true}
    %dma_wait3A_92 = arith.constant 0 : i32
    %dma_wait3A_93 = arith.constant 0 : i32
    %dma_wait3A_94 = arith.constant 0 : i32
    %dma_wait3A_95 = tpu.memref_slice %arg6[%dma_wait3A_92, %dma_wait3A_93, %dma_wait3A_94] : memref<78x2x128xi32, #tpu.memory_space<vmem>> -> memref<1x1x128xi32, #tpu.memory_space<vmem>>
    %dma_wait3A_96 = tpu.memref_squeeze %dma_wait3A_95 : memref<1x1x128xi32, #tpu.memory_space<vmem>> -> memref<128xi32, #tpu.memory_space<vmem>>
    %dma_wait3A_97 = arith.constant 0 : i32
    %dma_wait3A_98 = arith.constant 0 : i32
    %dma_wait3A_99 = tpu.memref_slice %arg14[%dma_wait3A_97, %dma_wait3A_98] : memref<10112x16xf32, #tpu.memory_space<vmem_shared>> -> memref<10112x16xf32, #tpu.memory_space<vmem_shared>>
    tpu.wait_indirect_dma semaphore(%arg18 : memref<!tpu.dma_semaphore, #tpu.memory_space<semaphore_mem>>) src(%dma_wait3A_99 : memref<10112x16xf32, #tpu.memory_space<vmem_shared>>) dst(%arg10 : memref<128x16xf32, #tpu.memory_space<vmem>>)
    %dma_start3A_100 = arith.constant 74 : i32
    %dma_start3A_101 = arith.constant 1 : i32
    %dma_start3A_102 = arith.constant 0 : i32
    %dma_start3A_103 = tpu.memref_slice %arg6[%dma_start3A_100, %dma_start3A_101, %dma_start3A_102] : memref<78x2x128xi32, #tpu.memory_space<vmem>> -> memref<1x1x128xi32, #tpu.memory_space<vmem>>
    %dma_start3A_104 = tpu.memref_squeeze %dma_start3A_103 : memref<1x1x128xi32, #tpu.memory_space<vmem>> -> memref<128xi32, #tpu.memory_space<vmem>>
    %dma_start3A_105 = arith.constant 0 : i32
    %dma_start3A_106 = arith.constant 0 : i32
    %dma_start3A_107 = tpu.memref_slice %arg15[%dma_start3A_105, %dma_start3A_106] : memref<10112x16xf32, #tpu.memory_space<vmem_shared>> -> memref<10112x16xf32, #tpu.memory_space<vmem_shared>>
    tpu.enqueue_indirect_dma source(%arg10 : memref<128x16xf32, #tpu.memory_space<vmem>>) target(%dma_start3A_107 : memref<10112x16xf32, #tpu.memory_space<vmem_shared>>) offsets(%dma_start3A_104 : memref<128xi32, #tpu.memory_space<vmem>>) semaphore(%arg24 : memref<!tpu.dma_semaphore, #tpu.memory_space<semaphore_mem>>) {add = true}
    %dma_wait3A_108 = arith.constant 0 : i32
    %dma_wait3A_109 = arith.constant 0 : i32
    %dma_wait3A_110 = arith.constant 0 : i32
    %dma_wait3A_111 = tpu.memref_slice %arg6[%dma_wait3A_108, %dma_wait3A_109, %dma_wait3A_110] : memref<78x2x128xi32, #tpu.memory_space<vmem>> -> memref<1x1x128xi32, #tpu.memory_space<vmem>>
    %dma_wait3A_112 = tpu.memref_squeeze %dma_wait3A_111 : memref<1x1x128xi32, #tpu.memory_space<vmem>> -> memref<128xi32, #tpu.memory_space<vmem>>
    %dma_wait3A_113 = arith.constant 0 : i32
    %dma_wait3A_114 = arith.constant 0 : i32
    %dma_wait3A_115 = tpu.memref_slice %arg14[%dma_wait3A_113, %dma_wait3A_114] : memref<10112x16xf32, #tpu.memory_space<vmem_shared>> -> memref<10112x16xf32, #tpu.memory_space<vmem_shared>>
    tpu.wait_indirect_dma semaphore(%arg19 : memref<!tpu.dma_semaphore, #tpu.memory_space<semaphore_mem>>) src(%dma_wait3A_115 : memref<10112x16xf32, #tpu.memory_space<vmem_shared>>) dst(%arg11 : memref<128x16xf32, #tpu.memory_space<vmem>>)
    %dma_start3A_116 = arith.constant 75 : i32
    %dma_start3A_117 = arith.constant 1 : i32
    %dma_start3A_118 = arith.constant 0 : i32
    %dma_start3A_119 = tpu.memref_slice %arg6[%dma_start3A_116, %dma_start3A_117, %dma_start3A_118] : memref<78x2x128xi32, #tpu.memory_space<vmem>> -> memref<1x1x128xi32, #tpu.memory_space<vmem>>
    %dma_start3A_120 = tpu.memref_squeeze %dma_start3A_119 : memref<1x1x128xi32, #tpu.memory_space<vmem>> -> memref<128xi32, #tpu.memory_space<vmem>>
    %dma_start3A_121 = arith.constant 0 : i32
    %dma_start3A_122 = arith.constant 0 : i32
    %dma_start3A_123 = tpu.memref_slice %arg15[%dma_start3A_121, %dma_start3A_122] : memref<10112x16xf32, #tpu.memory_space<vmem_shared>> -> memref<10112x16xf32, #tpu.memory_space<vmem_shared>>
    tpu.enqueue_indirect_dma source(%arg11 : memref<128x16xf32, #tpu.memory_space<vmem>>) target(%dma_start3A_123 : memref<10112x16xf32, #tpu.memory_space<vmem_shared>>) offsets(%dma_start3A_120 : memref<128xi32, #tpu.memory_space<vmem>>) semaphore(%arg25 : memref<!tpu.dma_semaphore, #tpu.memory_space<semaphore_mem>>) {add = true}
    %dma_wait3A_124 = arith.constant 0 : i32
    %dma_wait3A_125 = arith.constant 0 : i32
    %dma_wait3A_126 = arith.constant 0 : i32
    %dma_wait3A_127 = tpu.memref_slice %arg6[%dma_wait3A_124, %dma_wait3A_125, %dma_wait3A_126] : memref<78x2x128xi32, #tpu.memory_space<vmem>> -> memref<1x1x128xi32, #tpu.memory_space<vmem>>
    %dma_wait3A_128 = tpu.memref_squeeze %dma_wait3A_127 : memref<1x1x128xi32, #tpu.memory_space<vmem>> -> memref<128xi32, #tpu.memory_space<vmem>>
    %dma_wait3A_129 = arith.constant 0 : i32
    %dma_wait3A_130 = arith.constant 0 : i32
    %dma_wait3A_131 = tpu.memref_slice %arg14[%dma_wait3A_129, %dma_wait3A_130] : memref<10112x16xf32, #tpu.memory_space<vmem_shared>> -> memref<10112x16xf32, #tpu.memory_space<vmem_shared>>
    tpu.wait_indirect_dma semaphore(%arg20 : memref<!tpu.dma_semaphore, #tpu.memory_space<semaphore_mem>>) src(%dma_wait3A_131 : memref<10112x16xf32, #tpu.memory_space<vmem_shared>>) dst(%arg12 : memref<128x16xf32, #tpu.memory_space<vmem>>)
    %dma_start3A_132 = arith.constant 76 : i32
    %dma_start3A_133 = arith.constant 1 : i32
    %dma_start3A_134 = arith.constant 0 : i32
    %dma_start3A_135 = tpu.memref_slice %arg6[%dma_start3A_132, %dma_start3A_133, %dma_start3A_134] : memref<78x2x128xi32, #tpu.memory_space<vmem>> -> memref<1x1x128xi32, #tpu.memory_space<vmem>>
    %dma_start3A_136 = tpu.memref_squeeze %dma_start3A_135 : memref<1x1x128xi32, #tpu.memory_space<vmem>> -> memref<128xi32, #tpu.memory_space<vmem>>
    %dma_start3A_137 = arith.constant 0 : i32
    %dma_start3A_138 = arith.constant 0 : i32
    %dma_start3A_139 = tpu.memref_slice %arg15[%dma_start3A_137, %dma_start3A_138] : memref<10112x16xf32, #tpu.memory_space<vmem_shared>> -> memref<10112x16xf32, #tpu.memory_space<vmem_shared>>
    tpu.enqueue_indirect_dma source(%arg12 : memref<128x16xf32, #tpu.memory_space<vmem>>) target(%dma_start3A_139 : memref<10112x16xf32, #tpu.memory_space<vmem_shared>>) offsets(%dma_start3A_136 : memref<128xi32, #tpu.memory_space<vmem>>) semaphore(%arg26 : memref<!tpu.dma_semaphore, #tpu.memory_space<semaphore_mem>>) {add = true}
    %dma_wait3A_140 = arith.constant 0 : i32
    %dma_wait3A_141 = arith.constant 0 : i32
    %dma_wait3A_142 = arith.constant 0 : i32
    %dma_wait3A_143 = tpu.memref_slice %arg6[%dma_wait3A_140, %dma_wait3A_141, %dma_wait3A_142] : memref<78x2x128xi32, #tpu.memory_space<vmem>> -> memref<1x1x128xi32, #tpu.memory_space<vmem>>
    %dma_wait3A_144 = tpu.memref_squeeze %dma_wait3A_143 : memref<1x1x128xi32, #tpu.memory_space<vmem>> -> memref<128xi32, #tpu.memory_space<vmem>>
    %dma_wait3A_145 = arith.constant 0 : i32
    %dma_wait3A_146 = arith.constant 0 : i32
    %dma_wait3A_147 = tpu.memref_slice %arg14[%dma_wait3A_145, %dma_wait3A_146] : memref<10112x16xf32, #tpu.memory_space<vmem_shared>> -> memref<10112x16xf32, #tpu.memory_space<vmem_shared>>
    tpu.wait_indirect_dma semaphore(%arg21 : memref<!tpu.dma_semaphore, #tpu.memory_space<semaphore_mem>>) src(%dma_wait3A_147 : memref<10112x16xf32, #tpu.memory_space<vmem_shared>>) dst(%arg13 : memref<128x16xf32, #tpu.memory_space<vmem>>)
    %dma_start3A_148 = arith.constant 77 : i32
    %dma_start3A_149 = arith.constant 1 : i32
    %dma_start3A_150 = arith.constant 0 : i32
    %dma_start3A_151 = tpu.memref_slice %arg6[%dma_start3A_148, %dma_start3A_149, %dma_start3A_150] : memref<78x2x128xi32, #tpu.memory_space<vmem>> -> memref<1x1x128xi32, #tpu.memory_space<vmem>>
    %dma_start3A_152 = tpu.memref_squeeze %dma_start3A_151 : memref<1x1x128xi32, #tpu.memory_space<vmem>> -> memref<128xi32, #tpu.memory_space<vmem>>
    %dma_start3A_153 = arith.constant 0 : i32
    %dma_start3A_154 = arith.constant 0 : i32
    %dma_start3A_155 = tpu.memref_slice %arg15[%dma_start3A_153, %dma_start3A_154] : memref<10112x16xf32, #tpu.memory_space<vmem_shared>> -> memref<10112x16xf32, #tpu.memory_space<vmem_shared>>
    tpu.enqueue_indirect_dma source(%arg13 : memref<128x16xf32, #tpu.memory_space<vmem>>) target(%dma_start3A_155 : memref<10112x16xf32, #tpu.memory_space<vmem_shared>>) offsets(%dma_start3A_152 : memref<128xi32, #tpu.memory_space<vmem>>) semaphore(%arg27 : memref<!tpu.dma_semaphore, #tpu.memory_space<semaphore_mem>>) {add = true}
    %dma_wait3A_156 = arith.constant 0 : i32
    %dma_wait3A_157 = arith.constant 1 : i32
    %dma_wait3A_158 = arith.constant 0 : i32
    %dma_wait3A_159 = tpu.memref_slice %arg6[%dma_wait3A_156, %dma_wait3A_157, %dma_wait3A_158] : memref<78x2x128xi32, #tpu.memory_space<vmem>> -> memref<1x1x128xi32, #tpu.memory_space<vmem>>
    %dma_wait3A_160 = tpu.memref_squeeze %dma_wait3A_159 : memref<1x1x128xi32, #tpu.memory_space<vmem>> -> memref<128xi32, #tpu.memory_space<vmem>>
    %dma_wait3A_161 = arith.constant 0 : i32
    %dma_wait3A_162 = arith.constant 0 : i32
    %dma_wait3A_163 = tpu.memref_slice %arg15[%dma_wait3A_161, %dma_wait3A_162] : memref<10112x16xf32, #tpu.memory_space<vmem_shared>> -> memref<10112x16xf32, #tpu.memory_space<vmem_shared>>
    tpu.wait_indirect_dma semaphore(%arg22 : memref<!tpu.dma_semaphore, #tpu.memory_space<semaphore_mem>>) src(%arg8 : memref<128x16xf32, #tpu.memory_space<vmem>>) dst(%dma_wait3A_163 : memref<10112x16xf32, #tpu.memory_space<vmem_shared>>)
    %dma_wait3A_164 = arith.constant 0 : i32
    %dma_wait3A_165 = arith.constant 1 : i32
    %dma_wait3A_166 = arith.constant 0 : i32
    %dma_wait3A_167 = tpu.memref_slice %arg6[%dma_wait3A_164, %dma_wait3A_165, %dma_wait3A_166] : memref<78x2x128xi32, #tpu.memory_space<vmem>> -> memref<1x1x128xi32, #tpu.memory_space<vmem>>
    %dma_wait3A_168 = tpu.memref_squeeze %dma_wait3A_167 : memref<1x1x128xi32, #tpu.memory_space<vmem>> -> memref<128xi32, #tpu.memory_space<vmem>>
    %dma_wait3A_169 = arith.constant 0 : i32
    %dma_wait3A_170 = arith.constant 0 : i32
    %dma_wait3A_171 = tpu.memref_slice %arg15[%dma_wait3A_169, %dma_wait3A_170] : memref<10112x16xf32, #tpu.memory_space<vmem_shared>> -> memref<10112x16xf32, #tpu.memory_space<vmem_shared>>
    tpu.wait_indirect_dma semaphore(%arg23 : memref<!tpu.dma_semaphore, #tpu.memory_space<semaphore_mem>>) src(%arg9 : memref<128x16xf32, #tpu.memory_space<vmem>>) dst(%dma_wait3A_171 : memref<10112x16xf32, #tpu.memory_space<vmem_shared>>)
    %dma_wait3A_172 = arith.constant 0 : i32
    %dma_wait3A_173 = arith.constant 1 : i32
    %dma_wait3A_174 = arith.constant 0 : i32
    %dma_wait3A_175 = tpu.memref_slice %arg6[%dma_wait3A_172, %dma_wait3A_173, %dma_wait3A_174] : memref<78x2x128xi32, #tpu.memory_space<vmem>> -> memref<1x1x128xi32, #tpu.memory_space<vmem>>
    %dma_wait3A_176 = tpu.memref_squeeze %dma_wait3A_175 : memref<1x1x128xi32, #tpu.memory_space<vmem>> -> memref<128xi32, #tpu.memory_space<vmem>>
    %dma_wait3A_177 = arith.constant 0 : i32
    %dma_wait3A_178 = arith.constant 0 : i32
    %dma_wait3A_179 = tpu.memref_slice %arg15[%dma_wait3A_177, %dma_wait3A_178] : memref<10112x16xf32, #tpu.memory_space<vmem_shared>> -> memref<10112x16xf32, #tpu.memory_space<vmem_shared>>
    tpu.wait_indirect_dma semaphore(%arg24 : memref<!tpu.dma_semaphore, #tpu.memory_space<semaphore_mem>>) src(%arg10 : memref<128x16xf32, #tpu.memory_space<vmem>>) dst(%dma_wait3A_179 : memref<10112x16xf32, #tpu.memory_space<vmem_shared>>)
    %dma_wait3A_180 = arith.constant 0 : i32
    %dma_wait3A_181 = arith.constant 1 : i32
    %dma_wait3A_182 = arith.constant 0 : i32
    %dma_wait3A_183 = tpu.memref_slice %arg6[%dma_wait3A_180, %dma_wait3A_181, %dma_wait3A_182] : memref<78x2x128xi32, #tpu.memory_space<vmem>> -> memref<1x1x128xi32, #tpu.memory_space<vmem>>
    %dma_wait3A_184 = tpu.memref_squeeze %dma_wait3A_183 : memref<1x1x128xi32, #tpu.memory_space<vmem>> -> memref<128xi32, #tpu.memory_space<vmem>>
    %dma_wait3A_185 = arith.constant 0 : i32
    %dma_wait3A_186 = arith.constant 0 : i32
    %dma_wait3A_187 = tpu.memref_slice %arg15[%dma_wait3A_185, %dma_wait3A_186] : memref<10112x16xf32, #tpu.memory_space<vmem_shared>> -> memref<10112x16xf32, #tpu.memory_space<vmem_shared>>
    tpu.wait_indirect_dma semaphore(%arg25 : memref<!tpu.dma_semaphore, #tpu.memory_space<semaphore_mem>>) src(%arg11 : memref<128x16xf32, #tpu.memory_space<vmem>>) dst(%dma_wait3A_187 : memref<10112x16xf32, #tpu.memory_space<vmem_shared>>)
    %dma_wait3A_188 = arith.constant 0 : i32
    %dma_wait3A_189 = arith.constant 1 : i32
    %dma_wait3A_190 = arith.constant 0 : i32
    %dma_wait3A_191 = tpu.memref_slice %arg6[%dma_wait3A_188, %dma_wait3A_189, %dma_wait3A_190] : memref<78x2x128xi32, #tpu.memory_space<vmem>> -> memref<1x1x128xi32, #tpu.memory_space<vmem>>
    %dma_wait3A_192 = tpu.memref_squeeze %dma_wait3A_191 : memref<1x1x128xi32, #tpu.memory_space<vmem>> -> memref<128xi32, #tpu.memory_space<vmem>>
    %dma_wait3A_193 = arith.constant 0 : i32
    %dma_wait3A_194 = arith.constant 0 : i32
    %dma_wait3A_195 = tpu.memref_slice %arg15[%dma_wait3A_193, %dma_wait3A_194] : memref<10112x16xf32, #tpu.memory_space<vmem_shared>> -> memref<10112x16xf32, #tpu.memory_space<vmem_shared>>
    tpu.wait_indirect_dma semaphore(%arg26 : memref<!tpu.dma_semaphore, #tpu.memory_space<semaphore_mem>>) src(%arg12 : memref<128x16xf32, #tpu.memory_space<vmem>>) dst(%dma_wait3A_195 : memref<10112x16xf32, #tpu.memory_space<vmem_shared>>)
    %dma_wait3A_196 = arith.constant 0 : i32
    %dma_wait3A_197 = arith.constant 1 : i32
    %dma_wait3A_198 = arith.constant 0 : i32
    %dma_wait3A_199 = tpu.memref_slice %arg6[%dma_wait3A_196, %dma_wait3A_197, %dma_wait3A_198] : memref<78x2x128xi32, #tpu.memory_space<vmem>> -> memref<1x1x128xi32, #tpu.memory_space<vmem>>
    %dma_wait3A_200 = tpu.memref_squeeze %dma_wait3A_199 : memref<1x1x128xi32, #tpu.memory_space<vmem>> -> memref<128xi32, #tpu.memory_space<vmem>>
    %dma_wait3A_201 = arith.constant 0 : i32
    %dma_wait3A_202 = arith.constant 0 : i32
    %dma_wait3A_203 = tpu.memref_slice %arg15[%dma_wait3A_201, %dma_wait3A_202] : memref<10112x16xf32, #tpu.memory_space<vmem_shared>> -> memref<10112x16xf32, #tpu.memory_space<vmem_shared>>
    tpu.wait_indirect_dma semaphore(%arg27 : memref<!tpu.dma_semaphore, #tpu.memory_space<semaphore_mem>>) src(%arg13 : memref<128x16xf32, #tpu.memory_space<vmem>>) dst(%dma_wait3A_203 : memref<10112x16xf32, #tpu.memory_space<vmem_shared>>)
    %barrier3A_204 = arith.constant 0 : index
    tpu.barrier barrier_id(%barrier3A_204)
    "tpu.region"() ({
      %run_scoped3A = tpu.sem_alloc : memref<!tpu.dma_semaphore, #tpu.memory_space<semaphore_mem>>
      %dma_start3A_205 = arith.constant 0 : i32
      %dma_start3A_206 = tpu.memref_slice %arg5[%arg0, %mul3A_4, %dma_start3A_205] : memref<2x10000x16xf32, #tpu.memory_space<hbm>> -> memref<1x625x16xf32, #tpu.memory_space<hbm>>
      %dma_start3A_207 = tpu.memref_squeeze %dma_start3A_206 : memref<1x625x16xf32, #tpu.memory_space<hbm>> -> memref<625x16xf32, #tpu.memory_space<hbm>>
      %dma_start3A_208 = arith.constant 0 : i32
      %dma_start3A_209 = tpu.memref_slice %arg15[%mul3A_4, %dma_start3A_208] : memref<10112x16xf32, #tpu.memory_space<vmem_shared>> -> memref<625x16xf32, #tpu.memory_space<vmem_shared>>
      tpu.enqueue_dma source(%dma_start3A_209 : memref<625x16xf32, #tpu.memory_space<vmem_shared>>) target(%dma_start3A_207 : memref<625x16xf32, #tpu.memory_space<hbm>>) target_semaphore(%run_scoped3A : memref<!tpu.dma_semaphore, #tpu.memory_space<semaphore_mem>>)
      %dma_wait3A_210 = arith.constant 0 : i32
      %dma_wait3A_211 = tpu.memref_slice %arg5[%arg0, %mul3A_4, %dma_wait3A_210] : memref<2x10000x16xf32, #tpu.memory_space<hbm>> -> memref<1x625x16xf32, #tpu.memory_space<hbm>>
      %dma_wait3A_212 = tpu.memref_squeeze %dma_wait3A_211 : memref<1x625x16xf32, #tpu.memory_space<hbm>> -> memref<625x16xf32, #tpu.memory_space<hbm>>
      %dma_wait3A_213 = arith.constant 0 : i32
      %dma_wait3A_214 = tpu.memref_slice %arg15[%mul3A_4, %dma_wait3A_213] : memref<10112x16xf32, #tpu.memory_space<vmem_shared>> -> memref<625x16xf32, #tpu.memory_space<vmem_shared>>
      tpu.wait_dma2 semaphore(%run_scoped3A : memref<!tpu.dma_semaphore, #tpu.memory_space<semaphore_mem>>) src(%dma_wait3A_214 : memref<625x16xf32, #tpu.memory_space<vmem_shared>>) dst(%dma_wait3A_212 : memref<625x16xf32, #tpu.memory_space<hbm>>)
      tpu.yield
    }) : () -> ()
    return
  }
}

#map = affine_map<(d0, d1) -> (0, 0)>
#map1 = affine_map<(d0, d1) -> (0, 0, 0)>
module attributes {stable_mosaic.version = 14 : i64} {
  func.func @_sc_segsum_cnt_body(%arg0: i32, %arg1: i32, %arg2: memref<10000x16xf32, #tpu.memory_space<hbm>>, %arg3: memref<2500x2x128xi32, #tpu.memory_space<hbm>>, %arg4: memref<632x16xf32, #tpu.memory_space<hbm>>, %arg5: memref<128x16xf32, #tpu.memory_space<hbm>>, %arg6: memref<2x10000x16xf32, #tpu.memory_space<hbm>>, %arg7: memref<2x10000x16xf32, #tpu.memory_space<hbm>>, %arg8: memref<78x2x128xi32, #tpu.memory_space<vmem>>, %arg9: memref<1x2x128xi32, #tpu.memory_space<vmem>>, %arg10: memref<128x16xf32, #tpu.memory_space<vmem>>, %arg11: memref<128x16xf32, #tpu.memory_space<vmem>>, %arg12: memref<128x16xf32, #tpu.memory_space<vmem>>, %arg13: memref<128x16xf32, #tpu.memory_space<vmem>>, %arg14: memref<128x16xf32, #tpu.memory_space<vmem>>, %arg15: memref<128x16xf32, #tpu.memory_space<vmem>>, %arg16: memref<128x16xf32, #tpu.memory_space<vmem>>, %arg17: memref<10112x16xf32, #tpu.memory_space<vmem_shared>>, %arg18: memref<10112x16xf32, #tpu.memory_space<vmem_shared>>, %arg19: memref<10112x16xf32, #tpu.memory_space<vmem_shared>>, %arg20: memref<!tpu.dma_semaphore, #tpu.memory_space<semaphore_mem>>, %arg21: memref<!tpu.dma_semaphore, #tpu.memory_space<semaphore_mem>>, %arg22: memref<!tpu.dma_semaphore, #tpu.memory_space<semaphore_mem>>, %arg23: memref<!tpu.dma_semaphore, #tpu.memory_space<semaphore_mem>>, %arg24: memref<!tpu.dma_semaphore, #tpu.memory_space<semaphore_mem>>, %arg25: memref<!tpu.dma_semaphore, #tpu.memory_space<semaphore_mem>>, %arg26: memref<!tpu.dma_semaphore, #tpu.memory_space<semaphore_mem>>, %arg27: memref<!tpu.dma_semaphore, #tpu.memory_space<semaphore_mem>>, %arg28: memref<!tpu.dma_semaphore, #tpu.memory_space<semaphore_mem>>, %arg29: memref<!tpu.dma_semaphore, #tpu.memory_space<semaphore_mem>>, %arg30: memref<!tpu.dma_semaphore, #tpu.memory_space<semaphore_mem>>, %arg31: memref<!tpu.dma_semaphore, #tpu.memory_space<semaphore_mem>>, %arg32: memref<!tpu.dma_semaphore, #tpu.memory_space<semaphore_mem>>, %arg33: memref<!tpu.dma_semaphore, #tpu.memory_space<semaphore_mem>>, %arg34: memref<!tpu.dma_semaphore, #tpu.memory_space<semaphore_mem>>, %arg35: memref<!tpu.dma_semaphore, #tpu.memory_space<semaphore_mem>>, %arg36: memref<!tpu.dma_semaphore, #tpu.memory_space<semaphore_mem>>, %arg37: memref<!tpu.dma_semaphore, #tpu.memory_space<semaphore_mem>>) attributes {dimension_semantics = [#tpu.dimension_semantics<core_parallel>, #tpu.dimension_semantics<subcore_parallel>], iteration_bounds = array<i64: 2, 16>, scalar_prefetch = 0 : i64, scratch_operands = 30 : i64, tpu.core_type = #tpu.core_type<sc_vector_subcore>, window_params = [{transform_indices = #map}, {transform_indices = #map1}, {transform_indices = #map}, {transform_indices = #map}, {transform_indices = #map1}, {transform_indices = #map1}]} {
    %mul3A = arith.constant 16 : i32
    %mul3A_0 = arith.muli %arg0, %mul3A : i32
    %add3A = arith.addi %mul3A_0, %arg1 : i32
    %mul3A_1 = arith.constant 632 : i32
    %mul3A_2 = arith.muli %arg1, %mul3A_1 : i32
    %mul3A_3 = arith.constant 625 : i32
    %mul3A_4 = arith.muli %arg1, %mul3A_3 : i32
    "tpu.region"() ({
      %run_scoped3A = tpu.sem_alloc : memref<!tpu.dma_semaphore, #tpu.memory_space<semaphore_mem>>
      %dma_start3A_349 = arith.constant 0 : i32
      %dma_start3A_350 = tpu.memref_slice %arg17[%mul3A_4, %dma_start3A_349] : memref<10112x16xf32, #tpu.memory_space<vmem_shared>> -> memref<625x16xf32, #tpu.memory_space<vmem_shared>>
      %dma_start3A_351 = arith.constant 0 : i32
      %dma_start3A_352 = tpu.memref_slice %arg2[%mul3A_4, %dma_start3A_351] : memref<10000x16xf32, #tpu.memory_space<hbm>> -> memref<625x16xf32, #tpu.memory_space<hbm>>
      tpu.enqueue_dma source(%dma_start3A_352 : memref<625x16xf32, #tpu.memory_space<hbm>>) target(%dma_start3A_350 : memref<625x16xf32, #tpu.memory_space<vmem_shared>>) target_semaphore(%run_scoped3A : memref<!tpu.dma_semaphore, #tpu.memory_space<semaphore_mem>>)
      %dma_wait3A_353 = arith.constant 0 : i32
      %dma_wait3A_354 = tpu.memref_slice %arg17[%mul3A_4, %dma_wait3A_353] : memref<10112x16xf32, #tpu.memory_space<vmem_shared>> -> memref<625x16xf32, #tpu.memory_space<vmem_shared>>
      %dma_wait3A_355 = arith.constant 0 : i32
      %dma_wait3A_356 = tpu.memref_slice %arg2[%mul3A_4, %dma_wait3A_355] : memref<10000x16xf32, #tpu.memory_space<hbm>> -> memref<625x16xf32, #tpu.memory_space<hbm>>
      tpu.wait_dma2 semaphore(%run_scoped3A : memref<!tpu.dma_semaphore, #tpu.memory_space<semaphore_mem>>) src(%dma_wait3A_356 : memref<625x16xf32, #tpu.memory_space<hbm>>) dst(%dma_wait3A_354 : memref<625x16xf32, #tpu.memory_space<vmem_shared>>)
      tpu.yield
    }) : () -> ()
    "tpu.region"() ({
      %run_scoped3A = tpu.sem_alloc : memref<!tpu.dma_semaphore, #tpu.memory_space<semaphore_mem>>
      %dma_start3A_349 = arith.constant 0 : i32
      %dma_start3A_350 = tpu.memref_slice %arg18[%mul3A_2, %dma_start3A_349] : memref<10112x16xf32, #tpu.memory_space<vmem_shared>> -> memref<632x16xf32, #tpu.memory_space<vmem_shared>>
      tpu.enqueue_dma source(%arg4 : memref<632x16xf32, #tpu.memory_space<hbm>>) target(%dma_start3A_350 : memref<632x16xf32, #tpu.memory_space<vmem_shared>>) target_semaphore(%run_scoped3A : memref<!tpu.dma_semaphore, #tpu.memory_space<semaphore_mem>>)
      %dma_wait3A_351 = arith.constant 0 : i32
      %dma_wait3A_352 = tpu.memref_slice %arg18[%mul3A_2, %dma_wait3A_351] : memref<10112x16xf32, #tpu.memory_space<vmem_shared>> -> memref<632x16xf32, #tpu.memory_space<vmem_shared>>
      tpu.wait_dma2 semaphore(%run_scoped3A : memref<!tpu.dma_semaphore, #tpu.memory_space<semaphore_mem>>) src(%arg4 : memref<632x16xf32, #tpu.memory_space<hbm>>) dst(%dma_wait3A_352 : memref<632x16xf32, #tpu.memory_space<vmem_shared>>)
      tpu.yield
    }) : () -> ()
    "tpu.region"() ({
      %run_scoped3A = tpu.sem_alloc : memref<!tpu.dma_semaphore, #tpu.memory_space<semaphore_mem>>
      %dma_start3A_349 = arith.constant 0 : i32
      %dma_start3A_350 = tpu.memref_slice %arg19[%mul3A_2, %dma_start3A_349] : memref<10112x16xf32, #tpu.memory_space<vmem_shared>> -> memref<632x16xf32, #tpu.memory_space<vmem_shared>>
      tpu.enqueue_dma source(%arg4 : memref<632x16xf32, #tpu.memory_space<hbm>>) target(%dma_start3A_350 : memref<632x16xf32, #tpu.memory_space<vmem_shared>>) target_semaphore(%run_scoped3A : memref<!tpu.dma_semaphore, #tpu.memory_space<semaphore_mem>>)
      %dma_wait3A_351 = arith.constant 0 : i32
      %dma_wait3A_352 = tpu.memref_slice %arg19[%mul3A_2, %dma_wait3A_351] : memref<10112x16xf32, #tpu.memory_space<vmem_shared>> -> memref<632x16xf32, #tpu.memory_space<vmem_shared>>
      tpu.wait_dma2 semaphore(%run_scoped3A : memref<!tpu.dma_semaphore, #tpu.memory_space<semaphore_mem>>) src(%arg4 : memref<632x16xf32, #tpu.memory_space<hbm>>) dst(%dma_wait3A_352 : memref<632x16xf32, #tpu.memory_space<vmem_shared>>)
      tpu.yield
    }) : () -> ()
    "tpu.region"() ({
      %run_scoped3A = tpu.sem_alloc : memref<!tpu.dma_semaphore, #tpu.memory_space<semaphore_mem>>
      tpu.enqueue_dma source(%arg5 : memref<128x16xf32, #tpu.memory_space<hbm>>) target(%arg10 : memref<128x16xf32, #tpu.memory_space<vmem>>) target_semaphore(%run_scoped3A : memref<!tpu.dma_semaphore, #tpu.memory_space<semaphore_mem>>)
      tpu.wait_dma2 semaphore(%run_scoped3A : memref<!tpu.dma_semaphore, #tpu.memory_space<semaphore_mem>>) src(%arg5 : memref<128x16xf32, #tpu.memory_space<hbm>>) dst(%arg10 : memref<128x16xf32, #tpu.memory_space<vmem>>)
      tpu.yield
    }) : () -> ()
    %mul3A_5 = arith.constant 78 : i32
    %mul3A_6 = arith.muli %add3A, %mul3A_5 : i32
    "tpu.region"() ({
      %run_scoped3A = tpu.sem_alloc : memref<!tpu.dma_semaphore, #tpu.memory_space<semaphore_mem>>
      %dma_start3A_349 = arith.constant 0 : i32
      %dma_start3A_350 = arith.constant 0 : i32
      %dma_start3A_351 = tpu.memref_slice %arg3[%mul3A_6, %dma_start3A_349, %dma_start3A_350] : memref<2500x2x128xi32, #tpu.memory_space<hbm>> -> memref<78x2x128xi32, #tpu.memory_space<hbm>>
      %dma_start3A_352 = arith.constant 0 : i32
      %dma_start3A_353 = arith.constant 0 : i32
      %dma_start3A_354 = tpu.memref_slice %arg3[%mul3A_6, %dma_start3A_352, %dma_start3A_353] : memref<2500x2x128xi32, #tpu.memory_space<hbm>> -> memref<78x2x128xi32, #tpu.memory_space<hbm>>
      tpu.enqueue_dma source(%dma_start3A_354 : memref<78x2x128xi32, #tpu.memory_space<hbm>>) target(%arg8 : memref<78x2x128xi32, #tpu.memory_space<vmem>>) target_semaphore(%run_scoped3A : memref<!tpu.dma_semaphore, #tpu.memory_space<semaphore_mem>>)
      %dma_wait3A_355 = arith.constant 0 : i32
      %dma_wait3A_356 = arith.constant 0 : i32
      %dma_wait3A_357 = tpu.memref_slice %arg3[%mul3A_6, %dma_wait3A_355, %dma_wait3A_356] : memref<2500x2x128xi32, #tpu.memory_space<hbm>> -> memref<78x2x128xi32, #tpu.memory_space<hbm>>
      %dma_wait3A_358 = arith.constant 0 : i32
      %dma_wait3A_359 = arith.constant 0 : i32
      %dma_wait3A_360 = tpu.memref_slice %arg3[%mul3A_6, %dma_wait3A_358, %dma_wait3A_359] : memref<2500x2x128xi32, #tpu.memory_space<hbm>> -> memref<78x2x128xi32, #tpu.memory_space<hbm>>
      tpu.wait_dma2 semaphore(%run_scoped3A : memref<!tpu.dma_semaphore, #tpu.memory_space<semaphore_mem>>) src(%dma_wait3A_360 : memref<78x2x128xi32, #tpu.memory_space<hbm>>) dst(%arg8 : memref<78x2x128xi32, #tpu.memory_space<vmem>>)
      tpu.yield
    }) : () -> ()
    %barrier3A = arith.constant 0 : index
    tpu.barrier barrier_id(%barrier3A)
    %lt3A = arith.constant 4 : i32
    %lt3A_7 = arith.cmpi slt, %add3A, %lt3A : i32
    %convert_element_type3A = arith.extui %lt3A_7 : i1 to i32
    %cond3A = arith.constant 0 : i32
    %cond3A_8 = arith.cmpi ne, %convert_element_type3A, %cond3A : i32
    scf.if %cond3A_8 {
      %add3A_349 = arith.constant 2496 : i32
      %add3A_350 = arith.addi %add3A_349, %add3A : i32
      "tpu.region"() ({
        %run_scoped3A = tpu.sem_alloc : memref<!tpu.dma_semaphore, #tpu.memory_space<semaphore_mem>>
        %dma_start3A_399 = arith.constant 0 : i32
        %dma_start3A_400 = arith.constant 0 : i32
        %dma_start3A_401 = tpu.memref_slice %arg3[%add3A_350, %dma_start3A_399, %dma_start3A_400] : memref<2500x2x128xi32, #tpu.memory_space<hbm>> -> memref<1x2x128xi32, #tpu.memory_space<hbm>>
        %dma_start3A_402 = arith.constant 0 : i32
        %dma_start3A_403 = arith.constant 0 : i32
        %dma_start3A_404 = tpu.memref_slice %arg3[%add3A_350, %dma_start3A_402, %dma_start3A_403] : memref<2500x2x128xi32, #tpu.memory_space<hbm>> -> memref<1x2x128xi32, #tpu.memory_space<hbm>>
        tpu.enqueue_dma source(%dma_start3A_404 : memref<1x2x128xi32, #tpu.memory_space<hbm>>) target(%arg9 : memref<1x2x128xi32, #tpu.memory_space<vmem>>) target_semaphore(%run_scoped3A : memref<!tpu.dma_semaphore, #tpu.memory_space<semaphore_mem>>)
        %dma_wait3A_405 = arith.constant 0 : i32
        %dma_wait3A_406 = arith.constant 0 : i32
        %dma_wait3A_407 = tpu.memref_slice %arg3[%add3A_350, %dma_wait3A_405, %dma_wait3A_406] : memref<2500x2x128xi32, #tpu.memory_space<hbm>> -> memref<1x2x128xi32, #tpu.memory_space<hbm>>
        %dma_wait3A_408 = arith.constant 0 : i32
        %dma_wait3A_409 = arith.constant 0 : i32
        %dma_wait3A_410 = tpu.memref_slice %arg3[%add3A_350, %dma_wait3A_408, %dma_wait3A_409] : memref<2500x2x128xi32, #tpu.memory_space<hbm>> -> memref<1x2x128xi32, #tpu.memory_space<hbm>>
        tpu.wait_dma2 semaphore(%run_scoped3A : memref<!tpu.dma_semaphore, #tpu.memory_space<semaphore_mem>>) src(%dma_wait3A_410 : memref<1x2x128xi32, #tpu.memory_space<hbm>>) dst(%arg9 : memref<1x2x128xi32, #tpu.memory_space<vmem>>)
        tpu.yield
      }) : () -> ()
      %dma_start3A_351 = arith.constant 0 : i32
      %dma_start3A_352 = arith.constant 0 : i32
      %dma_start3A_353 = arith.constant 0 : i32
      %dma_start3A_354 = tpu.memref_slice %arg9[%dma_start3A_351, %dma_start3A_352, %dma_start3A_353] : memref<1x2x128xi32, #tpu.memory_space<vmem>> -> memref<1x1x128xi32, #tpu.memory_space<vmem>>
      %dma_start3A_355 = tpu.memref_squeeze %dma_start3A_354 : memref<1x1x128xi32, #tpu.memory_space<vmem>> -> memref<128xi32, #tpu.memory_space<vmem>>
      %dma_start3A_356 = arith.constant 0 : i32
      %dma_start3A_357 = arith.constant 0 : i32
      %dma_start3A_358 = tpu.memref_slice %arg17[%dma_start3A_356, %dma_start3A_357] : memref<10112x16xf32, #tpu.memory_space<vmem_shared>> -> memref<10112x16xf32, #tpu.memory_space<vmem_shared>>
      tpu.enqueue_indirect_dma source(%dma_start3A_358 : memref<10112x16xf32, #tpu.memory_space<vmem_shared>>) target(%arg11 : memref<128x16xf32, #tpu.memory_space<vmem>>) offsets(%dma_start3A_355 : memref<128xi32, #tpu.memory_space<vmem>>) semaphore(%arg20 : memref<!tpu.dma_semaphore, #tpu.memory_space<semaphore_mem>>)
      %dma_wait3A_359 = arith.constant 0 : i32
      %dma_wait3A_360 = arith.constant 0 : i32
      %dma_wait3A_361 = arith.constant 0 : i32
      %dma_wait3A_362 = tpu.memref_slice %arg9[%dma_wait3A_359, %dma_wait3A_360, %dma_wait3A_361] : memref<1x2x128xi32, #tpu.memory_space<vmem>> -> memref<1x1x128xi32, #tpu.memory_space<vmem>>
      %dma_wait3A_363 = tpu.memref_squeeze %dma_wait3A_362 : memref<1x1x128xi32, #tpu.memory_space<vmem>> -> memref<128xi32, #tpu.memory_space<vmem>>
      %dma_wait3A_364 = arith.constant 0 : i32
      %dma_wait3A_365 = arith.constant 0 : i32
      %dma_wait3A_366 = tpu.memref_slice %arg17[%dma_wait3A_364, %dma_wait3A_365] : memref<10112x16xf32, #tpu.memory_space<vmem_shared>> -> memref<10112x16xf32, #tpu.memory_space<vmem_shared>>
      tpu.wait_indirect_dma semaphore(%arg20 : memref<!tpu.dma_semaphore, #tpu.memory_space<semaphore_mem>>) src(%dma_wait3A_366 : memref<10112x16xf32, #tpu.memory_space<vmem_shared>>) dst(%arg11 : memref<128x16xf32, #tpu.memory_space<vmem>>)
      %dma_start3A_367 = arith.constant 0 : i32
      %dma_start3A_368 = arith.constant 1 : i32
      %dma_start3A_369 = arith.constant 0 : i32
      %dma_start3A_370 = tpu.memref_slice %arg9[%dma_start3A_367, %dma_start3A_368, %dma_start3A_369] : memref<1x2x128xi32, #tpu.memory_space<vmem>> -> memref<1x1x128xi32, #tpu.memory_space<vmem>>
      %dma_start3A_371 = tpu.memref_squeeze %dma_start3A_370 : memref<1x1x128xi32, #tpu.memory_space<vmem>> -> memref<128xi32, #tpu.memory_space<vmem>>
      %dma_start3A_372 = arith.constant 0 : i32
      %dma_start3A_373 = arith.constant 0 : i32
      %dma_start3A_374 = tpu.memref_slice %arg18[%dma_start3A_372, %dma_start3A_373] : memref<10112x16xf32, #tpu.memory_space<vmem_shared>> -> memref<10112x16xf32, #tpu.memory_space<vmem_shared>>
      tpu.enqueue_indirect_dma source(%arg11 : memref<128x16xf32, #tpu.memory_space<vmem>>) target(%dma_start3A_374 : memref<10112x16xf32, #tpu.memory_space<vmem_shared>>) offsets(%dma_start3A_371 : memref<128xi32, #tpu.memory_space<vmem>>) semaphore(%arg26 : memref<!tpu.dma_semaphore, #tpu.memory_space<semaphore_mem>>) {add = true}
      %dma_wait3A_375 = arith.constant 0 : i32
      %dma_wait3A_376 = arith.constant 1 : i32
      %dma_wait3A_377 = arith.constant 0 : i32
      %dma_wait3A_378 = tpu.memref_slice %arg9[%dma_wait3A_375, %dma_wait3A_376, %dma_wait3A_377] : memref<1x2x128xi32, #tpu.memory_space<vmem>> -> memref<1x1x128xi32, #tpu.memory_space<vmem>>
      %dma_wait3A_379 = tpu.memref_squeeze %dma_wait3A_378 : memref<1x1x128xi32, #tpu.memory_space<vmem>> -> memref<128xi32, #tpu.memory_space<vmem>>
      %dma_wait3A_380 = arith.constant 0 : i32
      %dma_wait3A_381 = arith.constant 0 : i32
      %dma_wait3A_382 = tpu.memref_slice %arg18[%dma_wait3A_380, %dma_wait3A_381] : memref<10112x16xf32, #tpu.memory_space<vmem_shared>> -> memref<10112x16xf32, #tpu.memory_space<vmem_shared>>
      tpu.wait_indirect_dma semaphore(%arg26 : memref<!tpu.dma_semaphore, #tpu.memory_space<semaphore_mem>>) src(%arg11 : memref<128x16xf32, #tpu.memory_space<vmem>>) dst(%dma_wait3A_382 : memref<10112x16xf32, #tpu.memory_space<vmem_shared>>)
      %dma_start3A_383 = arith.constant 0 : i32
      %dma_start3A_384 = arith.constant 1 : i32
      %dma_start3A_385 = arith.constant 0 : i32
      %dma_start3A_386 = tpu.memref_slice %arg9[%dma_start3A_383, %dma_start3A_384, %dma_start3A_385] : memref<1x2x128xi32, #tpu.memory_space<vmem>> -> memref<1x1x128xi32, #tpu.memory_space<vmem>>
      %dma_start3A_387 = tpu.memref_squeeze %dma_start3A_386 : memref<1x1x128xi32, #tpu.memory_space<vmem>> -> memref<128xi32, #tpu.memory_space<vmem>>
      %dma_start3A_388 = arith.constant 0 : i32
      %dma_start3A_389 = arith.constant 0 : i32
      %dma_start3A_390 = tpu.memref_slice %arg19[%dma_start3A_388, %dma_start3A_389] : memref<10112x16xf32, #tpu.memory_space<vmem_shared>> -> memref<10112x16xf32, #tpu.memory_space<vmem_shared>>
      tpu.enqueue_indirect_dma source(%arg10 : memref<128x16xf32, #tpu.memory_space<vmem>>) target(%dma_start3A_390 : memref<10112x16xf32, #tpu.memory_space<vmem_shared>>) offsets(%dma_start3A_387 : memref<128xi32, #tpu.memory_space<vmem>>) semaphore(%arg32 : memref<!tpu.dma_semaphore, #tpu.memory_space<semaphore_mem>>) {add = true}
      %dma_wait3A_391 = arith.constant 0 : i32
      %dma_wait3A_392 = arith.constant 1 : i32
      %dma_wait3A_393 = arith.constant 0 : i32
      %dma_wait3A_394 = tpu.memref_slice %arg9[%dma_wait3A_391, %dma_wait3A_392, %dma_wait3A_393] : memref<1x2x128xi32, #tpu.memory_space<vmem>> -> memref<1x1x128xi32, #tpu.memory_space<vmem>>
      %dma_wait3A_395 = tpu.memref_squeeze %dma_wait3A_394 : memref<1x1x128xi32, #tpu.memory_space<vmem>> -> memref<128xi32, #tpu.memory_space<vmem>>
      %dma_wait3A_396 = arith.constant 0 : i32
      %dma_wait3A_397 = arith.constant 0 : i32
      %dma_wait3A_398 = tpu.memref_slice %arg19[%dma_wait3A_396, %dma_wait3A_397] : memref<10112x16xf32, #tpu.memory_space<vmem_shared>> -> memref<10112x16xf32, #tpu.memory_space<vmem_shared>>
      tpu.wait_indirect_dma semaphore(%arg32 : memref<!tpu.dma_semaphore, #tpu.memory_space<semaphore_mem>>) src(%arg10 : memref<128x16xf32, #tpu.memory_space<vmem>>) dst(%dma_wait3A_398 : memref<10112x16xf32, #tpu.memory_space<vmem_shared>>)
    } else {
    }
    %dma_start3A = arith.constant 0 : i32
    %dma_start3A_9 = arith.constant 0 : i32
    %dma_start3A_10 = arith.constant 0 : i32
    %dma_start3A_11 = tpu.memref_slice %arg8[%dma_start3A, %dma_start3A_9, %dma_start3A_10] : memref<78x2x128xi32, #tpu.memory_space<vmem>> -> memref<1x1x128xi32, #tpu.memory_space<vmem>>
    %dma_start3A_12 = tpu.memref_squeeze %dma_start3A_11 : memref<1x1x128xi32, #tpu.memory_space<vmem>> -> memref<128xi32, #tpu.memory_space<vmem>>
    %dma_start3A_13 = arith.constant 0 : i32
    %dma_start3A_14 = arith.constant 0 : i32
    %dma_start3A_15 = tpu.memref_slice %arg17[%dma_start3A_13, %dma_start3A_14] : memref<10112x16xf32, #tpu.memory_space<vmem_shared>> -> memref<10112x16xf32, #tpu.memory_space<vmem_shared>>
    tpu.enqueue_indirect_dma source(%dma_start3A_15 : memref<10112x16xf32, #tpu.memory_space<vmem_shared>>) target(%arg11 : memref<128x16xf32, #tpu.memory_space<vmem>>) offsets(%dma_start3A_12 : memref<128xi32, #tpu.memory_space<vmem>>) semaphore(%arg20 : memref<!tpu.dma_semaphore, #tpu.memory_space<semaphore_mem>>)
    %dma_start3A_16 = arith.constant 1 : i32
    %dma_start3A_17 = arith.constant 0 : i32
    %dma_start3A_18 = arith.constant 0 : i32
    %dma_start3A_19 = tpu.memref_slice %arg8[%dma_start3A_16, %dma_start3A_17, %dma_start3A_18] : memref<78x2x128xi32, #tpu.memory_space<vmem>> -> memref<1x1x128xi32, #tpu.memory_space<vmem>>
    %dma_start3A_20 = tpu.memref_squeeze %dma_start3A_19 : memref<1x1x128xi32, #tpu.memory_space<vmem>> -> memref<128xi32, #tpu.memory_space<vmem>>
    %dma_start3A_21 = arith.constant 0 : i32
    %dma_start3A_22 = arith.constant 0 : i32
    %dma_start3A_23 = tpu.memref_slice %arg17[%dma_start3A_21, %dma_start3A_22] : memref<10112x16xf32, #tpu.memory_space<vmem_shared>> -> memref<10112x16xf32, #tpu.memory_space<vmem_shared>>
    tpu.enqueue_indirect_dma source(%dma_start3A_23 : memref<10112x16xf32, #tpu.memory_space<vmem_shared>>) target(%arg12 : memref<128x16xf32, #tpu.memory_space<vmem>>) offsets(%dma_start3A_20 : memref<128xi32, #tpu.memory_space<vmem>>) semaphore(%arg21 : memref<!tpu.dma_semaphore, #tpu.memory_space<semaphore_mem>>)
    %dma_start3A_24 = arith.constant 2 : i32
    %dma_start3A_25 = arith.constant 0 : i32
    %dma_start3A_26 = arith.constant 0 : i32
    %dma_start3A_27 = tpu.memref_slice %arg8[%dma_start3A_24, %dma_start3A_25, %dma_start3A_26] : memref<78x2x128xi32, #tpu.memory_space<vmem>> -> memref<1x1x128xi32, #tpu.memory_space<vmem>>
    %dma_start3A_28 = tpu.memref_squeeze %dma_start3A_27 : memref<1x1x128xi32, #tpu.memory_space<vmem>> -> memref<128xi32, #tpu.memory_space<vmem>>
    %dma_start3A_29 = arith.constant 0 : i32
    %dma_start3A_30 = arith.constant 0 : i32
    %dma_start3A_31 = tpu.memref_slice %arg17[%dma_start3A_29, %dma_start3A_30] : memref<10112x16xf32, #tpu.memory_space<vmem_shared>> -> memref<10112x16xf32, #tpu.memory_space<vmem_shared>>
    tpu.enqueue_indirect_dma source(%dma_start3A_31 : memref<10112x16xf32, #tpu.memory_space<vmem_shared>>) target(%arg13 : memref<128x16xf32, #tpu.memory_space<vmem>>) offsets(%dma_start3A_28 : memref<128xi32, #tpu.memory_space<vmem>>) semaphore(%arg22 : memref<!tpu.dma_semaphore, #tpu.memory_space<semaphore_mem>>)
    %dma_start3A_32 = arith.constant 3 : i32
    %dma_start3A_33 = arith.constant 0 : i32
    %dma_start3A_34 = arith.constant 0 : i32
    %dma_start3A_35 = tpu.memref_slice %arg8[%dma_start3A_32, %dma_start3A_33, %dma_start3A_34] : memref<78x2x128xi32, #tpu.memory_space<vmem>> -> memref<1x1x128xi32, #tpu.memory_space<vmem>>
    %dma_start3A_36 = tpu.memref_squeeze %dma_start3A_35 : memref<1x1x128xi32, #tpu.memory_space<vmem>> -> memref<128xi32, #tpu.memory_space<vmem>>
    %dma_start3A_37 = arith.constant 0 : i32
    %dma_start3A_38 = arith.constant 0 : i32
    %dma_start3A_39 = tpu.memref_slice %arg17[%dma_start3A_37, %dma_start3A_38] : memref<10112x16xf32, #tpu.memory_space<vmem_shared>> -> memref<10112x16xf32, #tpu.memory_space<vmem_shared>>
    tpu.enqueue_indirect_dma source(%dma_start3A_39 : memref<10112x16xf32, #tpu.memory_space<vmem_shared>>) target(%arg14 : memref<128x16xf32, #tpu.memory_space<vmem>>) offsets(%dma_start3A_36 : memref<128xi32, #tpu.memory_space<vmem>>) semaphore(%arg23 : memref<!tpu.dma_semaphore, #tpu.memory_space<semaphore_mem>>)
    %dma_start3A_40 = arith.constant 4 : i32
    %dma_start3A_41 = arith.constant 0 : i32
    %dma_start3A_42 = arith.constant 0 : i32
    %dma_start3A_43 = tpu.memref_slice %arg8[%dma_start3A_40, %dma_start3A_41, %dma_start3A_42] : memref<78x2x128xi32, #tpu.memory_space<vmem>> -> memref<1x1x128xi32, #tpu.memory_space<vmem>>
    %dma_start3A_44 = tpu.memref_squeeze %dma_start3A_43 : memref<1x1x128xi32, #tpu.memory_space<vmem>> -> memref<128xi32, #tpu.memory_space<vmem>>
    %dma_start3A_45 = arith.constant 0 : i32
    %dma_start3A_46 = arith.constant 0 : i32
    %dma_start3A_47 = tpu.memref_slice %arg17[%dma_start3A_45, %dma_start3A_46] : memref<10112x16xf32, #tpu.memory_space<vmem_shared>> -> memref<10112x16xf32, #tpu.memory_space<vmem_shared>>
    tpu.enqueue_indirect_dma source(%dma_start3A_47 : memref<10112x16xf32, #tpu.memory_space<vmem_shared>>) target(%arg15 : memref<128x16xf32, #tpu.memory_space<vmem>>) offsets(%dma_start3A_44 : memref<128xi32, #tpu.memory_space<vmem>>) semaphore(%arg24 : memref<!tpu.dma_semaphore, #tpu.memory_space<semaphore_mem>>)
    %dma_start3A_48 = arith.constant 5 : i32
    %dma_start3A_49 = arith.constant 0 : i32
    %dma_start3A_50 = arith.constant 0 : i32
    %dma_start3A_51 = tpu.memref_slice %arg8[%dma_start3A_48, %dma_start3A_49, %dma_start3A_50] : memref<78x2x128xi32, #tpu.memory_space<vmem>> -> memref<1x1x128xi32, #tpu.memory_space<vmem>>
    %dma_start3A_52 = tpu.memref_squeeze %dma_start3A_51 : memref<1x1x128xi32, #tpu.memory_space<vmem>> -> memref<128xi32, #tpu.memory_space<vmem>>
    %dma_start3A_53 = arith.constant 0 : i32
    %dma_start3A_54 = arith.constant 0 : i32
    %dma_start3A_55 = tpu.memref_slice %arg17[%dma_start3A_53, %dma_start3A_54] : memref<10112x16xf32, #tpu.memory_space<vmem_shared>> -> memref<10112x16xf32, #tpu.memory_space<vmem_shared>>
    tpu.enqueue_indirect_dma source(%dma_start3A_55 : memref<10112x16xf32, #tpu.memory_space<vmem_shared>>) target(%arg16 : memref<128x16xf32, #tpu.memory_space<vmem>>) offsets(%dma_start3A_52 : memref<128xi32, #tpu.memory_space<vmem>>) semaphore(%arg25 : memref<!tpu.dma_semaphore, #tpu.memory_space<semaphore_mem>>)
    %scan3A = arith.constant 0 : i32
    %scan3A_56 = arith.constant 0 : i32
    %scan3A_57 = arith.constant 12 : i32
    %scan3A_58 = arith.addi %scan3A_56, %scan3A_57 : i32
    %scan3A_59 = arith.constant 1 : i32
    scf.for %scan3A_349 = %scan3A_56 to %scan3A_58 step %scan3A_59  : i32 {
      %mul3A_350 = arith.constant 6 : i32
      %mul3A_351 = arith.muli %scan3A_349, %mul3A_350 : i32
      %add3A_352 = arith.constant 0 : i32
      %add3A_353 = arith.addi %mul3A_351, %add3A_352 : i32
      %dma_wait3A_354 = arith.constant 0 : i32
      %dma_wait3A_355 = arith.constant 0 : i32
      %dma_wait3A_356 = arith.constant 0 : i32
      %dma_wait3A_357 = tpu.memref_slice %arg8[%dma_wait3A_354, %dma_wait3A_355, %dma_wait3A_356] : memref<78x2x128xi32, #tpu.memory_space<vmem>> -> memref<1x1x128xi32, #tpu.memory_space<vmem>>
      %dma_wait3A_358 = tpu.memref_squeeze %dma_wait3A_357 : memref<1x1x128xi32, #tpu.memory_space<vmem>> -> memref<128xi32, #tpu.memory_space<vmem>>
      %dma_wait3A_359 = arith.constant 0 : i32
      %dma_wait3A_360 = arith.constant 0 : i32
      %dma_wait3A_361 = tpu.memref_slice %arg17[%dma_wait3A_359, %dma_wait3A_360] : memref<10112x16xf32, #tpu.memory_space<vmem_shared>> -> memref<10112x16xf32, #tpu.memory_space<vmem_shared>>
      tpu.wait_indirect_dma semaphore(%arg20 : memref<!tpu.dma_semaphore, #tpu.memory_space<semaphore_mem>>) src(%dma_wait3A_361 : memref<10112x16xf32, #tpu.memory_space<vmem_shared>>) dst(%arg11 : memref<128x16xf32, #tpu.memory_space<vmem>>)
      %dma_start3A_362 = arith.constant 1 : i32
      %dma_start3A_363 = arith.constant 0 : i32
      %dma_start3A_364 = tpu.memref_slice %arg8[%add3A_353, %dma_start3A_362, %dma_start3A_363] : memref<78x2x128xi32, #tpu.memory_space<vmem>> -> memref<1x1x128xi32, #tpu.memory_space<vmem>>
      %dma_start3A_365 = tpu.memref_squeeze %dma_start3A_364 : memref<1x1x128xi32, #tpu.memory_space<vmem>> -> memref<128xi32, #tpu.memory_space<vmem>>
      %dma_start3A_366 = arith.constant 0 : i32
      %dma_start3A_367 = arith.constant 0 : i32
      %dma_start3A_368 = tpu.memref_slice %arg18[%dma_start3A_366, %dma_start3A_367] : memref<10112x16xf32, #tpu.memory_space<vmem_shared>> -> memref<10112x16xf32, #tpu.memory_space<vmem_shared>>
      tpu.enqueue_indirect_dma source(%arg11 : memref<128x16xf32, #tpu.memory_space<vmem>>) target(%dma_start3A_368 : memref<10112x16xf32, #tpu.memory_space<vmem_shared>>) offsets(%dma_start3A_365 : memref<128xi32, #tpu.memory_space<vmem>>) semaphore(%arg26 : memref<!tpu.dma_semaphore, #tpu.memory_space<semaphore_mem>>) {add = true}
      %gt3A = arith.constant 0 : i32
      %gt3A_369 = arith.cmpi sgt, %scan3A_349, %gt3A : i32
      %convert_element_type3A_370 = arith.extui %gt3A_369 : i1 to i32
      %cond3A_371 = arith.constant 0 : i32
      %cond3A_372 = arith.cmpi ne, %convert_element_type3A_370, %cond3A_371 : i32
      scf.if %cond3A_372 {
        %dma_wait3A_661 = arith.constant 0 : i32
        %dma_wait3A_662 = arith.constant 1 : i32
        %dma_wait3A_663 = arith.constant 0 : i32
        %dma_wait3A_664 = tpu.memref_slice %arg8[%dma_wait3A_661, %dma_wait3A_662, %dma_wait3A_663] : memref<78x2x128xi32, #tpu.memory_space<vmem>> -> memref<1x1x128xi32, #tpu.memory_space<vmem>>
        %dma_wait3A_665 = tpu.memref_squeeze %dma_wait3A_664 : memref<1x1x128xi32, #tpu.memory_space<vmem>> -> memref<128xi32, #tpu.memory_space<vmem>>
        %dma_wait3A_666 = arith.constant 0 : i32
        %dma_wait3A_667 = arith.constant 0 : i32
        %dma_wait3A_668 = tpu.memref_slice %arg19[%dma_wait3A_666, %dma_wait3A_667] : memref<10112x16xf32, #tpu.memory_space<vmem_shared>> -> memref<10112x16xf32, #tpu.memory_space<vmem_shared>>
        tpu.wait_indirect_dma semaphore(%arg32 : memref<!tpu.dma_semaphore, #tpu.memory_space<semaphore_mem>>) src(%arg10 : memref<128x16xf32, #tpu.memory_space<vmem>>) dst(%dma_wait3A_668 : memref<10112x16xf32, #tpu.memory_space<vmem_shared>>)
      } else {
      }
      %dma_start3A_373 = arith.constant 1 : i32
      %dma_start3A_374 = arith.constant 0 : i32
      %dma_start3A_375 = tpu.memref_slice %arg8[%add3A_353, %dma_start3A_373, %dma_start3A_374] : memref<78x2x128xi32, #tpu.memory_space<vmem>> -> memref<1x1x128xi32, #tpu.memory_space<vmem>>
      %dma_start3A_376 = tpu.memref_squeeze %dma_start3A_375 : memref<1x1x128xi32, #tpu.memory_space<vmem>> -> memref<128xi32, #tpu.memory_space<vmem>>
      %dma_start3A_377 = arith.constant 0 : i32
      %dma_start3A_378 = arith.constant 0 : i32
      %dma_start3A_379 = tpu.memref_slice %arg19[%dma_start3A_377, %dma_start3A_378] : memref<10112x16xf32, #tpu.memory_space<vmem_shared>> -> memref<10112x16xf32, #tpu.memory_space<vmem_shared>>
      tpu.enqueue_indirect_dma source(%arg10 : memref<128x16xf32, #tpu.memory_space<vmem>>) target(%dma_start3A_379 : memref<10112x16xf32, #tpu.memory_space<vmem_shared>>) offsets(%dma_start3A_376 : memref<128xi32, #tpu.memory_space<vmem>>) semaphore(%arg32 : memref<!tpu.dma_semaphore, #tpu.memory_space<semaphore_mem>>) {add = true}
      %mul3A_380 = arith.constant 6 : i32
      %mul3A_381 = arith.muli %scan3A_349, %mul3A_380 : i32
      %add3A_382 = arith.constant 1 : i32
      %add3A_383 = arith.addi %mul3A_381, %add3A_382 : i32
      %dma_wait3A_384 = arith.constant 0 : i32
      %dma_wait3A_385 = arith.constant 0 : i32
      %dma_wait3A_386 = arith.constant 0 : i32
      %dma_wait3A_387 = tpu.memref_slice %arg8[%dma_wait3A_384, %dma_wait3A_385, %dma_wait3A_386] : memref<78x2x128xi32, #tpu.memory_space<vmem>> -> memref<1x1x128xi32, #tpu.memory_space<vmem>>
      %dma_wait3A_388 = tpu.memref_squeeze %dma_wait3A_387 : memref<1x1x128xi32, #tpu.memory_space<vmem>> -> memref<128xi32, #tpu.memory_space<vmem>>
      %dma_wait3A_389 = arith.constant 0 : i32
      %dma_wait3A_390 = arith.constant 0 : i32
      %dma_wait3A_391 = tpu.memref_slice %arg17[%dma_wait3A_389, %dma_wait3A_390] : memref<10112x16xf32, #tpu.memory_space<vmem_shared>> -> memref<10112x16xf32, #tpu.memory_space<vmem_shared>>
      tpu.wait_indirect_dma semaphore(%arg21 : memref<!tpu.dma_semaphore, #tpu.memory_space<semaphore_mem>>) src(%dma_wait3A_391 : memref<10112x16xf32, #tpu.memory_space<vmem_shared>>) dst(%arg12 : memref<128x16xf32, #tpu.memory_space<vmem>>)
      %dma_start3A_392 = arith.constant 1 : i32
      %dma_start3A_393 = arith.constant 0 : i32
      %dma_start3A_394 = tpu.memref_slice %arg8[%add3A_383, %dma_start3A_392, %dma_start3A_393] : memref<78x2x128xi32, #tpu.memory_space<vmem>> -> memref<1x1x128xi32, #tpu.memory_space<vmem>>
      %dma_start3A_395 = tpu.memref_squeeze %dma_start3A_394 : memref<1x1x128xi32, #tpu.memory_space<vmem>> -> memref<128xi32, #tpu.memory_space<vmem>>
      %dma_start3A_396 = arith.constant 0 : i32
      %dma_start3A_397 = arith.constant 0 : i32
      %dma_start3A_398 = tpu.memref_slice %arg18[%dma_start3A_396, %dma_start3A_397] : memref<10112x16xf32, #tpu.memory_space<vmem_shared>> -> memref<10112x16xf32, #tpu.memory_space<vmem_shared>>
      tpu.enqueue_indirect_dma source(%arg12 : memref<128x16xf32, #tpu.memory_space<vmem>>) target(%dma_start3A_398 : memref<10112x16xf32, #tpu.memory_space<vmem_shared>>) offsets(%dma_start3A_395 : memref<128xi32, #tpu.memory_space<vmem>>) semaphore(%arg27 : memref<!tpu.dma_semaphore, #tpu.memory_space<semaphore_mem>>) {add = true}
      %gt3A_399 = arith.constant 0 : i32
      %gt3A_400 = arith.cmpi sgt, %scan3A_349, %gt3A_399 : i32
      %convert_element_type3A_401 = arith.extui %gt3A_400 : i1 to i32
      %cond3A_402 = arith.constant 0 : i32
      %cond3A_403 = arith.cmpi ne, %convert_element_type3A_401, %cond3A_402 : i32
      scf.if %cond3A_403 {
        %dma_wait3A_661 = arith.constant 0 : i32
        %dma_wait3A_662 = arith.constant 1 : i32
        %dma_wait3A_663 = arith.constant 0 : i32
        %dma_wait3A_664 = tpu.memref_slice %arg8[%dma_wait3A_661, %dma_wait3A_662, %dma_wait3A_663] : memref<78x2x128xi32, #tpu.memory_space<vmem>> -> memref<1x1x128xi32, #tpu.memory_space<vmem>>
        %dma_wait3A_665 = tpu.memref_squeeze %dma_wait3A_664 : memref<1x1x128xi32, #tpu.memory_space<vmem>> -> memref<128xi32, #tpu.memory_space<vmem>>
        %dma_wait3A_666 = arith.constant 0 : i32
        %dma_wait3A_667 = arith.constant 0 : i32
        %dma_wait3A_668 = tpu.memref_slice %arg19[%dma_wait3A_666, %dma_wait3A_667] : memref<10112x16xf32, #tpu.memory_space<vmem_shared>> -> memref<10112x16xf32, #tpu.memory_space<vmem_shared>>
        tpu.wait_indirect_dma semaphore(%arg33 : memref<!tpu.dma_semaphore, #tpu.memory_space<semaphore_mem>>) src(%arg10 : memref<128x16xf32, #tpu.memory_space<vmem>>) dst(%dma_wait3A_668 : memref<10112x16xf32, #tpu.memory_space<vmem_shared>>)
      } else {
      }
      %dma_start3A_404 = arith.constant 1 : i32
      %dma_start3A_405 = arith.constant 0 : i32
      %dma_start3A_406 = tpu.memref_slice %arg8[%add3A_383, %dma_start3A_404, %dma_start3A_405] : memref<78x2x128xi32, #tpu.memory_space<vmem>> -> memref<1x1x128xi32, #tpu.memory_space<vmem>>
      %dma_start3A_407 = tpu.memref_squeeze %dma_start3A_406 : memref<1x1x128xi32, #tpu.memory_space<vmem>> -> memref<128xi32, #tpu.memory_space<vmem>>
      %dma_start3A_408 = arith.constant 0 : i32
      %dma_start3A_409 = arith.constant 0 : i32
      %dma_start3A_410 = tpu.memref_slice %arg19[%dma_start3A_408, %dma_start3A_409] : memref<10112x16xf32, #tpu.memory_space<vmem_shared>> -> memref<10112x16xf32, #tpu.memory_space<vmem_shared>>
      tpu.enqueue_indirect_dma source(%arg10 : memref<128x16xf32, #tpu.memory_space<vmem>>) target(%dma_start3A_410 : memref<10112x16xf32, #tpu.memory_space<vmem_shared>>) offsets(%dma_start3A_407 : memref<128xi32, #tpu.memory_space<vmem>>) semaphore(%arg33 : memref<!tpu.dma_semaphore, #tpu.memory_space<semaphore_mem>>) {add = true}
      %mul3A_411 = arith.constant 6 : i32
      %mul3A_412 = arith.muli %scan3A_349, %mul3A_411 : i32
      %add3A_413 = arith.constant 2 : i32
      %add3A_414 = arith.addi %mul3A_412, %add3A_413 : i32
      %dma_wait3A_415 = arith.constant 0 : i32
      %dma_wait3A_416 = arith.constant 0 : i32
      %dma_wait3A_417 = arith.constant 0 : i32
      %dma_wait3A_418 = tpu.memref_slice %arg8[%dma_wait3A_415, %dma_wait3A_416, %dma_wait3A_417] : memref<78x2x128xi32, #tpu.memory_space<vmem>> -> memref<1x1x128xi32, #tpu.memory_space<vmem>>
      %dma_wait3A_419 = tpu.memref_squeeze %dma_wait3A_418 : memref<1x1x128xi32, #tpu.memory_space<vmem>> -> memref<128xi32, #tpu.memory_space<vmem>>
      %dma_wait3A_420 = arith.constant 0 : i32
      %dma_wait3A_421 = arith.constant 0 : i32
      %dma_wait3A_422 = tpu.memref_slice %arg17[%dma_wait3A_420, %dma_wait3A_421] : memref<10112x16xf32, #tpu.memory_space<vmem_shared>> -> memref<10112x16xf32, #tpu.memory_space<vmem_shared>>
      tpu.wait_indirect_dma semaphore(%arg22 : memref<!tpu.dma_semaphore, #tpu.memory_space<semaphore_mem>>) src(%dma_wait3A_422 : memref<10112x16xf32, #tpu.memory_space<vmem_shared>>) dst(%arg13 : memref<128x16xf32, #tpu.memory_space<vmem>>)
      %dma_start3A_423 = arith.constant 1 : i32
      %dma_start3A_424 = arith.constant 0 : i32
      %dma_start3A_425 = tpu.memref_slice %arg8[%add3A_414, %dma_start3A_423, %dma_start3A_424] : memref<78x2x128xi32, #tpu.memory_space<vmem>> -> memref<1x1x128xi32, #tpu.memory_space<vmem>>
      %dma_start3A_426 = tpu.memref_squeeze %dma_start3A_425 : memref<1x1x128xi32, #tpu.memory_space<vmem>> -> memref<128xi32, #tpu.memory_space<vmem>>
      %dma_start3A_427 = arith.constant 0 : i32
      %dma_start3A_428 = arith.constant 0 : i32
      %dma_start3A_429 = tpu.memref_slice %arg18[%dma_start3A_427, %dma_start3A_428] : memref<10112x16xf32, #tpu.memory_space<vmem_shared>> -> memref<10112x16xf32, #tpu.memory_space<vmem_shared>>
      tpu.enqueue_indirect_dma source(%arg13 : memref<128x16xf32, #tpu.memory_space<vmem>>) target(%dma_start3A_429 : memref<10112x16xf32, #tpu.memory_space<vmem_shared>>) offsets(%dma_start3A_426 : memref<128xi32, #tpu.memory_space<vmem>>) semaphore(%arg28 : memref<!tpu.dma_semaphore, #tpu.memory_space<semaphore_mem>>) {add = true}
      %gt3A_430 = arith.constant 0 : i32
      %gt3A_431 = arith.cmpi sgt, %scan3A_349, %gt3A_430 : i32
      %convert_element_type3A_432 = arith.extui %gt3A_431 : i1 to i32
      %cond3A_433 = arith.constant 0 : i32
      %cond3A_434 = arith.cmpi ne, %convert_element_type3A_432, %cond3A_433 : i32
      scf.if %cond3A_434 {
        %dma_wait3A_661 = arith.constant 0 : i32
        %dma_wait3A_662 = arith.constant 1 : i32
        %dma_wait3A_663 = arith.constant 0 : i32
        %dma_wait3A_664 = tpu.memref_slice %arg8[%dma_wait3A_661, %dma_wait3A_662, %dma_wait3A_663] : memref<78x2x128xi32, #tpu.memory_space<vmem>> -> memref<1x1x128xi32, #tpu.memory_space<vmem>>
        %dma_wait3A_665 = tpu.memref_squeeze %dma_wait3A_664 : memref<1x1x128xi32, #tpu.memory_space<vmem>> -> memref<128xi32, #tpu.memory_space<vmem>>
        %dma_wait3A_666 = arith.constant 0 : i32
        %dma_wait3A_667 = arith.constant 0 : i32
        %dma_wait3A_668 = tpu.memref_slice %arg19[%dma_wait3A_666, %dma_wait3A_667] : memref<10112x16xf32, #tpu.memory_space<vmem_shared>> -> memref<10112x16xf32, #tpu.memory_space<vmem_shared>>
        tpu.wait_indirect_dma semaphore(%arg34 : memref<!tpu.dma_semaphore, #tpu.memory_space<semaphore_mem>>) src(%arg10 : memref<128x16xf32, #tpu.memory_space<vmem>>) dst(%dma_wait3A_668 : memref<10112x16xf32, #tpu.memory_space<vmem_shared>>)
      } else {
      }
      %dma_start3A_435 = arith.constant 1 : i32
      %dma_start3A_436 = arith.constant 0 : i32
      %dma_start3A_437 = tpu.memref_slice %arg8[%add3A_414, %dma_start3A_435, %dma_start3A_436] : memref<78x2x128xi32, #tpu.memory_space<vmem>> -> memref<1x1x128xi32, #tpu.memory_space<vmem>>
      %dma_start3A_438 = tpu.memref_squeeze %dma_start3A_437 : memref<1x1x128xi32, #tpu.memory_space<vmem>> -> memref<128xi32, #tpu.memory_space<vmem>>
      %dma_start3A_439 = arith.constant 0 : i32
      %dma_start3A_440 = arith.constant 0 : i32
      %dma_start3A_441 = tpu.memref_slice %arg19[%dma_start3A_439, %dma_start3A_440] : memref<10112x16xf32, #tpu.memory_space<vmem_shared>> -> memref<10112x16xf32, #tpu.memory_space<vmem_shared>>
      tpu.enqueue_indirect_dma source(%arg10 : memref<128x16xf32, #tpu.memory_space<vmem>>) target(%dma_start3A_441 : memref<10112x16xf32, #tpu.memory_space<vmem_shared>>) offsets(%dma_start3A_438 : memref<128xi32, #tpu.memory_space<vmem>>) semaphore(%arg34 : memref<!tpu.dma_semaphore, #tpu.memory_space<semaphore_mem>>) {add = true}
      %mul3A_442 = arith.constant 6 : i32
      %mul3A_443 = arith.muli %scan3A_349, %mul3A_442 : i32
      %add3A_444 = arith.constant 3 : i32
      %add3A_445 = arith.addi %mul3A_443, %add3A_444 : i32
      %dma_wait3A_446 = arith.constant 0 : i32
      %dma_wait3A_447 = arith.constant 0 : i32
      %dma_wait3A_448 = arith.constant 0 : i32
      %dma_wait3A_449 = tpu.memref_slice %arg8[%dma_wait3A_446, %dma_wait3A_447, %dma_wait3A_448] : memref<78x2x128xi32, #tpu.memory_space<vmem>> -> memref<1x1x128xi32, #tpu.memory_space<vmem>>
      %dma_wait3A_450 = tpu.memref_squeeze %dma_wait3A_449 : memref<1x1x128xi32, #tpu.memory_space<vmem>> -> memref<128xi32, #tpu.memory_space<vmem>>
      %dma_wait3A_451 = arith.constant 0 : i32
      %dma_wait3A_452 = arith.constant 0 : i32
      %dma_wait3A_453 = tpu.memref_slice %arg17[%dma_wait3A_451, %dma_wait3A_452] : memref<10112x16xf32, #tpu.memory_space<vmem_shared>> -> memref<10112x16xf32, #tpu.memory_space<vmem_shared>>
      tpu.wait_indirect_dma semaphore(%arg23 : memref<!tpu.dma_semaphore, #tpu.memory_space<semaphore_mem>>) src(%dma_wait3A_453 : memref<10112x16xf32, #tpu.memory_space<vmem_shared>>) dst(%arg14 : memref<128x16xf32, #tpu.memory_space<vmem>>)
      %dma_start3A_454 = arith.constant 1 : i32
      %dma_start3A_455 = arith.constant 0 : i32
      %dma_start3A_456 = tpu.memref_slice %arg8[%add3A_445, %dma_start3A_454, %dma_start3A_455] : memref<78x2x128xi32, #tpu.memory_space<vmem>> -> memref<1x1x128xi32, #tpu.memory_space<vmem>>
      %dma_start3A_457 = tpu.memref_squeeze %dma_start3A_456 : memref<1x1x128xi32, #tpu.memory_space<vmem>> -> memref<128xi32, #tpu.memory_space<vmem>>
      %dma_start3A_458 = arith.constant 0 : i32
      %dma_start3A_459 = arith.constant 0 : i32
      %dma_start3A_460 = tpu.memref_slice %arg18[%dma_start3A_458, %dma_start3A_459] : memref<10112x16xf32, #tpu.memory_space<vmem_shared>> -> memref<10112x16xf32, #tpu.memory_space<vmem_shared>>
      tpu.enqueue_indirect_dma source(%arg14 : memref<128x16xf32, #tpu.memory_space<vmem>>) target(%dma_start3A_460 : memref<10112x16xf32, #tpu.memory_space<vmem_shared>>) offsets(%dma_start3A_457 : memref<128xi32, #tpu.memory_space<vmem>>) semaphore(%arg29 : memref<!tpu.dma_semaphore, #tpu.memory_space<semaphore_mem>>) {add = true}
      %gt3A_461 = arith.constant 0 : i32
      %gt3A_462 = arith.cmpi sgt, %scan3A_349, %gt3A_461 : i32
      %convert_element_type3A_463 = arith.extui %gt3A_462 : i1 to i32
      %cond3A_464 = arith.constant 0 : i32
      %cond3A_465 = arith.cmpi ne, %convert_element_type3A_463, %cond3A_464 : i32
      scf.if %cond3A_465 {
        %dma_wait3A_661 = arith.constant 0 : i32
        %dma_wait3A_662 = arith.constant 1 : i32
        %dma_wait3A_663 = arith.constant 0 : i32
        %dma_wait3A_664 = tpu.memref_slice %arg8[%dma_wait3A_661, %dma_wait3A_662, %dma_wait3A_663] : memref<78x2x128xi32, #tpu.memory_space<vmem>> -> memref<1x1x128xi32, #tpu.memory_space<vmem>>
        %dma_wait3A_665 = tpu.memref_squeeze %dma_wait3A_664 : memref<1x1x128xi32, #tpu.memory_space<vmem>> -> memref<128xi32, #tpu.memory_space<vmem>>
        %dma_wait3A_666 = arith.constant 0 : i32
        %dma_wait3A_667 = arith.constant 0 : i32
        %dma_wait3A_668 = tpu.memref_slice %arg19[%dma_wait3A_666, %dma_wait3A_667] : memref<10112x16xf32, #tpu.memory_space<vmem_shared>> -> memref<10112x16xf32, #tpu.memory_space<vmem_shared>>
        tpu.wait_indirect_dma semaphore(%arg35 : memref<!tpu.dma_semaphore, #tpu.memory_space<semaphore_mem>>) src(%arg10 : memref<128x16xf32, #tpu.memory_space<vmem>>) dst(%dma_wait3A_668 : memref<10112x16xf32, #tpu.memory_space<vmem_shared>>)
      } else {
      }
      %dma_start3A_466 = arith.constant 1 : i32
      %dma_start3A_467 = arith.constant 0 : i32
      %dma_start3A_468 = tpu.memref_slice %arg8[%add3A_445, %dma_start3A_466, %dma_start3A_467] : memref<78x2x128xi32, #tpu.memory_space<vmem>> -> memref<1x1x128xi32, #tpu.memory_space<vmem>>
      %dma_start3A_469 = tpu.memref_squeeze %dma_start3A_468 : memref<1x1x128xi32, #tpu.memory_space<vmem>> -> memref<128xi32, #tpu.memory_space<vmem>>
      %dma_start3A_470 = arith.constant 0 : i32
      %dma_start3A_471 = arith.constant 0 : i32
      %dma_start3A_472 = tpu.memref_slice %arg19[%dma_start3A_470, %dma_start3A_471] : memref<10112x16xf32, #tpu.memory_space<vmem_shared>> -> memref<10112x16xf32, #tpu.memory_space<vmem_shared>>
      tpu.enqueue_indirect_dma source(%arg10 : memref<128x16xf32, #tpu.memory_space<vmem>>) target(%dma_start3A_472 : memref<10112x16xf32, #tpu.memory_space<vmem_shared>>) offsets(%dma_start3A_469 : memref<128xi32, #tpu.memory_space<vmem>>) semaphore(%arg35 : memref<!tpu.dma_semaphore, #tpu.memory_space<semaphore_mem>>) {add = true}
      %mul3A_473 = arith.constant 6 : i32
      %mul3A_474 = arith.muli %scan3A_349, %mul3A_473 : i32
      %add3A_475 = arith.constant 4 : i32
      %add3A_476 = arith.addi %mul3A_474, %add3A_475 : i32
      %dma_wait3A_477 = arith.constant 0 : i32
      %dma_wait3A_478 = arith.constant 0 : i32
      %dma_wait3A_479 = arith.constant 0 : i32
      %dma_wait3A_480 = tpu.memref_slice %arg8[%dma_wait3A_477, %dma_wait3A_478, %dma_wait3A_479] : memref<78x2x128xi32, #tpu.memory_space<vmem>> -> memref<1x1x128xi32, #tpu.memory_space<vmem>>
      %dma_wait3A_481 = tpu.memref_squeeze %dma_wait3A_480 : memref<1x1x128xi32, #tpu.memory_space<vmem>> -> memref<128xi32, #tpu.memory_space<vmem>>
      %dma_wait3A_482 = arith.constant 0 : i32
      %dma_wait3A_483 = arith.constant 0 : i32
      %dma_wait3A_484 = tpu.memref_slice %arg17[%dma_wait3A_482, %dma_wait3A_483] : memref<10112x16xf32, #tpu.memory_space<vmem_shared>> -> memref<10112x16xf32, #tpu.memory_space<vmem_shared>>
      tpu.wait_indirect_dma semaphore(%arg24 : memref<!tpu.dma_semaphore, #tpu.memory_space<semaphore_mem>>) src(%dma_wait3A_484 : memref<10112x16xf32, #tpu.memory_space<vmem_shared>>) dst(%arg15 : memref<128x16xf32, #tpu.memory_space<vmem>>)
      %dma_start3A_485 = arith.constant 1 : i32
      %dma_start3A_486 = arith.constant 0 : i32
      %dma_start3A_487 = tpu.memref_slice %arg8[%add3A_476, %dma_start3A_485, %dma_start3A_486] : memref<78x2x128xi32, #tpu.memory_space<vmem>> -> memref<1x1x128xi32, #tpu.memory_space<vmem>>
      %dma_start3A_488 = tpu.memref_squeeze %dma_start3A_487 : memref<1x1x128xi32, #tpu.memory_space<vmem>> -> memref<128xi32, #tpu.memory_space<vmem>>
      %dma_start3A_489 = arith.constant 0 : i32
      %dma_start3A_490 = arith.constant 0 : i32
      %dma_start3A_491 = tpu.memref_slice %arg18[%dma_start3A_489, %dma_start3A_490] : memref<10112x16xf32, #tpu.memory_space<vmem_shared>> -> memref<10112x16xf32, #tpu.memory_space<vmem_shared>>
      tpu.enqueue_indirect_dma source(%arg15 : memref<128x16xf32, #tpu.memory_space<vmem>>) target(%dma_start3A_491 : memref<10112x16xf32, #tpu.memory_space<vmem_shared>>) offsets(%dma_start3A_488 : memref<128xi32, #tpu.memory_space<vmem>>) semaphore(%arg30 : memref<!tpu.dma_semaphore, #tpu.memory_space<semaphore_mem>>) {add = true}
      %gt3A_492 = arith.constant 0 : i32
      %gt3A_493 = arith.cmpi sgt, %scan3A_349, %gt3A_492 : i32
      %convert_element_type3A_494 = arith.extui %gt3A_493 : i1 to i32
      %cond3A_495 = arith.constant 0 : i32
      %cond3A_496 = arith.cmpi ne, %convert_element_type3A_494, %cond3A_495 : i32
      scf.if %cond3A_496 {
        %dma_wait3A_661 = arith.constant 0 : i32
        %dma_wait3A_662 = arith.constant 1 : i32
        %dma_wait3A_663 = arith.constant 0 : i32
        %dma_wait3A_664 = tpu.memref_slice %arg8[%dma_wait3A_661, %dma_wait3A_662, %dma_wait3A_663] : memref<78x2x128xi32, #tpu.memory_space<vmem>> -> memref<1x1x128xi32, #tpu.memory_space<vmem>>
        %dma_wait3A_665 = tpu.memref_squeeze %dma_wait3A_664 : memref<1x1x128xi32, #tpu.memory_space<vmem>> -> memref<128xi32, #tpu.memory_space<vmem>>
        %dma_wait3A_666 = arith.constant 0 : i32
        %dma_wait3A_667 = arith.constant 0 : i32
        %dma_wait3A_668 = tpu.memref_slice %arg19[%dma_wait3A_666, %dma_wait3A_667] : memref<10112x16xf32, #tpu.memory_space<vmem_shared>> -> memref<10112x16xf32, #tpu.memory_space<vmem_shared>>
        tpu.wait_indirect_dma semaphore(%arg36 : memref<!tpu.dma_semaphore, #tpu.memory_space<semaphore_mem>>) src(%arg10 : memref<128x16xf32, #tpu.memory_space<vmem>>) dst(%dma_wait3A_668 : memref<10112x16xf32, #tpu.memory_space<vmem_shared>>)
      } else {
      }
      %dma_start3A_497 = arith.constant 1 : i32
      %dma_start3A_498 = arith.constant 0 : i32
      %dma_start3A_499 = tpu.memref_slice %arg8[%add3A_476, %dma_start3A_497, %dma_start3A_498] : memref<78x2x128xi32, #tpu.memory_space<vmem>> -> memref<1x1x128xi32, #tpu.memory_space<vmem>>
      %dma_start3A_500 = tpu.memref_squeeze %dma_start3A_499 : memref<1x1x128xi32, #tpu.memory_space<vmem>> -> memref<128xi32, #tpu.memory_space<vmem>>
      %dma_start3A_501 = arith.constant 0 : i32
      %dma_start3A_502 = arith.constant 0 : i32
      %dma_start3A_503 = tpu.memref_slice %arg19[%dma_start3A_501, %dma_start3A_502] : memref<10112x16xf32, #tpu.memory_space<vmem_shared>> -> memref<10112x16xf32, #tpu.memory_space<vmem_shared>>
      tpu.enqueue_indirect_dma source(%arg10 : memref<128x16xf32, #tpu.memory_space<vmem>>) target(%dma_start3A_503 : memref<10112x16xf32, #tpu.memory_space<vmem_shared>>) offsets(%dma_start3A_500 : memref<128xi32, #tpu.memory_space<vmem>>) semaphore(%arg36 : memref<!tpu.dma_semaphore, #tpu.memory_space<semaphore_mem>>) {add = true}
      %mul3A_504 = arith.constant 6 : i32
      %mul3A_505 = arith.muli %scan3A_349, %mul3A_504 : i32
      %add3A_506 = arith.constant 5 : i32
      %add3A_507 = arith.addi %mul3A_505, %add3A_506 : i32
      %dma_wait3A_508 = arith.constant 0 : i32
      %dma_wait3A_509 = arith.constant 0 : i32
      %dma_wait3A_510 = arith.constant 0 : i32
      %dma_wait3A_511 = tpu.memref_slice %arg8[%dma_wait3A_508, %dma_wait3A_509, %dma_wait3A_510] : memref<78x2x128xi32, #tpu.memory_space<vmem>> -> memref<1x1x128xi32, #tpu.memory_space<vmem>>
      %dma_wait3A_512 = tpu.memref_squeeze %dma_wait3A_511 : memref<1x1x128xi32, #tpu.memory_space<vmem>> -> memref<128xi32, #tpu.memory_space<vmem>>
      %dma_wait3A_513 = arith.constant 0 : i32
      %dma_wait3A_514 = arith.constant 0 : i32
      %dma_wait3A_515 = tpu.memref_slice %arg17[%dma_wait3A_513, %dma_wait3A_514] : memref<10112x16xf32, #tpu.memory_space<vmem_shared>> -> memref<10112x16xf32, #tpu.memory_space<vmem_shared>>
      tpu.wait_indirect_dma semaphore(%arg25 : memref<!tpu.dma_semaphore, #tpu.memory_space<semaphore_mem>>) src(%dma_wait3A_515 : memref<10112x16xf32, #tpu.memory_space<vmem_shared>>) dst(%arg16 : memref<128x16xf32, #tpu.memory_space<vmem>>)
      %dma_start3A_516 = arith.constant 1 : i32
      %dma_start3A_517 = arith.constant 0 : i32
      %dma_start3A_518 = tpu.memref_slice %arg8[%add3A_507, %dma_start3A_516, %dma_start3A_517] : memref<78x2x128xi32, #tpu.memory_space<vmem>> -> memref<1x1x128xi32, #tpu.memory_space<vmem>>
      %dma_start3A_519 = tpu.memref_squeeze %dma_start3A_518 : memref<1x1x128xi32, #tpu.memory_space<vmem>> -> memref<128xi32, #tpu.memory_space<vmem>>
      %dma_start3A_520 = arith.constant 0 : i32
      %dma_start3A_521 = arith.constant 0 : i32
      %dma_start3A_522 = tpu.memref_slice %arg18[%dma_start3A_520, %dma_start3A_521] : memref<10112x16xf32, #tpu.memory_space<vmem_shared>> -> memref<10112x16xf32, #tpu.memory_space<vmem_shared>>
      tpu.enqueue_indirect_dma source(%arg16 : memref<128x16xf32, #tpu.memory_space<vmem>>) target(%dma_start3A_522 : memref<10112x16xf32, #tpu.memory_space<vmem_shared>>) offsets(%dma_start3A_519 : memref<128xi32, #tpu.memory_space<vmem>>) semaphore(%arg31 : memref<!tpu.dma_semaphore, #tpu.memory_space<semaphore_mem>>) {add = true}
      %gt3A_523 = arith.constant 0 : i32
      %gt3A_524 = arith.cmpi sgt, %scan3A_349, %gt3A_523 : i32
      %convert_element_type3A_525 = arith.extui %gt3A_524 : i1 to i32
      %cond3A_526 = arith.constant 0 : i32
      %cond3A_527 = arith.cmpi ne, %convert_element_type3A_525, %cond3A_526 : i32
      scf.if %cond3A_527 {
        %dma_wait3A_661 = arith.constant 0 : i32
        %dma_wait3A_662 = arith.constant 1 : i32
        %dma_wait3A_663 = arith.constant 0 : i32
        %dma_wait3A_664 = tpu.memref_slice %arg8[%dma_wait3A_661, %dma_wait3A_662, %dma_wait3A_663] : memref<78x2x128xi32, #tpu.memory_space<vmem>> -> memref<1x1x128xi32, #tpu.memory_space<vmem>>
        %dma_wait3A_665 = tpu.memref_squeeze %dma_wait3A_664 : memref<1x1x128xi32, #tpu.memory_space<vmem>> -> memref<128xi32, #tpu.memory_space<vmem>>
        %dma_wait3A_666 = arith.constant 0 : i32
        %dma_wait3A_667 = arith.constant 0 : i32
        %dma_wait3A_668 = tpu.memref_slice %arg19[%dma_wait3A_666, %dma_wait3A_667] : memref<10112x16xf32, #tpu.memory_space<vmem_shared>> -> memref<10112x16xf32, #tpu.memory_space<vmem_shared>>
        tpu.wait_indirect_dma semaphore(%arg37 : memref<!tpu.dma_semaphore, #tpu.memory_space<semaphore_mem>>) src(%arg10 : memref<128x16xf32, #tpu.memory_space<vmem>>) dst(%dma_wait3A_668 : memref<10112x16xf32, #tpu.memory_space<vmem_shared>>)
      } else {
      }
      %dma_start3A_528 = arith.constant 1 : i32
      %dma_start3A_529 = arith.constant 0 : i32
      %dma_start3A_530 = tpu.memref_slice %arg8[%add3A_507, %dma_start3A_528, %dma_start3A_529] : memref<78x2x128xi32, #tpu.memory_space<vmem>> -> memref<1x1x128xi32, #tpu.memory_space<vmem>>
      %dma_start3A_531 = tpu.memref_squeeze %dma_start3A_530 : memref<1x1x128xi32, #tpu.memory_space<vmem>> -> memref<128xi32, #tpu.memory_space<vmem>>
      %dma_start3A_532 = arith.constant 0 : i32
      %dma_start3A_533 = arith.constant 0 : i32
      %dma_start3A_534 = tpu.memref_slice %arg19[%dma_start3A_532, %dma_start3A_533] : memref<10112x16xf32, #tpu.memory_space<vmem_shared>> -> memref<10112x16xf32, #tpu.memory_space<vmem_shared>>
      tpu.enqueue_indirect_dma source(%arg10 : memref<128x16xf32, #tpu.memory_space<vmem>>) target(%dma_start3A_534 : memref<10112x16xf32, #tpu.memory_space<vmem_shared>>) offsets(%dma_start3A_531 : memref<128xi32, #tpu.memory_space<vmem>>) semaphore(%arg37 : memref<!tpu.dma_semaphore, #tpu.memory_space<semaphore_mem>>) {add = true}
      %dma_wait3A_535 = arith.constant 0 : i32
      %dma_wait3A_536 = arith.constant 1 : i32
      %dma_wait3A_537 = arith.constant 0 : i32
      %dma_wait3A_538 = tpu.memref_slice %arg8[%dma_wait3A_535, %dma_wait3A_536, %dma_wait3A_537] : memref<78x2x128xi32, #tpu.memory_space<vmem>> -> memref<1x1x128xi32, #tpu.memory_space<vmem>>
      %dma_wait3A_539 = tpu.memref_squeeze %dma_wait3A_538 : memref<1x1x128xi32, #tpu.memory_space<vmem>> -> memref<128xi32, #tpu.memory_space<vmem>>
      %dma_wait3A_540 = arith.constant 0 : i32
      %dma_wait3A_541 = arith.constant 0 : i32
      %dma_wait3A_542 = tpu.memref_slice %arg18[%dma_wait3A_540, %dma_wait3A_541] : memref<10112x16xf32, #tpu.memory_space<vmem_shared>> -> memref<10112x16xf32, #tpu.memory_space<vmem_shared>>
      tpu.wait_indirect_dma semaphore(%arg26 : memref<!tpu.dma_semaphore, #tpu.memory_space<semaphore_mem>>) src(%arg11 : memref<128x16xf32, #tpu.memory_space<vmem>>) dst(%dma_wait3A_542 : memref<10112x16xf32, #tpu.memory_space<vmem_shared>>)
      %add3A_543 = arith.constant 1 : i32
      %add3A_544 = arith.addi %scan3A_349, %add3A_543 : i32
      %mul3A_545 = arith.constant 6 : i32
      %mul3A_546 = arith.muli %add3A_544, %mul3A_545 : i32
      %add3A_547 = arith.constant 0 : i32
      %add3A_548 = arith.addi %mul3A_546, %add3A_547 : i32
      %dma_start3A_549 = arith.constant 0 : i32
      %dma_start3A_550 = arith.constant 0 : i32
      %dma_start3A_551 = tpu.memref_slice %arg8[%add3A_548, %dma_start3A_549, %dma_start3A_550] : memref<78x2x128xi32, #tpu.memory_space<vmem>> -> memref<1x1x128xi32, #tpu.memory_space<vmem>>
      %dma_start3A_552 = tpu.memref_squeeze %dma_start3A_551 : memref<1x1x128xi32, #tpu.memory_space<vmem>> -> memref<128xi32, #tpu.memory_space<vmem>>
      %dma_start3A_553 = arith.constant 0 : i32
      %dma_start3A_554 = arith.constant 0 : i32
      %dma_start3A_555 = tpu.memref_slice %arg17[%dma_start3A_553, %dma_start3A_554] : memref<10112x16xf32, #tpu.memory_space<vmem_shared>> -> memref<10112x16xf32, #tpu.memory_space<vmem_shared>>
      tpu.enqueue_indirect_dma source(%dma_start3A_555 : memref<10112x16xf32, #tpu.memory_space<vmem_shared>>) target(%arg11 : memref<128x16xf32, #tpu.memory_space<vmem>>) offsets(%dma_start3A_552 : memref<128xi32, #tpu.memory_space<vmem>>) semaphore(%arg20 : memref<!tpu.dma_semaphore, #tpu.memory_space<semaphore_mem>>)
      %dma_wait3A_556 = arith.constant 0 : i32
      %dma_wait3A_557 = arith.constant 1 : i32
      %dma_wait3A_558 = arith.constant 0 : i32
      %dma_wait3A_559 = tpu.memref_slice %arg8[%dma_wait3A_556, %dma_wait3A_557, %dma_wait3A_558] : memref<78x2x128xi32, #tpu.memory_space<vmem>> -> memref<1x1x128xi32, #tpu.memory_space<vmem>>
      %dma_wait3A_560 = tpu.memref_squeeze %dma_wait3A_559 : memref<1x1x128xi32, #tpu.memory_space<vmem>> -> memref<128xi32, #tpu.memory_space<vmem>>
      %dma_wait3A_561 = arith.constant 0 : i32
      %dma_wait3A_562 = arith.constant 0 : i32
      %dma_wait3A_563 = tpu.memref_slice %arg18[%dma_wait3A_561, %dma_wait3A_562] : memref<10112x16xf32, #tpu.memory_space<vmem_shared>> -> memref<10112x16xf32, #tpu.memory_space<vmem_shared>>
      tpu.wait_indirect_dma semaphore(%arg27 : memref<!tpu.dma_semaphore, #tpu.memory_space<semaphore_mem>>) src(%arg12 : memref<128x16xf32, #tpu.memory_space<vmem>>) dst(%dma_wait3A_563 : memref<10112x16xf32, #tpu.memory_space<vmem_shared>>)
      %add3A_564 = arith.constant 1 : i32
      %add3A_565 = arith.addi %scan3A_349, %add3A_564 : i32
      %mul3A_566 = arith.constant 6 : i32
      %mul3A_567 = arith.muli %add3A_565, %mul3A_566 : i32
      %add3A_568 = arith.constant 1 : i32
      %add3A_569 = arith.addi %mul3A_567, %add3A_568 : i32
      %dma_start3A_570 = arith.constant 0 : i32
      %dma_start3A_571 = arith.constant 0 : i32
      %dma_start3A_572 = tpu.memref_slice %arg8[%add3A_569, %dma_start3A_570, %dma_start3A_571] : memref<78x2x128xi32, #tpu.memory_space<vmem>> -> memref<1x1x128xi32, #tpu.memory_space<vmem>>
      %dma_start3A_573 = tpu.memref_squeeze %dma_start3A_572 : memref<1x1x128xi32, #tpu.memory_space<vmem>> -> memref<128xi32, #tpu.memory_space<vmem>>
      %dma_start3A_574 = arith.constant 0 : i32
      %dma_start3A_575 = arith.constant 0 : i32
      %dma_start3A_576 = tpu.memref_slice %arg17[%dma_start3A_574, %dma_start3A_575] : memref<10112x16xf32, #tpu.memory_space<vmem_shared>> -> memref<10112x16xf32, #tpu.memory_space<vmem_shared>>
      tpu.enqueue_indirect_dma source(%dma_start3A_576 : memref<10112x16xf32, #tpu.memory_space<vmem_shared>>) target(%arg12 : memref<128x16xf32, #tpu.memory_space<vmem>>) offsets(%dma_start3A_573 : memref<128xi32, #tpu.memory_space<vmem>>) semaphore(%arg21 : memref<!tpu.dma_semaphore, #tpu.memory_space<semaphore_mem>>)
      %dma_wait3A_577 = arith.constant 0 : i32
      %dma_wait3A_578 = arith.constant 1 : i32
      %dma_wait3A_579 = arith.constant 0 : i32
      %dma_wait3A_580 = tpu.memref_slice %arg8[%dma_wait3A_577, %dma_wait3A_578, %dma_wait3A_579] : memref<78x2x128xi32, #tpu.memory_space<vmem>> -> memref<1x1x128xi32, #tpu.memory_space<vmem>>
      %dma_wait3A_581 = tpu.memref_squeeze %dma_wait3A_580 : memref<1x1x128xi32, #tpu.memory_space<vmem>> -> memref<128xi32, #tpu.memory_space<vmem>>
      %dma_wait3A_582 = arith.constant 0 : i32
      %dma_wait3A_583 = arith.constant 0 : i32
      %dma_wait3A_584 = tpu.memref_slice %arg18[%dma_wait3A_582, %dma_wait3A_583] : memref<10112x16xf32, #tpu.memory_space<vmem_shared>> -> memref<10112x16xf32, #tpu.memory_space<vmem_shared>>
      tpu.wait_indirect_dma semaphore(%arg28 : memref<!tpu.dma_semaphore, #tpu.memory_space<semaphore_mem>>) src(%arg13 : memref<128x16xf32, #tpu.memory_space<vmem>>) dst(%dma_wait3A_584 : memref<10112x16xf32, #tpu.memory_space<vmem_shared>>)
      %add3A_585 = arith.constant 1 : i32
      %add3A_586 = arith.addi %scan3A_349, %add3A_585 : i32
      %mul3A_587 = arith.constant 6 : i32
      %mul3A_588 = arith.muli %add3A_586, %mul3A_587 : i32
      %add3A_589 = arith.constant 2 : i32
      %add3A_590 = arith.addi %mul3A_588, %add3A_589 : i32
      %dma_start3A_591 = arith.constant 0 : i32
      %dma_start3A_592 = arith.constant 0 : i32
      %dma_start3A_593 = tpu.memref_slice %arg8[%add3A_590, %dma_start3A_591, %dma_start3A_592] : memref<78x2x128xi32, #tpu.memory_space<vmem>> -> memref<1x1x128xi32, #tpu.memory_space<vmem>>
      %dma_start3A_594 = tpu.memref_squeeze %dma_start3A_593 : memref<1x1x128xi32, #tpu.memory_space<vmem>> -> memref<128xi32, #tpu.memory_space<vmem>>
      %dma_start3A_595 = arith.constant 0 : i32
      %dma_start3A_596 = arith.constant 0 : i32
      %dma_start3A_597 = tpu.memref_slice %arg17[%dma_start3A_595, %dma_start3A_596] : memref<10112x16xf32, #tpu.memory_space<vmem_shared>> -> memref<10112x16xf32, #tpu.memory_space<vmem_shared>>
      tpu.enqueue_indirect_dma source(%dma_start3A_597 : memref<10112x16xf32, #tpu.memory_space<vmem_shared>>) target(%arg13 : memref<128x16xf32, #tpu.memory_space<vmem>>) offsets(%dma_start3A_594 : memref<128xi32, #tpu.memory_space<vmem>>) semaphore(%arg22 : memref<!tpu.dma_semaphore, #tpu.memory_space<semaphore_mem>>)
      %dma_wait3A_598 = arith.constant 0 : i32
      %dma_wait3A_599 = arith.constant 1 : i32
      %dma_wait3A_600 = arith.constant 0 : i32
      %dma_wait3A_601 = tpu.memref_slice %arg8[%dma_wait3A_598, %dma_wait3A_599, %dma_wait3A_600] : memref<78x2x128xi32, #tpu.memory_space<vmem>> -> memref<1x1x128xi32, #tpu.memory_space<vmem>>
      %dma_wait3A_602 = tpu.memref_squeeze %dma_wait3A_601 : memref<1x1x128xi32, #tpu.memory_space<vmem>> -> memref<128xi32, #tpu.memory_space<vmem>>
      %dma_wait3A_603 = arith.constant 0 : i32
      %dma_wait3A_604 = arith.constant 0 : i32
      %dma_wait3A_605 = tpu.memref_slice %arg18[%dma_wait3A_603, %dma_wait3A_604] : memref<10112x16xf32, #tpu.memory_space<vmem_shared>> -> memref<10112x16xf32, #tpu.memory_space<vmem_shared>>
      tpu.wait_indirect_dma semaphore(%arg29 : memref<!tpu.dma_semaphore, #tpu.memory_space<semaphore_mem>>) src(%arg14 : memref<128x16xf32, #tpu.memory_space<vmem>>) dst(%dma_wait3A_605 : memref<10112x16xf32, #tpu.memory_space<vmem_shared>>)
      %add3A_606 = arith.constant 1 : i32
      %add3A_607 = arith.addi %scan3A_349, %add3A_606 : i32
      %mul3A_608 = arith.constant 6 : i32
      %mul3A_609 = arith.muli %add3A_607, %mul3A_608 : i32
      %add3A_610 = arith.constant 3 : i32
      %add3A_611 = arith.addi %mul3A_609, %add3A_610 : i32
      %dma_start3A_612 = arith.constant 0 : i32
      %dma_start3A_613 = arith.constant 0 : i32
      %dma_start3A_614 = tpu.memref_slice %arg8[%add3A_611, %dma_start3A_612, %dma_start3A_613] : memref<78x2x128xi32, #tpu.memory_space<vmem>> -> memref<1x1x128xi32, #tpu.memory_space<vmem>>
      %dma_start3A_615 = tpu.memref_squeeze %dma_start3A_614 : memref<1x1x128xi32, #tpu.memory_space<vmem>> -> memref<128xi32, #tpu.memory_space<vmem>>
      %dma_start3A_616 = arith.constant 0 : i32
      %dma_start3A_617 = arith.constant 0 : i32
      %dma_start3A_618 = tpu.memref_slice %arg17[%dma_start3A_616, %dma_start3A_617] : memref<10112x16xf32, #tpu.memory_space<vmem_shared>> -> memref<10112x16xf32, #tpu.memory_space<vmem_shared>>
      tpu.enqueue_indirect_dma source(%dma_start3A_618 : memref<10112x16xf32, #tpu.memory_space<vmem_shared>>) target(%arg14 : memref<128x16xf32, #tpu.memory_space<vmem>>) offsets(%dma_start3A_615 : memref<128xi32, #tpu.memory_space<vmem>>) semaphore(%arg23 : memref<!tpu.dma_semaphore, #tpu.memory_space<semaphore_mem>>)
      %dma_wait3A_619 = arith.constant 0 : i32
      %dma_wait3A_620 = arith.constant 1 : i32
      %dma_wait3A_621 = arith.constant 0 : i32
      %dma_wait3A_622 = tpu.memref_slice %arg8[%dma_wait3A_619, %dma_wait3A_620, %dma_wait3A_621] : memref<78x2x128xi32, #tpu.memory_space<vmem>> -> memref<1x1x128xi32, #tpu.memory_space<vmem>>
      %dma_wait3A_623 = tpu.memref_squeeze %dma_wait3A_622 : memref<1x1x128xi32, #tpu.memory_space<vmem>> -> memref<128xi32, #tpu.memory_space<vmem>>
      %dma_wait3A_624 = arith.constant 0 : i32
      %dma_wait3A_625 = arith.constant 0 : i32
      %dma_wait3A_626 = tpu.memref_slice %arg18[%dma_wait3A_624, %dma_wait3A_625] : memref<10112x16xf32, #tpu.memory_space<vmem_shared>> -> memref<10112x16xf32, #tpu.memory_space<vmem_shared>>
      tpu.wait_indirect_dma semaphore(%arg30 : memref<!tpu.dma_semaphore, #tpu.memory_space<semaphore_mem>>) src(%arg15 : memref<128x16xf32, #tpu.memory_space<vmem>>) dst(%dma_wait3A_626 : memref<10112x16xf32, #tpu.memory_space<vmem_shared>>)
      %add3A_627 = arith.constant 1 : i32
      %add3A_628 = arith.addi %scan3A_349, %add3A_627 : i32
      %mul3A_629 = arith.constant 6 : i32
      %mul3A_630 = arith.muli %add3A_628, %mul3A_629 : i32
      %add3A_631 = arith.constant 4 : i32
      %add3A_632 = arith.addi %mul3A_630, %add3A_631 : i32
      %dma_start3A_633 = arith.constant 0 : i32
      %dma_start3A_634 = arith.constant 0 : i32
      %dma_start3A_635 = tpu.memref_slice %arg8[%add3A_632, %dma_start3A_633, %dma_start3A_634] : memref<78x2x128xi32, #tpu.memory_space<vmem>> -> memref<1x1x128xi32, #tpu.memory_space<vmem>>
      %dma_start3A_636 = tpu.memref_squeeze %dma_start3A_635 : memref<1x1x128xi32, #tpu.memory_space<vmem>> -> memref<128xi32, #tpu.memory_space<vmem>>
      %dma_start3A_637 = arith.constant 0 : i32
      %dma_start3A_638 = arith.constant 0 : i32
      %dma_start3A_639 = tpu.memref_slice %arg17[%dma_start3A_637, %dma_start3A_638] : memref<10112x16xf32, #tpu.memory_space<vmem_shared>> -> memref<10112x16xf32, #tpu.memory_space<vmem_shared>>
      tpu.enqueue_indirect_dma source(%dma_start3A_639 : memref<10112x16xf32, #tpu.memory_space<vmem_shared>>) target(%arg15 : memref<128x16xf32, #tpu.memory_space<vmem>>) offsets(%dma_start3A_636 : memref<128xi32, #tpu.memory_space<vmem>>) semaphore(%arg24 : memref<!tpu.dma_semaphore, #tpu.memory_space<semaphore_mem>>)
      %dma_wait3A_640 = arith.constant 0 : i32
      %dma_wait3A_641 = arith.constant 1 : i32
      %dma_wait3A_642 = arith.constant 0 : i32
      %dma_wait3A_643 = tpu.memref_slice %arg8[%dma_wait3A_640, %dma_wait3A_641, %dma_wait3A_642] : memref<78x2x128xi32, #tpu.memory_space<vmem>> -> memref<1x1x128xi32, #tpu.memory_space<vmem>>
      %dma_wait3A_644 = tpu.memref_squeeze %dma_wait3A_643 : memref<1x1x128xi32, #tpu.memory_space<vmem>> -> memref<128xi32, #tpu.memory_space<vmem>>
      %dma_wait3A_645 = arith.constant 0 : i32
      %dma_wait3A_646 = arith.constant 0 : i32
      %dma_wait3A_647 = tpu.memref_slice %arg18[%dma_wait3A_645, %dma_wait3A_646] : memref<10112x16xf32, #tpu.memory_space<vmem_shared>> -> memref<10112x16xf32, #tpu.memory_space<vmem_shared>>
      tpu.wait_indirect_dma semaphore(%arg31 : memref<!tpu.dma_semaphore, #tpu.memory_space<semaphore_mem>>) src(%arg16 : memref<128x16xf32, #tpu.memory_space<vmem>>) dst(%dma_wait3A_647 : memref<10112x16xf32, #tpu.memory_space<vmem_shared>>)
      %add3A_648 = arith.constant 1 : i32
      %add3A_649 = arith.addi %scan3A_349, %add3A_648 : i32
      %mul3A_650 = arith.constant 6 : i32
      %mul3A_651 = arith.muli %add3A_649, %mul3A_650 : i32
      %add3A_652 = arith.constant 5 : i32
      %add3A_653 = arith.addi %mul3A_651, %add3A_652 : i32
      %dma_start3A_654 = arith.constant 0 : i32
      %dma_start3A_655 = arith.constant 0 : i32
      %dma_start3A_656 = tpu.memref_slice %arg8[%add3A_653, %dma_start3A_654, %dma_start3A_655] : memref<78x2x128xi32, #tpu.memory_space<vmem>> -> memref<1x1x128xi32, #tpu.memory_space<vmem>>
      %dma_start3A_657 = tpu.memref_squeeze %dma_start3A_656 : memref<1x1x128xi32, #tpu.memory_space<vmem>> -> memref<128xi32, #tpu.memory_space<vmem>>
      %dma_start3A_658 = arith.constant 0 : i32
      %dma_start3A_659 = arith.constant 0 : i32
      %dma_start3A_660 = tpu.memref_slice %arg17[%dma_start3A_658, %dma_start3A_659] : memref<10112x16xf32, #tpu.memory_space<vmem_shared>> -> memref<10112x16xf32, #tpu.memory_space<vmem_shared>>
      tpu.enqueue_indirect_dma source(%dma_start3A_660 : memref<10112x16xf32, #tpu.memory_space<vmem_shared>>) target(%arg16 : memref<128x16xf32, #tpu.memory_space<vmem>>) offsets(%dma_start3A_657 : memref<128xi32, #tpu.memory_space<vmem>>) semaphore(%arg25 : memref<!tpu.dma_semaphore, #tpu.memory_space<semaphore_mem>>)
    }
    %scan3A_60 = arith.constant 12 : i32
    %dma_wait3A = arith.constant 0 : i32
    %dma_wait3A_61 = arith.constant 0 : i32
    %dma_wait3A_62 = arith.constant 0 : i32
    %dma_wait3A_63 = tpu.memref_slice %arg8[%dma_wait3A, %dma_wait3A_61, %dma_wait3A_62] : memref<78x2x128xi32, #tpu.memory_space<vmem>> -> memref<1x1x128xi32, #tpu.memory_space<vmem>>
    %dma_wait3A_64 = tpu.memref_squeeze %dma_wait3A_63 : memref<1x1x128xi32, #tpu.memory_space<vmem>> -> memref<128xi32, #tpu.memory_space<vmem>>
    %dma_wait3A_65 = arith.constant 0 : i32
    %dma_wait3A_66 = arith.constant 0 : i32
    %dma_wait3A_67 = tpu.memref_slice %arg17[%dma_wait3A_65, %dma_wait3A_66] : memref<10112x16xf32, #tpu.memory_space<vmem_shared>> -> memref<10112x16xf32, #tpu.memory_space<vmem_shared>>
    tpu.wait_indirect_dma semaphore(%arg20 : memref<!tpu.dma_semaphore, #tpu.memory_space<semaphore_mem>>) src(%dma_wait3A_67 : memref<10112x16xf32, #tpu.memory_space<vmem_shared>>) dst(%arg11 : memref<128x16xf32, #tpu.memory_space<vmem>>)
    %dma_start3A_68 = arith.constant 72 : i32
    %dma_start3A_69 = arith.constant 1 : i32
    %dma_start3A_70 = arith.constant 0 : i32
    %dma_start3A_71 = tpu.memref_slice %arg8[%dma_start3A_68, %dma_start3A_69, %dma_start3A_70] : memref<78x2x128xi32, #tpu.memory_space<vmem>> -> memref<1x1x128xi32, #tpu.memory_space<vmem>>
    %dma_start3A_72 = tpu.memref_squeeze %dma_start3A_71 : memref<1x1x128xi32, #tpu.memory_space<vmem>> -> memref<128xi32, #tpu.memory_space<vmem>>
    %dma_start3A_73 = arith.constant 0 : i32
    %dma_start3A_74 = arith.constant 0 : i32
    %dma_start3A_75 = tpu.memref_slice %arg18[%dma_start3A_73, %dma_start3A_74] : memref<10112x16xf32, #tpu.memory_space<vmem_shared>> -> memref<10112x16xf32, #tpu.memory_space<vmem_shared>>
    tpu.enqueue_indirect_dma source(%arg11 : memref<128x16xf32, #tpu.memory_space<vmem>>) target(%dma_start3A_75 : memref<10112x16xf32, #tpu.memory_space<vmem_shared>>) offsets(%dma_start3A_72 : memref<128xi32, #tpu.memory_space<vmem>>) semaphore(%arg26 : memref<!tpu.dma_semaphore, #tpu.memory_space<semaphore_mem>>) {add = true}
    %dma_wait3A_76 = arith.constant 0 : i32
    %dma_wait3A_77 = arith.constant 1 : i32
    %dma_wait3A_78 = arith.constant 0 : i32
    %dma_wait3A_79 = tpu.memref_slice %arg8[%dma_wait3A_76, %dma_wait3A_77, %dma_wait3A_78] : memref<78x2x128xi32, #tpu.memory_space<vmem>> -> memref<1x1x128xi32, #tpu.memory_space<vmem>>
    %dma_wait3A_80 = tpu.memref_squeeze %dma_wait3A_79 : memref<1x1x128xi32, #tpu.memory_space<vmem>> -> memref<128xi32, #tpu.memory_space<vmem>>
    %dma_wait3A_81 = arith.constant 0 : i32
    %dma_wait3A_82 = arith.constant 0 : i32
    %dma_wait3A_83 = tpu.memref_slice %arg19[%dma_wait3A_81, %dma_wait3A_82] : memref<10112x16xf32, #tpu.memory_space<vmem_shared>> -> memref<10112x16xf32, #tpu.memory_space<vmem_shared>>
    tpu.wait_indirect_dma semaphore(%arg32 : memref<!tpu.dma_semaphore, #tpu.memory_space<semaphore_mem>>) src(%arg10 : memref<128x16xf32, #tpu.memory_space<vmem>>) dst(%dma_wait3A_83 : memref<10112x16xf32, #tpu.memory_space<vmem_shared>>)
    %dma_start3A_84 = arith.constant 72 : i32
    %dma_start3A_85 = arith.constant 1 : i32
    %dma_start3A_86 = arith.constant 0 : i32
    %dma_start3A_87 = tpu.memref_slice %arg8[%dma_start3A_84, %dma_start3A_85, %dma_start3A_86] : memref<78x2x128xi32, #tpu.memory_space<vmem>> -> memref<1x1x128xi32, #tpu.memory_space<vmem>>
    %dma_start3A_88 = tpu.memref_squeeze %dma_start3A_87 : memref<1x1x128xi32, #tpu.memory_space<vmem>> -> memref<128xi32, #tpu.memory_space<vmem>>
    %dma_start3A_89 = arith.constant 0 : i32
    %dma_start3A_90 = arith.constant 0 : i32
    %dma_start3A_91 = tpu.memref_slice %arg19[%dma_start3A_89, %dma_start3A_90] : memref<10112x16xf32, #tpu.memory_space<vmem_shared>> -> memref<10112x16xf32, #tpu.memory_space<vmem_shared>>
    tpu.enqueue_indirect_dma source(%arg10 : memref<128x16xf32, #tpu.memory_space<vmem>>) target(%dma_start3A_91 : memref<10112x16xf32, #tpu.memory_space<vmem_shared>>) offsets(%dma_start3A_88 : memref<128xi32, #tpu.memory_space<vmem>>) semaphore(%arg32 : memref<!tpu.dma_semaphore, #tpu.memory_space<semaphore_mem>>) {add = true}
    %dma_wait3A_92 = arith.constant 0 : i32
    %dma_wait3A_93 = arith.constant 0 : i32
    %dma_wait3A_94 = arith.constant 0 : i32
    %dma_wait3A_95 = tpu.memref_slice %arg8[%dma_wait3A_92, %dma_wait3A_93, %dma_wait3A_94] : memref<78x2x128xi32, #tpu.memory_space<vmem>> -> memref<1x1x128xi32, #tpu.memory_space<vmem>>
    %dma_wait3A_96 = tpu.memref_squeeze %dma_wait3A_95 : memref<1x1x128xi32, #tpu.memory_space<vmem>> -> memref<128xi32, #tpu.memory_space<vmem>>
    %dma_wait3A_97 = arith.constant 0 : i32
    %dma_wait3A_98 = arith.constant 0 : i32
    %dma_wait3A_99 = tpu.memref_slice %arg17[%dma_wait3A_97, %dma_wait3A_98] : memref<10112x16xf32, #tpu.memory_space<vmem_shared>> -> memref<10112x16xf32, #tpu.memory_space<vmem_shared>>
    tpu.wait_indirect_dma semaphore(%arg21 : memref<!tpu.dma_semaphore, #tpu.memory_space<semaphore_mem>>) src(%dma_wait3A_99 : memref<10112x16xf32, #tpu.memory_space<vmem_shared>>) dst(%arg12 : memref<128x16xf32, #tpu.memory_space<vmem>>)
    %dma_start3A_100 = arith.constant 73 : i32
    %dma_start3A_101 = arith.constant 1 : i32
    %dma_start3A_102 = arith.constant 0 : i32
    %dma_start3A_103 = tpu.memref_slice %arg8[%dma_start3A_100, %dma_start3A_101, %dma_start3A_102] : memref<78x2x128xi32, #tpu.memory_space<vmem>> -> memref<1x1x128xi32, #tpu.memory_space<vmem>>
    %dma_start3A_104 = tpu.memref_squeeze %dma_start3A_103 : memref<1x1x128xi32, #tpu.memory_space<vmem>> -> memref<128xi32, #tpu.memory_space<vmem>>
    %dma_start3A_105 = arith.constant 0 : i32
    %dma_start3A_106 = arith.constant 0 : i32
    %dma_start3A_107 = tpu.memref_slice %arg18[%dma_start3A_105, %dma_start3A_106] : memref<10112x16xf32, #tpu.memory_space<vmem_shared>> -> memref<10112x16xf32, #tpu.memory_space<vmem_shared>>
    tpu.enqueue_indirect_dma source(%arg12 : memref<128x16xf32, #tpu.memory_space<vmem>>) target(%dma_start3A_107 : memref<10112x16xf32, #tpu.memory_space<vmem_shared>>) offsets(%dma_start3A_104 : memref<128xi32, #tpu.memory_space<vmem>>) semaphore(%arg27 : memref<!tpu.dma_semaphore, #tpu.memory_space<semaphore_mem>>) {add = true}
    %dma_wait3A_108 = arith.constant 0 : i32
    %dma_wait3A_109 = arith.constant 1 : i32
    %dma_wait3A_110 = arith.constant 0 : i32
    %dma_wait3A_111 = tpu.memref_slice %arg8[%dma_wait3A_108, %dma_wait3A_109, %dma_wait3A_110] : memref<78x2x128xi32, #tpu.memory_space<vmem>> -> memref<1x1x128xi32, #tpu.memory_space<vmem>>
    %dma_wait3A_112 = tpu.memref_squeeze %dma_wait3A_111 : memref<1x1x128xi32, #tpu.memory_space<vmem>> -> memref<128xi32, #tpu.memory_space<vmem>>
    %dma_wait3A_113 = arith.constant 0 : i32
    %dma_wait3A_114 = arith.constant 0 : i32
    %dma_wait3A_115 = tpu.memref_slice %arg19[%dma_wait3A_113, %dma_wait3A_114] : memref<10112x16xf32, #tpu.memory_space<vmem_shared>> -> memref<10112x16xf32, #tpu.memory_space<vmem_shared>>
    tpu.wait_indirect_dma semaphore(%arg33 : memref<!tpu.dma_semaphore, #tpu.memory_space<semaphore_mem>>) src(%arg10 : memref<128x16xf32, #tpu.memory_space<vmem>>) dst(%dma_wait3A_115 : memref<10112x16xf32, #tpu.memory_space<vmem_shared>>)
    %dma_start3A_116 = arith.constant 73 : i32
    %dma_start3A_117 = arith.constant 1 : i32
    %dma_start3A_118 = arith.constant 0 : i32
    %dma_start3A_119 = tpu.memref_slice %arg8[%dma_start3A_116, %dma_start3A_117, %dma_start3A_118] : memref<78x2x128xi32, #tpu.memory_space<vmem>> -> memref<1x1x128xi32, #tpu.memory_space<vmem>>
    %dma_start3A_120 = tpu.memref_squeeze %dma_start3A_119 : memref<1x1x128xi32, #tpu.memory_space<vmem>> -> memref<128xi32, #tpu.memory_space<vmem>>
    %dma_start3A_121 = arith.constant 0 : i32
    %dma_start3A_122 = arith.constant 0 : i32
    %dma_start3A_123 = tpu.memref_slice %arg19[%dma_start3A_121, %dma_start3A_122] : memref<10112x16xf32, #tpu.memory_space<vmem_shared>> -> memref<10112x16xf32, #tpu.memory_space<vmem_shared>>
    tpu.enqueue_indirect_dma source(%arg10 : memref<128x16xf32, #tpu.memory_space<vmem>>) target(%dma_start3A_123 : memref<10112x16xf32, #tpu.memory_space<vmem_shared>>) offsets(%dma_start3A_120 : memref<128xi32, #tpu.memory_space<vmem>>) semaphore(%arg33 : memref<!tpu.dma_semaphore, #tpu.memory_space<semaphore_mem>>) {add = true}
    %dma_wait3A_124 = arith.constant 0 : i32
    %dma_wait3A_125 = arith.constant 0 : i32
    %dma_wait3A_126 = arith.constant 0 : i32
    %dma_wait3A_127 = tpu.memref_slice %arg8[%dma_wait3A_124, %dma_wait3A_125, %dma_wait3A_126] : memref<78x2x128xi32, #tpu.memory_space<vmem>> -> memref<1x1x128xi32, #tpu.memory_space<vmem>>
    %dma_wait3A_128 = tpu.memref_squeeze %dma_wait3A_127 : memref<1x1x128xi32, #tpu.memory_space<vmem>> -> memref<128xi32, #tpu.memory_space<vmem>>
    %dma_wait3A_129 = arith.constant 0 : i32
    %dma_wait3A_130 = arith.constant 0 : i32
    %dma_wait3A_131 = tpu.memref_slice %arg17[%dma_wait3A_129, %dma_wait3A_130] : memref<10112x16xf32, #tpu.memory_space<vmem_shared>> -> memref<10112x16xf32, #tpu.memory_space<vmem_shared>>
    tpu.wait_indirect_dma semaphore(%arg22 : memref<!tpu.dma_semaphore, #tpu.memory_space<semaphore_mem>>) src(%dma_wait3A_131 : memref<10112x16xf32, #tpu.memory_space<vmem_shared>>) dst(%arg13 : memref<128x16xf32, #tpu.memory_space<vmem>>)
    %dma_start3A_132 = arith.constant 74 : i32
    %dma_start3A_133 = arith.constant 1 : i32
    %dma_start3A_134 = arith.constant 0 : i32
    %dma_start3A_135 = tpu.memref_slice %arg8[%dma_start3A_132, %dma_start3A_133, %dma_start3A_134] : memref<78x2x128xi32, #tpu.memory_space<vmem>> -> memref<1x1x128xi32, #tpu.memory_space<vmem>>
    %dma_start3A_136 = tpu.memref_squeeze %dma_start3A_135 : memref<1x1x128xi32, #tpu.memory_space<vmem>> -> memref<128xi32, #tpu.memory_space<vmem>>
    %dma_start3A_137 = arith.constant 0 : i32
    %dma_start3A_138 = arith.constant 0 : i32
    %dma_start3A_139 = tpu.memref_slice %arg18[%dma_start3A_137, %dma_start3A_138] : memref<10112x16xf32, #tpu.memory_space<vmem_shared>> -> memref<10112x16xf32, #tpu.memory_space<vmem_shared>>
    tpu.enqueue_indirect_dma source(%arg13 : memref<128x16xf32, #tpu.memory_space<vmem>>) target(%dma_start3A_139 : memref<10112x16xf32, #tpu.memory_space<vmem_shared>>) offsets(%dma_start3A_136 : memref<128xi32, #tpu.memory_space<vmem>>) semaphore(%arg28 : memref<!tpu.dma_semaphore, #tpu.memory_space<semaphore_mem>>) {add = true}
    %dma_wait3A_140 = arith.constant 0 : i32
    %dma_wait3A_141 = arith.constant 1 : i32
    %dma_wait3A_142 = arith.constant 0 : i32
    %dma_wait3A_143 = tpu.memref_slice %arg8[%dma_wait3A_140, %dma_wait3A_141, %dma_wait3A_142] : memref<78x2x128xi32, #tpu.memory_space<vmem>> -> memref<1x1x128xi32, #tpu.memory_space<vmem>>
    %dma_wait3A_144 = tpu.memref_squeeze %dma_wait3A_143 : memref<1x1x128xi32, #tpu.memory_space<vmem>> -> memref<128xi32, #tpu.memory_space<vmem>>
    %dma_wait3A_145 = arith.constant 0 : i32
    %dma_wait3A_146 = arith.constant 0 : i32
    %dma_wait3A_147 = tpu.memref_slice %arg19[%dma_wait3A_145, %dma_wait3A_146] : memref<10112x16xf32, #tpu.memory_space<vmem_shared>> -> memref<10112x16xf32, #tpu.memory_space<vmem_shared>>
    tpu.wait_indirect_dma semaphore(%arg34 : memref<!tpu.dma_semaphore, #tpu.memory_space<semaphore_mem>>) src(%arg10 : memref<128x16xf32, #tpu.memory_space<vmem>>) dst(%dma_wait3A_147 : memref<10112x16xf32, #tpu.memory_space<vmem_shared>>)
    %dma_start3A_148 = arith.constant 74 : i32
    %dma_start3A_149 = arith.constant 1 : i32
    %dma_start3A_150 = arith.constant 0 : i32
    %dma_start3A_151 = tpu.memref_slice %arg8[%dma_start3A_148, %dma_start3A_149, %dma_start3A_150] : memref<78x2x128xi32, #tpu.memory_space<vmem>> -> memref<1x1x128xi32, #tpu.memory_space<vmem>>
    %dma_start3A_152 = tpu.memref_squeeze %dma_start3A_151 : memref<1x1x128xi32, #tpu.memory_space<vmem>> -> memref<128xi32, #tpu.memory_space<vmem>>
    %dma_start3A_153 = arith.constant 0 : i32
    %dma_start3A_154 = arith.constant 0 : i32
    %dma_start3A_155 = tpu.memref_slice %arg19[%dma_start3A_153, %dma_start3A_154] : memref<10112x16xf32, #tpu.memory_space<vmem_shared>> -> memref<10112x16xf32, #tpu.memory_space<vmem_shared>>
    tpu.enqueue_indirect_dma source(%arg10 : memref<128x16xf32, #tpu.memory_space<vmem>>) target(%dma_start3A_155 : memref<10112x16xf32, #tpu.memory_space<vmem_shared>>) offsets(%dma_start3A_152 : memref<128xi32, #tpu.memory_space<vmem>>) semaphore(%arg34 : memref<!tpu.dma_semaphore, #tpu.memory_space<semaphore_mem>>) {add = true}
    %dma_wait3A_156 = arith.constant 0 : i32
    %dma_wait3A_157 = arith.constant 0 : i32
    %dma_wait3A_158 = arith.constant 0 : i32
    %dma_wait3A_159 = tpu.memref_slice %arg8[%dma_wait3A_156, %dma_wait3A_157, %dma_wait3A_158] : memref<78x2x128xi32, #tpu.memory_space<vmem>> -> memref<1x1x128xi32, #tpu.memory_space<vmem>>
    %dma_wait3A_160 = tpu.memref_squeeze %dma_wait3A_159 : memref<1x1x128xi32, #tpu.memory_space<vmem>> -> memref<128xi32, #tpu.memory_space<vmem>>
    %dma_wait3A_161 = arith.constant 0 : i32
    %dma_wait3A_162 = arith.constant 0 : i32
    %dma_wait3A_163 = tpu.memref_slice %arg17[%dma_wait3A_161, %dma_wait3A_162] : memref<10112x16xf32, #tpu.memory_space<vmem_shared>> -> memref<10112x16xf32, #tpu.memory_space<vmem_shared>>
    tpu.wait_indirect_dma semaphore(%arg23 : memref<!tpu.dma_semaphore, #tpu.memory_space<semaphore_mem>>) src(%dma_wait3A_163 : memref<10112x16xf32, #tpu.memory_space<vmem_shared>>) dst(%arg14 : memref<128x16xf32, #tpu.memory_space<vmem>>)
    %dma_start3A_164 = arith.constant 75 : i32
    %dma_start3A_165 = arith.constant 1 : i32
    %dma_start3A_166 = arith.constant 0 : i32
    %dma_start3A_167 = tpu.memref_slice %arg8[%dma_start3A_164, %dma_start3A_165, %dma_start3A_166] : memref<78x2x128xi32, #tpu.memory_space<vmem>> -> memref<1x1x128xi32, #tpu.memory_space<vmem>>
    %dma_start3A_168 = tpu.memref_squeeze %dma_start3A_167 : memref<1x1x128xi32, #tpu.memory_space<vmem>> -> memref<128xi32, #tpu.memory_space<vmem>>
    %dma_start3A_169 = arith.constant 0 : i32
    %dma_start3A_170 = arith.constant 0 : i32
    %dma_start3A_171 = tpu.memref_slice %arg18[%dma_start3A_169, %dma_start3A_170] : memref<10112x16xf32, #tpu.memory_space<vmem_shared>> -> memref<10112x16xf32, #tpu.memory_space<vmem_shared>>
    tpu.enqueue_indirect_dma source(%arg14 : memref<128x16xf32, #tpu.memory_space<vmem>>) target(%dma_start3A_171 : memref<10112x16xf32, #tpu.memory_space<vmem_shared>>) offsets(%dma_start3A_168 : memref<128xi32, #tpu.memory_space<vmem>>) semaphore(%arg29 : memref<!tpu.dma_semaphore, #tpu.memory_space<semaphore_mem>>) {add = true}
    %dma_wait3A_172 = arith.constant 0 : i32
    %dma_wait3A_173 = arith.constant 1 : i32
    %dma_wait3A_174 = arith.constant 0 : i32
    %dma_wait3A_175 = tpu.memref_slice %arg8[%dma_wait3A_172, %dma_wait3A_173, %dma_wait3A_174] : memref<78x2x128xi32, #tpu.memory_space<vmem>> -> memref<1x1x128xi32, #tpu.memory_space<vmem>>
    %dma_wait3A_176 = tpu.memref_squeeze %dma_wait3A_175 : memref<1x1x128xi32, #tpu.memory_space<vmem>> -> memref<128xi32, #tpu.memory_space<vmem>>
    %dma_wait3A_177 = arith.constant 0 : i32
    %dma_wait3A_178 = arith.constant 0 : i32
    %dma_wait3A_179 = tpu.memref_slice %arg19[%dma_wait3A_177, %dma_wait3A_178] : memref<10112x16xf32, #tpu.memory_space<vmem_shared>> -> memref<10112x16xf32, #tpu.memory_space<vmem_shared>>
    tpu.wait_indirect_dma semaphore(%arg35 : memref<!tpu.dma_semaphore, #tpu.memory_space<semaphore_mem>>) src(%arg10 : memref<128x16xf32, #tpu.memory_space<vmem>>) dst(%dma_wait3A_179 : memref<10112x16xf32, #tpu.memory_space<vmem_shared>>)
    %dma_start3A_180 = arith.constant 75 : i32
    %dma_start3A_181 = arith.constant 1 : i32
    %dma_start3A_182 = arith.constant 0 : i32
    %dma_start3A_183 = tpu.memref_slice %arg8[%dma_start3A_180, %dma_start3A_181, %dma_start3A_182] : memref<78x2x128xi32, #tpu.memory_space<vmem>> -> memref<1x1x128xi32, #tpu.memory_space<vmem>>
    %dma_start3A_184 = tpu.memref_squeeze %dma_start3A_183 : memref<1x1x128xi32, #tpu.memory_space<vmem>> -> memref<128xi32, #tpu.memory_space<vmem>>
    %dma_start3A_185 = arith.constant 0 : i32
    %dma_start3A_186 = arith.constant 0 : i32
    %dma_start3A_187 = tpu.memref_slice %arg19[%dma_start3A_185, %dma_start3A_186] : memref<10112x16xf32, #tpu.memory_space<vmem_shared>> -> memref<10112x16xf32, #tpu.memory_space<vmem_shared>>
    tpu.enqueue_indirect_dma source(%arg10 : memref<128x16xf32, #tpu.memory_space<vmem>>) target(%dma_start3A_187 : memref<10112x16xf32, #tpu.memory_space<vmem_shared>>) offsets(%dma_start3A_184 : memref<128xi32, #tpu.memory_space<vmem>>) semaphore(%arg35 : memref<!tpu.dma_semaphore, #tpu.memory_space<semaphore_mem>>) {add = true}
    %dma_wait3A_188 = arith.constant 0 : i32
    %dma_wait3A_189 = arith.constant 0 : i32
    %dma_wait3A_190 = arith.constant 0 : i32
    %dma_wait3A_191 = tpu.memref_slice %arg8[%dma_wait3A_188, %dma_wait3A_189, %dma_wait3A_190] : memref<78x2x128xi32, #tpu.memory_space<vmem>> -> memref<1x1x128xi32, #tpu.memory_space<vmem>>
    %dma_wait3A_192 = tpu.memref_squeeze %dma_wait3A_191 : memref<1x1x128xi32, #tpu.memory_space<vmem>> -> memref<128xi32, #tpu.memory_space<vmem>>
    %dma_wait3A_193 = arith.constant 0 : i32
    %dma_wait3A_194 = arith.constant 0 : i32
    %dma_wait3A_195 = tpu.memref_slice %arg17[%dma_wait3A_193, %dma_wait3A_194] : memref<10112x16xf32, #tpu.memory_space<vmem_shared>> -> memref<10112x16xf32, #tpu.memory_space<vmem_shared>>
    tpu.wait_indirect_dma semaphore(%arg24 : memref<!tpu.dma_semaphore, #tpu.memory_space<semaphore_mem>>) src(%dma_wait3A_195 : memref<10112x16xf32, #tpu.memory_space<vmem_shared>>) dst(%arg15 : memref<128x16xf32, #tpu.memory_space<vmem>>)
    %dma_start3A_196 = arith.constant 76 : i32
    %dma_start3A_197 = arith.constant 1 : i32
    %dma_start3A_198 = arith.constant 0 : i32
    %dma_start3A_199 = tpu.memref_slice %arg8[%dma_start3A_196, %dma_start3A_197, %dma_start3A_198] : memref<78x2x128xi32, #tpu.memory_space<vmem>> -> memref<1x1x128xi32, #tpu.memory_space<vmem>>
    %dma_start3A_200 = tpu.memref_squeeze %dma_start3A_199 : memref<1x1x128xi32, #tpu.memory_space<vmem>> -> memref<128xi32, #tpu.memory_space<vmem>>
    %dma_start3A_201 = arith.constant 0 : i32
    %dma_start3A_202 = arith.constant 0 : i32
    %dma_start3A_203 = tpu.memref_slice %arg18[%dma_start3A_201, %dma_start3A_202] : memref<10112x16xf32, #tpu.memory_space<vmem_shared>> -> memref<10112x16xf32, #tpu.memory_space<vmem_shared>>
    tpu.enqueue_indirect_dma source(%arg15 : memref<128x16xf32, #tpu.memory_space<vmem>>) target(%dma_start3A_203 : memref<10112x16xf32, #tpu.memory_space<vmem_shared>>) offsets(%dma_start3A_200 : memref<128xi32, #tpu.memory_space<vmem>>) semaphore(%arg30 : memref<!tpu.dma_semaphore, #tpu.memory_space<semaphore_mem>>) {add = true}
    %dma_wait3A_204 = arith.constant 0 : i32
    %dma_wait3A_205 = arith.constant 1 : i32
    %dma_wait3A_206 = arith.constant 0 : i32
    %dma_wait3A_207 = tpu.memref_slice %arg8[%dma_wait3A_204, %dma_wait3A_205, %dma_wait3A_206] : memref<78x2x128xi32, #tpu.memory_space<vmem>> -> memref<1x1x128xi32, #tpu.memory_space<vmem>>
    %dma_wait3A_208 = tpu.memref_squeeze %dma_wait3A_207 : memref<1x1x128xi32, #tpu.memory_space<vmem>> -> memref<128xi32, #tpu.memory_space<vmem>>
    %dma_wait3A_209 = arith.constant 0 : i32
    %dma_wait3A_210 = arith.constant 0 : i32
    %dma_wait3A_211 = tpu.memref_slice %arg19[%dma_wait3A_209, %dma_wait3A_210] : memref<10112x16xf32, #tpu.memory_space<vmem_shared>> -> memref<10112x16xf32, #tpu.memory_space<vmem_shared>>
    tpu.wait_indirect_dma semaphore(%arg36 : memref<!tpu.dma_semaphore, #tpu.memory_space<semaphore_mem>>) src(%arg10 : memref<128x16xf32, #tpu.memory_space<vmem>>) dst(%dma_wait3A_211 : memref<10112x16xf32, #tpu.memory_space<vmem_shared>>)
    %dma_start3A_212 = arith.constant 76 : i32
    %dma_start3A_213 = arith.constant 1 : i32
    %dma_start3A_214 = arith.constant 0 : i32
    %dma_start3A_215 = tpu.memref_slice %arg8[%dma_start3A_212, %dma_start3A_213, %dma_start3A_214] : memref<78x2x128xi32, #tpu.memory_space<vmem>> -> memref<1x1x128xi32, #tpu.memory_space<vmem>>
    %dma_start3A_216 = tpu.memref_squeeze %dma_start3A_215 : memref<1x1x128xi32, #tpu.memory_space<vmem>> -> memref<128xi32, #tpu.memory_space<vmem>>
    %dma_start3A_217 = arith.constant 0 : i32
    %dma_start3A_218 = arith.constant 0 : i32
    %dma_start3A_219 = tpu.memref_slice %arg19[%dma_start3A_217, %dma_start3A_218] : memref<10112x16xf32, #tpu.memory_space<vmem_shared>> -> memref<10112x16xf32, #tpu.memory_space<vmem_shared>>
    tpu.enqueue_indirect_dma source(%arg10 : memref<128x16xf32, #tpu.memory_space<vmem>>) target(%dma_start3A_219 : memref<10112x16xf32, #tpu.memory_space<vmem_shared>>) offsets(%dma_start3A_216 : memref<128xi32, #tpu.memory_space<vmem>>) semaphore(%arg36 : memref<!tpu.dma_semaphore, #tpu.memory_space<semaphore_mem>>) {add = true}
    %dma_wait3A_220 = arith.constant 0 : i32
    %dma_wait3A_221 = arith.constant 0 : i32
    %dma_wait3A_222 = arith.constant 0 : i32
    %dma_wait3A_223 = tpu.memref_slice %arg8[%dma_wait3A_220, %dma_wait3A_221, %dma_wait3A_222] : memref<78x2x128xi32, #tpu.memory_space<vmem>> -> memref<1x1x128xi32, #tpu.memory_space<vmem>>
    %dma_wait3A_224 = tpu.memref_squeeze %dma_wait3A_223 : memref<1x1x128xi32, #tpu.memory_space<vmem>> -> memref<128xi32, #tpu.memory_space<vmem>>
    %dma_wait3A_225 = arith.constant 0 : i32
    %dma_wait3A_226 = arith.constant 0 : i32
    %dma_wait3A_227 = tpu.memref_slice %arg17[%dma_wait3A_225, %dma_wait3A_226] : memref<10112x16xf32, #tpu.memory_space<vmem_shared>> -> memref<10112x16xf32, #tpu.memory_space<vmem_shared>>
    tpu.wait_indirect_dma semaphore(%arg25 : memref<!tpu.dma_semaphore, #tpu.memory_space<semaphore_mem>>) src(%dma_wait3A_227 : memref<10112x16xf32, #tpu.memory_space<vmem_shared>>) dst(%arg16 : memref<128x16xf32, #tpu.memory_space<vmem>>)
    %dma_start3A_228 = arith.constant 77 : i32
    %dma_start3A_229 = arith.constant 1 : i32
    %dma_start3A_230 = arith.constant 0 : i32
    %dma_start3A_231 = tpu.memref_slice %arg8[%dma_start3A_228, %dma_start3A_229, %dma_start3A_230] : memref<78x2x128xi32, #tpu.memory_space<vmem>> -> memref<1x1x128xi32, #tpu.memory_space<vmem>>
    %dma_start3A_232 = tpu.memref_squeeze %dma_start3A_231 : memref<1x1x128xi32, #tpu.memory_space<vmem>> -> memref<128xi32, #tpu.memory_space<vmem>>
    %dma_start3A_233 = arith.constant 0 : i32
    %dma_start3A_234 = arith.constant 0 : i32
    %dma_start3A_235 = tpu.memref_slice %arg18[%dma_start3A_233, %dma_start3A_234] : memref<10112x16xf32, #tpu.memory_space<vmem_shared>> -> memref<10112x16xf32, #tpu.memory_space<vmem_shared>>
    tpu.enqueue_indirect_dma source(%arg16 : memref<128x16xf32, #tpu.memory_space<vmem>>) target(%dma_start3A_235 : memref<10112x16xf32, #tpu.memory_space<vmem_shared>>) offsets(%dma_start3A_232 : memref<128xi32, #tpu.memory_space<vmem>>) semaphore(%arg31 : memref<!tpu.dma_semaphore, #tpu.memory_space<semaphore_mem>>) {add = true}
    %dma_wait3A_236 = arith.constant 0 : i32
    %dma_wait3A_237 = arith.constant 1 : i32
    %dma_wait3A_238 = arith.constant 0 : i32
    %dma_wait3A_239 = tpu.memref_slice %arg8[%dma_wait3A_236, %dma_wait3A_237, %dma_wait3A_238] : memref<78x2x128xi32, #tpu.memory_space<vmem>> -> memref<1x1x128xi32, #tpu.memory_space<vmem>>
    %dma_wait3A_240 = tpu.memref_squeeze %dma_wait3A_239 : memref<1x1x128xi32, #tpu.memory_space<vmem>> -> memref<128xi32, #tpu.memory_space<vmem>>
    %dma_wait3A_241 = arith.constant 0 : i32
    %dma_wait3A_242 = arith.constant 0 : i32
    %dma_wait3A_243 = tpu.memref_slice %arg19[%dma_wait3A_241, %dma_wait3A_242] : memref<10112x16xf32, #tpu.memory_space<vmem_shared>> -> memref<10112x16xf32, #tpu.memory_space<vmem_shared>>
    tpu.wait_indirect_dma semaphore(%arg37 : memref<!tpu.dma_semaphore, #tpu.memory_space<semaphore_mem>>) src(%arg10 : memref<128x16xf32, #tpu.memory_space<vmem>>) dst(%dma_wait3A_243 : memref<10112x16xf32, #tpu.memory_space<vmem_shared>>)
    %dma_start3A_244 = arith.constant 77 : i32
    %dma_start3A_245 = arith.constant 1 : i32
    %dma_start3A_246 = arith.constant 0 : i32
    %dma_start3A_247 = tpu.memref_slice %arg8[%dma_start3A_244, %dma_start3A_245, %dma_start3A_246] : memref<78x2x128xi32, #tpu.memory_space<vmem>> -> memref<1x1x128xi32, #tpu.memory_space<vmem>>
    %dma_start3A_248 = tpu.memref_squeeze %dma_start3A_247 : memref<1x1x128xi32, #tpu.memory_space<vmem>> -> memref<128xi32, #tpu.memory_space<vmem>>
    %dma_start3A_249 = arith.constant 0 : i32
    %dma_start3A_250 = arith.constant 0 : i32
    %dma_start3A_251 = tpu.memref_slice %arg19[%dma_start3A_249, %dma_start3A_250] : memref<10112x16xf32, #tpu.memory_space<vmem_shared>> -> memref<10112x16xf32, #tpu.memory_space<vmem_shared>>
    tpu.enqueue_indirect_dma source(%arg10 : memref<128x16xf32, #tpu.memory_space<vmem>>) target(%dma_start3A_251 : memref<10112x16xf32, #tpu.memory_space<vmem_shared>>) offsets(%dma_start3A_248 : memref<128xi32, #tpu.memory_space<vmem>>) semaphore(%arg37 : memref<!tpu.dma_semaphore, #tpu.memory_space<semaphore_mem>>) {add = true}
    %dma_wait3A_252 = arith.constant 0 : i32
    %dma_wait3A_253 = arith.constant 1 : i32
    %dma_wait3A_254 = arith.constant 0 : i32
    %dma_wait3A_255 = tpu.memref_slice %arg8[%dma_wait3A_252, %dma_wait3A_253, %dma_wait3A_254] : memref<78x2x128xi32, #tpu.memory_space<vmem>> -> memref<1x1x128xi32, #tpu.memory_space<vmem>>
    %dma_wait3A_256 = tpu.memref_squeeze %dma_wait3A_255 : memref<1x1x128xi32, #tpu.memory_space<vmem>> -> memref<128xi32, #tpu.memory_space<vmem>>
    %dma_wait3A_257 = arith.constant 0 : i32
    %dma_wait3A_258 = arith.constant 0 : i32
    %dma_wait3A_259 = tpu.memref_slice %arg18[%dma_wait3A_257, %dma_wait3A_258] : memref<10112x16xf32, #tpu.memory_space<vmem_shared>> -> memref<10112x16xf32, #tpu.memory_space<vmem_shared>>
    tpu.wait_indirect_dma semaphore(%arg26 : memref<!tpu.dma_semaphore, #tpu.memory_space<semaphore_mem>>) src(%arg11 : memref<128x16xf32, #tpu.memory_space<vmem>>) dst(%dma_wait3A_259 : memref<10112x16xf32, #tpu.memory_space<vmem_shared>>)
    %dma_wait3A_260 = arith.constant 0 : i32
    %dma_wait3A_261 = arith.constant 1 : i32
    %dma_wait3A_262 = arith.constant 0 : i32
    %dma_wait3A_263 = tpu.memref_slice %arg8[%dma_wait3A_260, %dma_wait3A_261, %dma_wait3A_262] : memref<78x2x128xi32, #tpu.memory_space<vmem>> -> memref<1x1x128xi32, #tpu.memory_space<vmem>>
    %dma_wait3A_264 = tpu.memref_squeeze %dma_wait3A_263 : memref<1x1x128xi32, #tpu.memory_space<vmem>> -> memref<128xi32, #tpu.memory_space<vmem>>
    %dma_wait3A_265 = arith.constant 0 : i32
    %dma_wait3A_266 = arith.constant 0 : i32
    %dma_wait3A_267 = tpu.memref_slice %arg19[%dma_wait3A_265, %dma_wait3A_266] : memref<10112x16xf32, #tpu.memory_space<vmem_shared>> -> memref<10112x16xf32, #tpu.memory_space<vmem_shared>>
    tpu.wait_indirect_dma semaphore(%arg32 : memref<!tpu.dma_semaphore, #tpu.memory_space<semaphore_mem>>) src(%arg10 : memref<128x16xf32, #tpu.memory_space<vmem>>) dst(%dma_wait3A_267 : memref<10112x16xf32, #tpu.memory_space<vmem_shared>>)
    %dma_wait3A_268 = arith.constant 0 : i32
    %dma_wait3A_269 = arith.constant 1 : i32
    %dma_wait3A_270 = arith.constant 0 : i32
    %dma_wait3A_271 = tpu.memref_slice %arg8[%dma_wait3A_268, %dma_wait3A_269, %dma_wait3A_270] : memref<78x2x128xi32, #tpu.memory_space<vmem>> -> memref<1x1x128xi32, #tpu.memory_space<vmem>>
    %dma_wait3A_272 = tpu.memref_squeeze %dma_wait3A_271 : memref<1x1x128xi32, #tpu.memory_space<vmem>> -> memref<128xi32, #tpu.memory_space<vmem>>
    %dma_wait3A_273 = arith.constant 0 : i32
    %dma_wait3A_274 = arith.constant 0 : i32
    %dma_wait3A_275 = tpu.memref_slice %arg18[%dma_wait3A_273, %dma_wait3A_274] : memref<10112x16xf32, #tpu.memory_space<vmem_shared>> -> memref<10112x16xf32, #tpu.memory_space<vmem_shared>>
    tpu.wait_indirect_dma semaphore(%arg27 : memref<!tpu.dma_semaphore, #tpu.memory_space<semaphore_mem>>) src(%arg12 : memref<128x16xf32, #tpu.memory_space<vmem>>) dst(%dma_wait3A_275 : memref<10112x16xf32, #tpu.memory_space<vmem_shared>>)
    %dma_wait3A_276 = arith.constant 0 : i32
    %dma_wait3A_277 = arith.constant 1 : i32
    %dma_wait3A_278 = arith.constant 0 : i32
    %dma_wait3A_279 = tpu.memref_slice %arg8[%dma_wait3A_276, %dma_wait3A_277, %dma_wait3A_278] : memref<78x2x128xi32, #tpu.memory_space<vmem>> -> memref<1x1x128xi32, #tpu.memory_space<vmem>>
    %dma_wait3A_280 = tpu.memref_squeeze %dma_wait3A_279 : memref<1x1x128xi32, #tpu.memory_space<vmem>> -> memref<128xi32, #tpu.memory_space<vmem>>
    %dma_wait3A_281 = arith.constant 0 : i32
    %dma_wait3A_282 = arith.constant 0 : i32
    %dma_wait3A_283 = tpu.memref_slice %arg19[%dma_wait3A_281, %dma_wait3A_282] : memref<10112x16xf32, #tpu.memory_space<vmem_shared>> -> memref<10112x16xf32, #tpu.memory_space<vmem_shared>>
    tpu.wait_indirect_dma semaphore(%arg33 : memref<!tpu.dma_semaphore, #tpu.memory_space<semaphore_mem>>) src(%arg10 : memref<128x16xf32, #tpu.memory_space<vmem>>) dst(%dma_wait3A_283 : memref<10112x16xf32, #tpu.memory_space<vmem_shared>>)
    %dma_wait3A_284 = arith.constant 0 : i32
    %dma_wait3A_285 = arith.constant 1 : i32
    %dma_wait3A_286 = arith.constant 0 : i32
    %dma_wait3A_287 = tpu.memref_slice %arg8[%dma_wait3A_284, %dma_wait3A_285, %dma_wait3A_286] : memref<78x2x128xi32, #tpu.memory_space<vmem>> -> memref<1x1x128xi32, #tpu.memory_space<vmem>>
    %dma_wait3A_288 = tpu.memref_squeeze %dma_wait3A_287 : memref<1x1x128xi32, #tpu.memory_space<vmem>> -> memref<128xi32, #tpu.memory_space<vmem>>
    %dma_wait3A_289 = arith.constant 0 : i32
    %dma_wait3A_290 = arith.constant 0 : i32
    %dma_wait3A_291 = tpu.memref_slice %arg18[%dma_wait3A_289, %dma_wait3A_290] : memref<10112x16xf32, #tpu.memory_space<vmem_shared>> -> memref<10112x16xf32, #tpu.memory_space<vmem_shared>>
    tpu.wait_indirect_dma semaphore(%arg28 : memref<!tpu.dma_semaphore, #tpu.memory_space<semaphore_mem>>) src(%arg13 : memref<128x16xf32, #tpu.memory_space<vmem>>) dst(%dma_wait3A_291 : memref<10112x16xf32, #tpu.memory_space<vmem_shared>>)
    %dma_wait3A_292 = arith.constant 0 : i32
    %dma_wait3A_293 = arith.constant 1 : i32
    %dma_wait3A_294 = arith.constant 0 : i32
    %dma_wait3A_295 = tpu.memref_slice %arg8[%dma_wait3A_292, %dma_wait3A_293, %dma_wait3A_294] : memref<78x2x128xi32, #tpu.memory_space<vmem>> -> memref<1x1x128xi32, #tpu.memory_space<vmem>>
    %dma_wait3A_296 = tpu.memref_squeeze %dma_wait3A_295 : memref<1x1x128xi32, #tpu.memory_space<vmem>> -> memref<128xi32, #tpu.memory_space<vmem>>
    %dma_wait3A_297 = arith.constant 0 : i32
    %dma_wait3A_298 = arith.constant 0 : i32
    %dma_wait3A_299 = tpu.memref_slice %arg19[%dma_wait3A_297, %dma_wait3A_298] : memref<10112x16xf32, #tpu.memory_space<vmem_shared>> -> memref<10112x16xf32, #tpu.memory_space<vmem_shared>>
    tpu.wait_indirect_dma semaphore(%arg34 : memref<!tpu.dma_semaphore, #tpu.memory_space<semaphore_mem>>) src(%arg10 : memref<128x16xf32, #tpu.memory_space<vmem>>) dst(%dma_wait3A_299 : memref<10112x16xf32, #tpu.memory_space<vmem_shared>>)
    %dma_wait3A_300 = arith.constant 0 : i32
    %dma_wait3A_301 = arith.constant 1 : i32
    %dma_wait3A_302 = arith.constant 0 : i32
    %dma_wait3A_303 = tpu.memref_slice %arg8[%dma_wait3A_300, %dma_wait3A_301, %dma_wait3A_302] : memref<78x2x128xi32, #tpu.memory_space<vmem>> -> memref<1x1x128xi32, #tpu.memory_space<vmem>>
    %dma_wait3A_304 = tpu.memref_squeeze %dma_wait3A_303 : memref<1x1x128xi32, #tpu.memory_space<vmem>> -> memref<128xi32, #tpu.memory_space<vmem>>
    %dma_wait3A_305 = arith.constant 0 : i32
    %dma_wait3A_306 = arith.constant 0 : i32
    %dma_wait3A_307 = tpu.memref_slice %arg18[%dma_wait3A_305, %dma_wait3A_306] : memref<10112x16xf32, #tpu.memory_space<vmem_shared>> -> memref<10112x16xf32, #tpu.memory_space<vmem_shared>>
    tpu.wait_indirect_dma semaphore(%arg29 : memref<!tpu.dma_semaphore, #tpu.memory_space<semaphore_mem>>) src(%arg14 : memref<128x16xf32, #tpu.memory_space<vmem>>) dst(%dma_wait3A_307 : memref<10112x16xf32, #tpu.memory_space<vmem_shared>>)
    %dma_wait3A_308 = arith.constant 0 : i32
    %dma_wait3A_309 = arith.constant 1 : i32
    %dma_wait3A_310 = arith.constant 0 : i32
    %dma_wait3A_311 = tpu.memref_slice %arg8[%dma_wait3A_308, %dma_wait3A_309, %dma_wait3A_310] : memref<78x2x128xi32, #tpu.memory_space<vmem>> -> memref<1x1x128xi32, #tpu.memory_space<vmem>>
    %dma_wait3A_312 = tpu.memref_squeeze %dma_wait3A_311 : memref<1x1x128xi32, #tpu.memory_space<vmem>> -> memref<128xi32, #tpu.memory_space<vmem>>
    %dma_wait3A_313 = arith.constant 0 : i32
    %dma_wait3A_314 = arith.constant 0 : i32
    %dma_wait3A_315 = tpu.memref_slice %arg19[%dma_wait3A_313, %dma_wait3A_314] : memref<10112x16xf32, #tpu.memory_space<vmem_shared>> -> memref<10112x16xf32, #tpu.memory_space<vmem_shared>>
    tpu.wait_indirect_dma semaphore(%arg35 : memref<!tpu.dma_semaphore, #tpu.memory_space<semaphore_mem>>) src(%arg10 : memref<128x16xf32, #tpu.memory_space<vmem>>) dst(%dma_wait3A_315 : memref<10112x16xf32, #tpu.memory_space<vmem_shared>>)
    %dma_wait3A_316 = arith.constant 0 : i32
    %dma_wait3A_317 = arith.constant 1 : i32
    %dma_wait3A_318 = arith.constant 0 : i32
    %dma_wait3A_319 = tpu.memref_slice %arg8[%dma_wait3A_316, %dma_wait3A_317, %dma_wait3A_318] : memref<78x2x128xi32, #tpu.memory_space<vmem>> -> memref<1x1x128xi32, #tpu.memory_space<vmem>>
    %dma_wait3A_320 = tpu.memref_squeeze %dma_wait3A_319 : memref<1x1x128xi32, #tpu.memory_space<vmem>> -> memref<128xi32, #tpu.memory_space<vmem>>
    %dma_wait3A_321 = arith.constant 0 : i32
    %dma_wait3A_322 = arith.constant 0 : i32
    %dma_wait3A_323 = tpu.memref_slice %arg18[%dma_wait3A_321, %dma_wait3A_322] : memref<10112x16xf32, #tpu.memory_space<vmem_shared>> -> memref<10112x16xf32, #tpu.memory_space<vmem_shared>>
    tpu.wait_indirect_dma semaphore(%arg30 : memref<!tpu.dma_semaphore, #tpu.memory_space<semaphore_mem>>) src(%arg15 : memref<128x16xf32, #tpu.memory_space<vmem>>) dst(%dma_wait3A_323 : memref<10112x16xf32, #tpu.memory_space<vmem_shared>>)
    %dma_wait3A_324 = arith.constant 0 : i32
    %dma_wait3A_325 = arith.constant 1 : i32
    %dma_wait3A_326 = arith.constant 0 : i32
    %dma_wait3A_327 = tpu.memref_slice %arg8[%dma_wait3A_324, %dma_wait3A_325, %dma_wait3A_326] : memref<78x2x128xi32, #tpu.memory_space<vmem>> -> memref<1x1x128xi32, #tpu.memory_space<vmem>>
    %dma_wait3A_328 = tpu.memref_squeeze %dma_wait3A_327 : memref<1x1x128xi32, #tpu.memory_space<vmem>> -> memref<128xi32, #tpu.memory_space<vmem>>
    %dma_wait3A_329 = arith.constant 0 : i32
    %dma_wait3A_330 = arith.constant 0 : i32
    %dma_wait3A_331 = tpu.memref_slice %arg19[%dma_wait3A_329, %dma_wait3A_330] : memref<10112x16xf32, #tpu.memory_space<vmem_shared>> -> memref<10112x16xf32, #tpu.memory_space<vmem_shared>>
    tpu.wait_indirect_dma semaphore(%arg36 : memref<!tpu.dma_semaphore, #tpu.memory_space<semaphore_mem>>) src(%arg10 : memref<128x16xf32, #tpu.memory_space<vmem>>) dst(%dma_wait3A_331 : memref<10112x16xf32, #tpu.memory_space<vmem_shared>>)
    %dma_wait3A_332 = arith.constant 0 : i32
    %dma_wait3A_333 = arith.constant 1 : i32
    %dma_wait3A_334 = arith.constant 0 : i32
    %dma_wait3A_335 = tpu.memref_slice %arg8[%dma_wait3A_332, %dma_wait3A_333, %dma_wait3A_334] : memref<78x2x128xi32, #tpu.memory_space<vmem>> -> memref<1x1x128xi32, #tpu.memory_space<vmem>>
    %dma_wait3A_336 = tpu.memref_squeeze %dma_wait3A_335 : memref<1x1x128xi32, #tpu.memory_space<vmem>> -> memref<128xi32, #tpu.memory_space<vmem>>
    %dma_wait3A_337 = arith.constant 0 : i32
    %dma_wait3A_338 = arith.constant 0 : i32
    %dma_wait3A_339 = tpu.memref_slice %arg18[%dma_wait3A_337, %dma_wait3A_338] : memref<10112x16xf32, #tpu.memory_space<vmem_shared>> -> memref<10112x16xf32, #tpu.memory_space<vmem_shared>>
    tpu.wait_indirect_dma semaphore(%arg31 : memref<!tpu.dma_semaphore, #tpu.memory_space<semaphore_mem>>) src(%arg16 : memref<128x16xf32, #tpu.memory_space<vmem>>) dst(%dma_wait3A_339 : memref<10112x16xf32, #tpu.memory_space<vmem_shared>>)
    %dma_wait3A_340 = arith.constant 0 : i32
    %dma_wait3A_341 = arith.constant 1 : i32
    %dma_wait3A_342 = arith.constant 0 : i32
    %dma_wait3A_343 = tpu.memref_slice %arg8[%dma_wait3A_340, %dma_wait3A_341, %dma_wait3A_342] : memref<78x2x128xi32, #tpu.memory_space<vmem>> -> memref<1x1x128xi32, #tpu.memory_space<vmem>>
    %dma_wait3A_344 = tpu.memref_squeeze %dma_wait3A_343 : memref<1x1x128xi32, #tpu.memory_space<vmem>> -> memref<128xi32, #tpu.memory_space<vmem>>
    %dma_wait3A_345 = arith.constant 0 : i32
    %dma_wait3A_346 = arith.constant 0 : i32
    %dma_wait3A_347 = tpu.memref_slice %arg19[%dma_wait3A_345, %dma_wait3A_346] : memref<10112x16xf32, #tpu.memory_space<vmem_shared>> -> memref<10112x16xf32, #tpu.memory_space<vmem_shared>>
    tpu.wait_indirect_dma semaphore(%arg37 : memref<!tpu.dma_semaphore, #tpu.memory_space<semaphore_mem>>) src(%arg10 : memref<128x16xf32, #tpu.memory_space<vmem>>) dst(%dma_wait3A_347 : memref<10112x16xf32, #tpu.memory_space<vmem_shared>>)
    %barrier3A_348 = arith.constant 0 : index
    tpu.barrier barrier_id(%barrier3A_348)
    "tpu.region"() ({
      %run_scoped3A = tpu.sem_alloc : memref<!tpu.dma_semaphore, #tpu.memory_space<semaphore_mem>>
      %dma_start3A_349 = arith.constant 0 : i32
      %dma_start3A_350 = tpu.memref_slice %arg6[%arg0, %mul3A_4, %dma_start3A_349] : memref<2x10000x16xf32, #tpu.memory_space<hbm>> -> memref<1x625x16xf32, #tpu.memory_space<hbm>>
      %dma_start3A_351 = tpu.memref_squeeze %dma_start3A_350 : memref<1x625x16xf32, #tpu.memory_space<hbm>> -> memref<625x16xf32, #tpu.memory_space<hbm>>
      %dma_start3A_352 = arith.constant 0 : i32
      %dma_start3A_353 = tpu.memref_slice %arg18[%mul3A_4, %dma_start3A_352] : memref<10112x16xf32, #tpu.memory_space<vmem_shared>> -> memref<625x16xf32, #tpu.memory_space<vmem_shared>>
      tpu.enqueue_dma source(%dma_start3A_353 : memref<625x16xf32, #tpu.memory_space<vmem_shared>>) target(%dma_start3A_351 : memref<625x16xf32, #tpu.memory_space<hbm>>) target_semaphore(%run_scoped3A : memref<!tpu.dma_semaphore, #tpu.memory_space<semaphore_mem>>)
      %dma_wait3A_354 = arith.constant 0 : i32
      %dma_wait3A_355 = tpu.memref_slice %arg6[%arg0, %mul3A_4, %dma_wait3A_354] : memref<2x10000x16xf32, #tpu.memory_space<hbm>> -> memref<1x625x16xf32, #tpu.memory_space<hbm>>
      %dma_wait3A_356 = tpu.memref_squeeze %dma_wait3A_355 : memref<1x625x16xf32, #tpu.memory_space<hbm>> -> memref<625x16xf32, #tpu.memory_space<hbm>>
      %dma_wait3A_357 = arith.constant 0 : i32
      %dma_wait3A_358 = tpu.memref_slice %arg18[%mul3A_4, %dma_wait3A_357] : memref<10112x16xf32, #tpu.memory_space<vmem_shared>> -> memref<625x16xf32, #tpu.memory_space<vmem_shared>>
      tpu.wait_dma2 semaphore(%run_scoped3A : memref<!tpu.dma_semaphore, #tpu.memory_space<semaphore_mem>>) src(%dma_wait3A_358 : memref<625x16xf32, #tpu.memory_space<vmem_shared>>) dst(%dma_wait3A_356 : memref<625x16xf32, #tpu.memory_space<hbm>>)
      tpu.yield
    }) : () -> ()
    "tpu.region"() ({
      %run_scoped3A = tpu.sem_alloc : memref<!tpu.dma_semaphore, #tpu.memory_space<semaphore_mem>>
      %dma_start3A_349 = arith.constant 0 : i32
      %dma_start3A_350 = tpu.memref_slice %arg7[%arg0, %mul3A_4, %dma_start3A_349] : memref<2x10000x16xf32, #tpu.memory_space<hbm>> -> memref<1x625x16xf32, #tpu.memory_space<hbm>>
      %dma_start3A_351 = tpu.memref_squeeze %dma_start3A_350 : memref<1x625x16xf32, #tpu.memory_space<hbm>> -> memref<625x16xf32, #tpu.memory_space<hbm>>
      %dma_start3A_352 = arith.constant 0 : i32
      %dma_start3A_353 = tpu.memref_slice %arg19[%mul3A_4, %dma_start3A_352] : memref<10112x16xf32, #tpu.memory_space<vmem_shared>> -> memref<625x16xf32, #tpu.memory_space<vmem_shared>>
      tpu.enqueue_dma source(%dma_start3A_353 : memref<625x16xf32, #tpu.memory_space<vmem_shared>>) target(%dma_start3A_351 : memref<625x16xf32, #tpu.memory_space<hbm>>) target_semaphore(%run_scoped3A : memref<!tpu.dma_semaphore, #tpu.memory_space<semaphore_mem>>)
      %dma_wait3A_354 = arith.constant 0 : i32
      %dma_wait3A_355 = tpu.memref_slice %arg7[%arg0, %mul3A_4, %dma_wait3A_354] : memref<2x10000x16xf32, #tpu.memory_space<hbm>> -> memref<1x625x16xf32, #tpu.memory_space<hbm>>
      %dma_wait3A_356 = tpu.memref_squeeze %dma_wait3A_355 : memref<1x625x16xf32, #tpu.memory_space<hbm>> -> memref<625x16xf32, #tpu.memory_space<hbm>>
      %dma_wait3A_357 = arith.constant 0 : i32
      %dma_wait3A_358 = tpu.memref_slice %arg19[%mul3A_4, %dma_wait3A_357] : memref<10112x16xf32, #tpu.memory_space<vmem_shared>> -> memref<625x16xf32, #tpu.memory_space<vmem_shared>>
      tpu.wait_dma2 semaphore(%run_scoped3A : memref<!tpu.dma_semaphore, #tpu.memory_space<semaphore_mem>>) src(%dma_wait3A_358 : memref<625x16xf32, #tpu.memory_space<vmem_shared>>) dst(%dma_wait3A_356 : memref<625x16xf32, #tpu.memory_space<hbm>>)
      tpu.yield
    }) : () -> ()
    return
  }
}

#map = affine_map<(d0, d1) -> (0, 0)>
#map1 = affine_map<(d0, d1) -> (0, 0, 0)>
module attributes {stable_mosaic.version = 14 : i64} {
  func.func @_sc_segsum_body(%arg0: i32, %arg1: i32, %arg2: memref<10000x16xf32, #tpu.memory_space<hbm>>, %arg3: memref<2500x2x128xi32, #tpu.memory_space<hbm>>, %arg4: memref<632x16xf32, #tpu.memory_space<hbm>>, %arg5: memref<2x10000x16xf32, #tpu.memory_space<hbm>>, %arg6: memref<78x2x128xi32, #tpu.memory_space<vmem>>, %arg7: memref<1x2x128xi32, #tpu.memory_space<vmem>>, %arg8: memref<128x16xf32, #tpu.memory_space<vmem>>, %arg9: memref<128x16xf32, #tpu.memory_space<vmem>>, %arg10: memref<128x16xf32, #tpu.memory_space<vmem>>, %arg11: memref<128x16xf32, #tpu.memory_space<vmem>>, %arg12: memref<128x16xf32, #tpu.memory_space<vmem>>, %arg13: memref<128x16xf32, #tpu.memory_space<vmem>>, %arg14: memref<10112x16xf32, #tpu.memory_space<vmem_shared>>, %arg15: memref<10112x16xf32, #tpu.memory_space<vmem_shared>>, %arg16: memref<!tpu.dma_semaphore, #tpu.memory_space<semaphore_mem>>, %arg17: memref<!tpu.dma_semaphore, #tpu.memory_space<semaphore_mem>>, %arg18: memref<!tpu.dma_semaphore, #tpu.memory_space<semaphore_mem>>, %arg19: memref<!tpu.dma_semaphore, #tpu.memory_space<semaphore_mem>>, %arg20: memref<!tpu.dma_semaphore, #tpu.memory_space<semaphore_mem>>, %arg21: memref<!tpu.dma_semaphore, #tpu.memory_space<semaphore_mem>>, %arg22: memref<!tpu.dma_semaphore, #tpu.memory_space<semaphore_mem>>, %arg23: memref<!tpu.dma_semaphore, #tpu.memory_space<semaphore_mem>>, %arg24: memref<!tpu.dma_semaphore, #tpu.memory_space<semaphore_mem>>, %arg25: memref<!tpu.dma_semaphore, #tpu.memory_space<semaphore_mem>>, %arg26: memref<!tpu.dma_semaphore, #tpu.memory_space<semaphore_mem>>, %arg27: memref<!tpu.dma_semaphore, #tpu.memory_space<semaphore_mem>>) attributes {dimension_semantics = [#tpu.dimension_semantics<core_parallel>, #tpu.dimension_semantics<subcore_parallel>], iteration_bounds = array<i64: 2, 16>, scalar_prefetch = 0 : i64, scratch_operands = 22 : i64, tpu.core_type = #tpu.core_type<sc_vector_subcore>, window_params = [{transform_indices = #map}, {transform_indices = #map1}, {transform_indices = #map}, {transform_indices = #map1}]} {
    %mul3A = arith.constant 16 : i32
    %mul3A_0 = arith.muli %arg0, %mul3A : i32
    %add3A = arith.addi %mul3A_0, %arg1 : i32
    %mul3A_1 = arith.constant 632 : i32
    %mul3A_2 = arith.muli %arg1, %mul3A_1 : i32
    %mul3A_3 = arith.constant 625 : i32
    %mul3A_4 = arith.muli %arg1, %mul3A_3 : i32
    "tpu.region"() ({
      %run_scoped3A = tpu.sem_alloc : memref<!tpu.dma_semaphore, #tpu.memory_space<semaphore_mem>>
      %dma_start3A_205 = arith.constant 0 : i32
      %dma_start3A_206 = tpu.memref_slice %arg14[%mul3A_4, %dma_start3A_205] : memref<10112x16xf32, #tpu.memory_space<vmem_shared>> -> memref<625x16xf32, #tpu.memory_space<vmem_shared>>
      %dma_start3A_207 = arith.constant 0 : i32
      %dma_start3A_208 = tpu.memref_slice %arg2[%mul3A_4, %dma_start3A_207] : memref<10000x16xf32, #tpu.memory_space<hbm>> -> memref<625x16xf32, #tpu.memory_space<hbm>>
      tpu.enqueue_dma source(%dma_start3A_208 : memref<625x16xf32, #tpu.memory_space<hbm>>) target(%dma_start3A_206 : memref<625x16xf32, #tpu.memory_space<vmem_shared>>) target_semaphore(%run_scoped3A : memref<!tpu.dma_semaphore, #tpu.memory_space<semaphore_mem>>)
      %dma_wait3A_209 = arith.constant 0 : i32
      %dma_wait3A_210 = tpu.memref_slice %arg14[%mul3A_4, %dma_wait3A_209] : memref<10112x16xf32, #tpu.memory_space<vmem_shared>> -> memref<625x16xf32, #tpu.memory_space<vmem_shared>>
      %dma_wait3A_211 = arith.constant 0 : i32
      %dma_wait3A_212 = tpu.memref_slice %arg2[%mul3A_4, %dma_wait3A_211] : memref<10000x16xf32, #tpu.memory_space<hbm>> -> memref<625x16xf32, #tpu.memory_space<hbm>>
      tpu.wait_dma2 semaphore(%run_scoped3A : memref<!tpu.dma_semaphore, #tpu.memory_space<semaphore_mem>>) src(%dma_wait3A_212 : memref<625x16xf32, #tpu.memory_space<hbm>>) dst(%dma_wait3A_210 : memref<625x16xf32, #tpu.memory_space<vmem_shared>>)
      tpu.yield
    }) : () -> ()
    "tpu.region"() ({
      %run_scoped3A = tpu.sem_alloc : memref<!tpu.dma_semaphore, #tpu.memory_space<semaphore_mem>>
      %dma_start3A_205 = arith.constant 0 : i32
      %dma_start3A_206 = tpu.memref_slice %arg15[%mul3A_2, %dma_start3A_205] : memref<10112x16xf32, #tpu.memory_space<vmem_shared>> -> memref<632x16xf32, #tpu.memory_space<vmem_shared>>
      tpu.enqueue_dma source(%arg4 : memref<632x16xf32, #tpu.memory_space<hbm>>) target(%dma_start3A_206 : memref<632x16xf32, #tpu.memory_space<vmem_shared>>) target_semaphore(%run_scoped3A : memref<!tpu.dma_semaphore, #tpu.memory_space<semaphore_mem>>)
      %dma_wait3A_207 = arith.constant 0 : i32
      %dma_wait3A_208 = tpu.memref_slice %arg15[%mul3A_2, %dma_wait3A_207] : memref<10112x16xf32, #tpu.memory_space<vmem_shared>> -> memref<632x16xf32, #tpu.memory_space<vmem_shared>>
      tpu.wait_dma2 semaphore(%run_scoped3A : memref<!tpu.dma_semaphore, #tpu.memory_space<semaphore_mem>>) src(%arg4 : memref<632x16xf32, #tpu.memory_space<hbm>>) dst(%dma_wait3A_208 : memref<632x16xf32, #tpu.memory_space<vmem_shared>>)
      tpu.yield
    }) : () -> ()
    %mul3A_5 = arith.constant 78 : i32
    %mul3A_6 = arith.muli %add3A, %mul3A_5 : i32
    "tpu.region"() ({
      %run_scoped3A = tpu.sem_alloc : memref<!tpu.dma_semaphore, #tpu.memory_space<semaphore_mem>>
      %dma_start3A_205 = arith.constant 0 : i32
      %dma_start3A_206 = arith.constant 0 : i32
      %dma_start3A_207 = tpu.memref_slice %arg3[%mul3A_6, %dma_start3A_205, %dma_start3A_206] : memref<2500x2x128xi32, #tpu.memory_space<hbm>> -> memref<78x2x128xi32, #tpu.memory_space<hbm>>
      %dma_start3A_208 = arith.constant 0 : i32
      %dma_start3A_209 = arith.constant 0 : i32
      %dma_start3A_210 = tpu.memref_slice %arg3[%mul3A_6, %dma_start3A_208, %dma_start3A_209] : memref<2500x2x128xi32, #tpu.memory_space<hbm>> -> memref<78x2x128xi32, #tpu.memory_space<hbm>>
      tpu.enqueue_dma source(%dma_start3A_210 : memref<78x2x128xi32, #tpu.memory_space<hbm>>) target(%arg6 : memref<78x2x128xi32, #tpu.memory_space<vmem>>) target_semaphore(%run_scoped3A : memref<!tpu.dma_semaphore, #tpu.memory_space<semaphore_mem>>)
      %dma_wait3A_211 = arith.constant 0 : i32
      %dma_wait3A_212 = arith.constant 0 : i32
      %dma_wait3A_213 = tpu.memref_slice %arg3[%mul3A_6, %dma_wait3A_211, %dma_wait3A_212] : memref<2500x2x128xi32, #tpu.memory_space<hbm>> -> memref<78x2x128xi32, #tpu.memory_space<hbm>>
      %dma_wait3A_214 = arith.constant 0 : i32
      %dma_wait3A_215 = arith.constant 0 : i32
      %dma_wait3A_216 = tpu.memref_slice %arg3[%mul3A_6, %dma_wait3A_214, %dma_wait3A_215] : memref<2500x2x128xi32, #tpu.memory_space<hbm>> -> memref<78x2x128xi32, #tpu.memory_space<hbm>>
      tpu.wait_dma2 semaphore(%run_scoped3A : memref<!tpu.dma_semaphore, #tpu.memory_space<semaphore_mem>>) src(%dma_wait3A_216 : memref<78x2x128xi32, #tpu.memory_space<hbm>>) dst(%arg6 : memref<78x2x128xi32, #tpu.memory_space<vmem>>)
      tpu.yield
    }) : () -> ()
    %barrier3A = arith.constant 0 : index
    tpu.barrier barrier_id(%barrier3A)
    %lt3A = arith.constant 4 : i32
    %lt3A_7 = arith.cmpi slt, %add3A, %lt3A : i32
    %convert_element_type3A = arith.extui %lt3A_7 : i1 to i32
    %cond3A = arith.constant 0 : i32
    %cond3A_8 = arith.cmpi ne, %convert_element_type3A, %cond3A : i32
    scf.if %cond3A_8 {
      %add3A_205 = arith.constant 2496 : i32
      %add3A_206 = arith.addi %add3A_205, %add3A : i32
      "tpu.region"() ({
        %run_scoped3A = tpu.sem_alloc : memref<!tpu.dma_semaphore, #tpu.memory_space<semaphore_mem>>
        %dma_start3A_239 = arith.constant 0 : i32
        %dma_start3A_240 = arith.constant 0 : i32
        %dma_start3A_241 = tpu.memref_slice %arg3[%add3A_206, %dma_start3A_239, %dma_start3A_240] : memref<2500x2x128xi32, #tpu.memory_space<hbm>> -> memref<1x2x128xi32, #tpu.memory_space<hbm>>
        %dma_start3A_242 = arith.constant 0 : i32
        %dma_start3A_243 = arith.constant 0 : i32
        %dma_start3A_244 = tpu.memref_slice %arg3[%add3A_206, %dma_start3A_242, %dma_start3A_243] : memref<2500x2x128xi32, #tpu.memory_space<hbm>> -> memref<1x2x128xi32, #tpu.memory_space<hbm>>
        tpu.enqueue_dma source(%dma_start3A_244 : memref<1x2x128xi32, #tpu.memory_space<hbm>>) target(%arg7 : memref<1x2x128xi32, #tpu.memory_space<vmem>>) target_semaphore(%run_scoped3A : memref<!tpu.dma_semaphore, #tpu.memory_space<semaphore_mem>>)
        %dma_wait3A_245 = arith.constant 0 : i32
        %dma_wait3A_246 = arith.constant 0 : i32
        %dma_wait3A_247 = tpu.memref_slice %arg3[%add3A_206, %dma_wait3A_245, %dma_wait3A_246] : memref<2500x2x128xi32, #tpu.memory_space<hbm>> -> memref<1x2x128xi32, #tpu.memory_space<hbm>>
        %dma_wait3A_248 = arith.constant 0 : i32
        %dma_wait3A_249 = arith.constant 0 : i32
        %dma_wait3A_250 = tpu.memref_slice %arg3[%add3A_206, %dma_wait3A_248, %dma_wait3A_249] : memref<2500x2x128xi32, #tpu.memory_space<hbm>> -> memref<1x2x128xi32, #tpu.memory_space<hbm>>
        tpu.wait_dma2 semaphore(%run_scoped3A : memref<!tpu.dma_semaphore, #tpu.memory_space<semaphore_mem>>) src(%dma_wait3A_250 : memref<1x2x128xi32, #tpu.memory_space<hbm>>) dst(%arg7 : memref<1x2x128xi32, #tpu.memory_space<vmem>>)
        tpu.yield
      }) : () -> ()
      %dma_start3A_207 = arith.constant 0 : i32
      %dma_start3A_208 = arith.constant 0 : i32
      %dma_start3A_209 = arith.constant 0 : i32
      %dma_start3A_210 = tpu.memref_slice %arg7[%dma_start3A_207, %dma_start3A_208, %dma_start3A_209] : memref<1x2x128xi32, #tpu.memory_space<vmem>> -> memref<1x1x128xi32, #tpu.memory_space<vmem>>
      %dma_start3A_211 = tpu.memref_squeeze %dma_start3A_210 : memref<1x1x128xi32, #tpu.memory_space<vmem>> -> memref<128xi32, #tpu.memory_space<vmem>>
      %dma_start3A_212 = arith.constant 0 : i32
      %dma_start3A_213 = arith.constant 0 : i32
      %dma_start3A_214 = tpu.memref_slice %arg14[%dma_start3A_212, %dma_start3A_213] : memref<10112x16xf32, #tpu.memory_space<vmem_shared>> -> memref<10112x16xf32, #tpu.memory_space<vmem_shared>>
      tpu.enqueue_indirect_dma source(%dma_start3A_214 : memref<10112x16xf32, #tpu.memory_space<vmem_shared>>) target(%arg8 : memref<128x16xf32, #tpu.memory_space<vmem>>) offsets(%dma_start3A_211 : memref<128xi32, #tpu.memory_space<vmem>>) semaphore(%arg16 : memref<!tpu.dma_semaphore, #tpu.memory_space<semaphore_mem>>)
      %dma_wait3A_215 = arith.constant 0 : i32
      %dma_wait3A_216 = arith.constant 0 : i32
      %dma_wait3A_217 = arith.constant 0 : i32
      %dma_wait3A_218 = tpu.memref_slice %arg7[%dma_wait3A_215, %dma_wait3A_216, %dma_wait3A_217] : memref<1x2x128xi32, #tpu.memory_space<vmem>> -> memref<1x1x128xi32, #tpu.memory_space<vmem>>
      %dma_wait3A_219 = tpu.memref_squeeze %dma_wait3A_218 : memref<1x1x128xi32, #tpu.memory_space<vmem>> -> memref<128xi32, #tpu.memory_space<vmem>>
      %dma_wait3A_220 = arith.constant 0 : i32
      %dma_wait3A_221 = arith.constant 0 : i32
      %dma_wait3A_222 = tpu.memref_slice %arg14[%dma_wait3A_220, %dma_wait3A_221] : memref<10112x16xf32, #tpu.memory_space<vmem_shared>> -> memref<10112x16xf32, #tpu.memory_space<vmem_shared>>
      tpu.wait_indirect_dma semaphore(%arg16 : memref<!tpu.dma_semaphore, #tpu.memory_space<semaphore_mem>>) src(%dma_wait3A_222 : memref<10112x16xf32, #tpu.memory_space<vmem_shared>>) dst(%arg8 : memref<128x16xf32, #tpu.memory_space<vmem>>)
      %dma_start3A_223 = arith.constant 0 : i32
      %dma_start3A_224 = arith.constant 1 : i32
      %dma_start3A_225 = arith.constant 0 : i32
      %dma_start3A_226 = tpu.memref_slice %arg7[%dma_start3A_223, %dma_start3A_224, %dma_start3A_225] : memref<1x2x128xi32, #tpu.memory_space<vmem>> -> memref<1x1x128xi32, #tpu.memory_space<vmem>>
      %dma_start3A_227 = tpu.memref_squeeze %dma_start3A_226 : memref<1x1x128xi32, #tpu.memory_space<vmem>> -> memref<128xi32, #tpu.memory_space<vmem>>
      %dma_start3A_228 = arith.constant 0 : i32
      %dma_start3A_229 = arith.constant 0 : i32
      %dma_start3A_230 = tpu.memref_slice %arg15[%dma_start3A_228, %dma_start3A_229] : memref<10112x16xf32, #tpu.memory_space<vmem_shared>> -> memref<10112x16xf32, #tpu.memory_space<vmem_shared>>
      tpu.enqueue_indirect_dma source(%arg8 : memref<128x16xf32, #tpu.memory_space<vmem>>) target(%dma_start3A_230 : memref<10112x16xf32, #tpu.memory_space<vmem_shared>>) offsets(%dma_start3A_227 : memref<128xi32, #tpu.memory_space<vmem>>) semaphore(%arg22 : memref<!tpu.dma_semaphore, #tpu.memory_space<semaphore_mem>>) {add = true}
      %dma_wait3A_231 = arith.constant 0 : i32
      %dma_wait3A_232 = arith.constant 1 : i32
      %dma_wait3A_233 = arith.constant 0 : i32
      %dma_wait3A_234 = tpu.memref_slice %arg7[%dma_wait3A_231, %dma_wait3A_232, %dma_wait3A_233] : memref<1x2x128xi32, #tpu.memory_space<vmem>> -> memref<1x1x128xi32, #tpu.memory_space<vmem>>
      %dma_wait3A_235 = tpu.memref_squeeze %dma_wait3A_234 : memref<1x1x128xi32, #tpu.memory_space<vmem>> -> memref<128xi32, #tpu.memory_space<vmem>>
      %dma_wait3A_236 = arith.constant 0 : i32
      %dma_wait3A_237 = arith.constant 0 : i32
      %dma_wait3A_238 = tpu.memref_slice %arg15[%dma_wait3A_236, %dma_wait3A_237] : memref<10112x16xf32, #tpu.memory_space<vmem_shared>> -> memref<10112x16xf32, #tpu.memory_space<vmem_shared>>
      tpu.wait_indirect_dma semaphore(%arg22 : memref<!tpu.dma_semaphore, #tpu.memory_space<semaphore_mem>>) src(%arg8 : memref<128x16xf32, #tpu.memory_space<vmem>>) dst(%dma_wait3A_238 : memref<10112x16xf32, #tpu.memory_space<vmem_shared>>)
    } else {
    }
    %dma_start3A = arith.constant 0 : i32
    %dma_start3A_9 = arith.constant 0 : i32
    %dma_start3A_10 = arith.constant 0 : i32
    %dma_start3A_11 = tpu.memref_slice %arg6[%dma_start3A, %dma_start3A_9, %dma_start3A_10] : memref<78x2x128xi32, #tpu.memory_space<vmem>> -> memref<1x1x128xi32, #tpu.memory_space<vmem>>
    %dma_start3A_12 = tpu.memref_squeeze %dma_start3A_11 : memref<1x1x128xi32, #tpu.memory_space<vmem>> -> memref<128xi32, #tpu.memory_space<vmem>>
    %dma_start3A_13 = arith.constant 0 : i32
    %dma_start3A_14 = arith.constant 0 : i32
    %dma_start3A_15 = tpu.memref_slice %arg14[%dma_start3A_13, %dma_start3A_14] : memref<10112x16xf32, #tpu.memory_space<vmem_shared>> -> memref<10112x16xf32, #tpu.memory_space<vmem_shared>>
    tpu.enqueue_indirect_dma source(%dma_start3A_15 : memref<10112x16xf32, #tpu.memory_space<vmem_shared>>) target(%arg8 : memref<128x16xf32, #tpu.memory_space<vmem>>) offsets(%dma_start3A_12 : memref<128xi32, #tpu.memory_space<vmem>>) semaphore(%arg16 : memref<!tpu.dma_semaphore, #tpu.memory_space<semaphore_mem>>)
    %dma_start3A_16 = arith.constant 1 : i32
    %dma_start3A_17 = arith.constant 0 : i32
    %dma_start3A_18 = arith.constant 0 : i32
    %dma_start3A_19 = tpu.memref_slice %arg6[%dma_start3A_16, %dma_start3A_17, %dma_start3A_18] : memref<78x2x128xi32, #tpu.memory_space<vmem>> -> memref<1x1x128xi32, #tpu.memory_space<vmem>>
    %dma_start3A_20 = tpu.memref_squeeze %dma_start3A_19 : memref<1x1x128xi32, #tpu.memory_space<vmem>> -> memref<128xi32, #tpu.memory_space<vmem>>
    %dma_start3A_21 = arith.constant 0 : i32
    %dma_start3A_22 = arith.constant 0 : i32
    %dma_start3A_23 = tpu.memref_slice %arg14[%dma_start3A_21, %dma_start3A_22] : memref<10112x16xf32, #tpu.memory_space<vmem_shared>> -> memref<10112x16xf32, #tpu.memory_space<vmem_shared>>
    tpu.enqueue_indirect_dma source(%dma_start3A_23 : memref<10112x16xf32, #tpu.memory_space<vmem_shared>>) target(%arg9 : memref<128x16xf32, #tpu.memory_space<vmem>>) offsets(%dma_start3A_20 : memref<128xi32, #tpu.memory_space<vmem>>) semaphore(%arg17 : memref<!tpu.dma_semaphore, #tpu.memory_space<semaphore_mem>>)
    %dma_start3A_24 = arith.constant 2 : i32
    %dma_start3A_25 = arith.constant 0 : i32
    %dma_start3A_26 = arith.constant 0 : i32
    %dma_start3A_27 = tpu.memref_slice %arg6[%dma_start3A_24, %dma_start3A_25, %dma_start3A_26] : memref<78x2x128xi32, #tpu.memory_space<vmem>> -> memref<1x1x128xi32, #tpu.memory_space<vmem>>
    %dma_start3A_28 = tpu.memref_squeeze %dma_start3A_27 : memref<1x1x128xi32, #tpu.memory_space<vmem>> -> memref<128xi32, #tpu.memory_space<vmem>>
    %dma_start3A_29 = arith.constant 0 : i32
    %dma_start3A_30 = arith.constant 0 : i32
    %dma_start3A_31 = tpu.memref_slice %arg14[%dma_start3A_29, %dma_start3A_30] : memref<10112x16xf32, #tpu.memory_space<vmem_shared>> -> memref<10112x16xf32, #tpu.memory_space<vmem_shared>>
    tpu.enqueue_indirect_dma source(%dma_start3A_31 : memref<10112x16xf32, #tpu.memory_space<vmem_shared>>) target(%arg10 : memref<128x16xf32, #tpu.memory_space<vmem>>) offsets(%dma_start3A_28 : memref<128xi32, #tpu.memory_space<vmem>>) semaphore(%arg18 : memref<!tpu.dma_semaphore, #tpu.memory_space<semaphore_mem>>)
    %dma_start3A_32 = arith.constant 3 : i32
    %dma_start3A_33 = arith.constant 0 : i32
    %dma_start3A_34 = arith.constant 0 : i32
    %dma_start3A_35 = tpu.memref_slice %arg6[%dma_start3A_32, %dma_start3A_33, %dma_start3A_34] : memref<78x2x128xi32, #tpu.memory_space<vmem>> -> memref<1x1x128xi32, #tpu.memory_space<vmem>>
    %dma_start3A_36 = tpu.memref_squeeze %dma_start3A_35 : memref<1x1x128xi32, #tpu.memory_space<vmem>> -> memref<128xi32, #tpu.memory_space<vmem>>
    %dma_start3A_37 = arith.constant 0 : i32
    %dma_start3A_38 = arith.constant 0 : i32
    %dma_start3A_39 = tpu.memref_slice %arg14[%dma_start3A_37, %dma_start3A_38] : memref<10112x16xf32, #tpu.memory_space<vmem_shared>> -> memref<10112x16xf32, #tpu.memory_space<vmem_shared>>
    tpu.enqueue_indirect_dma source(%dma_start3A_39 : memref<10112x16xf32, #tpu.memory_space<vmem_shared>>) target(%arg11 : memref<128x16xf32, #tpu.memory_space<vmem>>) offsets(%dma_start3A_36 : memref<128xi32, #tpu.memory_space<vmem>>) semaphore(%arg19 : memref<!tpu.dma_semaphore, #tpu.memory_space<semaphore_mem>>)
    %dma_start3A_40 = arith.constant 4 : i32
    %dma_start3A_41 = arith.constant 0 : i32
    %dma_start3A_42 = arith.constant 0 : i32
    %dma_start3A_43 = tpu.memref_slice %arg6[%dma_start3A_40, %dma_start3A_41, %dma_start3A_42] : memref<78x2x128xi32, #tpu.memory_space<vmem>> -> memref<1x1x128xi32, #tpu.memory_space<vmem>>
    %dma_start3A_44 = tpu.memref_squeeze %dma_start3A_43 : memref<1x1x128xi32, #tpu.memory_space<vmem>> -> memref<128xi32, #tpu.memory_space<vmem>>
    %dma_start3A_45 = arith.constant 0 : i32
    %dma_start3A_46 = arith.constant 0 : i32
    %dma_start3A_47 = tpu.memref_slice %arg14[%dma_start3A_45, %dma_start3A_46] : memref<10112x16xf32, #tpu.memory_space<vmem_shared>> -> memref<10112x16xf32, #tpu.memory_space<vmem_shared>>
    tpu.enqueue_indirect_dma source(%dma_start3A_47 : memref<10112x16xf32, #tpu.memory_space<vmem_shared>>) target(%arg12 : memref<128x16xf32, #tpu.memory_space<vmem>>) offsets(%dma_start3A_44 : memref<128xi32, #tpu.memory_space<vmem>>) semaphore(%arg20 : memref<!tpu.dma_semaphore, #tpu.memory_space<semaphore_mem>>)
    %dma_start3A_48 = arith.constant 5 : i32
    %dma_start3A_49 = arith.constant 0 : i32
    %dma_start3A_50 = arith.constant 0 : i32
    %dma_start3A_51 = tpu.memref_slice %arg6[%dma_start3A_48, %dma_start3A_49, %dma_start3A_50] : memref<78x2x128xi32, #tpu.memory_space<vmem>> -> memref<1x1x128xi32, #tpu.memory_space<vmem>>
    %dma_start3A_52 = tpu.memref_squeeze %dma_start3A_51 : memref<1x1x128xi32, #tpu.memory_space<vmem>> -> memref<128xi32, #tpu.memory_space<vmem>>
    %dma_start3A_53 = arith.constant 0 : i32
    %dma_start3A_54 = arith.constant 0 : i32
    %dma_start3A_55 = tpu.memref_slice %arg14[%dma_start3A_53, %dma_start3A_54] : memref<10112x16xf32, #tpu.memory_space<vmem_shared>> -> memref<10112x16xf32, #tpu.memory_space<vmem_shared>>
    tpu.enqueue_indirect_dma source(%dma_start3A_55 : memref<10112x16xf32, #tpu.memory_space<vmem_shared>>) target(%arg13 : memref<128x16xf32, #tpu.memory_space<vmem>>) offsets(%dma_start3A_52 : memref<128xi32, #tpu.memory_space<vmem>>) semaphore(%arg21 : memref<!tpu.dma_semaphore, #tpu.memory_space<semaphore_mem>>)
    %scan3A = arith.constant 0 : i32
    %scan3A_56 = arith.constant 0 : i32
    %scan3A_57 = arith.constant 12 : i32
    %scan3A_58 = arith.addi %scan3A_56, %scan3A_57 : i32
    %scan3A_59 = arith.constant 1 : i32
    scf.for %scan3A_205 = %scan3A_56 to %scan3A_58 step %scan3A_59  : i32 {
      %mul3A_206 = arith.constant 6 : i32
      %mul3A_207 = arith.muli %scan3A_205, %mul3A_206 : i32
      %add3A_208 = arith.constant 0 : i32
      %add3A_209 = arith.addi %mul3A_207, %add3A_208 : i32
      %dma_wait3A_210 = arith.constant 0 : i32
      %dma_wait3A_211 = arith.constant 0 : i32
      %dma_wait3A_212 = arith.constant 0 : i32
      %dma_wait3A_213 = tpu.memref_slice %arg6[%dma_wait3A_210, %dma_wait3A_211, %dma_wait3A_212] : memref<78x2x128xi32, #tpu.memory_space<vmem>> -> memref<1x1x128xi32, #tpu.memory_space<vmem>>
      %dma_wait3A_214 = tpu.memref_squeeze %dma_wait3A_213 : memref<1x1x128xi32, #tpu.memory_space<vmem>> -> memref<128xi32, #tpu.memory_space<vmem>>
      %dma_wait3A_215 = arith.constant 0 : i32
      %dma_wait3A_216 = arith.constant 0 : i32
      %dma_wait3A_217 = tpu.memref_slice %arg14[%dma_wait3A_215, %dma_wait3A_216] : memref<10112x16xf32, #tpu.memory_space<vmem_shared>> -> memref<10112x16xf32, #tpu.memory_space<vmem_shared>>
      tpu.wait_indirect_dma semaphore(%arg16 : memref<!tpu.dma_semaphore, #tpu.memory_space<semaphore_mem>>) src(%dma_wait3A_217 : memref<10112x16xf32, #tpu.memory_space<vmem_shared>>) dst(%arg8 : memref<128x16xf32, #tpu.memory_space<vmem>>)
      %dma_start3A_218 = arith.constant 1 : i32
      %dma_start3A_219 = arith.constant 0 : i32
      %dma_start3A_220 = tpu.memref_slice %arg6[%add3A_209, %dma_start3A_218, %dma_start3A_219] : memref<78x2x128xi32, #tpu.memory_space<vmem>> -> memref<1x1x128xi32, #tpu.memory_space<vmem>>
      %dma_start3A_221 = tpu.memref_squeeze %dma_start3A_220 : memref<1x1x128xi32, #tpu.memory_space<vmem>> -> memref<128xi32, #tpu.memory_space<vmem>>
      %dma_start3A_222 = arith.constant 0 : i32
      %dma_start3A_223 = arith.constant 0 : i32
      %dma_start3A_224 = tpu.memref_slice %arg15[%dma_start3A_222, %dma_start3A_223] : memref<10112x16xf32, #tpu.memory_space<vmem_shared>> -> memref<10112x16xf32, #tpu.memory_space<vmem_shared>>
      tpu.enqueue_indirect_dma source(%arg8 : memref<128x16xf32, #tpu.memory_space<vmem>>) target(%dma_start3A_224 : memref<10112x16xf32, #tpu.memory_space<vmem_shared>>) offsets(%dma_start3A_221 : memref<128xi32, #tpu.memory_space<vmem>>) semaphore(%arg22 : memref<!tpu.dma_semaphore, #tpu.memory_space<semaphore_mem>>) {add = true}
      %mul3A_225 = arith.constant 6 : i32
      %mul3A_226 = arith.muli %scan3A_205, %mul3A_225 : i32
      %add3A_227 = arith.constant 1 : i32
      %add3A_228 = arith.addi %mul3A_226, %add3A_227 : i32
      %dma_wait3A_229 = arith.constant 0 : i32
      %dma_wait3A_230 = arith.constant 0 : i32
      %dma_wait3A_231 = arith.constant 0 : i32
      %dma_wait3A_232 = tpu.memref_slice %arg6[%dma_wait3A_229, %dma_wait3A_230, %dma_wait3A_231] : memref<78x2x128xi32, #tpu.memory_space<vmem>> -> memref<1x1x128xi32, #tpu.memory_space<vmem>>
      %dma_wait3A_233 = tpu.memref_squeeze %dma_wait3A_232 : memref<1x1x128xi32, #tpu.memory_space<vmem>> -> memref<128xi32, #tpu.memory_space<vmem>>
      %dma_wait3A_234 = arith.constant 0 : i32
      %dma_wait3A_235 = arith.constant 0 : i32
      %dma_wait3A_236 = tpu.memref_slice %arg14[%dma_wait3A_234, %dma_wait3A_235] : memref<10112x16xf32, #tpu.memory_space<vmem_shared>> -> memref<10112x16xf32, #tpu.memory_space<vmem_shared>>
      tpu.wait_indirect_dma semaphore(%arg17 : memref<!tpu.dma_semaphore, #tpu.memory_space<semaphore_mem>>) src(%dma_wait3A_236 : memref<10112x16xf32, #tpu.memory_space<vmem_shared>>) dst(%arg9 : memref<128x16xf32, #tpu.memory_space<vmem>>)
      %dma_start3A_237 = arith.constant 1 : i32
      %dma_start3A_238 = arith.constant 0 : i32
      %dma_start3A_239 = tpu.memref_slice %arg6[%add3A_228, %dma_start3A_237, %dma_start3A_238] : memref<78x2x128xi32, #tpu.memory_space<vmem>> -> memref<1x1x128xi32, #tpu.memory_space<vmem>>
      %dma_start3A_240 = tpu.memref_squeeze %dma_start3A_239 : memref<1x1x128xi32, #tpu.memory_space<vmem>> -> memref<128xi32, #tpu.memory_space<vmem>>
      %dma_start3A_241 = arith.constant 0 : i32
      %dma_start3A_242 = arith.constant 0 : i32
      %dma_start3A_243 = tpu.memref_slice %arg15[%dma_start3A_241, %dma_start3A_242] : memref<10112x16xf32, #tpu.memory_space<vmem_shared>> -> memref<10112x16xf32, #tpu.memory_space<vmem_shared>>
      tpu.enqueue_indirect_dma source(%arg9 : memref<128x16xf32, #tpu.memory_space<vmem>>) target(%dma_start3A_243 : memref<10112x16xf32, #tpu.memory_space<vmem_shared>>) offsets(%dma_start3A_240 : memref<128xi32, #tpu.memory_space<vmem>>) semaphore(%arg23 : memref<!tpu.dma_semaphore, #tpu.memory_space<semaphore_mem>>) {add = true}
      %mul3A_244 = arith.constant 6 : i32
      %mul3A_245 = arith.muli %scan3A_205, %mul3A_244 : i32
      %add3A_246 = arith.constant 2 : i32
      %add3A_247 = arith.addi %mul3A_245, %add3A_246 : i32
      %dma_wait3A_248 = arith.constant 0 : i32
      %dma_wait3A_249 = arith.constant 0 : i32
      %dma_wait3A_250 = arith.constant 0 : i32
      %dma_wait3A_251 = tpu.memref_slice %arg6[%dma_wait3A_248, %dma_wait3A_249, %dma_wait3A_250] : memref<78x2x128xi32, #tpu.memory_space<vmem>> -> memref<1x1x128xi32, #tpu.memory_space<vmem>>
      %dma_wait3A_252 = tpu.memref_squeeze %dma_wait3A_251 : memref<1x1x128xi32, #tpu.memory_space<vmem>> -> memref<128xi32, #tpu.memory_space<vmem>>
      %dma_wait3A_253 = arith.constant 0 : i32
      %dma_wait3A_254 = arith.constant 0 : i32
      %dma_wait3A_255 = tpu.memref_slice %arg14[%dma_wait3A_253, %dma_wait3A_254] : memref<10112x16xf32, #tpu.memory_space<vmem_shared>> -> memref<10112x16xf32, #tpu.memory_space<vmem_shared>>
      tpu.wait_indirect_dma semaphore(%arg18 : memref<!tpu.dma_semaphore, #tpu.memory_space<semaphore_mem>>) src(%dma_wait3A_255 : memref<10112x16xf32, #tpu.memory_space<vmem_shared>>) dst(%arg10 : memref<128x16xf32, #tpu.memory_space<vmem>>)
      %dma_start3A_256 = arith.constant 1 : i32
      %dma_start3A_257 = arith.constant 0 : i32
      %dma_start3A_258 = tpu.memref_slice %arg6[%add3A_247, %dma_start3A_256, %dma_start3A_257] : memref<78x2x128xi32, #tpu.memory_space<vmem>> -> memref<1x1x128xi32, #tpu.memory_space<vmem>>
      %dma_start3A_259 = tpu.memref_squeeze %dma_start3A_258 : memref<1x1x128xi32, #tpu.memory_space<vmem>> -> memref<128xi32, #tpu.memory_space<vmem>>
      %dma_start3A_260 = arith.constant 0 : i32
      %dma_start3A_261 = arith.constant 0 : i32
      %dma_start3A_262 = tpu.memref_slice %arg15[%dma_start3A_260, %dma_start3A_261] : memref<10112x16xf32, #tpu.memory_space<vmem_shared>> -> memref<10112x16xf32, #tpu.memory_space<vmem_shared>>
      tpu.enqueue_indirect_dma source(%arg10 : memref<128x16xf32, #tpu.memory_space<vmem>>) target(%dma_start3A_262 : memref<10112x16xf32, #tpu.memory_space<vmem_shared>>) offsets(%dma_start3A_259 : memref<128xi32, #tpu.memory_space<vmem>>) semaphore(%arg24 : memref<!tpu.dma_semaphore, #tpu.memory_space<semaphore_mem>>) {add = true}
      %mul3A_263 = arith.constant 6 : i32
      %mul3A_264 = arith.muli %scan3A_205, %mul3A_263 : i32
      %add3A_265 = arith.constant 3 : i32
      %add3A_266 = arith.addi %mul3A_264, %add3A_265 : i32
      %dma_wait3A_267 = arith.constant 0 : i32
      %dma_wait3A_268 = arith.constant 0 : i32
      %dma_wait3A_269 = arith.constant 0 : i32
      %dma_wait3A_270 = tpu.memref_slice %arg6[%dma_wait3A_267, %dma_wait3A_268, %dma_wait3A_269] : memref<78x2x128xi32, #tpu.memory_space<vmem>> -> memref<1x1x128xi32, #tpu.memory_space<vmem>>
      %dma_wait3A_271 = tpu.memref_squeeze %dma_wait3A_270 : memref<1x1x128xi32, #tpu.memory_space<vmem>> -> memref<128xi32, #tpu.memory_space<vmem>>
      %dma_wait3A_272 = arith.constant 0 : i32
      %dma_wait3A_273 = arith.constant 0 : i32
      %dma_wait3A_274 = tpu.memref_slice %arg14[%dma_wait3A_272, %dma_wait3A_273] : memref<10112x16xf32, #tpu.memory_space<vmem_shared>> -> memref<10112x16xf32, #tpu.memory_space<vmem_shared>>
      tpu.wait_indirect_dma semaphore(%arg19 : memref<!tpu.dma_semaphore, #tpu.memory_space<semaphore_mem>>) src(%dma_wait3A_274 : memref<10112x16xf32, #tpu.memory_space<vmem_shared>>) dst(%arg11 : memref<128x16xf32, #tpu.memory_space<vmem>>)
      %dma_start3A_275 = arith.constant 1 : i32
      %dma_start3A_276 = arith.constant 0 : i32
      %dma_start3A_277 = tpu.memref_slice %arg6[%add3A_266, %dma_start3A_275, %dma_start3A_276] : memref<78x2x128xi32, #tpu.memory_space<vmem>> -> memref<1x1x128xi32, #tpu.memory_space<vmem>>
      %dma_start3A_278 = tpu.memref_squeeze %dma_start3A_277 : memref<1x1x128xi32, #tpu.memory_space<vmem>> -> memref<128xi32, #tpu.memory_space<vmem>>
      %dma_start3A_279 = arith.constant 0 : i32
      %dma_start3A_280 = arith.constant 0 : i32
      %dma_start3A_281 = tpu.memref_slice %arg15[%dma_start3A_279, %dma_start3A_280] : memref<10112x16xf32, #tpu.memory_space<vmem_shared>> -> memref<10112x16xf32, #tpu.memory_space<vmem_shared>>
      tpu.enqueue_indirect_dma source(%arg11 : memref<128x16xf32, #tpu.memory_space<vmem>>) target(%dma_start3A_281 : memref<10112x16xf32, #tpu.memory_space<vmem_shared>>) offsets(%dma_start3A_278 : memref<128xi32, #tpu.memory_space<vmem>>) semaphore(%arg25 : memref<!tpu.dma_semaphore, #tpu.memory_space<semaphore_mem>>) {add = true}
      %mul3A_282 = arith.constant 6 : i32
      %mul3A_283 = arith.muli %scan3A_205, %mul3A_282 : i32
      %add3A_284 = arith.constant 4 : i32
      %add3A_285 = arith.addi %mul3A_283, %add3A_284 : i32
      %dma_wait3A_286 = arith.constant 0 : i32
      %dma_wait3A_287 = arith.constant 0 : i32
      %dma_wait3A_288 = arith.constant 0 : i32
      %dma_wait3A_289 = tpu.memref_slice %arg6[%dma_wait3A_286, %dma_wait3A_287, %dma_wait3A_288] : memref<78x2x128xi32, #tpu.memory_space<vmem>> -> memref<1x1x128xi32, #tpu.memory_space<vmem>>
      %dma_wait3A_290 = tpu.memref_squeeze %dma_wait3A_289 : memref<1x1x128xi32, #tpu.memory_space<vmem>> -> memref<128xi32, #tpu.memory_space<vmem>>
      %dma_wait3A_291 = arith.constant 0 : i32
      %dma_wait3A_292 = arith.constant 0 : i32
      %dma_wait3A_293 = tpu.memref_slice %arg14[%dma_wait3A_291, %dma_wait3A_292] : memref<10112x16xf32, #tpu.memory_space<vmem_shared>> -> memref<10112x16xf32, #tpu.memory_space<vmem_shared>>
      tpu.wait_indirect_dma semaphore(%arg20 : memref<!tpu.dma_semaphore, #tpu.memory_space<semaphore_mem>>) src(%dma_wait3A_293 : memref<10112x16xf32, #tpu.memory_space<vmem_shared>>) dst(%arg12 : memref<128x16xf32, #tpu.memory_space<vmem>>)
      %dma_start3A_294 = arith.constant 1 : i32
      %dma_start3A_295 = arith.constant 0 : i32
      %dma_start3A_296 = tpu.memref_slice %arg6[%add3A_285, %dma_start3A_294, %dma_start3A_295] : memref<78x2x128xi32, #tpu.memory_space<vmem>> -> memref<1x1x128xi32, #tpu.memory_space<vmem>>
      %dma_start3A_297 = tpu.memref_squeeze %dma_start3A_296 : memref<1x1x128xi32, #tpu.memory_space<vmem>> -> memref<128xi32, #tpu.memory_space<vmem>>
      %dma_start3A_298 = arith.constant 0 : i32
      %dma_start3A_299 = arith.constant 0 : i32
      %dma_start3A_300 = tpu.memref_slice %arg15[%dma_start3A_298, %dma_start3A_299] : memref<10112x16xf32, #tpu.memory_space<vmem_shared>> -> memref<10112x16xf32, #tpu.memory_space<vmem_shared>>
      tpu.enqueue_indirect_dma source(%arg12 : memref<128x16xf32, #tpu.memory_space<vmem>>) target(%dma_start3A_300 : memref<10112x16xf32, #tpu.memory_space<vmem_shared>>) offsets(%dma_start3A_297 : memref<128xi32, #tpu.memory_space<vmem>>) semaphore(%arg26 : memref<!tpu.dma_semaphore, #tpu.memory_space<semaphore_mem>>) {add = true}
      %mul3A_301 = arith.constant 6 : i32
      %mul3A_302 = arith.muli %scan3A_205, %mul3A_301 : i32
      %add3A_303 = arith.constant 5 : i32
      %add3A_304 = arith.addi %mul3A_302, %add3A_303 : i32
      %dma_wait3A_305 = arith.constant 0 : i32
      %dma_wait3A_306 = arith.constant 0 : i32
      %dma_wait3A_307 = arith.constant 0 : i32
      %dma_wait3A_308 = tpu.memref_slice %arg6[%dma_wait3A_305, %dma_wait3A_306, %dma_wait3A_307] : memref<78x2x128xi32, #tpu.memory_space<vmem>> -> memref<1x1x128xi32, #tpu.memory_space<vmem>>
      %dma_wait3A_309 = tpu.memref_squeeze %dma_wait3A_308 : memref<1x1x128xi32, #tpu.memory_space<vmem>> -> memref<128xi32, #tpu.memory_space<vmem>>
      %dma_wait3A_310 = arith.constant 0 : i32
      %dma_wait3A_311 = arith.constant 0 : i32
      %dma_wait3A_312 = tpu.memref_slice %arg14[%dma_wait3A_310, %dma_wait3A_311] : memref<10112x16xf32, #tpu.memory_space<vmem_shared>> -> memref<10112x16xf32, #tpu.memory_space<vmem_shared>>
      tpu.wait_indirect_dma semaphore(%arg21 : memref<!tpu.dma_semaphore, #tpu.memory_space<semaphore_mem>>) src(%dma_wait3A_312 : memref<10112x16xf32, #tpu.memory_space<vmem_shared>>) dst(%arg13 : memref<128x16xf32, #tpu.memory_space<vmem>>)
      %dma_start3A_313 = arith.constant 1 : i32
      %dma_start3A_314 = arith.constant 0 : i32
      %dma_start3A_315 = tpu.memref_slice %arg6[%add3A_304, %dma_start3A_313, %dma_start3A_314] : memref<78x2x128xi32, #tpu.memory_space<vmem>> -> memref<1x1x128xi32, #tpu.memory_space<vmem>>
      %dma_start3A_316 = tpu.memref_squeeze %dma_start3A_315 : memref<1x1x128xi32, #tpu.memory_space<vmem>> -> memref<128xi32, #tpu.memory_space<vmem>>
      %dma_start3A_317 = arith.constant 0 : i32
      %dma_start3A_318 = arith.constant 0 : i32
      %dma_start3A_319 = tpu.memref_slice %arg15[%dma_start3A_317, %dma_start3A_318] : memref<10112x16xf32, #tpu.memory_space<vmem_shared>> -> memref<10112x16xf32, #tpu.memory_space<vmem_shared>>
      tpu.enqueue_indirect_dma source(%arg13 : memref<128x16xf32, #tpu.memory_space<vmem>>) target(%dma_start3A_319 : memref<10112x16xf32, #tpu.memory_space<vmem_shared>>) offsets(%dma_start3A_316 : memref<128xi32, #tpu.memory_space<vmem>>) semaphore(%arg27 : memref<!tpu.dma_semaphore, #tpu.memory_space<semaphore_mem>>) {add = true}
      %dma_wait3A_320 = arith.constant 0 : i32
      %dma_wait3A_321 = arith.constant 1 : i32
      %dma_wait3A_322 = arith.constant 0 : i32
      %dma_wait3A_323 = tpu.memref_slice %arg6[%dma_wait3A_320, %dma_wait3A_321, %dma_wait3A_322] : memref<78x2x128xi32, #tpu.memory_space<vmem>> -> memref<1x1x128xi32, #tpu.memory_space<vmem>>
      %dma_wait3A_324 = tpu.memref_squeeze %dma_wait3A_323 : memref<1x1x128xi32, #tpu.memory_space<vmem>> -> memref<128xi32, #tpu.memory_space<vmem>>
      %dma_wait3A_325 = arith.constant 0 : i32
      %dma_wait3A_326 = arith.constant 0 : i32
      %dma_wait3A_327 = tpu.memref_slice %arg15[%dma_wait3A_325, %dma_wait3A_326] : memref<10112x16xf32, #tpu.memory_space<vmem_shared>> -> memref<10112x16xf32, #tpu.memory_space<vmem_shared>>
      tpu.wait_indirect_dma semaphore(%arg22 : memref<!tpu.dma_semaphore, #tpu.memory_space<semaphore_mem>>) src(%arg8 : memref<128x16xf32, #tpu.memory_space<vmem>>) dst(%dma_wait3A_327 : memref<10112x16xf32, #tpu.memory_space<vmem_shared>>)
      %add3A_328 = arith.constant 1 : i32
      %add3A_329 = arith.addi %scan3A_205, %add3A_328 : i32
      %mul3A_330 = arith.constant 6 : i32
      %mul3A_331 = arith.muli %add3A_329, %mul3A_330 : i32
      %add3A_332 = arith.constant 0 : i32
      %add3A_333 = arith.addi %mul3A_331, %add3A_332 : i32
      %dma_start3A_334 = arith.constant 0 : i32
      %dma_start3A_335 = arith.constant 0 : i32
      %dma_start3A_336 = tpu.memref_slice %arg6[%add3A_333, %dma_start3A_334, %dma_start3A_335] : memref<78x2x128xi32, #tpu.memory_space<vmem>> -> memref<1x1x128xi32, #tpu.memory_space<vmem>>
      %dma_start3A_337 = tpu.memref_squeeze %dma_start3A_336 : memref<1x1x128xi32, #tpu.memory_space<vmem>> -> memref<128xi32, #tpu.memory_space<vmem>>
      %dma_start3A_338 = arith.constant 0 : i32
      %dma_start3A_339 = arith.constant 0 : i32
      %dma_start3A_340 = tpu.memref_slice %arg14[%dma_start3A_338, %dma_start3A_339] : memref<10112x16xf32, #tpu.memory_space<vmem_shared>> -> memref<10112x16xf32, #tpu.memory_space<vmem_shared>>
      tpu.enqueue_indirect_dma source(%dma_start3A_340 : memref<10112x16xf32, #tpu.memory_space<vmem_shared>>) target(%arg8 : memref<128x16xf32, #tpu.memory_space<vmem>>) offsets(%dma_start3A_337 : memref<128xi32, #tpu.memory_space<vmem>>) semaphore(%arg16 : memref<!tpu.dma_semaphore, #tpu.memory_space<semaphore_mem>>)
      %dma_wait3A_341 = arith.constant 0 : i32
      %dma_wait3A_342 = arith.constant 1 : i32
      %dma_wait3A_343 = arith.constant 0 : i32
      %dma_wait3A_344 = tpu.memref_slice %arg6[%dma_wait3A_341, %dma_wait3A_342, %dma_wait3A_343] : memref<78x2x128xi32, #tpu.memory_space<vmem>> -> memref<1x1x128xi32, #tpu.memory_space<vmem>>
      %dma_wait3A_345 = tpu.memref_squeeze %dma_wait3A_344 : memref<1x1x128xi32, #tpu.memory_space<vmem>> -> memref<128xi32, #tpu.memory_space<vmem>>
      %dma_wait3A_346 = arith.constant 0 : i32
      %dma_wait3A_347 = arith.constant 0 : i32
      %dma_wait3A_348 = tpu.memref_slice %arg15[%dma_wait3A_346, %dma_wait3A_347] : memref<10112x16xf32, #tpu.memory_space<vmem_shared>> -> memref<10112x16xf32, #tpu.memory_space<vmem_shared>>
      tpu.wait_indirect_dma semaphore(%arg23 : memref<!tpu.dma_semaphore, #tpu.memory_space<semaphore_mem>>) src(%arg9 : memref<128x16xf32, #tpu.memory_space<vmem>>) dst(%dma_wait3A_348 : memref<10112x16xf32, #tpu.memory_space<vmem_shared>>)
      %add3A_349 = arith.constant 1 : i32
      %add3A_350 = arith.addi %scan3A_205, %add3A_349 : i32
      %mul3A_351 = arith.constant 6 : i32
      %mul3A_352 = arith.muli %add3A_350, %mul3A_351 : i32
      %add3A_353 = arith.constant 1 : i32
      %add3A_354 = arith.addi %mul3A_352, %add3A_353 : i32
      %dma_start3A_355 = arith.constant 0 : i32
      %dma_start3A_356 = arith.constant 0 : i32
      %dma_start3A_357 = tpu.memref_slice %arg6[%add3A_354, %dma_start3A_355, %dma_start3A_356] : memref<78x2x128xi32, #tpu.memory_space<vmem>> -> memref<1x1x128xi32, #tpu.memory_space<vmem>>
      %dma_start3A_358 = tpu.memref_squeeze %dma_start3A_357 : memref<1x1x128xi32, #tpu.memory_space<vmem>> -> memref<128xi32, #tpu.memory_space<vmem>>
      %dma_start3A_359 = arith.constant 0 : i32
      %dma_start3A_360 = arith.constant 0 : i32
      %dma_start3A_361 = tpu.memref_slice %arg14[%dma_start3A_359, %dma_start3A_360] : memref<10112x16xf32, #tpu.memory_space<vmem_shared>> -> memref<10112x16xf32, #tpu.memory_space<vmem_shared>>
      tpu.enqueue_indirect_dma source(%dma_start3A_361 : memref<10112x16xf32, #tpu.memory_space<vmem_shared>>) target(%arg9 : memref<128x16xf32, #tpu.memory_space<vmem>>) offsets(%dma_start3A_358 : memref<128xi32, #tpu.memory_space<vmem>>) semaphore(%arg17 : memref<!tpu.dma_semaphore, #tpu.memory_space<semaphore_mem>>)
      %dma_wait3A_362 = arith.constant 0 : i32
      %dma_wait3A_363 = arith.constant 1 : i32
      %dma_wait3A_364 = arith.constant 0 : i32
      %dma_wait3A_365 = tpu.memref_slice %arg6[%dma_wait3A_362, %dma_wait3A_363, %dma_wait3A_364] : memref<78x2x128xi32, #tpu.memory_space<vmem>> -> memref<1x1x128xi32, #tpu.memory_space<vmem>>
      %dma_wait3A_366 = tpu.memref_squeeze %dma_wait3A_365 : memref<1x1x128xi32, #tpu.memory_space<vmem>> -> memref<128xi32, #tpu.memory_space<vmem>>
      %dma_wait3A_367 = arith.constant 0 : i32
      %dma_wait3A_368 = arith.constant 0 : i32
      %dma_wait3A_369 = tpu.memref_slice %arg15[%dma_wait3A_367, %dma_wait3A_368] : memref<10112x16xf32, #tpu.memory_space<vmem_shared>> -> memref<10112x16xf32, #tpu.memory_space<vmem_shared>>
      tpu.wait_indirect_dma semaphore(%arg24 : memref<!tpu.dma_semaphore, #tpu.memory_space<semaphore_mem>>) src(%arg10 : memref<128x16xf32, #tpu.memory_space<vmem>>) dst(%dma_wait3A_369 : memref<10112x16xf32, #tpu.memory_space<vmem_shared>>)
      %add3A_370 = arith.constant 1 : i32
      %add3A_371 = arith.addi %scan3A_205, %add3A_370 : i32
      %mul3A_372 = arith.constant 6 : i32
      %mul3A_373 = arith.muli %add3A_371, %mul3A_372 : i32
      %add3A_374 = arith.constant 2 : i32
      %add3A_375 = arith.addi %mul3A_373, %add3A_374 : i32
      %dma_start3A_376 = arith.constant 0 : i32
      %dma_start3A_377 = arith.constant 0 : i32
      %dma_start3A_378 = tpu.memref_slice %arg6[%add3A_375, %dma_start3A_376, %dma_start3A_377] : memref<78x2x128xi32, #tpu.memory_space<vmem>> -> memref<1x1x128xi32, #tpu.memory_space<vmem>>
      %dma_start3A_379 = tpu.memref_squeeze %dma_start3A_378 : memref<1x1x128xi32, #tpu.memory_space<vmem>> -> memref<128xi32, #tpu.memory_space<vmem>>
      %dma_start3A_380 = arith.constant 0 : i32
      %dma_start3A_381 = arith.constant 0 : i32
      %dma_start3A_382 = tpu.memref_slice %arg14[%dma_start3A_380, %dma_start3A_381] : memref<10112x16xf32, #tpu.memory_space<vmem_shared>> -> memref<10112x16xf32, #tpu.memory_space<vmem_shared>>
      tpu.enqueue_indirect_dma source(%dma_start3A_382 : memref<10112x16xf32, #tpu.memory_space<vmem_shared>>) target(%arg10 : memref<128x16xf32, #tpu.memory_space<vmem>>) offsets(%dma_start3A_379 : memref<128xi32, #tpu.memory_space<vmem>>) semaphore(%arg18 : memref<!tpu.dma_semaphore, #tpu.memory_space<semaphore_mem>>)
      %dma_wait3A_383 = arith.constant 0 : i32
      %dma_wait3A_384 = arith.constant 1 : i32
      %dma_wait3A_385 = arith.constant 0 : i32
      %dma_wait3A_386 = tpu.memref_slice %arg6[%dma_wait3A_383, %dma_wait3A_384, %dma_wait3A_385] : memref<78x2x128xi32, #tpu.memory_space<vmem>> -> memref<1x1x128xi32, #tpu.memory_space<vmem>>
      %dma_wait3A_387 = tpu.memref_squeeze %dma_wait3A_386 : memref<1x1x128xi32, #tpu.memory_space<vmem>> -> memref<128xi32, #tpu.memory_space<vmem>>
      %dma_wait3A_388 = arith.constant 0 : i32
      %dma_wait3A_389 = arith.constant 0 : i32
      %dma_wait3A_390 = tpu.memref_slice %arg15[%dma_wait3A_388, %dma_wait3A_389] : memref<10112x16xf32, #tpu.memory_space<vmem_shared>> -> memref<10112x16xf32, #tpu.memory_space<vmem_shared>>
      tpu.wait_indirect_dma semaphore(%arg25 : memref<!tpu.dma_semaphore, #tpu.memory_space<semaphore_mem>>) src(%arg11 : memref<128x16xf32, #tpu.memory_space<vmem>>) dst(%dma_wait3A_390 : memref<10112x16xf32, #tpu.memory_space<vmem_shared>>)
      %add3A_391 = arith.constant 1 : i32
      %add3A_392 = arith.addi %scan3A_205, %add3A_391 : i32
      %mul3A_393 = arith.constant 6 : i32
      %mul3A_394 = arith.muli %add3A_392, %mul3A_393 : i32
      %add3A_395 = arith.constant 3 : i32
      %add3A_396 = arith.addi %mul3A_394, %add3A_395 : i32
      %dma_start3A_397 = arith.constant 0 : i32
      %dma_start3A_398 = arith.constant 0 : i32
      %dma_start3A_399 = tpu.memref_slice %arg6[%add3A_396, %dma_start3A_397, %dma_start3A_398] : memref<78x2x128xi32, #tpu.memory_space<vmem>> -> memref<1x1x128xi32, #tpu.memory_space<vmem>>
      %dma_start3A_400 = tpu.memref_squeeze %dma_start3A_399 : memref<1x1x128xi32, #tpu.memory_space<vmem>> -> memref<128xi32, #tpu.memory_space<vmem>>
      %dma_start3A_401 = arith.constant 0 : i32
      %dma_start3A_402 = arith.constant 0 : i32
      %dma_start3A_403 = tpu.memref_slice %arg14[%dma_start3A_401, %dma_start3A_402] : memref<10112x16xf32, #tpu.memory_space<vmem_shared>> -> memref<10112x16xf32, #tpu.memory_space<vmem_shared>>
      tpu.enqueue_indirect_dma source(%dma_start3A_403 : memref<10112x16xf32, #tpu.memory_space<vmem_shared>>) target(%arg11 : memref<128x16xf32, #tpu.memory_space<vmem>>) offsets(%dma_start3A_400 : memref<128xi32, #tpu.memory_space<vmem>>) semaphore(%arg19 : memref<!tpu.dma_semaphore, #tpu.memory_space<semaphore_mem>>)
      %dma_wait3A_404 = arith.constant 0 : i32
      %dma_wait3A_405 = arith.constant 1 : i32
      %dma_wait3A_406 = arith.constant 0 : i32
      %dma_wait3A_407 = tpu.memref_slice %arg6[%dma_wait3A_404, %dma_wait3A_405, %dma_wait3A_406] : memref<78x2x128xi32, #tpu.memory_space<vmem>> -> memref<1x1x128xi32, #tpu.memory_space<vmem>>
      %dma_wait3A_408 = tpu.memref_squeeze %dma_wait3A_407 : memref<1x1x128xi32, #tpu.memory_space<vmem>> -> memref<128xi32, #tpu.memory_space<vmem>>
      %dma_wait3A_409 = arith.constant 0 : i32
      %dma_wait3A_410 = arith.constant 0 : i32
      %dma_wait3A_411 = tpu.memref_slice %arg15[%dma_wait3A_409, %dma_wait3A_410] : memref<10112x16xf32, #tpu.memory_space<vmem_shared>> -> memref<10112x16xf32, #tpu.memory_space<vmem_shared>>
      tpu.wait_indirect_dma semaphore(%arg26 : memref<!tpu.dma_semaphore, #tpu.memory_space<semaphore_mem>>) src(%arg12 : memref<128x16xf32, #tpu.memory_space<vmem>>) dst(%dma_wait3A_411 : memref<10112x16xf32, #tpu.memory_space<vmem_shared>>)
      %add3A_412 = arith.constant 1 : i32
      %add3A_413 = arith.addi %scan3A_205, %add3A_412 : i32
      %mul3A_414 = arith.constant 6 : i32
      %mul3A_415 = arith.muli %add3A_413, %mul3A_414 : i32
      %add3A_416 = arith.constant 4 : i32
      %add3A_417 = arith.addi %mul3A_415, %add3A_416 : i32
      %dma_start3A_418 = arith.constant 0 : i32
      %dma_start3A_419 = arith.constant 0 : i32
      %dma_start3A_420 = tpu.memref_slice %arg6[%add3A_417, %dma_start3A_418, %dma_start3A_419] : memref<78x2x128xi32, #tpu.memory_space<vmem>> -> memref<1x1x128xi32, #tpu.memory_space<vmem>>
      %dma_start3A_421 = tpu.memref_squeeze %dma_start3A_420 : memref<1x1x128xi32, #tpu.memory_space<vmem>> -> memref<128xi32, #tpu.memory_space<vmem>>
      %dma_start3A_422 = arith.constant 0 : i32
      %dma_start3A_423 = arith.constant 0 : i32
      %dma_start3A_424 = tpu.memref_slice %arg14[%dma_start3A_422, %dma_start3A_423] : memref<10112x16xf32, #tpu.memory_space<vmem_shared>> -> memref<10112x16xf32, #tpu.memory_space<vmem_shared>>
      tpu.enqueue_indirect_dma source(%dma_start3A_424 : memref<10112x16xf32, #tpu.memory_space<vmem_shared>>) target(%arg12 : memref<128x16xf32, #tpu.memory_space<vmem>>) offsets(%dma_start3A_421 : memref<128xi32, #tpu.memory_space<vmem>>) semaphore(%arg20 : memref<!tpu.dma_semaphore, #tpu.memory_space<semaphore_mem>>)
      %dma_wait3A_425 = arith.constant 0 : i32
      %dma_wait3A_426 = arith.constant 1 : i32
      %dma_wait3A_427 = arith.constant 0 : i32
      %dma_wait3A_428 = tpu.memref_slice %arg6[%dma_wait3A_425, %dma_wait3A_426, %dma_wait3A_427] : memref<78x2x128xi32, #tpu.memory_space<vmem>> -> memref<1x1x128xi32, #tpu.memory_space<vmem>>
      %dma_wait3A_429 = tpu.memref_squeeze %dma_wait3A_428 : memref<1x1x128xi32, #tpu.memory_space<vmem>> -> memref<128xi32, #tpu.memory_space<vmem>>
      %dma_wait3A_430 = arith.constant 0 : i32
      %dma_wait3A_431 = arith.constant 0 : i32
      %dma_wait3A_432 = tpu.memref_slice %arg15[%dma_wait3A_430, %dma_wait3A_431] : memref<10112x16xf32, #tpu.memory_space<vmem_shared>> -> memref<10112x16xf32, #tpu.memory_space<vmem_shared>>
      tpu.wait_indirect_dma semaphore(%arg27 : memref<!tpu.dma_semaphore, #tpu.memory_space<semaphore_mem>>) src(%arg13 : memref<128x16xf32, #tpu.memory_space<vmem>>) dst(%dma_wait3A_432 : memref<10112x16xf32, #tpu.memory_space<vmem_shared>>)
      %add3A_433 = arith.constant 1 : i32
      %add3A_434 = arith.addi %scan3A_205, %add3A_433 : i32
      %mul3A_435 = arith.constant 6 : i32
      %mul3A_436 = arith.muli %add3A_434, %mul3A_435 : i32
      %add3A_437 = arith.constant 5 : i32
      %add3A_438 = arith.addi %mul3A_436, %add3A_437 : i32
      %dma_start3A_439 = arith.constant 0 : i32
      %dma_start3A_440 = arith.constant 0 : i32
      %dma_start3A_441 = tpu.memref_slice %arg6[%add3A_438, %dma_start3A_439, %dma_start3A_440] : memref<78x2x128xi32, #tpu.memory_space<vmem>> -> memref<1x1x128xi32, #tpu.memory_space<vmem>>
      %dma_start3A_442 = tpu.memref_squeeze %dma_start3A_441 : memref<1x1x128xi32, #tpu.memory_space<vmem>> -> memref<128xi32, #tpu.memory_space<vmem>>
      %dma_start3A_443 = arith.constant 0 : i32
      %dma_start3A_444 = arith.constant 0 : i32
      %dma_start3A_445 = tpu.memref_slice %arg14[%dma_start3A_443, %dma_start3A_444] : memref<10112x16xf32, #tpu.memory_space<vmem_shared>> -> memref<10112x16xf32, #tpu.memory_space<vmem_shared>>
      tpu.enqueue_indirect_dma source(%dma_start3A_445 : memref<10112x16xf32, #tpu.memory_space<vmem_shared>>) target(%arg13 : memref<128x16xf32, #tpu.memory_space<vmem>>) offsets(%dma_start3A_442 : memref<128xi32, #tpu.memory_space<vmem>>) semaphore(%arg21 : memref<!tpu.dma_semaphore, #tpu.memory_space<semaphore_mem>>)
    }
    %scan3A_60 = arith.constant 12 : i32
    %dma_wait3A = arith.constant 0 : i32
    %dma_wait3A_61 = arith.constant 0 : i32
    %dma_wait3A_62 = arith.constant 0 : i32
    %dma_wait3A_63 = tpu.memref_slice %arg6[%dma_wait3A, %dma_wait3A_61, %dma_wait3A_62] : memref<78x2x128xi32, #tpu.memory_space<vmem>> -> memref<1x1x128xi32, #tpu.memory_space<vmem>>
    %dma_wait3A_64 = tpu.memref_squeeze %dma_wait3A_63 : memref<1x1x128xi32, #tpu.memory_space<vmem>> -> memref<128xi32, #tpu.memory_space<vmem>>
    %dma_wait3A_65 = arith.constant 0 : i32
    %dma_wait3A_66 = arith.constant 0 : i32
    %dma_wait3A_67 = tpu.memref_slice %arg14[%dma_wait3A_65, %dma_wait3A_66] : memref<10112x16xf32, #tpu.memory_space<vmem_shared>> -> memref<10112x16xf32, #tpu.memory_space<vmem_shared>>
    tpu.wait_indirect_dma semaphore(%arg16 : memref<!tpu.dma_semaphore, #tpu.memory_space<semaphore_mem>>) src(%dma_wait3A_67 : memref<10112x16xf32, #tpu.memory_space<vmem_shared>>) dst(%arg8 : memref<128x16xf32, #tpu.memory_space<vmem>>)
    %dma_start3A_68 = arith.constant 72 : i32
    %dma_start3A_69 = arith.constant 1 : i32
    %dma_start3A_70 = arith.constant 0 : i32
    %dma_start3A_71 = tpu.memref_slice %arg6[%dma_start3A_68, %dma_start3A_69, %dma_start3A_70] : memref<78x2x128xi32, #tpu.memory_space<vmem>> -> memref<1x1x128xi32, #tpu.memory_space<vmem>>
    %dma_start3A_72 = tpu.memref_squeeze %dma_start3A_71 : memref<1x1x128xi32, #tpu.memory_space<vmem>> -> memref<128xi32, #tpu.memory_space<vmem>>
    %dma_start3A_73 = arith.constant 0 : i32
    %dma_start3A_74 = arith.constant 0 : i32
    %dma_start3A_75 = tpu.memref_slice %arg15[%dma_start3A_73, %dma_start3A_74] : memref<10112x16xf32, #tpu.memory_space<vmem_shared>> -> memref<10112x16xf32, #tpu.memory_space<vmem_shared>>
    tpu.enqueue_indirect_dma source(%arg8 : memref<128x16xf32, #tpu.memory_space<vmem>>) target(%dma_start3A_75 : memref<10112x16xf32, #tpu.memory_space<vmem_shared>>) offsets(%dma_start3A_72 : memref<128xi32, #tpu.memory_space<vmem>>) semaphore(%arg22 : memref<!tpu.dma_semaphore, #tpu.memory_space<semaphore_mem>>) {add = true}
    %dma_wait3A_76 = arith.constant 0 : i32
    %dma_wait3A_77 = arith.constant 0 : i32
    %dma_wait3A_78 = arith.constant 0 : i32
    %dma_wait3A_79 = tpu.memref_slice %arg6[%dma_wait3A_76, %dma_wait3A_77, %dma_wait3A_78] : memref<78x2x128xi32, #tpu.memory_space<vmem>> -> memref<1x1x128xi32, #tpu.memory_space<vmem>>
    %dma_wait3A_80 = tpu.memref_squeeze %dma_wait3A_79 : memref<1x1x128xi32, #tpu.memory_space<vmem>> -> memref<128xi32, #tpu.memory_space<vmem>>
    %dma_wait3A_81 = arith.constant 0 : i32
    %dma_wait3A_82 = arith.constant 0 : i32
    %dma_wait3A_83 = tpu.memref_slice %arg14[%dma_wait3A_81, %dma_wait3A_82] : memref<10112x16xf32, #tpu.memory_space<vmem_shared>> -> memref<10112x16xf32, #tpu.memory_space<vmem_shared>>
    tpu.wait_indirect_dma semaphore(%arg17 : memref<!tpu.dma_semaphore, #tpu.memory_space<semaphore_mem>>) src(%dma_wait3A_83 : memref<10112x16xf32, #tpu.memory_space<vmem_shared>>) dst(%arg9 : memref<128x16xf32, #tpu.memory_space<vmem>>)
    %dma_start3A_84 = arith.constant 73 : i32
    %dma_start3A_85 = arith.constant 1 : i32
    %dma_start3A_86 = arith.constant 0 : i32
    %dma_start3A_87 = tpu.memref_slice %arg6[%dma_start3A_84, %dma_start3A_85, %dma_start3A_86] : memref<78x2x128xi32, #tpu.memory_space<vmem>> -> memref<1x1x128xi32, #tpu.memory_space<vmem>>
    %dma_start3A_88 = tpu.memref_squeeze %dma_start3A_87 : memref<1x1x128xi32, #tpu.memory_space<vmem>> -> memref<128xi32, #tpu.memory_space<vmem>>
    %dma_start3A_89 = arith.constant 0 : i32
    %dma_start3A_90 = arith.constant 0 : i32
    %dma_start3A_91 = tpu.memref_slice %arg15[%dma_start3A_89, %dma_start3A_90] : memref<10112x16xf32, #tpu.memory_space<vmem_shared>> -> memref<10112x16xf32, #tpu.memory_space<vmem_shared>>
    tpu.enqueue_indirect_dma source(%arg9 : memref<128x16xf32, #tpu.memory_space<vmem>>) target(%dma_start3A_91 : memref<10112x16xf32, #tpu.memory_space<vmem_shared>>) offsets(%dma_start3A_88 : memref<128xi32, #tpu.memory_space<vmem>>) semaphore(%arg23 : memref<!tpu.dma_semaphore, #tpu.memory_space<semaphore_mem>>) {add = true}
    %dma_wait3A_92 = arith.constant 0 : i32
    %dma_wait3A_93 = arith.constant 0 : i32
    %dma_wait3A_94 = arith.constant 0 : i32
    %dma_wait3A_95 = tpu.memref_slice %arg6[%dma_wait3A_92, %dma_wait3A_93, %dma_wait3A_94] : memref<78x2x128xi32, #tpu.memory_space<vmem>> -> memref<1x1x128xi32, #tpu.memory_space<vmem>>
    %dma_wait3A_96 = tpu.memref_squeeze %dma_wait3A_95 : memref<1x1x128xi32, #tpu.memory_space<vmem>> -> memref<128xi32, #tpu.memory_space<vmem>>
    %dma_wait3A_97 = arith.constant 0 : i32
    %dma_wait3A_98 = arith.constant 0 : i32
    %dma_wait3A_99 = tpu.memref_slice %arg14[%dma_wait3A_97, %dma_wait3A_98] : memref<10112x16xf32, #tpu.memory_space<vmem_shared>> -> memref<10112x16xf32, #tpu.memory_space<vmem_shared>>
    tpu.wait_indirect_dma semaphore(%arg18 : memref<!tpu.dma_semaphore, #tpu.memory_space<semaphore_mem>>) src(%dma_wait3A_99 : memref<10112x16xf32, #tpu.memory_space<vmem_shared>>) dst(%arg10 : memref<128x16xf32, #tpu.memory_space<vmem>>)
    %dma_start3A_100 = arith.constant 74 : i32
    %dma_start3A_101 = arith.constant 1 : i32
    %dma_start3A_102 = arith.constant 0 : i32
    %dma_start3A_103 = tpu.memref_slice %arg6[%dma_start3A_100, %dma_start3A_101, %dma_start3A_102] : memref<78x2x128xi32, #tpu.memory_space<vmem>> -> memref<1x1x128xi32, #tpu.memory_space<vmem>>
    %dma_start3A_104 = tpu.memref_squeeze %dma_start3A_103 : memref<1x1x128xi32, #tpu.memory_space<vmem>> -> memref<128xi32, #tpu.memory_space<vmem>>
    %dma_start3A_105 = arith.constant 0 : i32
    %dma_start3A_106 = arith.constant 0 : i32
    %dma_start3A_107 = tpu.memref_slice %arg15[%dma_start3A_105, %dma_start3A_106] : memref<10112x16xf32, #tpu.memory_space<vmem_shared>> -> memref<10112x16xf32, #tpu.memory_space<vmem_shared>>
    tpu.enqueue_indirect_dma source(%arg10 : memref<128x16xf32, #tpu.memory_space<vmem>>) target(%dma_start3A_107 : memref<10112x16xf32, #tpu.memory_space<vmem_shared>>) offsets(%dma_start3A_104 : memref<128xi32, #tpu.memory_space<vmem>>) semaphore(%arg24 : memref<!tpu.dma_semaphore, #tpu.memory_space<semaphore_mem>>) {add = true}
    %dma_wait3A_108 = arith.constant 0 : i32
    %dma_wait3A_109 = arith.constant 0 : i32
    %dma_wait3A_110 = arith.constant 0 : i32
    %dma_wait3A_111 = tpu.memref_slice %arg6[%dma_wait3A_108, %dma_wait3A_109, %dma_wait3A_110] : memref<78x2x128xi32, #tpu.memory_space<vmem>> -> memref<1x1x128xi32, #tpu.memory_space<vmem>>
    %dma_wait3A_112 = tpu.memref_squeeze %dma_wait3A_111 : memref<1x1x128xi32, #tpu.memory_space<vmem>> -> memref<128xi32, #tpu.memory_space<vmem>>
    %dma_wait3A_113 = arith.constant 0 : i32
    %dma_wait3A_114 = arith.constant 0 : i32
    %dma_wait3A_115 = tpu.memref_slice %arg14[%dma_wait3A_113, %dma_wait3A_114] : memref<10112x16xf32, #tpu.memory_space<vmem_shared>> -> memref<10112x16xf32, #tpu.memory_space<vmem_shared>>
    tpu.wait_indirect_dma semaphore(%arg19 : memref<!tpu.dma_semaphore, #tpu.memory_space<semaphore_mem>>) src(%dma_wait3A_115 : memref<10112x16xf32, #tpu.memory_space<vmem_shared>>) dst(%arg11 : memref<128x16xf32, #tpu.memory_space<vmem>>)
    %dma_start3A_116 = arith.constant 75 : i32
    %dma_start3A_117 = arith.constant 1 : i32
    %dma_start3A_118 = arith.constant 0 : i32
    %dma_start3A_119 = tpu.memref_slice %arg6[%dma_start3A_116, %dma_start3A_117, %dma_start3A_118] : memref<78x2x128xi32, #tpu.memory_space<vmem>> -> memref<1x1x128xi32, #tpu.memory_space<vmem>>
    %dma_start3A_120 = tpu.memref_squeeze %dma_start3A_119 : memref<1x1x128xi32, #tpu.memory_space<vmem>> -> memref<128xi32, #tpu.memory_space<vmem>>
    %dma_start3A_121 = arith.constant 0 : i32
    %dma_start3A_122 = arith.constant 0 : i32
    %dma_start3A_123 = tpu.memref_slice %arg15[%dma_start3A_121, %dma_start3A_122] : memref<10112x16xf32, #tpu.memory_space<vmem_shared>> -> memref<10112x16xf32, #tpu.memory_space<vmem_shared>>
    tpu.enqueue_indirect_dma source(%arg11 : memref<128x16xf32, #tpu.memory_space<vmem>>) target(%dma_start3A_123 : memref<10112x16xf32, #tpu.memory_space<vmem_shared>>) offsets(%dma_start3A_120 : memref<128xi32, #tpu.memory_space<vmem>>) semaphore(%arg25 : memref<!tpu.dma_semaphore, #tpu.memory_space<semaphore_mem>>) {add = true}
    %dma_wait3A_124 = arith.constant 0 : i32
    %dma_wait3A_125 = arith.constant 0 : i32
    %dma_wait3A_126 = arith.constant 0 : i32
    %dma_wait3A_127 = tpu.memref_slice %arg6[%dma_wait3A_124, %dma_wait3A_125, %dma_wait3A_126] : memref<78x2x128xi32, #tpu.memory_space<vmem>> -> memref<1x1x128xi32, #tpu.memory_space<vmem>>
    %dma_wait3A_128 = tpu.memref_squeeze %dma_wait3A_127 : memref<1x1x128xi32, #tpu.memory_space<vmem>> -> memref<128xi32, #tpu.memory_space<vmem>>
    %dma_wait3A_129 = arith.constant 0 : i32
    %dma_wait3A_130 = arith.constant 0 : i32
    %dma_wait3A_131 = tpu.memref_slice %arg14[%dma_wait3A_129, %dma_wait3A_130] : memref<10112x16xf32, #tpu.memory_space<vmem_shared>> -> memref<10112x16xf32, #tpu.memory_space<vmem_shared>>
    tpu.wait_indirect_dma semaphore(%arg20 : memref<!tpu.dma_semaphore, #tpu.memory_space<semaphore_mem>>) src(%dma_wait3A_131 : memref<10112x16xf32, #tpu.memory_space<vmem_shared>>) dst(%arg12 : memref<128x16xf32, #tpu.memory_space<vmem>>)
    %dma_start3A_132 = arith.constant 76 : i32
    %dma_start3A_133 = arith.constant 1 : i32
    %dma_start3A_134 = arith.constant 0 : i32
    %dma_start3A_135 = tpu.memref_slice %arg6[%dma_start3A_132, %dma_start3A_133, %dma_start3A_134] : memref<78x2x128xi32, #tpu.memory_space<vmem>> -> memref<1x1x128xi32, #tpu.memory_space<vmem>>
    %dma_start3A_136 = tpu.memref_squeeze %dma_start3A_135 : memref<1x1x128xi32, #tpu.memory_space<vmem>> -> memref<128xi32, #tpu.memory_space<vmem>>
    %dma_start3A_137 = arith.constant 0 : i32
    %dma_start3A_138 = arith.constant 0 : i32
    %dma_start3A_139 = tpu.memref_slice %arg15[%dma_start3A_137, %dma_start3A_138] : memref<10112x16xf32, #tpu.memory_space<vmem_shared>> -> memref<10112x16xf32, #tpu.memory_space<vmem_shared>>
    tpu.enqueue_indirect_dma source(%arg12 : memref<128x16xf32, #tpu.memory_space<vmem>>) target(%dma_start3A_139 : memref<10112x16xf32, #tpu.memory_space<vmem_shared>>) offsets(%dma_start3A_136 : memref<128xi32, #tpu.memory_space<vmem>>) semaphore(%arg26 : memref<!tpu.dma_semaphore, #tpu.memory_space<semaphore_mem>>) {add = true}
    %dma_wait3A_140 = arith.constant 0 : i32
    %dma_wait3A_141 = arith.constant 0 : i32
    %dma_wait3A_142 = arith.constant 0 : i32
    %dma_wait3A_143 = tpu.memref_slice %arg6[%dma_wait3A_140, %dma_wait3A_141, %dma_wait3A_142] : memref<78x2x128xi32, #tpu.memory_space<vmem>> -> memref<1x1x128xi32, #tpu.memory_space<vmem>>
    %dma_wait3A_144 = tpu.memref_squeeze %dma_wait3A_143 : memref<1x1x128xi32, #tpu.memory_space<vmem>> -> memref<128xi32, #tpu.memory_space<vmem>>
    %dma_wait3A_145 = arith.constant 0 : i32
    %dma_wait3A_146 = arith.constant 0 : i32
    %dma_wait3A_147 = tpu.memref_slice %arg14[%dma_wait3A_145, %dma_wait3A_146] : memref<10112x16xf32, #tpu.memory_space<vmem_shared>> -> memref<10112x16xf32, #tpu.memory_space<vmem_shared>>
    tpu.wait_indirect_dma semaphore(%arg21 : memref<!tpu.dma_semaphore, #tpu.memory_space<semaphore_mem>>) src(%dma_wait3A_147 : memref<10112x16xf32, #tpu.memory_space<vmem_shared>>) dst(%arg13 : memref<128x16xf32, #tpu.memory_space<vmem>>)
    %dma_start3A_148 = arith.constant 77 : i32
    %dma_start3A_149 = arith.constant 1 : i32
    %dma_start3A_150 = arith.constant 0 : i32
    %dma_start3A_151 = tpu.memref_slice %arg6[%dma_start3A_148, %dma_start3A_149, %dma_start3A_150] : memref<78x2x128xi32, #tpu.memory_space<vmem>> -> memref<1x1x128xi32, #tpu.memory_space<vmem>>
    %dma_start3A_152 = tpu.memref_squeeze %dma_start3A_151 : memref<1x1x128xi32, #tpu.memory_space<vmem>> -> memref<128xi32, #tpu.memory_space<vmem>>
    %dma_start3A_153 = arith.constant 0 : i32
    %dma_start3A_154 = arith.constant 0 : i32
    %dma_start3A_155 = tpu.memref_slice %arg15[%dma_start3A_153, %dma_start3A_154] : memref<10112x16xf32, #tpu.memory_space<vmem_shared>> -> memref<10112x16xf32, #tpu.memory_space<vmem_shared>>
    tpu.enqueue_indirect_dma source(%arg13 : memref<128x16xf32, #tpu.memory_space<vmem>>) target(%dma_start3A_155 : memref<10112x16xf32, #tpu.memory_space<vmem_shared>>) offsets(%dma_start3A_152 : memref<128xi32, #tpu.memory_space<vmem>>) semaphore(%arg27 : memref<!tpu.dma_semaphore, #tpu.memory_space<semaphore_mem>>) {add = true}
    %dma_wait3A_156 = arith.constant 0 : i32
    %dma_wait3A_157 = arith.constant 1 : i32
    %dma_wait3A_158 = arith.constant 0 : i32
    %dma_wait3A_159 = tpu.memref_slice %arg6[%dma_wait3A_156, %dma_wait3A_157, %dma_wait3A_158] : memref<78x2x128xi32, #tpu.memory_space<vmem>> -> memref<1x1x128xi32, #tpu.memory_space<vmem>>
    %dma_wait3A_160 = tpu.memref_squeeze %dma_wait3A_159 : memref<1x1x128xi32, #tpu.memory_space<vmem>> -> memref<128xi32, #tpu.memory_space<vmem>>
    %dma_wait3A_161 = arith.constant 0 : i32
    %dma_wait3A_162 = arith.constant 0 : i32
    %dma_wait3A_163 = tpu.memref_slice %arg15[%dma_wait3A_161, %dma_wait3A_162] : memref<10112x16xf32, #tpu.memory_space<vmem_shared>> -> memref<10112x16xf32, #tpu.memory_space<vmem_shared>>
    tpu.wait_indirect_dma semaphore(%arg22 : memref<!tpu.dma_semaphore, #tpu.memory_space<semaphore_mem>>) src(%arg8 : memref<128x16xf32, #tpu.memory_space<vmem>>) dst(%dma_wait3A_163 : memref<10112x16xf32, #tpu.memory_space<vmem_shared>>)
    %dma_wait3A_164 = arith.constant 0 : i32
    %dma_wait3A_165 = arith.constant 1 : i32
    %dma_wait3A_166 = arith.constant 0 : i32
    %dma_wait3A_167 = tpu.memref_slice %arg6[%dma_wait3A_164, %dma_wait3A_165, %dma_wait3A_166] : memref<78x2x128xi32, #tpu.memory_space<vmem>> -> memref<1x1x128xi32, #tpu.memory_space<vmem>>
    %dma_wait3A_168 = tpu.memref_squeeze %dma_wait3A_167 : memref<1x1x128xi32, #tpu.memory_space<vmem>> -> memref<128xi32, #tpu.memory_space<vmem>>
    %dma_wait3A_169 = arith.constant 0 : i32
    %dma_wait3A_170 = arith.constant 0 : i32
    %dma_wait3A_171 = tpu.memref_slice %arg15[%dma_wait3A_169, %dma_wait3A_170] : memref<10112x16xf32, #tpu.memory_space<vmem_shared>> -> memref<10112x16xf32, #tpu.memory_space<vmem_shared>>
    tpu.wait_indirect_dma semaphore(%arg23 : memref<!tpu.dma_semaphore, #tpu.memory_space<semaphore_mem>>) src(%arg9 : memref<128x16xf32, #tpu.memory_space<vmem>>) dst(%dma_wait3A_171 : memref<10112x16xf32, #tpu.memory_space<vmem_shared>>)
    %dma_wait3A_172 = arith.constant 0 : i32
    %dma_wait3A_173 = arith.constant 1 : i32
    %dma_wait3A_174 = arith.constant 0 : i32
    %dma_wait3A_175 = tpu.memref_slice %arg6[%dma_wait3A_172, %dma_wait3A_173, %dma_wait3A_174] : memref<78x2x128xi32, #tpu.memory_space<vmem>> -> memref<1x1x128xi32, #tpu.memory_space<vmem>>
    %dma_wait3A_176 = tpu.memref_squeeze %dma_wait3A_175 : memref<1x1x128xi32, #tpu.memory_space<vmem>> -> memref<128xi32, #tpu.memory_space<vmem>>
    %dma_wait3A_177 = arith.constant 0 : i32
    %dma_wait3A_178 = arith.constant 0 : i32
    %dma_wait3A_179 = tpu.memref_slice %arg15[%dma_wait3A_177, %dma_wait3A_178] : memref<10112x16xf32, #tpu.memory_space<vmem_shared>> -> memref<10112x16xf32, #tpu.memory_space<vmem_shared>>
    tpu.wait_indirect_dma semaphore(%arg24 : memref<!tpu.dma_semaphore, #tpu.memory_space<semaphore_mem>>) src(%arg10 : memref<128x16xf32, #tpu.memory_space<vmem>>) dst(%dma_wait3A_179 : memref<10112x16xf32, #tpu.memory_space<vmem_shared>>)
    %dma_wait3A_180 = arith.constant 0 : i32
    %dma_wait3A_181 = arith.constant 1 : i32
    %dma_wait3A_182 = arith.constant 0 : i32
    %dma_wait3A_183 = tpu.memref_slice %arg6[%dma_wait3A_180, %dma_wait3A_181, %dma_wait3A_182] : memref<78x2x128xi32, #tpu.memory_space<vmem>> -> memref<1x1x128xi32, #tpu.memory_space<vmem>>
    %dma_wait3A_184 = tpu.memref_squeeze %dma_wait3A_183 : memref<1x1x128xi32, #tpu.memory_space<vmem>> -> memref<128xi32, #tpu.memory_space<vmem>>
    %dma_wait3A_185 = arith.constant 0 : i32
    %dma_wait3A_186 = arith.constant 0 : i32
    %dma_wait3A_187 = tpu.memref_slice %arg15[%dma_wait3A_185, %dma_wait3A_186] : memref<10112x16xf32, #tpu.memory_space<vmem_shared>> -> memref<10112x16xf32, #tpu.memory_space<vmem_shared>>
    tpu.wait_indirect_dma semaphore(%arg25 : memref<!tpu.dma_semaphore, #tpu.memory_space<semaphore_mem>>) src(%arg11 : memref<128x16xf32, #tpu.memory_space<vmem>>) dst(%dma_wait3A_187 : memref<10112x16xf32, #tpu.memory_space<vmem_shared>>)
    %dma_wait3A_188 = arith.constant 0 : i32
    %dma_wait3A_189 = arith.constant 1 : i32
    %dma_wait3A_190 = arith.constant 0 : i32
    %dma_wait3A_191 = tpu.memref_slice %arg6[%dma_wait3A_188, %dma_wait3A_189, %dma_wait3A_190] : memref<78x2x128xi32, #tpu.memory_space<vmem>> -> memref<1x1x128xi32, #tpu.memory_space<vmem>>
    %dma_wait3A_192 = tpu.memref_squeeze %dma_wait3A_191 : memref<1x1x128xi32, #tpu.memory_space<vmem>> -> memref<128xi32, #tpu.memory_space<vmem>>
    %dma_wait3A_193 = arith.constant 0 : i32
    %dma_wait3A_194 = arith.constant 0 : i32
    %dma_wait3A_195 = tpu.memref_slice %arg15[%dma_wait3A_193, %dma_wait3A_194] : memref<10112x16xf32, #tpu.memory_space<vmem_shared>> -> memref<10112x16xf32, #tpu.memory_space<vmem_shared>>
    tpu.wait_indirect_dma semaphore(%arg26 : memref<!tpu.dma_semaphore, #tpu.memory_space<semaphore_mem>>) src(%arg12 : memref<128x16xf32, #tpu.memory_space<vmem>>) dst(%dma_wait3A_195 : memref<10112x16xf32, #tpu.memory_space<vmem_shared>>)
    %dma_wait3A_196 = arith.constant 0 : i32
    %dma_wait3A_197 = arith.constant 1 : i32
    %dma_wait3A_198 = arith.constant 0 : i32
    %dma_wait3A_199 = tpu.memref_slice %arg6[%dma_wait3A_196, %dma_wait3A_197, %dma_wait3A_198] : memref<78x2x128xi32, #tpu.memory_space<vmem>> -> memref<1x1x128xi32, #tpu.memory_space<vmem>>
    %dma_wait3A_200 = tpu.memref_squeeze %dma_wait3A_199 : memref<1x1x128xi32, #tpu.memory_space<vmem>> -> memref<128xi32, #tpu.memory_space<vmem>>
    %dma_wait3A_201 = arith.constant 0 : i32
    %dma_wait3A_202 = arith.constant 0 : i32
    %dma_wait3A_203 = tpu.memref_slice %arg15[%dma_wait3A_201, %dma_wait3A_202] : memref<10112x16xf32, #tpu.memory_space<vmem_shared>> -> memref<10112x16xf32, #tpu.memory_space<vmem_shared>>
    tpu.wait_indirect_dma semaphore(%arg27 : memref<!tpu.dma_semaphore, #tpu.memory_space<semaphore_mem>>) src(%arg13 : memref<128x16xf32, #tpu.memory_space<vmem>>) dst(%dma_wait3A_203 : memref<10112x16xf32, #tpu.memory_space<vmem_shared>>)
    %barrier3A_204 = arith.constant 0 : index
    tpu.barrier barrier_id(%barrier3A_204)
    "tpu.region"() ({
      %run_scoped3A = tpu.sem_alloc : memref<!tpu.dma_semaphore, #tpu.memory_space<semaphore_mem>>
      %dma_start3A_205 = arith.constant 0 : i32
      %dma_start3A_206 = tpu.memref_slice %arg5[%arg0, %mul3A_4, %dma_start3A_205] : memref<2x10000x16xf32, #tpu.memory_space<hbm>> -> memref<1x625x16xf32, #tpu.memory_space<hbm>>
      %dma_start3A_207 = tpu.memref_squeeze %dma_start3A_206 : memref<1x625x16xf32, #tpu.memory_space<hbm>> -> memref<625x16xf32, #tpu.memory_space<hbm>>
      %dma_start3A_208 = arith.constant 0 : i32
      %dma_start3A_209 = tpu.memref_slice %arg15[%mul3A_4, %dma_start3A_208] : memref<10112x16xf32, #tpu.memory_space<vmem_shared>> -> memref<625x16xf32, #tpu.memory_space<vmem_shared>>
      tpu.enqueue_dma source(%dma_start3A_209 : memref<625x16xf32, #tpu.memory_space<vmem_shared>>) target(%dma_start3A_207 : memref<625x16xf32, #tpu.memory_space<hbm>>) target_semaphore(%run_scoped3A : memref<!tpu.dma_semaphore, #tpu.memory_space<semaphore_mem>>)
      %dma_wait3A_210 = arith.constant 0 : i32
      %dma_wait3A_211 = tpu.memref_slice %arg5[%arg0, %mul3A_4, %dma_wait3A_210] : memref<2x10000x16xf32, #tpu.memory_space<hbm>> -> memref<1x625x16xf32, #tpu.memory_space<hbm>>
      %dma_wait3A_212 = tpu.memref_squeeze %dma_wait3A_211 : memref<1x625x16xf32, #tpu.memory_space<hbm>> -> memref<625x16xf32, #tpu.memory_space<hbm>>
      %dma_wait3A_213 = arith.constant 0 : i32
      %dma_wait3A_214 = tpu.memref_slice %arg15[%mul3A_4, %dma_wait3A_213] : memref<10112x16xf32, #tpu.memory_space<vmem_shared>> -> memref<625x16xf32, #tpu.memory_space<vmem_shared>>
      tpu.wait_dma2 semaphore(%run_scoped3A : memref<!tpu.dma_semaphore, #tpu.memory_space<semaphore_mem>>) src(%dma_wait3A_214 : memref<625x16xf32, #tpu.memory_space<vmem_shared>>) dst(%dma_wait3A_212 : memref<625x16xf32, #tpu.memory_space<hbm>>)
      tpu.yield
    }) : () -> ()
    return
  }
}

module attributes {stable_mosaic.version = 14 : i64} {
  func.func @_proj_body(%arg0: memref<1250x8x128xf32, #tpu.memory_space<vmem>>, %arg1: memref<16x128xf32, #tpu.memory_space<vmem>>, %arg2: memref<16x128xf32, #tpu.memory_space<vmem>>, %arg3: memref<1250x128xf32, #tpu.memory_space<vmem>>, %arg4: memref<1250x128xf32, #tpu.memory_space<vmem>>) attributes {dimension_semantics = [], scalar_prefetch = 0 : i64, scratch_operands = 0 : i64, tpu.core_type = #tpu.core_type<tc>} {
    %get3A = arith.constant 0 : index
    %get3A_0 = arith.constant 0 : index
    %get3A_1 = arith.constant 0 : index
    %get3A_2 = vector.load %arg0[%get3A, %get3A_0, %get3A_1] : memref<1250x8x128xf32, #tpu.memory_space<vmem>>, vector<1250x8x128xf32>
    %get3A_3 = arith.constant 0 : index
    %get3A_4 = arith.constant 0 : index
    %get3A_5 = vector.load %arg1[%get3A_3, %get3A_4] : memref<16x128xf32, #tpu.memory_space<vmem>>, vector<16x128xf32>
    %get3A_6 = arith.constant 0 : index
    %get3A_7 = arith.constant 0 : index
    %get3A_8 = vector.load %arg2[%get3A_6, %get3A_7] : memref<16x128xf32, #tpu.memory_space<vmem>>, vector<16x128xf32>
    %slice3A = vector.extract_strided_slice %get3A_2 {offsets = [0, 0, 0], sizes = [1250, 1, 128], strides = [1, 1, 1]} : vector<1250x8x128xf32> to vector<1250x1x128xf32>
    %squeeze3A = vector.shape_cast %slice3A : vector<1250x1x128xf32> to vector<1250x128xf32>
    %dot_general3A = arith.constant dense<0.000000e+00> : vector<1250x16xf32>
    %dot_general3A_9 = tpu.matmul %squeeze3A, %get3A_5, %dot_general3A {dimension_numbers = #tpu.dot_dimension_numbers<[1], [1], [0], [0], [0, 0, 1, 0], [], []>, transpose_lhs_hint = false} : vector<1250x128xf32>, vector<16x128xf32>, vector<1250x16xf32> -> vector<1250x16xf32>
    %dot_general3A_10 = arith.constant dense<0.000000e+00> : vector<1250x16xf32>
    %dot_general3A_11 = tpu.matmul %squeeze3A, %get3A_8, %dot_general3A_10 {dimension_numbers = #tpu.dot_dimension_numbers<[1], [1], [0], [0], [0, 0, 1, 0], [], []>, transpose_lhs_hint = false} : vector<1250x128xf32>, vector<16x128xf32>, vector<1250x16xf32> -> vector<1250x16xf32>
    %slice3A_12 = vector.extract_strided_slice %get3A_2 {offsets = [0, 1, 0], sizes = [1250, 1, 128], strides = [1, 1, 1]} : vector<1250x8x128xf32> to vector<1250x1x128xf32>
    %squeeze3A_13 = vector.shape_cast %slice3A_12 : vector<1250x1x128xf32> to vector<1250x128xf32>
    %dot_general3A_14 = arith.constant dense<0.000000e+00> : vector<1250x16xf32>
    %dot_general3A_15 = tpu.matmul %squeeze3A_13, %get3A_5, %dot_general3A_14 {dimension_numbers = #tpu.dot_dimension_numbers<[1], [1], [0], [0], [0, 0, 1, 0], [], []>, transpose_lhs_hint = false} : vector<1250x128xf32>, vector<16x128xf32>, vector<1250x16xf32> -> vector<1250x16xf32>
    %dot_general3A_16 = arith.constant dense<0.000000e+00> : vector<1250x16xf32>
    %dot_general3A_17 = tpu.matmul %squeeze3A_13, %get3A_8, %dot_general3A_16 {dimension_numbers = #tpu.dot_dimension_numbers<[1], [1], [0], [0], [0, 0, 1, 0], [], []>, transpose_lhs_hint = false} : vector<1250x128xf32>, vector<16x128xf32>, vector<1250x16xf32> -> vector<1250x16xf32>
    %slice3A_18 = vector.extract_strided_slice %get3A_2 {offsets = [0, 2, 0], sizes = [1250, 1, 128], strides = [1, 1, 1]} : vector<1250x8x128xf32> to vector<1250x1x128xf32>
    %squeeze3A_19 = vector.shape_cast %slice3A_18 : vector<1250x1x128xf32> to vector<1250x128xf32>
    %dot_general3A_20 = arith.constant dense<0.000000e+00> : vector<1250x16xf32>
    %dot_general3A_21 = tpu.matmul %squeeze3A_19, %get3A_5, %dot_general3A_20 {dimension_numbers = #tpu.dot_dimension_numbers<[1], [1], [0], [0], [0, 0, 1, 0], [], []>, transpose_lhs_hint = false} : vector<1250x128xf32>, vector<16x128xf32>, vector<1250x16xf32> -> vector<1250x16xf32>
    %dot_general3A_22 = arith.constant dense<0.000000e+00> : vector<1250x16xf32>
    %dot_general3A_23 = tpu.matmul %squeeze3A_19, %get3A_8, %dot_general3A_22 {dimension_numbers = #tpu.dot_dimension_numbers<[1], [1], [0], [0], [0, 0, 1, 0], [], []>, transpose_lhs_hint = false} : vector<1250x128xf32>, vector<16x128xf32>, vector<1250x16xf32> -> vector<1250x16xf32>
    %slice3A_24 = vector.extract_strided_slice %get3A_2 {offsets = [0, 3, 0], sizes = [1250, 1, 128], strides = [1, 1, 1]} : vector<1250x8x128xf32> to vector<1250x1x128xf32>
    %squeeze3A_25 = vector.shape_cast %slice3A_24 : vector<1250x1x128xf32> to vector<1250x128xf32>
    %dot_general3A_26 = arith.constant dense<0.000000e+00> : vector<1250x16xf32>
    %dot_general3A_27 = tpu.matmul %squeeze3A_25, %get3A_5, %dot_general3A_26 {dimension_numbers = #tpu.dot_dimension_numbers<[1], [1], [0], [0], [0, 0, 1, 0], [], []>, transpose_lhs_hint = false} : vector<1250x128xf32>, vector<16x128xf32>, vector<1250x16xf32> -> vector<1250x16xf32>
    %dot_general3A_28 = arith.constant dense<0.000000e+00> : vector<1250x16xf32>
    %dot_general3A_29 = tpu.matmul %squeeze3A_25, %get3A_8, %dot_general3A_28 {dimension_numbers = #tpu.dot_dimension_numbers<[1], [1], [0], [0], [0, 0, 1, 0], [], []>, transpose_lhs_hint = false} : vector<1250x128xf32>, vector<16x128xf32>, vector<1250x16xf32> -> vector<1250x16xf32>
    %slice3A_30 = vector.extract_strided_slice %get3A_2 {offsets = [0, 4, 0], sizes = [1250, 1, 128], strides = [1, 1, 1]} : vector<1250x8x128xf32> to vector<1250x1x128xf32>
    %squeeze3A_31 = vector.shape_cast %slice3A_30 : vector<1250x1x128xf32> to vector<1250x128xf32>
    %dot_general3A_32 = arith.constant dense<0.000000e+00> : vector<1250x16xf32>
    %dot_general3A_33 = tpu.matmul %squeeze3A_31, %get3A_5, %dot_general3A_32 {dimension_numbers = #tpu.dot_dimension_numbers<[1], [1], [0], [0], [0, 0, 1, 0], [], []>, transpose_lhs_hint = false} : vector<1250x128xf32>, vector<16x128xf32>, vector<1250x16xf32> -> vector<1250x16xf32>
    %dot_general3A_34 = arith.constant dense<0.000000e+00> : vector<1250x16xf32>
    %dot_general3A_35 = tpu.matmul %squeeze3A_31, %get3A_8, %dot_general3A_34 {dimension_numbers = #tpu.dot_dimension_numbers<[1], [1], [0], [0], [0, 0, 1, 0], [], []>, transpose_lhs_hint = false} : vector<1250x128xf32>, vector<16x128xf32>, vector<1250x16xf32> -> vector<1250x16xf32>
    %slice3A_36 = vector.extract_strided_slice %get3A_2 {offsets = [0, 5, 0], sizes = [1250, 1, 128], strides = [1, 1, 1]} : vector<1250x8x128xf32> to vector<1250x1x128xf32>
    %squeeze3A_37 = vector.shape_cast %slice3A_36 : vector<1250x1x128xf32> to vector<1250x128xf32>
    %dot_general3A_38 = arith.constant dense<0.000000e+00> : vector<1250x16xf32>
    %dot_general3A_39 = tpu.matmul %squeeze3A_37, %get3A_5, %dot_general3A_38 {dimension_numbers = #tpu.dot_dimension_numbers<[1], [1], [0], [0], [0, 0, 1, 0], [], []>, transpose_lhs_hint = false} : vector<1250x128xf32>, vector<16x128xf32>, vector<1250x16xf32> -> vector<1250x16xf32>
    %dot_general3A_40 = arith.constant dense<0.000000e+00> : vector<1250x16xf32>
    %dot_general3A_41 = tpu.matmul %squeeze3A_37, %get3A_8, %dot_general3A_40 {dimension_numbers = #tpu.dot_dimension_numbers<[1], [1], [0], [0], [0, 0, 1, 0], [], []>, transpose_lhs_hint = false} : vector<1250x128xf32>, vector<16x128xf32>, vector<1250x16xf32> -> vector<1250x16xf32>
    %slice3A_42 = vector.extract_strided_slice %get3A_2 {offsets = [0, 6, 0], sizes = [1250, 1, 128], strides = [1, 1, 1]} : vector<1250x8x128xf32> to vector<1250x1x128xf32>
    %squeeze3A_43 = vector.shape_cast %slice3A_42 : vector<1250x1x128xf32> to vector<1250x128xf32>
    %dot_general3A_44 = arith.constant dense<0.000000e+00> : vector<1250x16xf32>
    %dot_general3A_45 = tpu.matmul %squeeze3A_43, %get3A_5, %dot_general3A_44 {dimension_numbers = #tpu.dot_dimension_numbers<[1], [1], [0], [0], [0, 0, 1, 0], [], []>, transpose_lhs_hint = false} : vector<1250x128xf32>, vector<16x128xf32>, vector<1250x16xf32> -> vector<1250x16xf32>
    %dot_general3A_46 = arith.constant dense<0.000000e+00> : vector<1250x16xf32>
    %dot_general3A_47 = tpu.matmul %squeeze3A_43, %get3A_8, %dot_general3A_46 {dimension_numbers = #tpu.dot_dimension_numbers<[1], [1], [0], [0], [0, 0, 1, 0], [], []>, transpose_lhs_hint = false} : vector<1250x128xf32>, vector<16x128xf32>, vector<1250x16xf32> -> vector<1250x16xf32>
    %slice3A_48 = vector.extract_strided_slice %get3A_2 {offsets = [0, 7, 0], sizes = [1250, 1, 128], strides = [1, 1, 1]} : vector<1250x8x128xf32> to vector<1250x1x128xf32>
    %squeeze3A_49 = vector.shape_cast %slice3A_48 : vector<1250x1x128xf32> to vector<1250x128xf32>
    %dot_general3A_50 = arith.constant dense<0.000000e+00> : vector<1250x16xf32>
    %dot_general3A_51 = tpu.matmul %squeeze3A_49, %get3A_5, %dot_general3A_50 {dimension_numbers = #tpu.dot_dimension_numbers<[1], [1], [0], [0], [0, 0, 1, 0], [], []>, transpose_lhs_hint = false} : vector<1250x128xf32>, vector<16x128xf32>, vector<1250x16xf32> -> vector<1250x16xf32>
    %dot_general3A_52 = arith.constant dense<0.000000e+00> : vector<1250x16xf32>
    %dot_general3A_53 = tpu.matmul %squeeze3A_49, %get3A_8, %dot_general3A_52 {dimension_numbers = #tpu.dot_dimension_numbers<[1], [1], [0], [0], [0, 0, 1, 0], [], []>, transpose_lhs_hint = false} : vector<1250x128xf32>, vector<16x128xf32>, vector<1250x16xf32> -> vector<1250x16xf32>
    %concatenate3A = tpu.concatenate %dot_general3A_9, %dot_general3A_15, %dot_general3A_21, %dot_general3A_27, %dot_general3A_33, %dot_general3A_39, %dot_general3A_45, %dot_general3A_51 in 1 : vector<1250x16xf32>, vector<1250x16xf32>, vector<1250x16xf32>, vector<1250x16xf32>, vector<1250x16xf32>, vector<1250x16xf32>, vector<1250x16xf32>, vector<1250x16xf32> -> vector<1250x128xf32>
    %swap3A = arith.constant 0 : index
    %swap3A_54 = arith.constant 0 : index
    %swap3A_55 = vector.load %arg3[%swap3A, %swap3A_54] : memref<1250x128xf32, #tpu.memory_space<vmem>>, vector<1250x128xf32>
    tpu.vector_store %arg3[%swap3A, %swap3A_54], %concatenate3A {strides = array<i32>} : memref<1250x128xf32, #tpu.memory_space<vmem>>, vector<1250x128xf32>,
    %concatenate3A_56 = tpu.concatenate %dot_general3A_11, %dot_general3A_17, %dot_general3A_23, %dot_general3A_29, %dot_general3A_35, %dot_general3A_41, %dot_general3A_47, %dot_general3A_53 in 1 : vector<1250x16xf32>, vector<1250x16xf32>, vector<1250x16xf32>, vector<1250x16xf32>, vector<1250x16xf32>, vector<1250x16xf32>, vector<1250x16xf32>, vector<1250x16xf32> -> vector<1250x128xf32>
    %swap3A_57 = arith.constant 0 : index
    %swap3A_58 = arith.constant 0 : index
    %swap3A_59 = vector.load %arg4[%swap3A_57, %swap3A_58] : memref<1250x128xf32, #tpu.memory_space<vmem>>, vector<1250x128xf32>
    tpu.vector_store %arg4[%swap3A_57, %swap3A_58], %concatenate3A_56 {strides = array<i32>} : memref<1250x128xf32, #tpu.memory_space<vmem>>, vector<1250x128xf32>,
    return
  }
}

module attributes {stable_mosaic.version = 14 : i64} {
  func.func @_mid_body(%arg0: memref<2x1250x128xf32, #tpu.memory_space<vmem>>, %arg1: memref<2x1250x128xf32, #tpu.memory_space<vmem>>, %arg2: memref<1x128xf32, #tpu.memory_space<vmem>>, %arg3: memref<1250x128xf32, #tpu.memory_space<vmem>>, %arg4: memref<128x128xf32, #tpu.memory_space<vmem>>, %arg5: memref<128x128xf32, #tpu.memory_space<vmem>>, %arg6: memref<1250x128xf32, #tpu.memory_space<vmem>>, %arg7: memref<1250x128xf32, #tpu.memory_space<vmem>>, %arg8: memref<1250x128xf32, #tpu.memory_space<vmem>>) attributes {dimension_semantics = [], scalar_prefetch = 0 : i64, scratch_operands = 0 : i64, tpu.core_type = #tpu.core_type<tc>} {
    %get3A = arith.constant 0 : index
    %get3A_0 = arith.constant 0 : index
    %get3A_1 = arith.constant 0 : index
    %get3A_2 = vector.load %arg1[%get3A, %get3A_0, %get3A_1] : memref<2x1250x128xf32, #tpu.memory_space<vmem>>, vector<1x1250x128xf32>
    %get3A_3 = vector.shape_cast %get3A_2 : vector<1x1250x128xf32> to vector<1250x128xf32>
    %get3A_4 = arith.constant 1 : index
    %get3A_5 = arith.constant 0 : index
    %get3A_6 = arith.constant 0 : index
    %get3A_7 = vector.load %arg1[%get3A_4, %get3A_5, %get3A_6] : memref<2x1250x128xf32, #tpu.memory_space<vmem>>, vector<1x1250x128xf32>
    %get3A_8 = vector.shape_cast %get3A_7 : vector<1x1250x128xf32> to vector<1250x128xf32>
    %add3A = arith.addf %get3A_3, %get3A_8 : vector<1250x128xf32>
    %max3A = arith.constant 1.000000e+00 : f32
    %max3A_9 = vector.broadcast %max3A : f32 to vector<1250x128xf32>
    %max3A_10 = arith.maximumf %add3A, %max3A_9 : vector<1250x128xf32>
    %div3A = arith.constant 1.000000e+00 : f32
    %div3A_11 = vector.broadcast %div3A : f32 to vector<1250x128xf32>
    %div3A_12 = arith.divf %div3A_11, %max3A_10 : vector<1250x128xf32>
    %get3A_13 = arith.constant 0 : index
    %get3A_14 = arith.constant 0 : index
    %get3A_15 = arith.constant 0 : index
    %get3A_16 = vector.load %arg0[%get3A_13, %get3A_14, %get3A_15] : memref<2x1250x128xf32, #tpu.memory_space<vmem>>, vector<1x1250x128xf32>
    %get3A_17 = vector.shape_cast %get3A_16 : vector<1x1250x128xf32> to vector<1250x128xf32>
    %get3A_18 = arith.constant 1 : index
    %get3A_19 = arith.constant 0 : index
    %get3A_20 = arith.constant 0 : index
    %get3A_21 = vector.load %arg0[%get3A_18, %get3A_19, %get3A_20] : memref<2x1250x128xf32, #tpu.memory_space<vmem>>, vector<1x1250x128xf32>
    %get3A_22 = vector.shape_cast %get3A_21 : vector<1x1250x128xf32> to vector<1250x128xf32>
    %add3A_23 = arith.addf %get3A_17, %get3A_22 : vector<1250x128xf32>
    %mul3A = arith.mulf %add3A_23, %div3A_12 : vector<1250x128xf32>
    %get3A_24 = arith.constant 0 : index
    %get3A_25 = arith.constant 0 : index
    %get3A_26 = vector.load %arg2[%get3A_24, %get3A_25] : memref<1x128xf32, #tpu.memory_space<vmem>>, vector<1x128xf32>
    %add3A_27 = vector.broadcast %get3A_26 : vector<1x128xf32> to vector<1250x128xf32>
    %add3A_28 = arith.addf %mul3A, %add3A_27 : vector<1250x128xf32>
    %get3A_29 = arith.constant 0 : index
    %get3A_30 = arith.constant 0 : index
    %get3A_31 = vector.load %arg3[%get3A_29, %get3A_30] : memref<1250x128xf32, #tpu.memory_space<vmem>>, vector<1250x128xf32>
    %add3A_32 = arith.addf %add3A_28, %get3A_31 : vector<1250x128xf32>
    %max3A_33 = arith.constant 0.000000e+00 : f32
    %max3A_34 = vector.broadcast %max3A_33 : f32 to vector<1250x128xf32>
    %max3A_35 = arith.maximumf %add3A_32, %max3A_34 : vector<1250x128xf32>
    %get3A_36 = arith.constant 0 : index
    %get3A_37 = arith.constant 0 : index
    %get3A_38 = vector.load %arg4[%get3A_36, %get3A_37] : memref<128x128xf32, #tpu.memory_space<vmem>>, vector<128x128xf32>
    %dot_general3A = arith.constant dense<0.000000e+00> : vector<1250x128xf32>
    %dot_general3A_39 = tpu.matmul %max3A_35, %get3A_38, %dot_general3A {dimension_numbers = #tpu.dot_dimension_numbers<[1], [0], [0], [1], [0, 0, 1, 1], [], []>, transpose_lhs_hint = false} : vector<1250x128xf32>, vector<128x128xf32>, vector<1250x128xf32> -> vector<1250x128xf32>
    %swap3A = arith.constant 0 : index
    %swap3A_40 = arith.constant 0 : index
    %swap3A_41 = vector.load %arg6[%swap3A, %swap3A_40] : memref<1250x128xf32, #tpu.memory_space<vmem>>, vector<1250x128xf32>
    tpu.vector_store %arg6[%swap3A, %swap3A_40], %dot_general3A_39 {strides = array<i32>} : memref<1250x128xf32, #tpu.memory_space<vmem>>, vector<1250x128xf32>,
    %get3A_42 = arith.constant 0 : index
    %get3A_43 = arith.constant 0 : index
    %get3A_44 = vector.load %arg5[%get3A_42, %get3A_43] : memref<128x128xf32, #tpu.memory_space<vmem>>, vector<128x128xf32>
    %dot_general3A_45 = arith.constant dense<0.000000e+00> : vector<1250x128xf32>
    %dot_general3A_46 = tpu.matmul %max3A_35, %get3A_44, %dot_general3A_45 {dimension_numbers = #tpu.dot_dimension_numbers<[1], [0], [0], [1], [0, 0, 1, 1], [], []>, transpose_lhs_hint = false} : vector<1250x128xf32>, vector<128x128xf32>, vector<1250x128xf32> -> vector<1250x128xf32>
    %swap3A_47 = arith.constant 0 : index
    %swap3A_48 = arith.constant 0 : index
    %swap3A_49 = vector.load %arg7[%swap3A_47, %swap3A_48] : memref<1250x128xf32, #tpu.memory_space<vmem>>, vector<1250x128xf32>
    tpu.vector_store %arg7[%swap3A_47, %swap3A_48], %dot_general3A_46 {strides = array<i32>} : memref<1250x128xf32, #tpu.memory_space<vmem>>, vector<1250x128xf32>,
    %swap3A_50 = arith.constant 0 : index
    %swap3A_51 = arith.constant 0 : index
    %swap3A_52 = vector.load %arg8[%swap3A_50, %swap3A_51] : memref<1250x128xf32, #tpu.memory_space<vmem>>, vector<1250x128xf32>
    tpu.vector_store %arg8[%swap3A_50, %swap3A_51], %div3A_12 {strides = array<i32>} : memref<1250x128xf32, #tpu.memory_space<vmem>>, vector<1250x128xf32>,
    return
  }
}

module attributes {stable_mosaic.version = 14 : i64} {
  func.func @_act_body(%arg0: memref<2x1250x128xf32, #tpu.memory_space<vmem>>, %arg1: memref<1250x128xf32, #tpu.memory_space<vmem>>, %arg2: memref<1x128xf32, #tpu.memory_space<vmem>>, %arg3: memref<1250x128xf32, #tpu.memory_space<vmem>>, %arg4: memref<1250x128xf32, #tpu.memory_space<vmem>>) attributes {dimension_semantics = [], scalar_prefetch = 0 : i64, scratch_operands = 0 : i64, tpu.core_type = #tpu.core_type<tc>} {
    %get3A = arith.constant 0 : index
    %get3A_0 = arith.constant 0 : index
    %get3A_1 = arith.constant 0 : index
    %get3A_2 = vector.load %arg0[%get3A, %get3A_0, %get3A_1] : memref<2x1250x128xf32, #tpu.memory_space<vmem>>, vector<1x1250x128xf32>
    %get3A_3 = vector.shape_cast %get3A_2 : vector<1x1250x128xf32> to vector<1250x128xf32>
    %get3A_4 = arith.constant 1 : index
    %get3A_5 = arith.constant 0 : index
    %get3A_6 = arith.constant 0 : index
    %get3A_7 = vector.load %arg0[%get3A_4, %get3A_5, %get3A_6] : memref<2x1250x128xf32, #tpu.memory_space<vmem>>, vector<1x1250x128xf32>
    %get3A_8 = vector.shape_cast %get3A_7 : vector<1x1250x128xf32> to vector<1250x128xf32>
    %add3A = arith.addf %get3A_3, %get3A_8 : vector<1250x128xf32>
    %get3A_9 = arith.constant 0 : index
    %get3A_10 = arith.constant 0 : index
    %get3A_11 = vector.load %arg1[%get3A_9, %get3A_10] : memref<1250x128xf32, #tpu.memory_space<vmem>>, vector<1250x128xf32>
    %mul3A = arith.mulf %add3A, %get3A_11 : vector<1250x128xf32>
    %get3A_12 = arith.constant 0 : index
    %get3A_13 = arith.constant 0 : index
    %get3A_14 = vector.load %arg2[%get3A_12, %get3A_13] : memref<1x128xf32, #tpu.memory_space<vmem>>, vector<1x128xf32>
    %add3A_15 = vector.broadcast %get3A_14 : vector<1x128xf32> to vector<1250x128xf32>
    %add3A_16 = arith.addf %mul3A, %add3A_15 : vector<1250x128xf32>
    %get3A_17 = arith.constant 0 : index
    %get3A_18 = arith.constant 0 : index
    %get3A_19 = vector.load %arg3[%get3A_17, %get3A_18] : memref<1250x128xf32, #tpu.memory_space<vmem>>, vector<1250x128xf32>
    %add3A_20 = arith.addf %add3A_16, %get3A_19 : vector<1250x128xf32>
    %max3A = arith.constant 0.000000e+00 : f32
    %max3A_21 = vector.broadcast %max3A : f32 to vector<1250x128xf32>
    %max3A_22 = arith.maximumf %add3A_20, %max3A_21 : vector<1250x128xf32>
    %swap3A = arith.constant 0 : index
    %swap3A_23 = arith.constant 0 : index
    %swap3A_24 = vector.load %arg4[%swap3A, %swap3A_23] : memref<1250x128xf32, #tpu.memory_space<vmem>>, vector<1250x128xf32>
    tpu.vector_store %arg4[%swap3A, %swap3A_23], %max3A_22 {strides = array<i32>} : memref<1250x128xf32, #tpu.memory_space<vmem>>, vector<1250x128xf32>,
    return
  }
}

module attributes {stable_mosaic.version = 14 : i64} {
  func.func @_final_body(%arg0: memref<2x1250x128xf32, #tpu.memory_space<vmem>>, %arg1: memref<1250x128xf32, #tpu.memory_space<vmem>>, %arg2: memref<1250x128xf32, #tpu.memory_space<vmem>>, %arg3: memref<128x1024xf32, #tpu.memory_space<vmem>>, %arg4: memref<128x1024xf32, #tpu.memory_space<vmem>>, %arg5: memref<1x1024xf32, #tpu.memory_space<vmem>>, %arg6: memref<1250x1024xf32, #tpu.memory_space<vmem>>) attributes {dimension_semantics = [], scalar_prefetch = 0 : i64, scratch_operands = 0 : i64, tpu.core_type = #tpu.core_type<tc>} {
    %get3A = arith.constant 0 : index
    %get3A_0 = arith.constant 0 : index
    %get3A_1 = arith.constant 0 : index
    %get3A_2 = vector.load %arg0[%get3A, %get3A_0, %get3A_1] : memref<2x1250x128xf32, #tpu.memory_space<vmem>>, vector<1x1250x128xf32>
    %get3A_3 = vector.shape_cast %get3A_2 : vector<1x1250x128xf32> to vector<1250x128xf32>
    %get3A_4 = arith.constant 1 : index
    %get3A_5 = arith.constant 0 : index
    %get3A_6 = arith.constant 0 : index
    %get3A_7 = vector.load %arg0[%get3A_4, %get3A_5, %get3A_6] : memref<2x1250x128xf32, #tpu.memory_space<vmem>>, vector<1x1250x128xf32>
    %get3A_8 = vector.shape_cast %get3A_7 : vector<1x1250x128xf32> to vector<1250x128xf32>
    %add3A = arith.addf %get3A_3, %get3A_8 : vector<1250x128xf32>
    %get3A_9 = arith.constant 0 : index
    %get3A_10 = arith.constant 0 : index
    %get3A_11 = vector.load %arg1[%get3A_9, %get3A_10] : memref<1250x128xf32, #tpu.memory_space<vmem>>, vector<1250x128xf32>
    %mul3A = arith.mulf %add3A, %get3A_11 : vector<1250x128xf32>
    %get3A_12 = arith.constant 0 : index
    %get3A_13 = arith.constant 0 : index
    %get3A_14 = vector.load %arg3[%get3A_12, %get3A_13] : memref<128x1024xf32, #tpu.memory_space<vmem>>, vector<128x1024xf32>
    %dot_general3A = arith.constant dense<0.000000e+00> : vector<1250x1024xf32>
    %dot_general3A_15 = tpu.matmul %mul3A, %get3A_14, %dot_general3A {dimension_numbers = #tpu.dot_dimension_numbers<[1], [0], [0], [1], [0, 0, 1, 1], [], []>, transpose_lhs_hint = false} : vector<1250x128xf32>, vector<128x1024xf32>, vector<1250x1024xf32> -> vector<1250x1024xf32>
    %get3A_16 = arith.constant 0 : index
    %get3A_17 = arith.constant 0 : index
    %get3A_18 = vector.load %arg2[%get3A_16, %get3A_17] : memref<1250x128xf32, #tpu.memory_space<vmem>>, vector<1250x128xf32>
    %get3A_19 = arith.constant 0 : index
    %get3A_20 = arith.constant 0 : index
    %get3A_21 = vector.load %arg4[%get3A_19, %get3A_20] : memref<128x1024xf32, #tpu.memory_space<vmem>>, vector<128x1024xf32>
    %dot_general3A_22 = arith.constant dense<0.000000e+00> : vector<1250x1024xf32>
    %dot_general3A_23 = tpu.matmul %get3A_18, %get3A_21, %dot_general3A_22 {dimension_numbers = #tpu.dot_dimension_numbers<[1], [0], [0], [1], [0, 0, 1, 1], [], []>, transpose_lhs_hint = false} : vector<1250x128xf32>, vector<128x1024xf32>, vector<1250x1024xf32> -> vector<1250x1024xf32>
    %add3A_24 = arith.addf %dot_general3A_15, %dot_general3A_23 : vector<1250x1024xf32>
    %get3A_25 = arith.constant 0 : index
    %get3A_26 = arith.constant 0 : index
    %get3A_27 = vector.load %arg5[%get3A_25, %get3A_26] : memref<1x1024xf32, #tpu.memory_space<vmem>>, vector<1x1024xf32>
    %add3A_28 = vector.broadcast %get3A_27 : vector<1x1024xf32> to vector<1250x1024xf32>
    %add3A_29 = arith.addf %add3A_24, %add3A_28 : vector<1250x1024xf32>
    %swap3A = arith.constant 0 : index
    %swap3A_30 = arith.constant 0 : index
    %swap3A_31 = vector.load %arg6[%swap3A, %swap3A_30] : memref<1250x1024xf32, #tpu.memory_space<vmem>>, vector<1250x1024xf32>
    tpu.vector_store %arg6[%swap3A, %swap3A_30], %add3A_29 {strides = array<i32>} : memref<1250x1024xf32, #tpu.memory_space<vmem>>, vector<1250x1024xf32>,
    return
  }
}

</mosaic_0001>

<sc_bundles>
// kernel: kernel.12.cloned.1.call-start
scs
__scs_entry_jumppad:
0x0: {  	(pc) =	sbr.rel $0x88, $3  }
0x1: {  	(tag) =	ssettag $0x0;
	lr =	simm.s32 $0x1  }
0x2: {  	[smem:$0x3F96] =	sst lr;
	_ =	strace $0xD0000000  }
0x3: {  	_ = 	snop  }
0x4: {  	_ = 	snop  }
0x5: {  	_ = 	snop  }
0x6: {  	_ = 	snop  }
0x7: {  	_ = 	snop  }
__scs_overlays_trampoline_lowered:
0x8: {  	[smem:$0x3FA5] =	sst s0  }
0x9: {  	[smem:$0x3FA6] =	sst s1  }
0xa: {  	[smem:$0x3FA7] =	sst s2  }
0xb: {  	[smem:$0x3FA8] =	sst s3  }
0xc: {  	[smem:$0x3FA9] =	sst s4  }
0xd: {  	[smem:$0x3FAA] =	sst s5  }
0xe: {  	[smem:$0x3FAB] =	sst s6  }
0xf: {  	[smem:$0x3FAC] =	sst s7  }
0x10: {  	[smem:$0x3FAD] =	sst s8  }
0x11: {  	[smem:$0x3FAE] =	sst s9;
	s0 =	simm.s32 @!p0 $0x0  }
0x12: {  	s1 =	sld [smem:$0x3F94];
	s0 =	simm.s32 @p0 $0x1  }
0x13: {  	[smem:$0x3FAF] =	sst s0;
	s0 =	simm.s32 @!p1 $0x0  }
0x14: {  	s2 =	sld [smem:$0x3F93];
	s0 =	simm.s32 @p1 $0x1  }
0x15: {  	[smem:$0x3FB0] =	sst s0;
	s0 =	simm.s32 @!p2 $0x0  }
0x16: {  	s3 =	sld [smem:$0x3FDB];
	s0 =	simm.s32 @p2 $0x1  }
0x17: {  	s4 =	simm.s32 $0x1BF5;
	[smem:$0x3FB2] =	sst s0  }
0x18: {  	s0 =	sld [smem:$0x3F95];
	_ =	swait.ge [sflag:s4], $0x0  }
0x19: {  	s7 =	sld [smem:$0x3F96]  }
0x1a: {  	s8 =	sadd.s32 $0xFFFFE003, lr  }
0x1b: {  	s9 =	sadd.s32 $0xFFFFFEF7, lr;
	s5 =	simm.s32 $0xFFFFFFFF;
	p2 =	slt.u32 s8, $0xFFFFF086  }
0x1c: {  	p1 =	slt.u32 s9, $0xF7A;
	s5 =	simm.s32 @!p2 $0x0  }
0x1d: {  	s5 =	simm.s32 @p1 $0x1;
	p0 =	seq.s32 s7, s2  }
0x1e: {  	s7 =	smul.u32 @!p0 $0xF7A, s2;
	p2 =	seq.s32 @!p0 s5, $0x0  }
0x1f: {  	s9 =	smul.u32 $0xF7A, s1;
	s8 =	simm.s32 @!p0 $0x1BF5;
	p2 =	por !p2, p0  }
0x20: {  	[sflag:s8] =	ssyncset.s32 @!p0 $0xFFFFF086;
	s6 =	sadd.s32 @!p0 s3, s7;
	s7 =	simm.s32 @!p0 $0x108  }
0x21: {  	s3 =	sadd.s32 s3, s9;
	s6 =	sadd.s32 @!p0 $0x88, s6;
	s7 =	simm.s32 @p2 $0x1082  }
0x22: {  	[simem:s7], [sflag:s8] =	dma.local @!p0 [hbm:s6], $0xF7A  }
0x23: {  	s9 =	sor.u32 $0xD0000000, s2;
	s6 =	simm.s32 $0x108;
	_ =	swait.ge @!p0 [sflag:s8], $0x0  }
0x24: {  	s3 =	sadd.s32 $0x88, s3;
	s6 =	simm.s32 @!p1 $0x1082;
	[sflag:s4] =	ssyncset.s32 $0xFFFFF086  }
0x25: {  	[simem:s6], [sflag:s4] =	dma.local [hbm:s3], $0xF7A  }
0x26: {  	[smem:$0x3F96] =	sst s1;
	(tag) =	ssettag s2;
	_ =	strace s9  }
0x27: {  	s1 =	sld [smem:$0x3FA6]  }
0x28: {  	s2 =	sld [smem:$0x3FA7]  }
0x29: {  	s4 =	sld [smem:$0x3FA9]  }
0x2a: {  	p0 =	seq.s32 s5, $0x0;
	s5 =	sld [smem:$0x3FAA]  }
0x2b: {  	s6 =	sld [smem:$0x3FAB]  }
0x2c: {  	s7 =	sld [smem:$0x3FAC]  }
0x2d: {  	s3 =	simm.s32 $0x108;
	s8 =	sld [smem:$0x3FAD]  }
0x2e: {  	s3 =	simm.s32 @!p0 $0x1082;
	s9 =	sld [smem:$0x3FAE]  }
0x2f: {  	lr =	sadd.s32 s0, s3;
	s0 =	sld [smem:$0x3FA5]  }
0x30: {  	s3 =	sld [smem:$0x3FA8]  }
0x31: {  	[smem:$0x3FB1] =	sst s10  }
0x32: {  	s10 =	sld [smem:$0x3FAF];
	_ =	sdelay $0x3  }
0x33: {  	p0 =	seq.s32 s10, $0x1;
	s10 =	sld [smem:$0x3FB1];
	_ =	sdelay $0x3  }
0x34: {  	[smem:$0x3FB1] =	sst s10  }
0x35: {  	s10 =	sld [smem:$0x3FB0];
	_ =	sdelay $0x3  }
0x36: {  	p1 =	seq.s32 s10, $0x1;
	s10 =	sld [smem:$0x3FB1];
	_ =	sdelay $0x3  }
0x37: {  	[smem:$0x3FB1] =	sst s10  }
0x38: {  	s10 =	sld [smem:$0x3FB2]  }
0x39: {  	_ = 	snop;
	(pc) =	sbr.ind lr, $3  }
0x3a: {  	_ = 	snop  }
0x3b: {  	_ = 	snop  }
0x3c: {  	p2 =	seq.s32 s10, $0x1;
	s10 =	sld [smem:$0x3FB1]  }
0x3d: {  	_ =	shalt  }
0x3e: {  	_ =	shalt  }
0x3f: {  	_ =	shalt  }
0x40: {  	_ =	shalt  }
0x41: {  	_ =	shalt  }
0x42: {  	_ =	shalt  }
0x43: {  	_ =	shalt  }
0x44: {  	_ =	shalt  }
0x45: {  	_ =	shalt  }
0x46: {  	_ =	shalt  }
0x47: {  	_ =	shalt  }
0x48: {  	_ =	shalt  }
0x49: {  	_ =	shalt  }
0x4a: {  	_ =	shalt  }
0x4b: {  	_ =	shalt  }
0x4c: {  	_ =	shalt  }
0x4d: {  	_ =	shalt  }
0x4e: {  	_ =	shalt  }
0x4f: {  	_ =	shalt  }
0x50: {  	_ =	shalt  }
0x51: {  	_ =	shalt  }
0x52: {  	_ =	shalt  }
0x53: {  	_ =	shalt  }
0x54: {  	_ =	shalt  }
0x55: {  	_ =	shalt  }
0x56: {  	_ =	shalt  }
0x57: {  	_ =	shalt  }
0x58: {  	_ =	shalt  }
0x59: {  	_ =	shalt  }
0x5a: {  	_ =	shalt  }
0x5b: {  	_ =	shalt  }
0x5c: {  	_ =	shalt  }
0x5d: {  	_ =	shalt  }
0x5e: {  	_ =	shalt  }
0x5f: {  	_ =	shalt  }
0x60: {  	_ =	shalt  }
0x61: {  	_ =	shalt  }
0x62: {  	_ =	shalt  }
0x63: {  	_ =	shalt  }
0x64: {  	_ =	shalt  }
0x65: {  	_ =	shalt  }
0x66: {  	_ =	shalt  }
0x67: {  	_ =	shalt  }
0x68: {  	_ =	shalt  }
0x69: {  	_ =	shalt  }
0x6a: {  	_ =	shalt  }
0x6b: {  	_ =	shalt  }
0x6c: {  	_ =	shalt  }
0x6d: {  	_ =	shalt  }
0x6e: {  	_ =	shalt  }
0x6f: {  	_ =	shalt  }
0x70: {  	_ =	shalt  }
0x71: {  	_ =	shalt  }
0x72: {  	_ =	shalt  }
0x73: {  	_ =	shalt  }
0x74: {  	_ =	shalt  }
0x75: {  	_ =	shalt  }
0x76: {  	_ =	shalt  }
0x77: {  	_ =	shalt  }
0x78: {  	_ =	shalt  }
0x79: {  	_ =	shalt  }
0x7a: {  	_ =	shalt  }
0x7b: {  	_ =	shalt  }
0x7c: {  	_ =	shalt  }
0x7d: {  	_ =	shalt  }
0x7e: {  	_ =	shalt  }
0x7f: {  	_ =	shalt  }
0x80: {  	_ =	shalt  }
0x81: {  	_ =	shalt  }
0x82: {  	_ =	shalt  }
0x83: {  	_ =	shalt  }
0x84: {  	_ =	shalt  }
0x85: {  	_ =	shalt  }
0x86: {  	_ =	shalt  }
0x87: {  	_ =	shalt  }
.Lfunc_end0:
.L_simem_size_0:
called_computation.1_lowered:
.L_overlay_start_0:
0x88: {  	s2 =	sld [smem:$0x3FD9]  }
0x89: {  	s3 =	sld [smem:$0x3FFE];
	_ =	sdelay $0x1  }
0x8a: {  	s1 =	srdreg.scid  }
0x8b: {  	s0 =	sand.u32 $0x1, s1  }
0x8c: {  	s17 =	sshll.u32 s0, $0xA;
	s2 =	sadd.s32 s3, s2  }
0x8d: {  	s2 =	sadd.s32 s2, s17  }
0x8e: {  	[smem:$0x3FBD] =	sst s2  }
0x8f: {  	_ = 	snop  }
0x90: {  	s2 =	sld [smem:$0x3FC9]  }
0x91: {  	s18 =	sld [smem:$0x3FD0];
	(tm) =	ssettm $0x1  }
0x92: {  	s4 =	sld [smem:$0x3FFB];
	_ =	sdelay $0x3  }
0x93: {  	_ =	strace s4  }
0x94: {  	s4 =	sld [smem:$0x3FFC];
	_ =	sdelay $0x3  }
0x95: {  	_ =	strace s4  }
0x96: {  	s4 =	sld [smem:$0x3FFD];
	_ =	sdelay $0x3  }
0x97: {  	_ =	strace s4  }
0x98: {  	_ =	strace $0x8FFFFFFF  }
0x99: {  	s19 =	sld [smem:$0x3FDB];
	_ =	sdelay $0x1  }
0x9a: {  	s5 =	simm.s32 $_scs_section_size  }
0x9b: {  	s6 =	simm.s32 $_size__tile_overlayer_lowered;
	s7 =	simm.s32 $_tile_overlayer_lowered  }
0x9c: {  	s22 =	simm.s32 $0x1BFF;
	s21 =	sshll.u32 s7, $0x1;
	s4 =	sadd.s32 s5, s19  }
0x9d: {  	s8 =	simm.s32 $0x0;
	s20 =	sshll.u32 s6, $0x1;
	s6 =	sadd.s32 s21, s4  }
0x9e: {  	[timem:s8], [sflag:s22] =	dma.local [hbm:s6], s20  }
0x9f: {  	_ =	swait.ge [sflag:s22], s20  }
0xa0: {  	s5 =	ssub.s32 $0x0, s20;
	[sflag:s22] =	ssyncset.done $0x0  }
0xa1: {  	[sflag:s22] =	ssyncadd.s32 s5;
	_ =	sdelay $0x1  }
0xa2: {  	s23 =	simm.s32 $0x1B8B  }
0xa3: {  	_ =	swait.ge [sflag:s23], $0x1  }
0xa4: {  	[sflag:s23] =	ssyncset.done $0x0  }
0xa5: {  	s25 =	simm.s32 $0x1B8E;
	s24 =	sld [smem:$0x3FFE];
	[sflag:s23] =	ssyncadd.s32 $0xFFFFFFFF  }
0xa6: {  	s26 =	simm.s32 $execute0_lowered;
	[smem:$0x3FD2] =	sst s25  }
0xa7: {  	s6 =	sshll.u32 s26, $0x1;
	_ =	strace $0x80000049;
	[dreg:$0x1] =	wrdreg $0xFFFFFFFF  }
0xa8: {  	s28 =	simm.s32 $_size_execute0_lowered;
	s4 =	sadd.s32 s4, s6;
	[dreg:$0x0] =	wrdreg $0x0  }
0xa9: {  	s6 =	sshll.u32 s28, $0x1;
	[dreg:$0x2] =	wrdreg s4  }
0xaa: {  	[dreg:$0x3] =	wrdreg s6  }
0xab: {  	[dreg:$0x4] =	wrdreg $0xC0  }
0xac: {  	_ =	task [dreg:s8], $0x5FFFF  }
0xad: {  	[dreg:$0x1] =	wrdreg $0xFFFFFFFF  }
0xae: {  	[dreg:$0x0] =	wrdreg $0x60  }
0xaf: {  	[dreg:$0x2] =	wrdreg s24  }
0xb0: {  	[dreg:$0x3] =	wrdreg s2  }
0xb1: {  	[dreg:$0x4] =	wrdreg s18  }
0xb2: {  	[dreg:$0x5] =	wrdreg $0x7F000  }
0xb3: {  	[dreg:$0x6] =	wrdreg $0xA6800  }
0xb4: {  	[dreg:$0x7] =	wrdreg $0x9  }
0xb5: {  	_ =	task.clear_ibuf [dreg:s8], $0x8FFFF;
	_ =	strace $0x90000049  }
0xb6: {  	s29 =	simm.s32 $0x9;
	_ =	strace $0x8000004B  }
0xb7: {  	_ =	swait.ge [sflag:s29], $0x1  }
0xb8: {  	[sflag:s29] =	ssyncadd.s32 $0xFFFFFFFF  }
0xb9: {  	_ =	strace $0x9000004B  }
0xba: {  	_ =	sfence  }
0xbb: {  	s30 =	sld [smem:$0x0];
	_ =	sdelay $0x2  }
0xbc: {  	s31 =	sshll.u32 s1, $0xD;
	s1 =	sshrl.u32 s1, $0x2  }
0xbd: {  	s3 =	sand.u32 $0x4000, s31;
	s1 =	sadd.s32 s1, s30  }
0xbe: {  	s0 =	sor.u32 s3, s0;
	s1 =	sshll.u32 s1, $0x11  }
0xbf: {  	s0 =	sor.u32 s1, s0  }
0xc0: {  	s0 =	sadd.s32 $0x8F2B, s0  }
0xc1: {  	[sflag:s0] =	ssyncadd.remote.s32 $0x1  }
0xc2: {  	_ =	sfence.sel $0xFFFF  }
0xc3: {  	[dreg:$0x0] =	wrdreg $0xFFFFFFFF;
	(pc) =	sbr.abs _section_cstart, $3  }
0xc4: {  	[dreg:$0x1] =	wrdreg $0xFFFFFFFF  }
0xc5: {  	_ =	task.clear_ibuf [dreg:s8], $0x2FFFF;
	_ =	strace $0x9FFFFFFF  }
0xc6: {  	(tm) =	ssettm $0x7FFFFFFF  }
0xc7: {  	_ =	shalt  }
tec
execute0_lowered:
.L_overlay_start_1:
0x0: {  	(tag) =	ssettag $0x1  }
0x1: {  	s0 =	rddreg [dreg:$0x0]  }
0x2: {  	s1 =	rddreg [dreg:$0x1]  }
0x3: {  	s4 =	rddreg [dreg:$0x2]  }
0x4: {  	s2 =	rddreg [dreg:$0x3]  }
0x5: {  	s3 =	rddreg [dreg:$0x4];
	s12 =	stileid.u32;
	s7 =	simm.s32 $0x0  }
0x6: {  	s6 =	srdreg.scid;
	s13 =	simm.s32 $0xD;
	s15 =	simm.s32 $0x80  }
0x7: {  	s28 =	simm.s32 $0x7700;
	s29 =	simm.s32 $0x1;
	s30 =	simm.s32 $0x2  }
0x8: {  	s31 =	simm.s32 $0x3;
	s5 =	smul.u32 $0x2710, s12;
	[smem:$0x7FF] =	sst s7  }
0x9: {  	s6 =	sand.u32 $0x1, s6;
	s20 =	sshll.u32 s12, $0x6;
	s11 =	smul.u32 $0x9E00, s12  }
0xa: {  	_ =	strace $0x8000004A;
	s8 =	ssub.s32 $0x2, s6;
	s10 =	sshll.u32 s6, $0x4  }
0xb: {  	s6 =	smul.u32 $0x27100, s6;
	s16 =	sshrl.u32 s5, $0x3;
	s9 =	sshrl.u32 s8, $0x1  }
0xc: {  	s18 =	sor.u32 s12, s10;
	s19 =	sadd.s32 s5, s2;
	s21 =	sshrl.u32 s11, $0x2  }
0xd: {  	s12 =	sshll.u32 s12, $0x5;
	s26 =	sadd.s32 s5, s3;
	s11 =	simm.s32 $0x0  }
0xe: {  	s7 =	sadd.s32 s16, s0;
	s0 =	sadd.s32 $0x8A00, s0;
	s17 =	ssub.s32 s8, s9  }
0xf: {  	s22 =	smul.u32 $0x9C0, s18;
	s14 =	sadd.s32 s21, s3;
	s23 =	sadd.s32 s12, s1  }
0x10: {  	s6 =	sadd.s32 s5, s6;
	p0 =	sgt.u32 s18, $0x3;
	s12 =	sshrl.u32 s19, $0x3  }
0x11: {  	s16 =	simm.s32 $0x4F00;
	s18 =	simm.s32 $0x5700;
	s19 =	simm.s32 $0x7  }
0x12: {  	s21 =	simm.s32 $0x8;
	s5 =	simm.s32 $0xC;
	[dreg:$0x6] =	wrdreg s0  }
0x13: {  	s7 =	sadd.s32 $0x3800, s7;
	s24 =	sadd.s32 $0x13800, s23;
	s25 =	sshrl.u32 s6, $0x3  }
0x14: {  	s0 =	smax.u32 s17, $0x1;
	s14 =	sshrl.u32 s14, $0x3;
	s17 =	simm.s32 $0x6  }
0x15: {  	s23 =	simm.s32 $0x9;
	s6 =	simm.s32 $0x0;
	[dreg:$0x7] =	wrdreg s7  }
0x16: {  	s7 =	sor.u32 $0x1C0D, s20;
	s1 =	sadd.s32 s1, s22;
	[dreg:$0x9] =	wrdreg s24  }
0x17: {  	[dreg:$0xb] =	wrdreg s0;
	s20 =	simm.s32 $0x5F00;
	s22 =	simm.s32 $0x6700  }
0x18: {  	s24 =	simm.s32 $0x6F00;
	s0 =	simm.s32 $0x4;
	[dreg:$0x8] =	wrdreg s1  }
0x19: {  	s1 =	sadd.s32 s4, s25;
	s25 =	sshrl.u32 s26, $0x3;
	s26 =	simm.s32 $0xA  }
0x1a: {  	s4 =	simm.s32 $0xB;
	[dreg:$0xa] =	wrdreg s1;
	s1 =	simm.s32 $0x5  }
.LBB2_1:
0x1b: {  	s8 =	rddreg [dreg:$0x7]  }
0x1c: {  	[spmem:s12], [sflag:s7] =	dma.local [hbm:s8], $0x4E2  }
0x1d: {  	_ =	swait.ge [sflag:s13], $0x4E2  }
0x1e: {  	[sflag:s13] =	ssyncset.done $0x0  }
0x1f: {  	s9 =	rddreg [dreg:$0x6];
	[sflag:s13] =	ssyncadd.s32 $0xFFFFFB1E  }
0x20: {  	[spmem:s14], [sflag:s7] =	dma.local [hbm:s9], $0x4F0  }
0x21: {  	_ =	swait.ge [sflag:s13], $0x4F0  }
0x22: {  	[sflag:s13] =	ssyncset.done $0x0  }
0x23: {  	s10 =	rddreg [dreg:$0x8];
	[sflag:s13] =	ssyncadd.s32 $0xFFFFFB10  }
0x24: {  	[tilespmem:s11], [sflag:$0xD] =	stream.linear.gather [hbm4b:s10+s11], $0x4E00, $0x38;
	[tilespmem:$0xCE00] =	vst v63  }
0x25: {  	_ =	swait.ge [sflag:s13], $0x4E00  }
0x26: {  	[sflag:s13] =	ssyncset.done $0x0  }
0x27: {  	[sflag:s13] =	ssyncadd.s32 $0xFFFFB200  }
0x28: {  	[bflag:$0x0] =	sbarrier.arrive $0xFFFF  }
0x29: {  	s8 =	simm.s32 @!p0 $0x0;
	s9 =	simm.s32 @!p0 $0x4E00;
	s10 =	rddreg [dreg:$0x9]  }
0x2a: {  	[tilespmem:s9], [sflag:$0xD] =	stream.linear.gather @!p0 [hbm4b:s10+s8], $0x100, $0x38;
	[tilespmem:$0xCE00] =	vst v63  }
0x2b: {  	s8 =	simm.s32 @!p0 $0xD  }
0x2c: {  	_ =	swait.ge @!p0 [sflag:s8], $0x100  }
0x2d: {  	[sflag:s8] =	ssyncset.done @!p0 $0x0  }
0x2e: {  	s10 =	simm.s32 @!p0 $0x4F00;
	[sflag:s8] =	ssyncadd.s32 @!p0 $0xFFFFFF00;
	s8 =	simm.s32 @!p0 $0x80  }
0x2f: {  	[tilespmem:s10], [sflag:$0x1] =	stream.indirect.gather @!p0 [spmem:s2], $0x10, s9, s8, $0xb8;
	[tilespmem:$0xCE00] =	vst v63  }
0x30: {  	s9 =	simm.s32 @!p0 $0x1  }
0x31: {  	_ =	swait.ge @!p0 [sflag:s9], $0x800  }
0x32: {  	[sflag:s9] =	ssyncset.done @!p0 $0x0  }
0x33: {  	[sflag:s9] =	ssyncadd.s32 @!p0 $0xFFFFF800;
	s9 =	simm.s32 @!p0 $0x4E80  }
0x34: {  	[spmem:s3] =	stream.indirect.scatter.add.f32 @!p0 [tilespmem:s10], [sflag:$0x7], $0x10, s9, s8, $0xb8;
	[tilespmem:$0xCE00] =	vst v63  }
0x35: {  	s8 =	simm.s32 @!p0 $0x7  }
0x36: {  	_ =	swait.ge @!p0 [sflag:s8], $0x800  }
0x37: {  	[sflag:s8] =	ssyncset.done @!p0 $0x0  }
0x38: {  	[sflag:s8] =	ssyncadd.s32 @!p0 $0xFFFFF800  }
0x39: {  	[tilespmem:s16], [sflag:$0x1] =	stream.indirect.gather [spmem:s2], $0x10, s11, s15, $0xb8;
	[tilespmem:$0xCE00] =	vst v63  }
0x3a: {  	s9 =	simm.s32 $0x100  }
0x3b: {  	[tilespmem:s18], [sflag:$0x2] =	stream.indirect.gather [spmem:s2], $0x10, s9, s15, $0xb8;
	[tilespmem:$0xCE00] =	vst v63  }
0x3c: {  	s10 =	simm.s32 $0x200  }
0x3d: {  	[tilespmem:s20], [sflag:$0x3] =	stream.indirect.gather [spmem:s2], $0x10, s10, s15, $0xb8;
	[tilespmem:$0xCE00] =	vst v63  }
0x3e: {  	s9 =	simm.s32 $0x300  }
0x3f: {  	[tilespmem:s22], [sflag:$0x4] =	stream.indirect.gather [spmem:s2], $0x10, s9, s15, $0xb8;
	[tilespmem:$0xCE00] =	vst v63  }
0x40: {  	s10 =	simm.s32 $0x400  }
0x41: {  	[tilespmem:s24], [sflag:$0x5] =	stream.indirect.gather [spmem:s2], $0x10, s10, s15, $0xb8;
	[tilespmem:$0xCE00] =	vst v63  }
0x42: {  	s9 =	simm.s32 $0x500  }
0x43: {  	[tilespmem:s28], [sflag:$0x6] =	stream.indirect.gather [spmem:s2], $0x10, s9, s15, $0xb8;
	[tilespmem:$0xCE00] =	vst v63  }
0x44: {  	_ =	swait.ge [sflag:s29], $0x800  }
0x45: {  	[sflag:s29] =	ssyncset.done $0x0  }
0x46: {  	s10 =	simm.s32 $0x80;
	[sflag:s29] =	ssyncadd.s32 $0xFFFFF800  }
0x47: {  	[spmem:s3] =	stream.indirect.scatter.add.f32 [tilespmem:s16], [sflag:$0x7], $0x10, s10, s15, $0xb8;
	[tilespmem:$0xCE00] =	vst v63  }
0x48: {  	_ =	swait.ge [sflag:s30], $0x800  }
0x49: {  	[sflag:s30] =	ssyncset.done $0x0  }
0x4a: {  	s9 =	simm.s32 $0x180;
	[sflag:s30] =	ssyncadd.s32 $0xFFFFF800  }
0x4b: {  	[spmem:s3] =	stream.indirect.scatter.add.f32 [tilespmem:s18], [sflag:$0x8], $0x10, s9, s15, $0xb8;
	[tilespmem:$0xCE00] =	vst v63  }
0x4c: {  	_ =	swait.ge [sflag:s31], $0x800  }
0x4d: {  	[sflag:s31] =	ssyncset.done $0x0  }
0x4e: {  	s10 =	simm.s32 $0x280;
	[sflag:s31] =	ssyncadd.s32 $0xFFFFF800  }
0x4f: {  	[spmem:s3] =	stream.indirect.scatter.add.f32 [tilespmem:s20], [sflag:$0x9], $0x10, s10, s15, $0xb8;
	[tilespmem:$0xCE00] =	vst v63  }
0x50: {  	_ =	swait.ge [sflag:s0], $0x800  }
0x51: {  	[sflag:s0] =	ssyncset.done $0x0  }
0x52: {  	s9 =	simm.s32 $0x380;
	[sflag:s0] =	ssyncadd.s32 $0xFFFFF800  }
0x53: {  	[spmem:s3] =	stream.indirect.scatter.add.f32 [tilespmem:s22], [sflag:$0xA], $0x10, s9, s15, $0xb8;
	[tilespmem:$0xCE00] =	vst v63  }
0x54: {  	_ =	swait.ge [sflag:s1], $0x800  }
0x55: {  	[sflag:s1] =	ssyncset.done $0x0  }
0x56: {  	s10 =	simm.s32 $0x480;
	[sflag:s1] =	ssyncadd.s32 $0xFFFFF800  }
0x57: {  	[spmem:s3] =	stream.indirect.scatter.add.f32 [tilespmem:s24], [sflag:$0xB], $0x10, s10, s15, $0xb8;
	[tilespmem:$0xCE00] =	vst v63  }
0x58: {  	_ =	swait.ge [sflag:s17], $0x800  }
0x59: {  	[sflag:s17] =	ssyncset.done $0x0  }
0x5a: {  	s9 =	simm.s32 $0x580;
	[sflag:s17] =	ssyncadd.s32 $0xFFFFF800  }
0x5b: {  	[spmem:s3] =	stream.indirect.scatter.add.f32 [tilespmem:s28], [sflag:$0xC], $0x10, s9, s15, $0xb8;
	[tilespmem:$0xCE00] =	vst v63  }
0x5c: {  	_ =	swait.ge [sflag:s19], $0x800  }
0x5d: {  	[sflag:s19] =	ssyncset.done $0x0  }
0x5e: {  	s10 =	simm.s32 $0x600;
	[sflag:s19] =	ssyncadd.s32 $0xFFFFF800  }
0x5f: {  	[tilespmem:s16], [sflag:$0x1] =	stream.indirect.gather [spmem:s2], $0x10, s10, s15, $0xb8;
	[tilespmem:$0xCE00] =	vst v63  }
0x60: {  	_ =	swait.ge [sflag:s21], $0x800  }
0x61: {  	[sflag:s21] =	ssyncset.done $0x0  }
0x62: {  	s9 =	simm.s32 $0x700;
	[sflag:s21] =	ssyncadd.s32 $0xFFFFF800  }
0x63: {  	[tilespmem:s18], [sflag:$0x2] =	stream.indirect.gather [spmem:s2], $0x10, s9, s15, $0xb8;
	[tilespmem:$0xCE00] =	vst v63  }
0x64: {  	_ =	swait.ge [sflag:s23], $0x800  }
0x65: {  	[sflag:s23] =	ssyncset.done $0x0  }
0x66: {  	s10 =	simm.s32 $0x800;
	[sflag:s23] =	ssyncadd.s32 $0xFFFFF800  }
0x67: {  	[tilespmem:s20], [sflag:$0x3] =	stream.indirect.gather [spmem:s2], $0x10, s10, s15, $0xb8;
	[tilespmem:$0xCE00] =	vst v63  }
0x68: {  	_ =	swait.ge [sflag:s26], $0x800  }
0x69: {  	[sflag:s26] =	ssyncset.done $0x0  }
0x6a: {  	s9 =	simm.s32 $0x900;
	[sflag:s26] =	ssyncadd.s32 $0xFFFFF800  }
0x6b: {  	[tilespmem:s22], [sflag:$0x4] =	stream.indirect.gather [spmem:s2], $0x10, s9, s15, $0xb8;
	[tilespmem:$0xCE00] =	vst v63  }
0x6c: {  	_ =	swait.ge [sflag:s4], $0x800  }
0x6d: {  	[sflag:s4] =	ssyncset.done $0x0  }
0x6e: {  	s10 =	simm.s32 $0xA00;
	[sflag:s4] =	ssyncadd.s32 $0xFFFFF800  }
0x6f: {  	[tilespmem:s24], [sflag:$0x5] =	stream.indirect.gather [spmem:s2], $0x10, s10, s15, $0xb8;
	[tilespmem:$0xCE00] =	vst v63  }
0x70: {  	_ =	swait.ge [sflag:s5], $0x800  }
0x71: {  	[sflag:s5] =	ssyncset.done $0x0  }
0x72: {  	s8 =	simm.s32 $0x1800;
	s9 =	simm.s32 $0xB00;
	[sflag:s5] =	ssyncadd.s32 $0xFFFFF800  }
.LBB2_2:
0x73: {  	[tilespmem:s28], [sflag:$0x6] =	stream.indirect.gather [spmem:s2], $0x10, s9, s15, $0xb8;
	[tilespmem:$0xCE00] =	vst v63  }
0x74: {  	s9 =	smov.u32 s8  }
0x75: {  	p1 =	sne.s32 s8, $0x10800;
	s8 =	sadd.s32 $0x1800, s8;
	_ =	swait.ge [sflag:s29], $0x800  }
0x76: {  	s9 =	sshra.s32 s9, $0x2;
	[sflag:s29] =	ssyncset.done $0x0  }
0x77: {  	s10 =	sadd.s32 $0x80, s9;
	[sflag:s29] =	ssyncadd.s32 $0xFFFFF800  }
0x78: {  	[spmem:s3] =	stream.indirect.scatter.add.f32 [tilespmem:s16], [sflag:$0x7], $0x10, s10, s15, $0xb8;
	[tilespmem:$0xCE00] =	vst v63  }
0x79: {  	_ =	swait.ge [sflag:s30], $0x800  }
0x7a: {  	[sflag:s30] =	ssyncset.done $0x0  }
0x7b: {  	s10 =	sadd.s32 $0x180, s9;
	[sflag:s30] =	ssyncadd.s32 $0xFFFFF800  }
0x7c: {  	[spmem:s3] =	stream.indirect.scatter.add.f32 [tilespmem:s18], [sflag:$0x8], $0x10, s10, s15, $0xb8;
	[tilespmem:$0xCE00] =	vst v63  }
0x7d: {  	_ =	swait.ge [sflag:s31], $0x800  }
0x7e: {  	[sflag:s31] =	ssyncset.done $0x0  }
0x7f: {  	s10 =	sadd.s32 $0x280, s9;
	[sflag:s31] =	ssyncadd.s32 $0xFFFFF800  }
0x80: {  	[spmem:s3] =	stream.indirect.scatter.add.f32 [tilespmem:s20], [sflag:$0x9], $0x10, s10, s15, $0xb8;
	[tilespmem:$0xCE00] =	vst v63  }
0x81: {  	_ =	swait.ge [sflag:s0], $0x800  }
0x82: {  	[sflag:s0] =	ssyncset.done $0x0  }
0x83: {  	s10 =	sadd.s32 $0x380, s9;
	[sflag:s0] =	ssyncadd.s32 $0xFFFFF800  }
0x84: {  	[spmem:s3] =	stream.indirect.scatter.add.f32 [tilespmem:s22], [sflag:$0xA], $0x10, s10, s15, $0xb8;
	[tilespmem:$0xCE00] =	vst v63  }
0x85: {  	_ =	swait.ge [sflag:s1], $0x800  }
0x86: {  	[sflag:s1] =	ssyncset.done $0x0  }
0x87: {  	s10 =	sadd.s32 $0x480, s9;
	[sflag:s1] =	ssyncadd.s32 $0xFFFFF800  }
0x88: {  	[spmem:s3] =	stream.indirect.scatter.add.f32 [tilespmem:s24], [sflag:$0xB], $0x10, s10, s15, $0xb8;
	[tilespmem:$0xCE00] =	vst v63  }
0x89: {  	_ =	swait.ge [sflag:s17], $0x800  }
0x8a: {  	[sflag:s17] =	ssyncset.done $0x0  }
0x8b: {  	s10 =	sadd.s32 $0x580, s9;
	[sflag:s17] =	ssyncadd.s32 $0xFFFFF800  }
0x8c: {  	[spmem:s3] =	stream.indirect.scatter.add.f32 [tilespmem:s28], [sflag:$0xC], $0x10, s10, s15, $0xb8;
	[tilespmem:$0xCE00] =	vst v63  }
0x8d: {  	_ =	swait.ge [sflag:s19], $0x800  }
0x8e: {  	[sflag:s19] =	ssyncset.done $0x0  }
0x8f: {  	s10 =	sadd.s32 $0x600, s9;
	[sflag:s19] =	ssyncadd.s32 $0xFFFFF800  }
0x90: {  	[tilespmem:s16], [sflag:$0x1] =	stream.indirect.gather [spmem:s2], $0x10, s10, s15, $0xb8;
	[tilespmem:$0xCE00] =	vst v63  }
0x91: {  	_ =	swait.ge [sflag:s21], $0x800  }
0x92: {  	[sflag:s21] =	ssyncset.done $0x0  }
0x93: {  	s10 =	sadd.s32 $0x700, s9;
	[sflag:s21] =	ssyncadd.s32 $0xFFFFF800  }
0x94: {  	[tilespmem:s18], [sflag:$0x2] =	stream.indirect.gather [spmem:s2], $0x10, s10, s15, $0xb8;
	[tilespmem:$0xCE00] =	vst v63  }
0x95: {  	_ =	swait.ge [sflag:s23], $0x800  }
0x96: {  	[sflag:s23] =	ssyncset.done $0x0  }
0x97: {  	s10 =	sadd.s32 $0x800, s9;
	[sflag:s23] =	ssyncadd.s32 $0xFFFFF800  }
0x98: {  	[tilespmem:s20], [sflag:$0x3] =	stream.indirect.gather [spmem:s2], $0x10, s10, s15, $0xb8;
	[tilespmem:$0xCE00] =	vst v63  }
0x99: {  	_ =	swait.ge [sflag:s26], $0x800  }
0x9a: {  	[sflag:s26] =	ssyncset.done $0x0  }
0x9b: {  	s10 =	sadd.s32 $0x900, s9;
	[sflag:s26] =	ssyncadd.s32 $0xFFFFF800  }
0x9c: {  	[tilespmem:s22], [sflag:$0x4] =	stream.indirect.gather [spmem:s2], $0x10, s10, s15, $0xb8;
	[tilespmem:$0xCE00] =	vst v63  }
0x9d: {  	_ =	swait.ge [sflag:s4], $0x800  }
0x9e: {  	[sflag:s4] =	ssyncset.done $0x0  }
.Ltmp0:
0x9f: {  	s10 =	sadd.s32 $0xA00, s9;
	[sflag:s4] =	ssyncadd.s32 $0xFFFFF800;
	(pc) =	sbr.rel @p1 .LBB2_2-.Ltmp0, $4  }
0xa0: {  	[tilespmem:s24], [sflag:$0x5] =	stream.indirect.gather [spmem:s2], $0x10, s10, s15, $0xb8;
	[tilespmem:$0xCE00] =	vst v63  }
0xa1: {  	_ =	swait.ge [sflag:s5], $0x800  }
0xa2: {  	[sflag:s5] =	ssyncset.done $0x0  }
0xa3: {  	s9 =	sadd.s32 $0xB00, s9;
	[sflag:s5] =	ssyncadd.s32 $0xFFFFF800  }
0xa4: {  	[tilespmem:s28], [sflag:$0x6] =	stream.indirect.gather [spmem:s2], $0x10, s9, s15, $0xb8;
	[tilespmem:$0xCE00] =	vst v63  }
0xa5: {  	_ =	swait.ge [sflag:s29], $0x800  }
0xa6: {  	[sflag:s29] =	ssyncset.done $0x0  }
0xa7: {  	s8 =	simm.s32 $0x4880;
	[sflag:s29] =	ssyncadd.s32 $0xFFFFF800  }
0xa8: {  	[spmem:s3] =	stream.indirect.scatter.add.f32 [tilespmem:s16], [sflag:$0x7], $0x10, s8, s15, $0xb8;
	[tilespmem:$0xCE00] =	vst v63  }
0xa9: {  	_ =	swait.ge [sflag:s30], $0x800  }
0xaa: {  	[sflag:s30] =	ssyncset.done $0x0  }
0xab: {  	s10 =	simm.s32 $0x4980;
	[sflag:s30] =	ssyncadd.s32 $0xFFFFF800  }
0xac: {  	[spmem:s3] =	stream.indirect.scatter.add.f32 [tilespmem:s18], [sflag:$0x8], $0x10, s10, s15, $0xb8;
	[tilespmem:$0xCE00] =	vst v63  }
0xad: {  	_ =	swait.ge [sflag:s31], $0x800  }
0xae: {  	[sflag:s31] =	ssyncset.done $0x0  }
0xaf: {  	s9 =	simm.s32 $0x4A80;
	[sflag:s31] =	ssyncadd.s32 $0xFFFFF800  }
0xb0: {  	[spmem:s3] =	stream.indirect.scatter.add.f32 [tilespmem:s20], [sflag:$0x9], $0x10, s9, s15, $0xb8;
	[tilespmem:$0xCE00] =	vst v63  }
0xb1: {  	_ =	swait.ge [sflag:s0], $0x800  }
0xb2: {  	[sflag:s0] =	ssyncset.done $0x0  }
0xb3: {  	s10 =	simm.s32 $0x4B80;
	[sflag:s0] =	ssyncadd.s32 $0xFFFFF800  }
0xb4: {  	[spmem:s3] =	stream.indirect.scatter.add.f32 [tilespmem:s22], [sflag:$0xA], $0x10, s10, s15, $0xb8;
	[tilespmem:$0xCE00] =	vst v63  }
0xb5: {  	_ =	swait.ge [sflag:s1], $0x800  }
0xb6: {  	[sflag:s1] =	ssyncset.done $0x0  }
0xb7: {  	s9 =	simm.s32 $0x4C80;
	[sflag:s1] =	ssyncadd.s32 $0xFFFFF800  }
0xb8: {  	[spmem:s3] =	stream.indirect.scatter.add.f32 [tilespmem:s24], [sflag:$0xB], $0x10, s9, s15, $0xb8;
	[tilespmem:$0xCE00] =	vst v63  }
0xb9: {  	_ =	swait.ge [sflag:s17], $0x800  }
0xba: {  	[sflag:s17] =	ssyncset.done $0x0  }
0xbb: {  	s10 =	simm.s32 $0x4D80;
	[sflag:s17] =	ssyncadd.s32 $0xFFFFF800  }
0xbc: {  	[spmem:s3] =	stream.indirect.scatter.add.f32 [tilespmem:s28], [sflag:$0xC], $0x10, s10, s15, $0xb8;
	[tilespmem:$0xCE00] =	vst v63  }
0xbd: {  	_ =	swait.ge [sflag:s19], $0x800  }
0xbe: {  	[sflag:s19] =	ssyncset.done $0x0  }
0xbf: {  	[sflag:s19] =	ssyncadd.s32 $0xFFFFF800  }
0xc0: {  	_ =	swait.ge [sflag:s21], $0x800  }
0xc1: {  	[sflag:s21] =	ssyncset.done $0x0  }
0xc2: {  	[sflag:s21] =	ssyncadd.s32 $0xFFFFF800  }
0xc3: {  	_ =	swait.ge [sflag:s23], $0x800  }
0xc4: {  	[sflag:s23] =	ssyncset.done $0x0  }
0xc5: {  	[sflag:s23] =	ssyncadd.s32 $0xFFFFF800  }
0xc6: {  	_ =	swait.ge [sflag:s26], $0x800  }
0xc7: {  	[sflag:s26] =	ssyncset.done $0x0  }
0xc8: {  	[sflag:s26] =	ssyncadd.s32 $0xFFFFF800  }
0xc9: {  	_ =	swait.ge [sflag:s4], $0x800  }
0xca: {  	[sflag:s4] =	ssyncset.done $0x0  }
0xcb: {  	[sflag:s4] =	ssyncadd.s32 $0xFFFFF800  }
0xcc: {  	_ =	swait.ge [sflag:s5], $0x800  }
0xcd: {  	[sflag:s5] =	ssyncset.done $0x0  }
0xce: {  	[sflag:s5] =	ssyncadd.s32 $0xFFFFF800  }
0xcf: {  	[bflag:$0x0] =	sbarrier.arrive $0xFFFF  }
0xd0: {  	s9 =	rddreg [dreg:$0xa]  }
0xd1: {  	[hbm:s9], [sflag:s7] =	dma.local [spmem:s25], $0x4E2  }
0xd2: {  	_ =	swait.ge [sflag:s13], $0x4E2  }
0xd3: {  	s6 =	sadd.s32 $0x1, s6;
	s10 =	rddreg [dreg:$0xb]  }
0xd4: {  	p1 =	sne.s32 s6, s10  }
.Ltmp1:
0xd5: {  	_ = 	snop;
	(pc) =	sbr.rel @p1 .LBB2_1-.Ltmp1, $3  }
0xd6: {  	_ =	sdelay $0x1  }
0xd7: {  	[sflag:s13] =	ssyncset.done $0x0  }
0xd8: {  	[sflag:s13] =	ssyncadd.s32 $0xFFFFFB1E  }
0xd9: {  	_ =	sfence.sel $0x180000  }
0xda: {  	[bflag:$0x0] =	sbarrier.arrive $0xFFFF  }
0xdb: {  	_ =	strace $0x9000004A  }
0xdc: {  	s0 =	stileid.u32;
	[bflag:$0x2] =	sbarrier.arrive $0xFFFF  }
0xdd: {  	p0 =	sne.s32 s0, $0x0;
	s0 =	rddreg [dreg:$0x5]  }
0xde: {  	s0 =	sadd.s32 @!p0 $0x100000, s0  }
0xdf: {  	[sflag:s0] =	ssyncadd.tile.s32 @!p0 $0x1;
	_ =	shalt  }
.Lfunc_end2:
_tile_overlayer_lowered:
.L_overlay_start_2:
0xe0: {  	(tag) =	ssettag $0x2  }
0xe1: {  	s0 =	rddreg [dreg:$0x0];
	s2 =	stileid.u32  }
0xe2: {  	s1 =	rddreg [dreg:$0x1];
	p0 =	sne.s32 s2, $0x0  }
0xe3: {  	s3 =	rddreg [dreg:$0x2];
	[bflag:$0x3] =	sbarrier.arrive $0xFFFF;
	s2 =	simm.s32 @!p0 $0x1C0D  }
0xe4: {  	[timem:s3], [sflag:s2] =	dma.local @!p0 [hbm:s0], s1  }
0xe5: {  	s0 =	simm.s32 @!p0 $0xD  }
0xe6: {  	_ =	swait.ge @!p0 [sflag:s0], s1  }
0xe7: {  	s1 =	ssub.s32 @!p0 $0x0, s1;
	[sflag:s0] =	ssyncset.done @!p0 $0x0  }
0xe8: {  	[sflag:s0] =	ssyncadd.s32 @!p0 s1  }
0xe9: {  	[bflag:$0x3] =	sbarrier.arrive $0xFFFF  }
0xea: {  	_ =	shalt  }

// kernel: kernel.15.cloned.1.call-start
scs
__scs_entry_jumppad:
0x0: {  	(pc) =	sbr.rel $0x88, $3  }
0x1: {  	(tag) =	ssettag $0x0;
	lr =	simm.s32 $0x1  }
0x2: {  	[smem:$0x3F96] =	sst lr;
	_ =	strace $0xD0000000  }
0x3: {  	_ = 	snop  }
0x4: {  	_ = 	snop  }
0x5: {  	_ = 	snop  }
0x6: {  	_ = 	snop  }
0x7: {  	_ = 	snop  }
__scs_overlays_trampoline_lowered:
0x8: {  	[smem:$0x3FA5] =	sst s0  }
0x9: {  	[smem:$0x3FA6] =	sst s1  }
0xa: {  	[smem:$0x3FA7] =	sst s2  }
0xb: {  	[smem:$0x3FA8] =	sst s3  }
0xc: {  	[smem:$0x3FA9] =	sst s4  }
0xd: {  	[smem:$0x3FAA] =	sst s5  }
0xe: {  	[smem:$0x3FAB] =	sst s6  }
0xf: {  	[smem:$0x3FAC] =	sst s7  }
0x10: {  	[smem:$0x3FAD] =	sst s8  }
0x11: {  	[smem:$0x3FAE] =	sst s9;
	s0 =	simm.s32 @!p0 $0x0  }
0x12: {  	s1 =	sld [smem:$0x3F94];
	s0 =	simm.s32 @p0 $0x1  }
0x13: {  	[smem:$0x3FAF] =	sst s0;
	s0 =	simm.s32 @!p1 $0x0  }
0x14: {  	s2 =	sld [smem:$0x3F93];
	s0 =	simm.s32 @p1 $0x1  }
0x15: {  	[smem:$0x3FB0] =	sst s0;
	s0 =	simm.s32 @!p2 $0x0  }
0x16: {  	s3 =	sld [smem:$0x3FDB];
	s0 =	simm.s32 @p2 $0x1  }
0x17: {  	s4 =	simm.s32 $0x1BF5;
	[smem:$0x3FB2] =	sst s0  }
0x18: {  	s0 =	sld [smem:$0x3F95];
	_ =	swait.ge [sflag:s4], $0x0  }
0x19: {  	s7 =	sld [smem:$0x3F96]  }
0x1a: {  	s8 =	sadd.s32 $0xFFFFE003, lr  }
0x1b: {  	s9 =	sadd.s32 $0xFFFFFEF7, lr;
	s5 =	simm.s32 $0xFFFFFFFF;
	p2 =	slt.u32 s8, $0xFFFFF086  }
0x1c: {  	p1 =	slt.u32 s9, $0xF7A;
	s5 =	simm.s32 @!p2 $0x0  }
0x1d: {  	s5 =	simm.s32 @p1 $0x1;
	p0 =	seq.s32 s7, s2  }
0x1e: {  	s7 =	smul.u32 @!p0 $0xF7A, s2;
	p2 =	seq.s32 @!p0 s5, $0x0  }
0x1f: {  	s9 =	smul.u32 $0xF7A, s1;
	s8 =	simm.s32 @!p0 $0x1BF5;
	p2 =	por !p2, p0  }
0x20: {  	[sflag:s8] =	ssyncset.s32 @!p0 $0xFFFFF086;
	s6 =	sadd.s32 @!p0 s3, s7;
	s7 =	simm.s32 @!p0 $0x108  }
0x21: {  	s3 =	sadd.s32 s3, s9;
	s6 =	sadd.s32 @!p0 $0x88, s6;
	s7 =	simm.s32 @p2 $0x1082  }
0x22: {  	[simem:s7], [sflag:s8] =	dma.local @!p0 [hbm:s6], $0xF7A  }
0x23: {  	s9 =	sor.u32 $0xD0000000, s2;
	s6 =	simm.s32 $0x108;
	_ =	swait.ge @!p0 [sflag:s8], $0x0  }
0x24: {  	s3 =	sadd.s32 $0x88, s3;
	s6 =	simm.s32 @!p1 $0x1082;
	[sflag:s4] =	ssyncset.s32 $0xFFFFF086  }
0x25: {  	[simem:s6], [sflag:s4] =	dma.local [hbm:s3], $0xF7A  }
0x26: {  	[smem:$0x3F96] =	sst s1;
	(tag) =	ssettag s2;
	_ =	strace s9  }
0x27: {  	s1 =	sld [smem:$0x3FA6]  }
0x28: {  	s2 =	sld [smem:$0x3FA7]  }
0x29: {  	s4 =	sld [smem:$0x3FA9]  }
0x2a: {  	p0 =	seq.s32 s5, $0x0;
	s5 =	sld [smem:$0x3FAA]  }
0x2b: {  	s6 =	sld [smem:$0x3FAB]  }
0x2c: {  	s7 =	sld [smem:$0x3FAC]  }
0x2d: {  	s3 =	simm.s32 $0x108;
	s8 =	sld [smem:$0x3FAD]  }
0x2e: {  	s3 =	simm.s32 @!p0 $0x1082;
	s9 =	sld [smem:$0x3FAE]  }
0x2f: {  	lr =	sadd.s32 s0, s3;
	s0 =	sld [smem:$0x3FA5]  }
0x30: {  	s3 =	sld [smem:$0x3FA8]  }
0x31: {  	[smem:$0x3FB1] =	sst s10  }
0x32: {  	s10 =	sld [smem:$0x3FAF];
	_ =	sdelay $0x3  }
0x33: {  	p0 =	seq.s32 s10, $0x1;
	s10 =	sld [smem:$0x3FB1];
	_ =	sdelay $0x3  }
0x34: {  	[smem:$0x3FB1] =	sst s10  }
0x35: {  	s10 =	sld [smem:$0x3FB0];
	_ =	sdelay $0x3  }
0x36: {  	p1 =	seq.s32 s10, $0x1;
	s10 =	sld [smem:$0x3FB1];
	_ =	sdelay $0x3  }
0x37: {  	[smem:$0x3FB1] =	sst s10  }
0x38: {  	s10 =	sld [smem:$0x3FB2]  }
0x39: {  	_ = 	snop;
	(pc) =	sbr.ind lr, $3  }
0x3a: {  	_ = 	snop  }
0x3b: {  	_ = 	snop  }
0x3c: {  	p2 =	seq.s32 s10, $0x1;
	s10 =	sld [smem:$0x3FB1]  }
0x3d: {  	_ =	shalt  }
0x3e: {  	_ =	shalt  }
0x3f: {  	_ =	shalt  }
0x40: {  	_ =	shalt  }
0x41: {  	_ =	shalt  }
0x42: {  	_ =	shalt  }
0x43: {  	_ =	shalt  }
0x44: {  	_ =	shalt  }
0x45: {  	_ =	shalt  }
0x46: {  	_ =	shalt  }
0x47: {  	_ =	shalt  }
0x48: {  	_ =	shalt  }
0x49: {  	_ =	shalt  }
0x4a: {  	_ =	shalt  }
0x4b: {  	_ =	shalt  }
0x4c: {  	_ =	shalt  }
0x4d: {  	_ =	shalt  }
0x4e: {  	_ =	shalt  }
0x4f: {  	_ =	shalt  }
0x50: {  	_ =	shalt  }
0x51: {  	_ =	shalt  }
0x52: {  	_ =	shalt  }
0x53: {  	_ =	shalt  }
0x54: {  	_ =	shalt  }
0x55: {  	_ =	shalt  }
0x56: {  	_ =	shalt  }
0x57: {  	_ =	shalt  }
0x58: {  	_ =	shalt  }
0x59: {  	_ =	shalt  }
0x5a: {  	_ =	shalt  }
0x5b: {  	_ =	shalt  }
0x5c: {  	_ =	shalt  }
0x5d: {  	_ =	shalt  }
0x5e: {  	_ =	shalt  }
0x5f: {  	_ =	shalt  }
0x60: {  	_ =	shalt  }
0x61: {  	_ =	shalt  }
0x62: {  	_ =	shalt  }
0x63: {  	_ =	shalt  }
0x64: {  	_ =	shalt  }
0x65: {  	_ =	shalt  }
0x66: {  	_ =	shalt  }
0x67: {  	_ =	shalt  }
0x68: {  	_ =	shalt  }
0x69: {  	_ =	shalt  }
0x6a: {  	_ =	shalt  }
0x6b: {  	_ =	shalt  }
0x6c: {  	_ =	shalt  }
0x6d: {  	_ =	shalt  }
0x6e: {  	_ =	shalt  }
0x6f: {  	_ =	shalt  }
0x70: {  	_ =	shalt  }
0x71: {  	_ =	shalt  }
0x72: {  	_ =	shalt  }
0x73: {  	_ =	shalt  }
0x74: {  	_ =	shalt  }
0x75: {  	_ =	shalt  }
0x76: {  	_ =	shalt  }
0x77: {  	_ =	shalt  }
0x78: {  	_ =	shalt  }
0x79: {  	_ =	shalt  }
0x7a: {  	_ =	shalt  }
0x7b: {  	_ =	shalt  }
0x7c: {  	_ =	shalt  }
0x7d: {  	_ =	shalt  }
0x7e: {  	_ =	shalt  }
0x7f: {  	_ =	shalt  }
0x80: {  	_ =	shalt  }
0x81: {  	_ =	shalt  }
0x82: {  	_ =	shalt  }
0x83: {  	_ =	shalt  }
0x84: {  	_ =	shalt  }
0x85: {  	_ =	shalt  }
0x86: {  	_ =	shalt  }
0x87: {  	_ =	shalt  }
.Lfunc_end0:
.L_simem_size_0:
called_computation.2_lowered:
.L_overlay_start_0:
0x88: {  	s2 =	sld [smem:$0x3FD9]  }
0x89: {  	s3 =	sld [smem:$0x3FFE];
	_ =	sdelay $0x1  }
0x8a: {  	s1 =	srdreg.scid  }
0x8b: {  	s0 =	sand.u32 $0x1, s1  }
0x8c: {  	s17 =	sshll.u32 s0, $0xA;
	s2 =	sadd.s32 s3, s2  }
0x8d: {  	s2 =	sadd.s32 s2, s17  }
0x8e: {  	[smem:$0x3FBD] =	sst s2  }
0x8f: {  	_ = 	snop  }
0x90: {  	s2 =	sld [smem:$0x3FC9]  }
0x91: {  	s18 =	sld [smem:$0x3FD0];
	(tm) =	ssettm $0x1  }
0x92: {  	s4 =	sld [smem:$0x3FFB];
	_ =	sdelay $0x3  }
0x93: {  	_ =	strace s4  }
0x94: {  	s4 =	sld [smem:$0x3FFC];
	_ =	sdelay $0x3  }
0x95: {  	_ =	strace s4  }
0x96: {  	s4 =	sld [smem:$0x3FFD];
	_ =	sdelay $0x3  }
0x97: {  	_ =	strace s4  }
0x98: {  	_ =	strace $0x8FFFFFFF  }
0x99: {  	s19 =	sld [smem:$0x3FDB];
	_ =	sdelay $0x1  }
0x9a: {  	s5 =	simm.s32 $_scs_section_size  }
0x9b: {  	s6 =	simm.s32 $_size__tile_overlayer_lowered;
	s7 =	simm.s32 $_tile_overlayer_lowered  }
0x9c: {  	s22 =	simm.s32 $0x1BFF;
	s21 =	sshll.u32 s7, $0x1;
	s4 =	sadd.s32 s5, s19  }
0x9d: {  	s8 =	simm.s32 $0x0;
	s20 =	sshll.u32 s6, $0x1;
	s6 =	sadd.s32 s21, s4  }
0x9e: {  	[timem:s8], [sflag:s22] =	dma.local [hbm:s6], s20  }
0x9f: {  	_ =	swait.ge [sflag:s22], s20  }
0xa0: {  	s5 =	ssub.s32 $0x0, s20;
	[sflag:s22] =	ssyncset.done $0x0  }
0xa1: {  	[sflag:s22] =	ssyncadd.s32 s5;
	_ =	sdelay $0x1  }
0xa2: {  	s23 =	simm.s32 $0x1B8B  }
0xa3: {  	_ =	swait.ge [sflag:s23], $0x1  }
0xa4: {  	[sflag:s23] =	ssyncset.done $0x0  }
0xa5: {  	s25 =	simm.s32 $0x1B8E;
	s24 =	sld [smem:$0x3FFE];
	[sflag:s23] =	ssyncadd.s32 $0xFFFFFFFF  }
0xa6: {  	s26 =	simm.s32 $execute0_lowered;
	[smem:$0x3FD2] =	sst s25  }
0xa7: {  	s6 =	sshll.u32 s26, $0x1;
	_ =	strace $0x8000004C;
	[dreg:$0x1] =	wrdreg $0xFFFFFFFF  }
0xa8: {  	s28 =	simm.s32 $_size_execute0_lowered;
	s4 =	sadd.s32 s4, s6;
	[dreg:$0x0] =	wrdreg $0x0  }
0xa9: {  	s6 =	sshll.u32 s28, $0x1;
	[dreg:$0x2] =	wrdreg s4  }
0xaa: {  	[dreg:$0x3] =	wrdreg s6  }
0xab: {  	[dreg:$0x4] =	wrdreg $0xC0  }
0xac: {  	_ =	task [dreg:s8], $0x5FFFF  }
0xad: {  	[dreg:$0x1] =	wrdreg $0xFFFFFFFF  }
0xae: {  	[dreg:$0x0] =	wrdreg $0x60  }
0xaf: {  	[dreg:$0x2] =	wrdreg s24  }
0xb0: {  	[dreg:$0x3] =	wrdreg s2  }
0xb1: {  	[dreg:$0x4] =	wrdreg s18  }
0xb2: {  	[dreg:$0x5] =	wrdreg $0x7F000  }
0xb3: {  	[dreg:$0x6] =	wrdreg $0xA6800  }
0xb4: {  	[dreg:$0x7] =	wrdreg $0x9  }
0xb5: {  	_ =	task.clear_ibuf [dreg:s8], $0x8FFFF;
	_ =	strace $0x9000004C  }
0xb6: {  	s29 =	simm.s32 $0x9;
	_ =	strace $0x8000004E  }
0xb7: {  	_ =	swait.ge [sflag:s29], $0x1  }
0xb8: {  	[sflag:s29] =	ssyncadd.s32 $0xFFFFFFFF  }
0xb9: {  	_ =	strace $0x9000004E  }
0xba: {  	_ =	sfence  }
0xbb: {  	s30 =	sld [smem:$0x0];
	_ =	sdelay $0x2  }
0xbc: {  	s31 =	sshll.u32 s1, $0xD;
	s1 =	sshrl.u32 s1, $0x2  }
0xbd: {  	s3 =	sand.u32 $0x4000, s31;
	s1 =	sadd.s32 s1, s30  }
0xbe: {  	s0 =	sor.u32 s3, s0;
	s1 =	sshll.u32 s1, $0x11  }
0xbf: {  	s0 =	sor.u32 s1, s0  }
0xc0: {  	s0 =	sadd.s32 $0x8F2B, s0  }
0xc1: {  	[sflag:s0] =	ssyncadd.remote.s32 $0x1  }
0xc2: {  	_ =	sfence.sel $0xFFFF  }
0xc3: {  	[dreg:$0x0] =	wrdreg $0xFFFFFFFF;
	(pc) =	sbr.abs _section_cstart, $3  }
0xc4: {  	[dreg:$0x1] =	wrdreg $0xFFFFFFFF  }
0xc5: {  	_ =	task.clear_ibuf [dreg:s8], $0x2FFFF;
	_ =	strace $0x9FFFFFFF  }
0xc6: {  	(tm) =	ssettm $0x7FFFFFFF  }
0xc7: {  	_ =	shalt  }
tec
execute0_lowered:
.L_overlay_start_1:
0x0: {  	(tag) =	ssettag $0x1  }
0x1: {  	s0 =	rddreg [dreg:$0x0]  }
0x2: {  	s1 =	rddreg [dreg:$0x1]  }
0x3: {  	s4 =	rddreg [dreg:$0x2]  }
0x4: {  	s2 =	rddreg [dreg:$0x3]  }
0x5: {  	s3 =	rddreg [dreg:$0x4];
	s12 =	stileid.u32;
	s7 =	simm.s32 $0x0  }
0x6: {  	s6 =	srdreg.scid;
	s13 =	simm.s32 $0xD;
	s15 =	simm.s32 $0x80  }
0x7: {  	s28 =	simm.s32 $0x7700;
	s29 =	simm.s32 $0x1;
	s30 =	simm.s32 $0x2  }
0x8: {  	s31 =	simm.s32 $0x3;
	s5 =	smul.u32 $0x2710, s12;
	[smem:$0x7FF] =	sst s7  }
0x9: {  	s6 =	sand.u32 $0x1, s6;
	s20 =	sshll.u32 s12, $0x6;
	s11 =	smul.u32 $0x9E00, s12  }
0xa: {  	_ =	strace $0x8000004D;
	s8 =	ssub.s32 $0x2, s6;
	s10 =	sshll.u32 s6, $0x4  }
0xb: {  	s6 =	smul.u32 $0x27100, s6;
	s16 =	sshrl.u32 s5, $0x3;
	s9 =	sshrl.u32 s8, $0x1  }
0xc: {  	s18 =	sor.u32 s12, s10;
	s19 =	sadd.s32 s5, s2;
	s21 =	sshrl.u32 s11, $0x2  }
0xd: {  	s12 =	sshll.u32 s12, $0x5;
	s26 =	sadd.s32 s5, s3;
	s11 =	simm.s32 $0x0  }
0xe: {  	s7 =	sadd.s32 s16, s0;
	s0 =	sadd.s32 $0x8A00, s0;
	s17 =	ssub.s32 s8, s9  }
0xf: {  	s22 =	smul.u32 $0x9C0, s18;
	s14 =	sadd.s32 s21, s3;
	s23 =	sadd.s32 s12, s1  }
0x10: {  	s6 =	sadd.s32 s5, s6;
	p0 =	sgt.u32 s18, $0x3;
	s12 =	sshrl.u32 s19, $0x3  }
0x11: {  	s16 =	simm.s32 $0x4F00;
	s18 =	simm.s32 $0x5700;
	s19 =	simm.s32 $0x7  }
0x12: {  	s21 =	simm.s32 $0x8;
	s5 =	simm.s32 $0xC;
	[dreg:$0x6] =	wrdreg s0  }
0x13: {  	s7 =	sadd.s32 $0x3800, s7;
	s24 =	sadd.s32 $0x13800, s23;
	s25 =	sshrl.u32 s6, $0x3  }
0x14: {  	s0 =	smax.u32 s17, $0x1;
	s14 =	sshrl.u32 s14, $0x3;
	s17 =	simm.s32 $0x6  }
0x15: {  	s23 =	simm.s32 $0x9;
	s6 =	simm.s32 $0x0;
	[dreg:$0x7] =	wrdreg s7  }
0x16: {  	s7 =	sor.u32 $0x1C0D, s20;
	s1 =	sadd.s32 s1, s22;
	[dreg:$0x9] =	wrdreg s24  }
0x17: {  	[dreg:$0xb] =	wrdreg s0;
	s20 =	simm.s32 $0x5F00;
	s22 =	simm.s32 $0x6700  }
0x18: {  	s24 =	simm.s32 $0x6F00;
	s0 =	simm.s32 $0x4;
	[dreg:$0x8] =	wrdreg s1  }
0x19: {  	s1 =	sadd.s32 s4, s25;
	s25 =	sshrl.u32 s26, $0x3;
	s26 =	simm.s32 $0xA  }
0x1a: {  	s4 =	simm.s32 $0xB;
	[dreg:$0xa] =	wrdreg s1;
	s1 =	simm.s32 $0x5  }
.LBB2_1:
0x1b: {  	s8 =	rddreg [dreg:$0x7]  }
0x1c: {  	[spmem:s12], [sflag:s7] =	dma.local [hbm:s8], $0x4E2  }
0x1d: {  	_ =	swait.ge [sflag:s13], $0x4E2  }
0x1e: {  	[sflag:s13] =	ssyncset.done $0x0  }
0x1f: {  	s9 =	rddreg [dreg:$0x6];
	[sflag:s13] =	ssyncadd.s32 $0xFFFFFB1E  }
0x20: {  	[spmem:s14], [sflag:s7] =	dma.local [hbm:s9], $0x4F0  }
0x21: {  	_ =	swait.ge [sflag:s13], $0x4F0  }
0x22: {  	[sflag:s13] =	ssyncset.done $0x0  }
0x23: {  	s10 =	rddreg [dreg:$0x8];
	[sflag:s13] =	ssyncadd.s32 $0xFFFFFB10  }
0x24: {  	[tilespmem:s11], [sflag:$0xD] =	stream.linear.gather [hbm4b:s10+s11], $0x4E00, $0x38;
	[tilespmem:$0xCE00] =	vst v63  }
0x25: {  	_ =	swait.ge [sflag:s13], $0x4E00  }
0x26: {  	[sflag:s13] =	ssyncset.done $0x0  }
0x27: {  	[sflag:s13] =	ssyncadd.s32 $0xFFFFB200  }
0x28: {  	[bflag:$0x0] =	sbarrier.arrive $0xFFFF  }
0x29: {  	s8 =	simm.s32 @!p0 $0x0;
	s9 =	simm.s32 @!p0 $0x4E00;
	s10 =	rddreg [dreg:$0x9]  }
0x2a: {  	[tilespmem:s9], [sflag:$0xD] =	stream.linear.gather @!p0 [hbm4b:s10+s8], $0x100, $0x38;
	[tilespmem:$0xCE00] =	vst v63  }
0x2b: {  	s8 =	simm.s32 @!p0 $0xD  }
0x2c: {  	_ =	swait.ge @!p0 [sflag:s8], $0x100  }
0x2d: {  	[sflag:s8] =	ssyncset.done @!p0 $0x0  }
0x2e: {  	s10 =	simm.s32 @!p0 $0x4F00;
	[sflag:s8] =	ssyncadd.s32 @!p0 $0xFFFFFF00;
	s8 =	simm.s32 @!p0 $0x80  }
0x2f: {  	[tilespmem:s10], [sflag:$0x1] =	stream.indirect.gather @!p0 [spmem:s2], $0x10, s9, s8, $0xb8;
	[tilespmem:$0xCE00] =	vst v63  }
0x30: {  	s9 =	simm.s32 @!p0 $0x1  }
0x31: {  	_ =	swait.ge @!p0 [sflag:s9], $0x800  }
0x32: {  	[sflag:s9] =	ssyncset.done @!p0 $0x0  }
0x33: {  	[sflag:s9] =	ssyncadd.s32 @!p0 $0xFFFFF800;
	s9 =	simm.s32 @!p0 $0x4E80  }
0x34: {  	[spmem:s3] =	stream.indirect.scatter.add.f32 @!p0 [tilespmem:s10], [sflag:$0x7], $0x10, s9, s8, $0xb8;
	[tilespmem:$0xCE00] =	vst v63  }
0x35: {  	s8 =	simm.s32 @!p0 $0x7  }
0x36: {  	_ =	swait.ge @!p0 [sflag:s8], $0x800  }
0x37: {  	[sflag:s8] =	ssyncset.done @!p0 $0x0  }
0x38: {  	[sflag:s8] =	ssyncadd.s32 @!p0 $0xFFFFF800  }
0x39: {  	[tilespmem:s16], [sflag:$0x1] =	stream.indirect.gather [spmem:s2], $0x10, s11, s15, $0xb8;
	[tilespmem:$0xCE00] =	vst v63  }
0x3a: {  	s9 =	simm.s32 $0x100  }
0x3b: {  	[tilespmem:s18], [sflag:$0x2] =	stream.indirect.gather [spmem:s2], $0x10, s9, s15, $0xb8;
	[tilespmem:$0xCE00] =	vst v63  }
0x3c: {  	s10 =	simm.s32 $0x200  }
0x3d: {  	[tilespmem:s20], [sflag:$0x3] =	stream.indirect.gather [spmem:s2], $0x10, s10, s15, $0xb8;
	[tilespmem:$0xCE00] =	vst v63  }
0x3e: {  	s9 =	simm.s32 $0x300  }
0x3f: {  	[tilespmem:s22], [sflag:$0x4] =	stream.indirect.gather [spmem:s2], $0x10, s9, s15, $0xb8;
	[tilespmem:$0xCE00] =	vst v63  }
0x40: {  	s10 =	simm.s32 $0x400  }
0x41: {  	[tilespmem:s24], [sflag:$0x5] =	stream.indirect.gather [spmem:s2], $0x10, s10, s15, $0xb8;
	[tilespmem:$0xCE00] =	vst v63  }
0x42: {  	s9 =	simm.s32 $0x500  }
0x43: {  	[tilespmem:s28], [sflag:$0x6] =	stream.indirect.gather [spmem:s2], $0x10, s9, s15, $0xb8;
	[tilespmem:$0xCE00] =	vst v63  }
0x44: {  	_ =	swait.ge [sflag:s29], $0x800  }
0x45: {  	[sflag:s29] =	ssyncset.done $0x0  }
0x46: {  	s10 =	simm.s32 $0x80;
	[sflag:s29] =	ssyncadd.s32 $0xFFFFF800  }
0x47: {  	[spmem:s3] =	stream.indirect.scatter.add.f32 [tilespmem:s16], [sflag:$0x7], $0x10, s10, s15, $0xb8;
	[tilespmem:$0xCE00] =	vst v63  }
0x48: {  	_ =	swait.ge [sflag:s30], $0x800  }
0x49: {  	[sflag:s30] =	ssyncset.done $0x0  }
0x4a: {  	s9 =	simm.s32 $0x180;
	[sflag:s30] =	ssyncadd.s32 $0xFFFFF800  }
0x4b: {  	[spmem:s3] =	stream.indirect.scatter.add.f32 [tilespmem:s18], [sflag:$0x8], $0x10, s9, s15, $0xb8;
	[tilespmem:$0xCE00] =	vst v63  }
0x4c: {  	_ =	swait.ge [sflag:s31], $0x800  }
0x4d: {  	[sflag:s31] =	ssyncset.done $0x0  }
0x4e: {  	s10 =	simm.s32 $0x280;
	[sflag:s31] =	ssyncadd.s32 $0xFFFFF800  }
0x4f: {  	[spmem:s3] =	stream.indirect.scatter.add.f32 [tilespmem:s20], [sflag:$0x9], $0x10, s10, s15, $0xb8;
	[tilespmem:$0xCE00] =	vst v63  }
0x50: {  	_ =	swait.ge [sflag:s0], $0x800  }
0x51: {  	[sflag:s0] =	ssyncset.done $0x0  }
0x52: {  	s9 =	simm.s32 $0x380;
	[sflag:s0] =	ssyncadd.s32 $0xFFFFF800  }
0x53: {  	[spmem:s3] =	stream.indirect.scatter.add.f32 [tilespmem:s22], [sflag:$0xA], $0x10, s9, s15, $0xb8;
	[tilespmem:$0xCE00] =	vst v63  }
0x54: {  	_ =	swait.ge [sflag:s1], $0x800  }
0x55: {  	[sflag:s1] =	ssyncset.done $0x0  }
0x56: {  	s10 =	simm.s32 $0x480;
	[sflag:s1] =	ssyncadd.s32 $0xFFFFF800  }
0x57: {  	[spmem:s3] =	stream.indirect.scatter.add.f32 [tilespmem:s24], [sflag:$0xB], $0x10, s10, s15, $0xb8;
	[tilespmem:$0xCE00] =	vst v63  }
0x58: {  	_ =	swait.ge [sflag:s17], $0x800  }
0x59: {  	[sflag:s17] =	ssyncset.done $0x0  }
0x5a: {  	s9 =	simm.s32 $0x580;
	[sflag:s17] =	ssyncadd.s32 $0xFFFFF800  }
0x5b: {  	[spmem:s3] =	stream.indirect.scatter.add.f32 [tilespmem:s28], [sflag:$0xC], $0x10, s9, s15, $0xb8;
	[tilespmem:$0xCE00] =	vst v63  }
0x5c: {  	_ =	swait.ge [sflag:s19], $0x800  }
0x5d: {  	[sflag:s19] =	ssyncset.done $0x0  }
0x5e: {  	s10 =	simm.s32 $0x600;
	[sflag:s19] =	ssyncadd.s32 $0xFFFFF800  }
0x5f: {  	[tilespmem:s16], [sflag:$0x1] =	stream.indirect.gather [spmem:s2], $0x10, s10, s15, $0xb8;
	[tilespmem:$0xCE00] =	vst v63  }
0x60: {  	_ =	swait.ge [sflag:s21], $0x800  }
0x61: {  	[sflag:s21] =	ssyncset.done $0x0  }
0x62: {  	s9 =	simm.s32 $0x700;
	[sflag:s21] =	ssyncadd.s32 $0xFFFFF800  }
0x63: {  	[tilespmem:s18], [sflag:$0x2] =	stream.indirect.gather [spmem:s2], $0x10, s9, s15, $0xb8;
	[tilespmem:$0xCE00] =	vst v63  }
0x64: {  	_ =	swait.ge [sflag:s23], $0x800  }
0x65: {  	[sflag:s23] =	ssyncset.done $0x0  }
0x66: {  	s10 =	simm.s32 $0x800;
	[sflag:s23] =	ssyncadd.s32 $0xFFFFF800  }
0x67: {  	[tilespmem:s20], [sflag:$0x3] =	stream.indirect.gather [spmem:s2], $0x10, s10, s15, $0xb8;
	[tilespmem:$0xCE00] =	vst v63  }
0x68: {  	_ =	swait.ge [sflag:s26], $0x800  }
0x69: {  	[sflag:s26] =	ssyncset.done $0x0  }
0x6a: {  	s9 =	simm.s32 $0x900;
	[sflag:s26] =	ssyncadd.s32 $0xFFFFF800  }
0x6b: {  	[tilespmem:s22], [sflag:$0x4] =	stream.indirect.gather [spmem:s2], $0x10, s9, s15, $0xb8;
	[tilespmem:$0xCE00] =	vst v63  }
0x6c: {  	_ =	swait.ge [sflag:s4], $0x800  }
0x6d: {  	[sflag:s4] =	ssyncset.done $0x0  }
0x6e: {  	s10 =	simm.s32 $0xA00;
	[sflag:s4] =	ssyncadd.s32 $0xFFFFF800  }
0x6f: {  	[tilespmem:s24], [sflag:$0x5] =	stream.indirect.gather [spmem:s2], $0x10, s10, s15, $0xb8;
	[tilespmem:$0xCE00] =	vst v63  }
0x70: {  	_ =	swait.ge [sflag:s5], $0x800  }
0x71: {  	[sflag:s5] =	ssyncset.done $0x0  }
0x72: {  	s8 =	simm.s32 $0x1800;
	s9 =	simm.s32 $0xB00;
	[sflag:s5] =	ssyncadd.s32 $0xFFFFF800  }
.LBB2_2:
0x73: {  	[tilespmem:s28], [sflag:$0x6] =	stream.indirect.gather [spmem:s2], $0x10, s9, s15, $0xb8;
	[tilespmem:$0xCE00] =	vst v63  }
0x74: {  	s9 =	smov.u32 s8  }
0x75: {  	p1 =	sne.s32 s8, $0x10800;
	s8 =	sadd.s32 $0x1800, s8;
	_ =	swait.ge [sflag:s29], $0x800  }
0x76: {  	s9 =	sshra.s32 s9, $0x2;
	[sflag:s29] =	ssyncset.done $0x0  }
0x77: {  	s10 =	sadd.s32 $0x80, s9;
	[sflag:s29] =	ssyncadd.s32 $0xFFFFF800  }
0x78: {  	[spmem:s3] =	stream.indirect.scatter.add.f32 [tilespmem:s16], [sflag:$0x7], $0x10, s10, s15, $0xb8;
	[tilespmem:$0xCE00] =	vst v63  }
0x79: {  	_ =	swait.ge [sflag:s30], $0x800  }
0x7a: {  	[sflag:s30] =	ssyncset.done $0x0  }
0x7b: {  	s10 =	sadd.s32 $0x180, s9;
	[sflag:s30] =	ssyncadd.s32 $0xFFFFF800  }
0x7c: {  	[spmem:s3] =	stream.indirect.scatter.add.f32 [tilespmem:s18], [sflag:$0x8], $0x10, s10, s15, $0xb8;
	[tilespmem:$0xCE00] =	vst v63  }
0x7d: {  	_ =	swait.ge [sflag:s31], $0x800  }
0x7e: {  	[sflag:s31] =	ssyncset.done $0x0  }
0x7f: {  	s10 =	sadd.s32 $0x280, s9;
	[sflag:s31] =	ssyncadd.s32 $0xFFFFF800  }
0x80: {  	[spmem:s3] =	stream.indirect.scatter.add.f32 [tilespmem:s20], [sflag:$0x9], $0x10, s10, s15, $0xb8;
	[tilespmem:$0xCE00] =	vst v63  }
0x81: {  	_ =	swait.ge [sflag:s0], $0x800  }
0x82: {  	[sflag:s0] =	ssyncset.done $0x0  }
0x83: {  	s10 =	sadd.s32 $0x380, s9;
	[sflag:s0] =	ssyncadd.s32 $0xFFFFF800  }
0x84: {  	[spmem:s3] =	stream.indirect.scatter.add.f32 [tilespmem:s22], [sflag:$0xA], $0x10, s10, s15, $0xb8;
	[tilespmem:$0xCE00] =	vst v63  }
0x85: {  	_ =	swait.ge [sflag:s1], $0x800  }
0x86: {  	[sflag:s1] =	ssyncset.done $0x0  }
0x87: {  	s10 =	sadd.s32 $0x480, s9;
	[sflag:s1] =	ssyncadd.s32 $0xFFFFF800  }
0x88: {  	[spmem:s3] =	stream.indirect.scatter.add.f32 [tilespmem:s24], [sflag:$0xB], $0x10, s10, s15, $0xb8;
	[tilespmem:$0xCE00] =	vst v63  }
0x89: {  	_ =	swait.ge [sflag:s17], $0x800  }
0x8a: {  	[sflag:s17] =	ssyncset.done $0x0  }
0x8b: {  	s10 =	sadd.s32 $0x580, s9;
	[sflag:s17] =	ssyncadd.s32 $0xFFFFF800  }
0x8c: {  	[spmem:s3] =	stream.indirect.scatter.add.f32 [tilespmem:s28], [sflag:$0xC], $0x10, s10, s15, $0xb8;
	[tilespmem:$0xCE00] =	vst v63  }
0x8d: {  	_ =	swait.ge [sflag:s19], $0x800  }
0x8e: {  	[sflag:s19] =	ssyncset.done $0x0  }
0x8f: {  	s10 =	sadd.s32 $0x600, s9;
	[sflag:s19] =	ssyncadd.s32 $0xFFFFF800  }
0x90: {  	[tilespmem:s16], [sflag:$0x1] =	stream.indirect.gather [spmem:s2], $0x10, s10, s15, $0xb8;
	[tilespmem:$0xCE00] =	vst v63  }
0x91: {  	_ =	swait.ge [sflag:s21], $0x800  }
0x92: {  	[sflag:s21] =	ssyncset.done $0x0  }
0x93: {  	s10 =	sadd.s32 $0x700, s9;
	[sflag:s21] =	ssyncadd.s32 $0xFFFFF800  }
0x94: {  	[tilespmem:s18], [sflag:$0x2] =	stream.indirect.gather [spmem:s2], $0x10, s10, s15, $0xb8;
	[tilespmem:$0xCE00] =	vst v63  }
0x95: {  	_ =	swait.ge [sflag:s23], $0x800  }
0x96: {  	[sflag:s23] =	ssyncset.done $0x0  }
0x97: {  	s10 =	sadd.s32 $0x800, s9;
	[sflag:s23] =	ssyncadd.s32 $0xFFFFF800  }
0x98: {  	[tilespmem:s20], [sflag:$0x3] =	stream.indirect.gather [spmem:s2], $0x10, s10, s15, $0xb8;
	[tilespmem:$0xCE00] =	vst v63  }
0x99: {  	_ =	swait.ge [sflag:s26], $0x800  }
0x9a: {  	[sflag:s26] =	ssyncset.done $0x0  }
0x9b: {  	s10 =	sadd.s32 $0x900, s9;
	[sflag:s26] =	ssyncadd.s32 $0xFFFFF800  }
0x9c: {  	[tilespmem:s22], [sflag:$0x4] =	stream.indirect.gather [spmem:s2], $0x10, s10, s15, $0xb8;
	[tilespmem:$0xCE00] =	vst v63  }
0x9d: {  	_ =	swait.ge [sflag:s4], $0x800  }
0x9e: {  	[sflag:s4] =	ssyncset.done $0x0  }
.Ltmp0:
0x9f: {  	s10 =	sadd.s32 $0xA00, s9;
	[sflag:s4] =	ssyncadd.s32 $0xFFFFF800;
	(pc) =	sbr.rel @p1 .LBB2_2-.Ltmp0, $4  }
0xa0: {  	[tilespmem:s24], [sflag:$0x5] =	stream.indirect.gather [spmem:s2], $0x10, s10, s15, $0xb8;
	[tilespmem:$0xCE00] =	vst v63  }
0xa1: {  	_ =	swait.ge [sflag:s5], $0x800  }
0xa2: {  	[sflag:s5] =	ssyncset.done $0x0  }
0xa3: {  	s9 =	sadd.s32 $0xB00, s9;
	[sflag:s5] =	ssyncadd.s32 $0xFFFFF800  }
0xa4: {  	[tilespmem:s28], [sflag:$0x6] =	stream.indirect.gather [spmem:s2], $0x10, s9, s15, $0xb8;
	[tilespmem:$0xCE00] =	vst v63  }
0xa5: {  	_ =	swait.ge [sflag:s29], $0x800  }
0xa6: {  	[sflag:s29] =	ssyncset.done $0x0  }
0xa7: {  	s8 =	simm.s32 $0x4880;
	[sflag:s29] =	ssyncadd.s32 $0xFFFFF800  }
0xa8: {  	[spmem:s3] =	stream.indirect.scatter.add.f32 [tilespmem:s16], [sflag:$0x7], $0x10, s8, s15, $0xb8;
	[tilespmem:$0xCE00] =	vst v63  }
0xa9: {  	_ =	swait.ge [sflag:s30], $0x800  }
0xaa: {  	[sflag:s30] =	ssyncset.done $0x0  }
0xab: {  	s10 =	simm.s32 $0x4980;
	[sflag:s30] =	ssyncadd.s32 $0xFFFFF800  }
0xac: {  	[spmem:s3] =	stream.indirect.scatter.add.f32 [tilespmem:s18], [sflag:$0x8], $0x10, s10, s15, $0xb8;
	[tilespmem:$0xCE00] =	vst v63  }
0xad: {  	_ =	swait.ge [sflag:s31], $0x800  }
0xae: {  	[sflag:s31] =	ssyncset.done $0x0  }
0xaf: {  	s9 =	simm.s32 $0x4A80;
	[sflag:s31] =	ssyncadd.s32 $0xFFFFF800  }
0xb0: {  	[spmem:s3] =	stream.indirect.scatter.add.f32 [tilespmem:s20], [sflag:$0x9], $0x10, s9, s15, $0xb8;
	[tilespmem:$0xCE00] =	vst v63  }
0xb1: {  	_ =	swait.ge [sflag:s0], $0x800  }
0xb2: {  	[sflag:s0] =	ssyncset.done $0x0  }
0xb3: {  	s10 =	simm.s32 $0x4B80;
	[sflag:s0] =	ssyncadd.s32 $0xFFFFF800  }
0xb4: {  	[spmem:s3] =	stream.indirect.scatter.add.f32 [tilespmem:s22], [sflag:$0xA], $0x10, s10, s15, $0xb8;
	[tilespmem:$0xCE00] =	vst v63  }
0xb5: {  	_ =	swait.ge [sflag:s1], $0x800  }
0xb6: {  	[sflag:s1] =	ssyncset.done $0x0  }
0xb7: {  	s9 =	simm.s32 $0x4C80;
	[sflag:s1] =	ssyncadd.s32 $0xFFFFF800  }
0xb8: {  	[spmem:s3] =	stream.indirect.scatter.add.f32 [tilespmem:s24], [sflag:$0xB], $0x10, s9, s15, $0xb8;
	[tilespmem:$0xCE00] =	vst v63  }
0xb9: {  	_ =	swait.ge [sflag:s17], $0x800  }
0xba: {  	[sflag:s17] =	ssyncset.done $0x0  }
0xbb: {  	s10 =	simm.s32 $0x4D80;
	[sflag:s17] =	ssyncadd.s32 $0xFFFFF800  }
0xbc: {  	[spmem:s3] =	stream.indirect.scatter.add.f32 [tilespmem:s28], [sflag:$0xC], $0x10, s10, s15, $0xb8;
	[tilespmem:$0xCE00] =	vst v63  }
0xbd: {  	_ =	swait.ge [sflag:s19], $0x800  }
0xbe: {  	[sflag:s19] =	ssyncset.done $0x0  }
0xbf: {  	[sflag:s19] =	ssyncadd.s32 $0xFFFFF800  }
0xc0: {  	_ =	swait.ge [sflag:s21], $0x800  }
0xc1: {  	[sflag:s21] =	ssyncset.done $0x0  }
0xc2: {  	[sflag:s21] =	ssyncadd.s32 $0xFFFFF800  }
0xc3: {  	_ =	swait.ge [sflag:s23], $0x800  }
0xc4: {  	[sflag:s23] =	ssyncset.done $0x0  }
0xc5: {  	[sflag:s23] =	ssyncadd.s32 $0xFFFFF800  }
0xc6: {  	_ =	swait.ge [sflag:s26], $0x800  }
0xc7: {  	[sflag:s26] =	ssyncset.done $0x0  }
0xc8: {  	[sflag:s26] =	ssyncadd.s32 $0xFFFFF800  }
0xc9: {  	_ =	swait.ge [sflag:s4], $0x800  }
0xca: {  	[sflag:s4] =	ssyncset.done $0x0  }
0xcb: {  	[sflag:s4] =	ssyncadd.s32 $0xFFFFF800  }
0xcc: {  	_ =	swait.ge [sflag:s5], $0x800  }
0xcd: {  	[sflag:s5] =	ssyncset.done $0x0  }
0xce: {  	[sflag:s5] =	ssyncadd.s32 $0xFFFFF800  }
0xcf: {  	[bflag:$0x0] =	sbarrier.arrive $0xFFFF  }
0xd0: {  	s9 =	rddreg [dreg:$0xa]  }
0xd1: {  	[hbm:s9], [sflag:s7] =	dma.local [spmem:s25], $0x4E2  }
0xd2: {  	_ =	swait.ge [sflag:s13], $0x4E2  }
0xd3: {  	s6 =	sadd.s32 $0x1, s6;
	s10 =	rddreg [dreg:$0xb]  }
0xd4: {  	p1 =	sne.s32 s6, s10  }
.Ltmp1:
0xd5: {  	_ = 	snop;
	(pc) =	sbr.rel @p1 .LBB2_1-.Ltmp1, $3  }
0xd6: {  	_ =	sdelay $0x1  }
0xd7: {  	[sflag:s13] =	ssyncset.done $0x0  }
0xd8: {  	[sflag:s13] =	ssyncadd.s32 $0xFFFFFB1E  }
0xd9: {  	_ =	sfence.sel $0x180000  }
0xda: {  	[bflag:$0x0] =	sbarrier.arrive $0xFFFF  }
0xdb: {  	_ =	strace $0x9000004D  }
0xdc: {  	s0 =	stileid.u32;
	[bflag:$0x2] =	sbarrier.arrive $0xFFFF  }
0xdd: {  	p0 =	sne.s32 s0, $0x0;
	s0 =	rddreg [dreg:$0x5]  }
0xde: {  	s0 =	sadd.s32 @!p0 $0x100000, s0  }
0xdf: {  	[sflag:s0] =	ssyncadd.tile.s32 @!p0 $0x1;
	_ =	shalt  }
.Lfunc_end2:
_tile_overlayer_lowered:
.L_overlay_start_2:
0xe0: {  	(tag) =	ssettag $0x2  }
0xe1: {  	s0 =	rddreg [dreg:$0x0];
	s2 =	stileid.u32  }
0xe2: {  	s1 =	rddreg [dreg:$0x1];
	p0 =	sne.s32 s2, $0x0  }
0xe3: {  	s3 =	rddreg [dreg:$0x2];
	[bflag:$0x3] =	sbarrier.arrive $0xFFFF;
	s2 =	simm.s32 @!p0 $0x1C0D  }
0xe4: {  	[timem:s3], [sflag:s2] =	dma.local @!p0 [hbm:s0], s1  }
0xe5: {  	s0 =	simm.s32 @!p0 $0xD  }
0xe6: {  	_ =	swait.ge @!p0 [sflag:s0], s1  }
0xe7: {  	s1 =	ssub.s32 @!p0 $0x0, s1;
	[sflag:s0] =	ssyncset.done @!p0 $0x0  }
0xe8: {  	[sflag:s0] =	ssyncadd.s32 @!p0 s1  }
0xe9: {  	[bflag:$0x3] =	sbarrier.arrive $0xFFFF  }
0xea: {  	_ =	shalt  }

// kernel: kernel.9.cloned.1.call-start
scs
__scs_entry_jumppad:
0x0: {  	(pc) =	sbr.rel $0x88, $3  }
0x1: {  	(tag) =	ssettag $0x0;
	lr =	simm.s32 $0x1  }
0x2: {  	[smem:$0x3F96] =	sst lr;
	_ =	strace $0xD0000000  }
0x3: {  	_ = 	snop  }
0x4: {  	_ = 	snop  }
0x5: {  	_ = 	snop  }
0x6: {  	_ = 	snop  }
0x7: {  	_ = 	snop  }
__scs_overlays_trampoline_lowered:
0x8: {  	[smem:$0x3FA5] =	sst s0  }
0x9: {  	[smem:$0x3FA6] =	sst s1  }
0xa: {  	[smem:$0x3FA7] =	sst s2  }
0xb: {  	[smem:$0x3FA8] =	sst s3  }
0xc: {  	[smem:$0x3FA9] =	sst s4  }
0xd: {  	[smem:$0x3FAA] =	sst s5  }
0xe: {  	[smem:$0x3FAB] =	sst s6  }
0xf: {  	[smem:$0x3FAC] =	sst s7  }
0x10: {  	[smem:$0x3FAD] =	sst s8  }
0x11: {  	[smem:$0x3FAE] =	sst s9;
	s0 =	simm.s32 @!p0 $0x0  }
0x12: {  	s1 =	sld [smem:$0x3F94];
	s0 =	simm.s32 @p0 $0x1  }
0x13: {  	[smem:$0x3FAF] =	sst s0;
	s0 =	simm.s32 @!p1 $0x0  }
0x14: {  	s2 =	sld [smem:$0x3F93];
	s0 =	simm.s32 @p1 $0x1  }
0x15: {  	[smem:$0x3FB0] =	sst s0;
	s0 =	simm.s32 @!p2 $0x0  }
0x16: {  	s3 =	sld [smem:$0x3FDB];
	s0 =	simm.s32 @p2 $0x1  }
0x17: {  	s4 =	simm.s32 $0x1BF5;
	[smem:$0x3FB2] =	sst s0  }
0x18: {  	s0 =	sld [smem:$0x3F95];
	_ =	swait.ge [sflag:s4], $0x0  }
0x19: {  	s7 =	sld [smem:$0x3F96]  }
0x1a: {  	s8 =	sadd.s32 $0xFFFFE003, lr  }
0x1b: {  	s9 =	sadd.s32 $0xFFFFFEF7, lr;
	s5 =	simm.s32 $0xFFFFFFFF;
	p2 =	slt.u32 s8, $0xFFFFF086  }
0x1c: {  	p1 =	slt.u32 s9, $0xF7A;
	s5 =	simm.s32 @!p2 $0x0  }
0x1d: {  	s5 =	simm.s32 @p1 $0x1;
	p0 =	seq.s32 s7, s2  }
0x1e: {  	s7 =	smul.u32 @!p0 $0xF7A, s2;
	p2 =	seq.s32 @!p0 s5, $0x0  }
0x1f: {  	s9 =	smul.u32 $0xF7A, s1;
	s8 =	simm.s32 @!p0 $0x1BF5;
	p2 =	por !p2, p0  }
0x20: {  	[sflag:s8] =	ssyncset.s32 @!p0 $0xFFFFF086;
	s6 =	sadd.s32 @!p0 s3, s7;
	s7 =	simm.s32 @!p0 $0x108  }
0x21: {  	s3 =	sadd.s32 s3, s9;
	s6 =	sadd.s32 @!p0 $0x88, s6;
	s7 =	simm.s32 @p2 $0x1082  }
0x22: {  	[simem:s7], [sflag:s8] =	dma.local @!p0 [hbm:s6], $0xF7A  }
0x23: {  	s9 =	sor.u32 $0xD0000000, s2;
	s6 =	simm.s32 $0x108;
	_ =	swait.ge @!p0 [sflag:s8], $0x0  }
0x24: {  	s3 =	sadd.s32 $0x88, s3;
	s6 =	simm.s32 @!p1 $0x1082;
	[sflag:s4] =	ssyncset.s32 $0xFFFFF086  }
0x25: {  	[simem:s6], [sflag:s4] =	dma.local [hbm:s3], $0xF7A  }
0x26: {  	[smem:$0x3F96] =	sst s1;
	(tag) =	ssettag s2;
	_ =	strace s9  }
0x27: {  	s1 =	sld [smem:$0x3FA6]  }
0x28: {  	s2 =	sld [smem:$0x3FA7]  }
0x29: {  	s4 =	sld [smem:$0x3FA9]  }
0x2a: {  	p0 =	seq.s32 s5, $0x0;
	s5 =	sld [smem:$0x3FAA]  }
0x2b: {  	s6 =	sld [smem:$0x3FAB]  }
0x2c: {  	s7 =	sld [smem:$0x3FAC]  }
0x2d: {  	s3 =	simm.s32 $0x108;
	s8 =	sld [smem:$0x3FAD]  }
0x2e: {  	s3 =	simm.s32 @!p0 $0x1082;
	s9 =	sld [smem:$0x3FAE]  }
0x2f: {  	lr =	sadd.s32 s0, s3;
	s0 =	sld [smem:$0x3FA5]  }
0x30: {  	s3 =	sld [smem:$0x3FA8]  }
0x31: {  	[smem:$0x3FB1] =	sst s10  }
0x32: {  	s10 =	sld [smem:$0x3FAF];
	_ =	sdelay $0x3  }
0x33: {  	p0 =	seq.s32 s10, $0x1;
	s10 =	sld [smem:$0x3FB1];
	_ =	sdelay $0x3  }
0x34: {  	[smem:$0x3FB1] =	sst s10  }
0x35: {  	s10 =	sld [smem:$0x3FB0];
	_ =	sdelay $0x3  }
0x36: {  	p1 =	seq.s32 s10, $0x1;
	s10 =	sld [smem:$0x3FB1];
	_ =	sdelay $0x3  }
0x37: {  	[smem:$0x3FB1] =	sst s10  }
0x38: {  	s10 =	sld [smem:$0x3FB2]  }
0x39: {  	_ = 	snop;
	(pc) =	sbr.ind lr, $3  }
0x3a: {  	_ = 	snop  }
0x3b: {  	_ = 	snop  }
0x3c: {  	p2 =	seq.s32 s10, $0x1;
	s10 =	sld [smem:$0x3FB1]  }
0x3d: {  	_ =	shalt  }
0x3e: {  	_ =	shalt  }
0x3f: {  	_ =	shalt  }
0x40: {  	_ =	shalt  }
0x41: {  	_ =	shalt  }
0x42: {  	_ =	shalt  }
0x43: {  	_ =	shalt  }
0x44: {  	_ =	shalt  }
0x45: {  	_ =	shalt  }
0x46: {  	_ =	shalt  }
0x47: {  	_ =	shalt  }
0x48: {  	_ =	shalt  }
0x49: {  	_ =	shalt  }
0x4a: {  	_ =	shalt  }
0x4b: {  	_ =	shalt  }
0x4c: {  	_ =	shalt  }
0x4d: {  	_ =	shalt  }
0x4e: {  	_ =	shalt  }
0x4f: {  	_ =	shalt  }
0x50: {  	_ =	shalt  }
0x51: {  	_ =	shalt  }
0x52: {  	_ =	shalt  }
0x53: {  	_ =	shalt  }
0x54: {  	_ =	shalt  }
0x55: {  	_ =	shalt  }
0x56: {  	_ =	shalt  }
0x57: {  	_ =	shalt  }
0x58: {  	_ =	shalt  }
0x59: {  	_ =	shalt  }
0x5a: {  	_ =	shalt  }
0x5b: {  	_ =	shalt  }
0x5c: {  	_ =	shalt  }
0x5d: {  	_ =	shalt  }
0x5e: {  	_ =	shalt  }
0x5f: {  	_ =	shalt  }
0x60: {  	_ =	shalt  }
0x61: {  	_ =	shalt  }
0x62: {  	_ =	shalt  }
0x63: {  	_ =	shalt  }
0x64: {  	_ =	shalt  }
0x65: {  	_ =	shalt  }
0x66: {  	_ =	shalt  }
0x67: {  	_ =	shalt  }
0x68: {  	_ =	shalt  }
0x69: {  	_ =	shalt  }
0x6a: {  	_ =	shalt  }
0x6b: {  	_ =	shalt  }
0x6c: {  	_ =	shalt  }
0x6d: {  	_ =	shalt  }
0x6e: {  	_ =	shalt  }
0x6f: {  	_ =	shalt  }
0x70: {  	_ =	shalt  }
0x71: {  	_ =	shalt  }
0x72: {  	_ =	shalt  }
0x73: {  	_ =	shalt  }
0x74: {  	_ =	shalt  }
0x75: {  	_ =	shalt  }
0x76: {  	_ =	shalt  }
0x77: {  	_ =	shalt  }
0x78: {  	_ =	shalt  }
0x79: {  	_ =	shalt  }
0x7a: {  	_ =	shalt  }
0x7b: {  	_ =	shalt  }
0x7c: {  	_ =	shalt  }
0x7d: {  	_ =	shalt  }
0x7e: {  	_ =	shalt  }
0x7f: {  	_ =	shalt  }
0x80: {  	_ =	shalt  }
0x81: {  	_ =	shalt  }
0x82: {  	_ =	shalt  }
0x83: {  	_ =	shalt  }
0x84: {  	_ =	shalt  }
0x85: {  	_ =	shalt  }
0x86: {  	_ =	shalt  }
0x87: {  	_ =	shalt  }
.Lfunc_end0:
.L_simem_size_0:
called_computation_lowered:
.L_overlay_start_0:
0x88: {  	s2 =	sld [smem:$0x3FD9]  }
0x89: {  	s3 =	sld [smem:$0x3FFE];
	_ =	sdelay $0x1  }
0x8a: {  	s1 =	srdreg.scid  }
0x8b: {  	s0 =	sand.u32 $0x1, s1  }
0x8c: {  	s17 =	sshll.u32 s0, $0xA;
	s2 =	sadd.s32 s3, s2  }
0x8d: {  	s2 =	sadd.s32 s2, s17  }
0x8e: {  	[smem:$0x3FBD] =	sst s2  }
0x8f: {  	_ = 	snop  }
0x90: {  	s2 =	sld [smem:$0x3FC9]  }
0x91: {  	s18 =	sld [smem:$0x3FD0];
	(tm) =	ssettm $0x1  }
0x92: {  	s4 =	sld [smem:$0x3FFB];
	_ =	sdelay $0x3  }
0x93: {  	_ =	strace s4  }
0x94: {  	s4 =	sld [smem:$0x3FFC];
	_ =	sdelay $0x3  }
0x95: {  	_ =	strace s4  }
0x96: {  	s4 =	sld [smem:$0x3FFD];
	_ =	sdelay $0x3  }
0x97: {  	_ =	strace s4  }
0x98: {  	_ =	strace $0x8FFFFFFF  }
0x99: {  	s19 =	sld [smem:$0x3FDB];
	_ =	sdelay $0x1  }
0x9a: {  	s5 =	simm.s32 $_scs_section_size  }
0x9b: {  	s6 =	simm.s32 $_size__tile_overlayer_lowered;
	s7 =	simm.s32 $_tile_overlayer_lowered  }
0x9c: {  	s22 =	simm.s32 $0x1BFF;
	s21 =	sshll.u32 s7, $0x1;
	s4 =	sadd.s32 s5, s19  }
0x9d: {  	s8 =	simm.s32 $0x0;
	s20 =	sshll.u32 s6, $0x1;
	s6 =	sadd.s32 s21, s4  }
0x9e: {  	[timem:s8], [sflag:s22] =	dma.local [hbm:s6], s20  }
0x9f: {  	_ =	swait.ge [sflag:s22], s20  }
0xa0: {  	s5 =	ssub.s32 $0x0, s20;
	[sflag:s22] =	ssyncset.done $0x0  }
0xa1: {  	[sflag:s22] =	ssyncadd.s32 s5;
	_ =	sdelay $0x1  }
0xa2: {  	s23 =	simm.s32 $0x1B8B  }
0xa3: {  	_ =	swait.ge [sflag:s23], $0x1  }
0xa4: {  	[sflag:s23] =	ssyncset.done $0x0  }
0xa5: {  	s25 =	simm.s32 $0x1B8E;
	s24 =	sld [smem:$0x3FFE];
	[sflag:s23] =	ssyncadd.s32 $0xFFFFFFFF  }
0xa6: {  	s26 =	simm.s32 $execute0_lowered;
	[smem:$0x3FD2] =	sst s25  }
0xa7: {  	s6 =	sshll.u32 s26, $0x1;
	_ =	strace $0x80000046;
	[dreg:$0x1] =	wrdreg $0xFFFFFFFF  }
0xa8: {  	s28 =	simm.s32 $_size_execute0_lowered;
	s4 =	sadd.s32 s4, s6;
	[dreg:$0x0] =	wrdreg $0x0  }
0xa9: {  	s6 =	sshll.u32 s28, $0x1;
	[dreg:$0x2] =	wrdreg s4  }
0xaa: {  	[dreg:$0x3] =	wrdreg s6  }
0xab: {  	[dreg:$0x4] =	wrdreg $0xC0  }
0xac: {  	_ =	task [dreg:s8], $0x5FFFF  }
0xad: {  	[dreg:$0x1] =	wrdreg $0xFFFFFFFF  }
0xae: {  	[dreg:$0x0] =	wrdreg $0x60  }
0xaf: {  	[dreg:$0x2] =	wrdreg s24  }
0xb0: {  	[dreg:$0x3] =	wrdreg s2  }
0xb1: {  	[dreg:$0x4] =	wrdreg s18  }
0xb2: {  	[dreg:$0x5] =	wrdreg $0x87000  }
0xb3: {  	[dreg:$0x6] =	wrdreg $0xAE800  }
0xb4: {  	[dreg:$0x7] =	wrdreg $0xD6000  }
0xb5: {  	[dreg:$0x8] =	wrdreg $0x9  }
0xb6: {  	_ =	task.clear_ibuf [dreg:s8], $0x9FFFF;
	_ =	strace $0x90000046  }
0xb7: {  	s29 =	simm.s32 $0x9;
	_ =	strace $0x80000048  }
0xb8: {  	_ =	swait.ge [sflag:s29], $0x1  }
0xb9: {  	[sflag:s29] =	ssyncadd.s32 $0xFFFFFFFF  }
0xba: {  	_ =	strace $0x90000048  }
0xbb: {  	_ =	sfence  }
0xbc: {  	s30 =	sld [smem:$0x0];
	_ =	sdelay $0x2  }
0xbd: {  	s31 =	sshll.u32 s1, $0xD;
	s1 =	sshrl.u32 s1, $0x2  }
0xbe: {  	s3 =	sand.u32 $0x4000, s31;
	s1 =	sadd.s32 s1, s30  }
0xbf: {  	s0 =	sor.u32 s3, s0;
	s1 =	sshll.u32 s1, $0x11  }
0xc0: {  	s0 =	sor.u32 s1, s0  }
0xc1: {  	s0 =	sadd.s32 $0x8F2B, s0  }
0xc2: {  	[sflag:s0] =	ssyncadd.remote.s32 $0x1  }
0xc3: {  	_ =	sfence.sel $0xFFFF  }
0xc4: {  	[dreg:$0x0] =	wrdreg $0xFFFFFFFF;
	(pc) =	sbr.abs _section_cstart, $3  }
0xc5: {  	[dreg:$0x1] =	wrdreg $0xFFFFFFFF  }
0xc6: {  	_ =	task.clear_ibuf [dreg:s8], $0x2FFFF;
	_ =	strace $0x9FFFFFFF  }
0xc7: {  	(tm) =	ssettm $0x7FFFFFFF  }
tec
execute0_lowered:
.L_overlay_start_1:
0x0: {  	(tag) =	ssettag $0x1  }
0x1: {  	s0 =	rddreg [dreg:$0x0]  }
0x2: {  	s1 =	rddreg [dreg:$0x1]  }
0x3: {  	s5 =	rddreg [dreg:$0x2]  }
0x4: {  	s2 =	rddreg [dreg:$0x3]  }
0x5: {  	s3 =	rddreg [dreg:$0x4]  }
0x6: {  	s4 =	rddreg [dreg:$0x5]  }
0x7: {  	s15 =	stileid.u32;
	s7 =	srdreg.scid  }
0x8: {  	s8 =	simm.s32 $0x0;
	s16 =	simm.s32 $0x13;
	s19 =	simm.s32 $0x4F00  }
0x9: {  	s20 =	simm.s32 $0x80;
	s28 =	simm.s32 $0x6700;
	s30 =	simm.s32 $0x6F00  }
0xa: {  	s29 =	simm.s32 $0x2;
	s31 =	simm.s32 $0x3;
	s6 =	smul.u32 $0x2710, s15  }
0xb: {  	s7 =	sand.u32 $0x1, s7;
	[smem:$0x7FF] =	sst s8;
	s10 =	sadd.s32 $0x8A00, s0  }
0xc: {  	s11 =	sadd.s32 $0x8800, s0;
	s13 =	smul.u32 $0x2780, s15;
	s25 =	sshll.u32 s15, $0x6  }
0xd: {  	s9 =	smul.u32 $0x27100, s7;
	_ =	strace $0x80000047;
	[dreg:$0x7] =	wrdreg s10  }
0xe: {  	s22 =	ssub.s32 $0x2, s7;
	[dreg:$0x8] =	wrdreg s11;
	s7 =	sshll.u32 s7, $0x4  }
0xf: {  	s11 =	simm.s32 $0x8;
	s21 =	sshrl.u32 s6, $0x3;
	s24 =	sshrl.u32 s22, $0x1  }
0x10: {  	s7 =	sor.u32 s15, s7;
	s12 =	sadd.s32 s6, s2;
	s26 =	sadd.s32 s13, s3  }
0x11: {  	s15 =	sshll.u32 s15, $0x5;
	s13 =	sadd.s32 s13, s4;
	s18 =	sadd.s32 s6, s3  }
0x12: {  	s8 =	sadd.s32 s21, s0;
	s9 =	sadd.s32 s6, s9;
	s10 =	ssub.s32 s22, s24  }
0x13: {  	s14 =	smul.u32 $0x9C0, s7;
	s22 =	sadd.s32 s6, s4;
	p0 =	sgt.u32 s7, $0x3  }
0x14: {  	s24 =	sshrl.u32 s12, $0x3;
	s21 =	simm.s32 $0x5700;
	s7 =	simm.s32 $0x5  }
0x15: {  	s12 =	simm.s32 $0x9;
	s6 =	simm.s32 $0x0;
	s23 =	sshrl.u32 s9, $0x3  }
0x16: {  	s8 =	sadd.s32 $0x3800, s8;
	s9 =	sor.u32 $0x1C13, s25;
	[dreg:$0xf] =	wrdreg s24  }
0x17: {  	s25 =	sshrl.u32 s26, $0x3;
	s26 =	sshrl.u32 s13, $0x3;
	[dreg:$0x9] =	wrdreg s8  }
0x18: {  	s13 =	simm.s32 $0xA;
	s0 =	sadd.s32 s23, s0;
	[dreg:$0x10] =	wrdreg s25  }
0x19: {  	s14 =	sadd.s32 s1, s14;
	s1 =	sadd.s32 s15, s1;
	[dreg:$0x11] =	wrdreg s26  }
0x1a: {  	s17 =	sadd.s32 s5, s23;
	s23 =	smax.u32 s10, $0x1;
	[dreg:$0x14] =	wrdreg s9  }
0x1b: {  	s26 =	simm.s32 $0x1;
	s8 =	simm.s32 $0x6;
	[dreg:$0xa] =	wrdreg s14  }
0x1c: {  	s10 =	simm.s32 $0x7;
	s15 =	simm.s32 $0xC;
	[dreg:$0xc] =	wrdreg s17  }
0x1d: {  	s1 =	sadd.s32 $0x13800, s1;
	s0 =	sadd.s32 $0x9000, s0;
	[dreg:$0xe] =	wrdreg s23  }
0x1e: {  	s23 =	simm.s32 $0x5F00;
	s14 =	simm.s32 $0xB;
	[dreg:$0xb] =	wrdreg s1  }
0x1f: {  	[dreg:$0xd] =	wrdreg s0;
	s1 =	sshrl.u32 s18, $0x3;
	s0 =	sshrl.u32 s22, $0x3  }
0x20: {  	s22 =	simm.s32 $0x7F00;
	s18 =	simm.s32 $0x12;
	[dreg:$0x12] =	wrdreg s1  }
0x21: {  	[dreg:$0x13] =	wrdreg s0;
	s1 =	simm.s32 $0x7700;
	s0 =	simm.s32 $0x4  }
.LBB2_1:
0x22: {  	[dreg:$0x15] =	wrdreg s6  }
0x23: {  	s5 =	rddreg [dreg:$0x9]  }
0x24: {  	s17 =	rddreg [dreg:$0xf]  }
0x25: {  	[spmem:s17], [sflag:s9] =	dma.local [hbm:s5], $0x4E2  }
0x26: {  	_ =	swait.ge [sflag:s16], $0x4E2  }
0x27: {  	[sflag:s16] =	ssyncset.done $0x0;
	s24 =	rddreg [dreg:$0x7]  }
0x28: {  	s25 =	rddreg [dreg:$0x10];
	[sflag:s16] =	ssyncadd.s32 $0xFFFFFB1E  }
0x29: {  	[spmem:s25], [sflag:s9] =	dma.local [hbm:s24], $0x4F0  }
0x2a: {  	_ =	swait.ge [sflag:s16], $0x4F0  }
0x2b: {  	[sflag:s16] =	ssyncset.done $0x0  }
0x2c: {  	s6 =	rddreg [dreg:$0x11];
	[sflag:s16] =	ssyncadd.s32 $0xFFFFFB10  }
0x2d: {  	[spmem:s6], [sflag:s9] =	dma.local [hbm:s24], $0x4F0  }
0x2e: {  	_ =	swait.ge [sflag:s16], $0x4F0  }
0x2f: {  	[sflag:s16] =	ssyncset.done $0x0  }
0x30: {  	s9 =	simm.s32 $0x0;
	s25 =	rddreg [dreg:$0x8];
	[sflag:s16] =	ssyncadd.s32 $0xFFFFFB10  }
0x31: {  	[tilespmem:s19], [sflag:$0x13] =	stream.linear.gather [hbm4b:s25+s9], $0x800, $0x38;
	[tilespmem:$0xFD80] =	vst v63  }
0x32: {  	_ =	swait.ge [sflag:s16], $0x800  }
0x33: {  	[sflag:s16] =	ssyncset.done $0x0  }
0x34: {  	s6 =	rddreg [dreg:$0xa];
	[sflag:s16] =	ssyncadd.s32 $0xFFFFF800  }
0x35: {  	[tilespmem:s9], [sflag:$0x13] =	stream.linear.gather [hbm4b:s6+s9], $0x4E00, $0x38;
	[tilespmem:$0xFD80] =	vst v63  }
0x36: {  	_ =	swait.ge [sflag:s16], $0x4E00  }
0x37: {  	[sflag:s16] =	ssyncset.done $0x0  }
0x38: {  	[sflag:s16] =	ssyncadd.s32 $0xFFFFB200  }
0x39: {  	[bflag:$0x0] =	sbarrier.arrive $0xFFFF  }
0x3a: {  	s24 =	simm.s32 @!p0 $0x0;
	s25 =	simm.s32 @!p0 $0x4E00;
	s17 =	rddreg [dreg:$0xb]  }
0x3b: {  	[tilespmem:s25], [sflag:$0x13] =	stream.linear.gather @!p0 [hbm4b:s17+s24], $0x100, $0x38;
	[tilespmem:$0xFD80] =	vst v63  }
0x3c: {  	s24 =	simm.s32 @!p0 $0x13  }
0x3d: {  	_ =	swait.ge @!p0 [sflag:s24], $0x100  }
0x3e: {  	[sflag:s24] =	ssyncset.done @!p0 $0x0  }
0x3f: {  	s17 =	simm.s32 @!p0 $0x5700;
	[sflag:s24] =	ssyncadd.s32 @!p0 $0xFFFFFF00;
	s24 =	simm.s32 @!p0 $0x80  }
0x40: {  	[tilespmem:s17], [sflag:$0x1] =	stream.indirect.gather @!p0 [spmem:s2], $0x10, s25, s24, $0xb8;
	[tilespmem:$0xFD80] =	vst v63  }
0x41: {  	s25 =	simm.s32 @!p0 $0x1  }
0x42: {  	_ =	swait.ge @!p0 [sflag:s25], $0x800  }
0x43: {  	[sflag:s25] =	ssyncset.done @!p0 $0x0  }
0x44: {  	[sflag:s25] =	ssyncadd.s32 @!p0 $0xFFFFF800;
	s25 =	simm.s32 @!p0 $0x4E80  }
0x45: {  	[spmem:s3] =	stream.indirect.scatter.add.f32 @!p0 [tilespmem:s17], [sflag:$0x7], $0x10, s25, s24, $0xb8;
	[tilespmem:$0xFD80] =	vst v63  }
0x46: {  	s17 =	simm.s32 @!p0 $0x7  }
0x47: {  	_ =	swait.ge @!p0 [sflag:s17], $0x800  }
0x48: {  	[sflag:s17] =	ssyncset.done @!p0 $0x0  }
0x49: {  	[sflag:s17] =	ssyncadd.s32 @!p0 $0xFFFFF800;
	s17 =	simm.s32 @!p0 $0x4F00  }
0x4a: {  	[spmem:s4] =	stream.indirect.scatter.add.f32 @!p0 [tilespmem:s17], [sflag:$0xD], $0x10, s25, s24, $0xb8;
	[tilespmem:$0xFD80] =	vst v63  }
0x4b: {  	s17 =	simm.s32 @!p0 $0xD  }
0x4c: {  	_ =	swait.ge @!p0 [sflag:s17], $0x800  }
0x4d: {  	[sflag:s17] =	ssyncset.done @!p0 $0x0  }
0x4e: {  	[sflag:s17] =	ssyncadd.s32 @!p0 $0xFFFFF800  }
0x4f: {  	[tilespmem:s21], [sflag:$0x1] =	stream.indirect.gather [spmem:s2], $0x10, s9, s20, $0xb8;
	[tilespmem:$0xFD80] =	vst v63  }
0x50: {  	s9 =	simm.s32 $0x100  }
0x51: {  	[tilespmem:s23], [sflag:$0x2] =	stream.indirect.gather [spmem:s2], $0x10, s9, s20, $0xb8;
	[tilespmem:$0xFD80] =	vst v63  }
0x52: {  	s17 =	simm.s32 $0x200  }
0x53: {  	[tilespmem:s28], [sflag:$0x3] =	stream.indirect.gather [spmem:s2], $0x10, s17, s20, $0xb8;
	[tilespmem:$0xFD80] =	vst v63  }
0x54: {  	s24 =	simm.s32 $0x300  }
0x55: {  	[tilespmem:s30], [sflag:$0x4] =	stream.indirect.gather [spmem:s2], $0x10, s24, s20, $0xb8;
	[tilespmem:$0xFD80] =	vst v63  }
0x56: {  	s25 =	simm.s32 $0x400  }
0x57: {  	[tilespmem:s1], [sflag:$0x5] =	stream.indirect.gather [spmem:s2], $0x10, s25, s20, $0xb8;
	[tilespmem:$0xFD80] =	vst v63  }
0x58: {  	s6 =	simm.s32 $0x500  }
0x59: {  	[tilespmem:s22], [sflag:$0x6] =	stream.indirect.gather [spmem:s2], $0x10, s6, s20, $0xb8;
	[tilespmem:$0xFD80] =	vst v63  }
0x5a: {  	_ =	swait.ge [sflag:s26], $0x800  }
0x5b: {  	p1 =	por $0x1, $0x1;
	[sflag:s26] =	ssyncset.done $0x0  }
0x5c: {  	s9 =	simm.s32 $0x80;
	s24 =	simm.s32 @!p1 $0xD;
	[sflag:s26] =	ssyncadd.s32 $0xFFFFF800  }
0x5d: {  	[spmem:s3] =	stream.indirect.scatter.add.f32 [tilespmem:s21], [sflag:$0x7], $0x10, s9, s20, $0xb8;
	[tilespmem:$0xFD80] =	vst v63  }
0x5e: {  	_ =	swait.ge @!p1 [sflag:s24], $0x800  }
0x5f: {  	[sflag:s24] =	ssyncset.done @!p1 $0x0  }
0x60: {  	[sflag:s24] =	ssyncadd.s32 @!p1 $0xFFFFF800  }
0x61: {  	[spmem:s4] =	stream.indirect.scatter.add.f32 [tilespmem:s19], [sflag:$0xD], $0x10, s9, s20, $0xb8;
	[tilespmem:$0xFD80] =	vst v63  }
0x62: {  	_ =	swait.ge [sflag:s29], $0x800  }
0x63: {  	[sflag:s29] =	ssyncset.done $0x0  }
0x64: {  	s25 =	simm.s32 $0x180;
	s24 =	simm.s32 @!p1 $0xE;
	[sflag:s29] =	ssyncadd.s32 $0xFFFFF800  }
0x65: {  	[spmem:s3] =	stream.indirect.scatter.add.f32 [tilespmem:s23], [sflag:$0x8], $0x10, s25, s20, $0xb8;
	[tilespmem:$0xFD80] =	vst v63  }
0x66: {  	_ =	swait.ge @!p1 [sflag:s24], $0x800  }
0x67: {  	[sflag:s24] =	ssyncset.done @!p1 $0x0  }
0x68: {  	[sflag:s24] =	ssyncadd.s32 @!p1 $0xFFFFF800  }
0x69: {  	[spmem:s4] =	stream.indirect.scatter.add.f32 [tilespmem:s19], [sflag:$0xE], $0x10, s25, s20, $0xb8;
	[tilespmem:$0xFD80] =	vst v63  }
0x6a: {  	_ =	swait.ge [sflag:s31], $0x800  }
0x6b: {  	[sflag:s31] =	ssyncset.done $0x0  }
0x6c: {  	s5 =	simm.s32 $0x280;
	s24 =	simm.s32 @!p1 $0xF;
	[sflag:s31] =	ssyncadd.s32 $0xFFFFF800  }
0x6d: {  	[spmem:s3] =	stream.indirect.scatter.add.f32 [tilespmem:s28], [sflag:$0x9], $0x10, s5, s20, $0xb8;
	[tilespmem:$0xFD80] =	vst v63  }
0x6e: {  	_ =	swait.ge @!p1 [sflag:s24], $0x800  }
0x6f: {  	[sflag:s24] =	ssyncset.done @!p1 $0x0  }
0x70: {  	[sflag:s24] =	ssyncadd.s32 @!p1 $0xFFFFF800  }
0x71: {  	[spmem:s4] =	stream.indirect.scatter.add.f32 [tilespmem:s19], [sflag:$0xF], $0x10, s5, s20, $0xb8;
	[tilespmem:$0xFD80] =	vst v63  }
0x72: {  	_ =	swait.ge [sflag:s0], $0x800  }
0x73: {  	[sflag:s0] =	ssyncset.done $0x0  }
0x74: {  	s6 =	simm.s32 $0x380;
	s24 =	simm.s32 @!p1 $0x10;
	[sflag:s0] =	ssyncadd.s32 $0xFFFFF800  }
0x75: {  	[spmem:s3] =	stream.indirect.scatter.add.f32 [tilespmem:s30], [sflag:$0xA], $0x10, s6, s20, $0xb8;
	[tilespmem:$0xFD80] =	vst v63  }
0x76: {  	_ =	swait.ge @!p1 [sflag:s24], $0x800  }
0x77: {  	[sflag:s24] =	ssyncset.done @!p1 $0x0  }
0x78: {  	[sflag:s24] =	ssyncadd.s32 @!p1 $0xFFFFF800  }
0x79: {  	[spmem:s4] =	stream.indirect.scatter.add.f32 [tilespmem:s19], [sflag:$0x10], $0x10, s6, s20, $0xb8;
	[tilespmem:$0xFD80] =	vst v63  }
0x7a: {  	_ =	swait.ge [sflag:s7], $0x800  }
0x7b: {  	[sflag:s7] =	ssyncset.done $0x0  }
0x7c: {  	s9 =	simm.s32 $0x480;
	s24 =	simm.s32 @!p1 $0x11;
	[sflag:s7] =	ssyncadd.s32 $0xFFFFF800  }
0x7d: {  	[spmem:s3] =	stream.indirect.scatter.add.f32 [tilespmem:s1], [sflag:$0xB], $0x10, s9, s20, $0xb8;
	[tilespmem:$0xFD80] =	vst v63  }
0x7e: {  	_ =	swait.ge @!p1 [sflag:s24], $0x800  }
0x7f: {  	[sflag:s24] =	ssyncset.done @!p1 $0x0  }
0x80: {  	[sflag:s24] =	ssyncadd.s32 @!p1 $0xFFFFF800  }
0x81: {  	[spmem:s4] =	stream.indirect.scatter.add.f32 [tilespmem:s19], [sflag:$0x11], $0x10, s9, s20, $0xb8;
	[tilespmem:$0xFD80] =	vst v63  }
0x82: {  	_ =	swait.ge [sflag:s8], $0x800  }
0x83: {  	[sflag:s8] =	ssyncset.done $0x0  }
0x84: {  	s25 =	simm.s32 $0x580;
	s24 =	simm.s32 @!p1 $0x12;
	[sflag:s8] =	ssyncadd.s32 $0xFFFFF800  }
0x85: {  	[spmem:s3] =	stream.indirect.scatter.add.f32 [tilespmem:s22], [sflag:$0xC], $0x10, s25, s20, $0xb8;
	[tilespmem:$0xFD80] =	vst v63  }
0x86: {  	_ =	swait.ge @!p1 [sflag:s24], $0x800  }
0x87: {  	[sflag:s24] =	ssyncset.done @!p1 $0x0  }
0x88: {  	[sflag:s24] =	ssyncadd.s32 @!p1 $0xFFFFF800  }
0x89: {  	[spmem:s4] =	stream.indirect.scatter.add.f32 [tilespmem:s19], [sflag:$0x12], $0x10, s25, s20, $0xb8;
	[tilespmem:$0xFD80] =	vst v63  }
0x8a: {  	_ =	swait.ge [sflag:s10], $0x800  }
0x8b: {  	[sflag:s10] =	ssyncset.done $0x0  }
0x8c: {  	s5 =	simm.s32 $0x600;
	[sflag:s10] =	ssyncadd.s32 $0xFFFFF800  }
0x8d: {  	[tilespmem:s21], [sflag:$0x1] =	stream.indirect.gather [spmem:s2], $0x10, s5, s20, $0xb8;
	[tilespmem:$0xFD80] =	vst v63  }
0x8e: {  	_ =	swait.ge [sflag:s11], $0x800  }
0x8f: {  	[sflag:s11] =	ssyncset.done $0x0  }
0x90: {  	s6 =	simm.s32 $0x700;
	[sflag:s11] =	ssyncadd.s32 $0xFFFFF800  }
0x91: {  	[tilespmem:s23], [sflag:$0x2] =	stream.indirect.gather [spmem:s2], $0x10, s6, s20, $0xb8;
	[tilespmem:$0xFD80] =	vst v63  }
0x92: {  	_ =	swait.ge [sflag:s12], $0x800  }
0x93: {  	[sflag:s12] =	ssyncset.done $0x0  }
0x94: {  	s9 =	simm.s32 $0x800;
	[sflag:s12] =	ssyncadd.s32 $0xFFFFF800  }
0x95: {  	[tilespmem:s28], [sflag:$0x3] =	stream.indirect.gather [spmem:s2], $0x10, s9, s20, $0xb8;
	[tilespmem:$0xFD80] =	vst v63  }
0x96: {  	_ =	swait.ge [sflag:s13], $0x800  }
0x97: {  	[sflag:s13] =	ssyncset.done $0x0  }
0x98: {  	s24 =	simm.s32 $0x900;
	[sflag:s13] =	ssyncadd.s32 $0xFFFFF800  }
0x99: {  	[tilespmem:s30], [sflag:$0x4] =	stream.indirect.gather [spmem:s2], $0x10, s24, s20, $0xb8;
	[tilespmem:$0xFD80] =	vst v63  }
0x9a: {  	_ =	swait.ge [sflag:s14], $0x800  }
0x9b: {  	[sflag:s14] =	ssyncset.done $0x0  }
0x9c: {  	s25 =	simm.s32 $0xA00;
	[sflag:s14] =	ssyncadd.s32 $0xFFFFF800  }
0x9d: {  	[tilespmem:s1], [sflag:$0x5] =	stream.indirect.gather [spmem:s2], $0x10, s25, s20, $0xb8;
	[tilespmem:$0xFD80] =	vst v63  }
0x9e: {  	_ =	swait.ge [sflag:s15], $0x800  }
0x9f: {  	s24 =	simm.s32 $0xB00;
	s25 =	simm.s32 $0x1800;
	[sflag:s15] =	ssyncset.done $0x0  }
.LBB2_2:
0xa0: {  	[sflag:s15] =	ssyncadd.s32 $0xFFFFF800;
	s17 =	smov.u32 s25;
	s25 =	sadd.s32 $0x1800, s25  }
0xa1: {  	[tilespmem:s22], [sflag:$0x6] =	stream.indirect.gather [spmem:s2], $0x10, s24, s20, $0xb8;
	[tilespmem:$0xFD80] =	vst v63  }
0xa2: {  	s24 =	sshra.s32 s17, $0x2;
	p1 =	sne.s32 s25, $0x12000;
	_ =	swait.ge [sflag:s26], $0x800  }
0xa3: {  	p2 =	seq.s32 s17, $0x0;
	s5 =	sadd.s32 $0x80, s24;
	[sflag:s26] =	ssyncset.done $0x0  }
0xa4: {  	s17 =	simm.s32 @!p2 $0xD;
	[sflag:s26] =	ssyncadd.s32 $0xFFFFF800  }
0xa5: {  	[spmem:s3] =	stream.indirect.scatter.add.f32 [tilespmem:s21], [sflag:$0x7], $0x10, s5, s20, $0xb8;
	[tilespmem:$0xFD80] =	vst v63  }
0xa6: {  	_ =	swait.ge @!p2 [sflag:s17], $0x800  }
0xa7: {  	[sflag:s17] =	ssyncset.done @!p2 $0x0  }
0xa8: {  	[sflag:s17] =	ssyncadd.s32 @!p2 $0xFFFFF800  }
0xa9: {  	[spmem:s4] =	stream.indirect.scatter.add.f32 [tilespmem:s19], [sflag:$0xD], $0x10, s5, s20, $0xb8;
	[tilespmem:$0xFD80] =	vst v63  }
0xaa: {  	_ =	swait.ge [sflag:s29], $0x800  }
0xab: {  	s5 =	sadd.s32 $0x180, s24;
	[sflag:s29] =	ssyncset.done $0x0  }
0xac: {  	s17 =	simm.s32 @!p2 $0xE;
	[sflag:s29] =	ssyncadd.s32 $0xFFFFF800  }
0xad: {  	[spmem:s3] =	stream.indirect.scatter.add.f32 [tilespmem:s23], [sflag:$0x8], $0x10, s5, s20, $0xb8;
	[tilespmem:$0xFD80] =	vst v63  }
0xae: {  	_ =	swait.ge @!p2 [sflag:s17], $0x800  }
0xaf: {  	[sflag:s17] =	ssyncset.done @!p2 $0x0  }
0xb0: {  	[sflag:s17] =	ssyncadd.s32 @!p2 $0xFFFFF800  }
0xb1: {  	[spmem:s4] =	stream.indirect.scatter.add.f32 [tilespmem:s19], [sflag:$0xE], $0x10, s5, s20, $0xb8;
	[tilespmem:$0xFD80] =	vst v63  }
0xb2: {  	_ =	swait.ge [sflag:s31], $0x800  }
0xb3: {  	s5 =	sadd.s32 $0x280, s24;
	[sflag:s31] =	ssyncset.done $0x0  }
0xb4: {  	s17 =	simm.s32 @!p2 $0xF;
	[sflag:s31] =	ssyncadd.s32 $0xFFFFF800  }
0xb5: {  	[spmem:s3] =	stream.indirect.scatter.add.f32 [tilespmem:s28], [sflag:$0x9], $0x10, s5, s20, $0xb8;
	[tilespmem:$0xFD80] =	vst v63  }
0xb6: {  	_ =	swait.ge @!p2 [sflag:s17], $0x800  }
0xb7: {  	[sflag:s17] =	ssyncset.done @!p2 $0x0  }
0xb8: {  	[sflag:s17] =	ssyncadd.s32 @!p2 $0xFFFFF800  }
0xb9: {  	[spmem:s4] =	stream.indirect.scatter.add.f32 [tilespmem:s19], [sflag:$0xF], $0x10, s5, s20, $0xb8;
	[tilespmem:$0xFD80] =	vst v63  }
0xba: {  	_ =	swait.ge [sflag:s0], $0x800  }
0xbb: {  	s5 =	sadd.s32 $0x380, s24;
	[sflag:s0] =	ssyncset.done $0x0  }
0xbc: {  	s17 =	simm.s32 @!p2 $0x10;
	[sflag:s0] =	ssyncadd.s32 $0xFFFFF800  }
0xbd: {  	[spmem:s3] =	stream.indirect.scatter.add.f32 [tilespmem:s30], [sflag:$0xA], $0x10, s5, s20, $0xb8;
	[tilespmem:$0xFD80] =	vst v63  }
0xbe: {  	_ =	swait.ge @!p2 [sflag:s17], $0x800  }
0xbf: {  	[sflag:s17] =	ssyncset.done @!p2 $0x0  }
0xc0: {  	[sflag:s17] =	ssyncadd.s32 @!p2 $0xFFFFF800  }
0xc1: {  	[spmem:s4] =	stream.indirect.scatter.add.f32 [tilespmem:s19], [sflag:$0x10], $0x10, s5, s20, $0xb8;
	[tilespmem:$0xFD80] =	vst v63  }
0xc2: {  	_ =	swait.ge [sflag:s7], $0x800  }
0xc3: {  	s5 =	sadd.s32 $0x480, s24;
	[sflag:s7] =	ssyncset.done $0x0  }
0xc4: {  	s17 =	simm.s32 @!p2 $0x11;
	[sflag:s7] =	ssyncadd.s32 $0xFFFFF800  }
0xc5: {  	[spmem:s3] =	stream.indirect.scatter.add.f32 [tilespmem:s1], [sflag:$0xB], $0x10, s5, s20, $0xb8;
	[tilespmem:$0xFD80] =	vst v63  }
0xc6: {  	_ =	swait.ge @!p2 [sflag:s17], $0x800  }
0xc7: {  	[sflag:s17] =	ssyncset.done @!p2 $0x0  }
0xc8: {  	[sflag:s17] =	ssyncadd.s32 @!p2 $0xFFFFF800  }
0xc9: {  	[spmem:s4] =	stream.indirect.scatter.add.f32 [tilespmem:s19], [sflag:$0x11], $0x10, s5, s20, $0xb8;
	[tilespmem:$0xFD80] =	vst v63  }
0xca: {  	_ =	swait.ge [sflag:s8], $0x800  }
0xcb: {  	s5 =	sadd.s32 $0x580, s24;
	[sflag:s8] =	ssyncset.done $0x0  }
0xcc: {  	s17 =	simm.s32 @!p2 $0x12;
	[sflag:s8] =	ssyncadd.s32 $0xFFFFF800  }
0xcd: {  	[spmem:s3] =	stream.indirect.scatter.add.f32 [tilespmem:s22], [sflag:$0xC], $0x10, s5, s20, $0xb8;
	[tilespmem:$0xFD80] =	vst v63  }
0xce: {  	_ =	swait.ge @!p2 [sflag:s17], $0x800  }
0xcf: {  	[sflag:s17] =	ssyncset.done @!p2 $0x0  }
0xd0: {  	[sflag:s17] =	ssyncadd.s32 @!p2 $0xFFFFF800  }
0xd1: {  	[spmem:s4] =	stream.indirect.scatter.add.f32 [tilespmem:s19], [sflag:$0x12], $0x10, s5, s20, $0xb8;
	[tilespmem:$0xFD80] =	vst v63  }
0xd2: {  	_ =	swait.ge [sflag:s10], $0x800  }
0xd3: {  	s5 =	sadd.s32 $0x600, s24;
	[sflag:s10] =	ssyncset.done $0x0  }
0xd4: {  	[sflag:s10] =	ssyncadd.s32 $0xFFFFF800  }
0xd5: {  	[tilespmem:s21], [sflag:$0x1] =	stream.indirect.gather [spmem:s2], $0x10, s5, s20, $0xb8;
	[tilespmem:$0xFD80] =	vst v63  }
0xd6: {  	_ =	swait.ge [sflag:s11], $0x800  }
0xd7: {  	s5 =	sadd.s32 $0x700, s24;
	[sflag:s11] =	ssyncset.done $0x0  }
0xd8: {  	[sflag:s11] =	ssyncadd.s32 $0xFFFFF800  }
0xd9: {  	[tilespmem:s23], [sflag:$0x2] =	stream.indirect.gather [spmem:s2], $0x10, s5, s20, $0xb8;
	[tilespmem:$0xFD80] =	vst v63  }
0xda: {  	_ =	swait.ge [sflag:s12], $0x800  }
0xdb: {  	s5 =	sadd.s32 $0x800, s24;
	[sflag:s12] =	ssyncset.done $0x0  }
0xdc: {  	[sflag:s12] =	ssyncadd.s32 $0xFFFFF800  }
0xdd: {  	[tilespmem:s28], [sflag:$0x3] =	stream.indirect.gather [spmem:s2], $0x10, s5, s20, $0xb8;
	[tilespmem:$0xFD80] =	vst v63  }
0xde: {  	_ =	swait.ge [sflag:s13], $0x800  }
0xdf: {  	s5 =	sadd.s32 $0x900, s24;
	[sflag:s13] =	ssyncset.done $0x0  }
0xe0: {  	[sflag:s13] =	ssyncadd.s32 $0xFFFFF800  }
0xe1: {  	[tilespmem:s30], [sflag:$0x4] =	stream.indirect.gather [spmem:s2], $0x10, s5, s20, $0xb8;
	[tilespmem:$0xFD80] =	vst v63  }
0xe2: {  	_ =	swait.ge [sflag:s14], $0x800  }
.Ltmp0:
0xe3: {  	s5 =	sadd.s32 $0xA00, s24;
	[sflag:s14] =	ssyncset.done $0x0;
	(pc) =	sbr.rel @p1 .LBB2_2-.Ltmp0, $4  }
0xe4: {  	[sflag:s14] =	ssyncadd.s32 $0xFFFFF800  }
0xe5: {  	[tilespmem:s1], [sflag:$0x5] =	stream.indirect.gather [spmem:s2], $0x10, s5, s20, $0xb8;
	[tilespmem:$0xFD80] =	vst v63  }
0xe6: {  	_ =	swait.ge [sflag:s15], $0x800  }
0xe7: {  	s24 =	sadd.s32 $0xB00, s24;
	[sflag:s15] =	ssyncset.done $0x0  }
0xe8: {  	[sflag:s15] =	ssyncadd.s32 $0xFFFFF800  }
0xe9: {  	[tilespmem:s22], [sflag:$0x6] =	stream.indirect.gather [spmem:s2], $0x10, s24, s20, $0xb8;
	[tilespmem:$0xFD80] =	vst v63  }
0xea: {  	_ =	swait.ge [sflag:s26], $0x800  }
0xeb: {  	[sflag:s26] =	ssyncset.done $0x0  }
0xec: {  	s5 =	simm.s32 $0x4880;
	s17 =	simm.s32 $0xD;
	[sflag:s26] =	ssyncadd.s32 $0xFFFFF800  }
0xed: {  	[spmem:s3] =	stream.indirect.scatter.add.f32 [tilespmem:s21], [sflag:$0x7], $0x10, s5, s20, $0xb8;
	[tilespmem:$0xFD80] =	vst v63  }
0xee: {  	_ =	swait.ge [sflag:s17], $0x800  }
0xef: {  	[sflag:s17] =	ssyncset.done $0x0  }
0xf0: {  	[sflag:s17] =	ssyncadd.s32 $0xFFFFF800  }
0xf1: {  	[spmem:s4] =	stream.indirect.scatter.add.f32 [tilespmem:s19], [sflag:$0xD], $0x10, s5, s20, $0xb8;
	[tilespmem:$0xFD80] =	vst v63  }
0xf2: {  	_ =	swait.ge [sflag:s29], $0x800  }
0xf3: {  	[sflag:s29] =	ssyncset.done $0x0  }
0xf4: {  	s25 =	simm.s32 $0x4980;
	s24 =	simm.s32 $0xE;
	[sflag:s29] =	ssyncadd.s32 $0xFFFFF800  }
0xf5: {  	[spmem:s3] =	stream.indirect.scatter.add.f32 [tilespmem:s23], [sflag:$0x8], $0x10, s25, s20, $0xb8;
	[tilespmem:$0xFD80] =	vst v63  }
0xf6: {  	_ =	swait.ge [sflag:s24], $0x800  }
0xf7: {  	[sflag:s24] =	ssyncset.done $0x0  }
0xf8: {  	[sflag:s24] =	ssyncadd.s32 $0xFFFFF800  }
0xf9: {  	[spmem:s4] =	stream.indirect.scatter.add.f32 [tilespmem:s19], [sflag:$0xE], $0x10, s25, s20, $0xb8;
	[tilespmem:$0xFD80] =	vst v63  }
0xfa: {  	_ =	swait.ge [sflag:s31], $0x800  }
0xfb: {  	[sflag:s31] =	ssyncset.done $0x0  }
0xfc: {  	s6 =	simm.s32 $0x4A80;
	s25 =	simm.s32 $0xF;
	[sflag:s31] =	ssyncadd.s32 $0xFFFFF800  }
0xfd: {  	[spmem:s3] =	stream.indirect.scatter.add.f32 [tilespmem:s28], [sflag:$0x9], $0x10, s6, s20, $0xb8;
	[tilespmem:$0xFD80] =	vst v63  }
0xfe: {  	_ =	swait.ge [sflag:s25], $0x800  }
0xff: {  	[sflag:s25] =	ssyncset.done $0x0  }
0x100: {  	[sflag:s25] =	ssyncadd.s32 $0xFFFFF800  }
0x101: {  	[spmem:s4] =	stream.indirect.scatter.add.f32 [tilespmem:s19], [sflag:$0xF], $0x10, s6, s20, $0xb8;
	[tilespmem:$0xFD80] =	vst v63  }
0x102: {  	_ =	swait.ge [sflag:s0], $0x800  }
0x103: {  	[sflag:s0] =	ssyncset.done $0x0  }
0x104: {  	s9 =	simm.s32 $0x4B80;
	s6 =	simm.s32 $0x10;
	[sflag:s0] =	ssyncadd.s32 $0xFFFFF800  }
0x105: {  	[spmem:s3] =	stream.indirect.scatter.add.f32 [tilespmem:s30], [sflag:$0xA], $0x10, s9, s20, $0xb8;
	[tilespmem:$0xFD80] =	vst v63  }
0x106: {  	_ =	swait.ge [sflag:s6], $0x800  }
0x107: {  	[sflag:s6] =	ssyncset.done $0x0  }
0x108: {  	[sflag:s6] =	ssyncadd.s32 $0xFFFFF800  }
0x109: {  	[spmem:s4] =	stream.indirect.scatter.add.f32 [tilespmem:s19], [sflag:$0x10], $0x10, s9, s20, $0xb8;
	[tilespmem:$0xFD80] =	vst v63  }
0x10a: {  	_ =	swait.ge [sflag:s7], $0x800  }
0x10b: {  	[sflag:s7] =	ssyncset.done $0x0  }
0x10c: {  	s5 =	simm.s32 $0x4C80;
	s9 =	simm.s32 $0x11;
	[sflag:s7] =	ssyncadd.s32 $0xFFFFF800  }
0x10d: {  	[spmem:s3] =	stream.indirect.scatter.add.f32 [tilespmem:s1], [sflag:$0xB], $0x10, s5, s20, $0xb8;
	[tilespmem:$0xFD80] =	vst v63  }
0x10e: {  	_ =	swait.ge [sflag:s9], $0x800  }
0x10f: {  	[sflag:s9] =	ssyncset.done $0x0  }
0x110: {  	[sflag:s9] =	ssyncadd.s32 $0xFFFFF800  }
0x111: {  	[spmem:s4] =	stream.indirect.scatter.add.f32 [tilespmem:s19], [sflag:$0x11], $0x10, s5, s20, $0xb8;
	[tilespmem:$0xFD80] =	vst v63  }
0x112: {  	_ =	swait.ge [sflag:s8], $0x800  }
0x113: {  	[sflag:s8] =	ssyncset.done $0x0  }
0x114: {  	s5 =	simm.s32 $0x4D80;
	[sflag:s8] =	ssyncadd.s32 $0xFFFFF800  }
0x115: {  	[spmem:s3] =	stream.indirect.scatter.add.f32 [tilespmem:s22], [sflag:$0xC], $0x10, s5, s20, $0xb8;
	[tilespmem:$0xFD80] =	vst v63  }
0x116: {  	_ =	swait.ge [sflag:s18], $0x800  }
0x117: {  	[sflag:s18] =	ssyncset.done $0x0  }
0x118: {  	[sflag:s18] =	ssyncadd.s32 $0xFFFFF800  }
0x119: {  	[spmem:s4] =	stream.indirect.scatter.add.f32 [tilespmem:s19], [sflag:$0x12], $0x10, s5, s20, $0xb8;
	[tilespmem:$0xFD80] =	vst v63  }
0x11a: {  	_ =	swait.ge [sflag:s10], $0x800  }
0x11b: {  	[sflag:s10] =	ssyncset.done $0x0  }
0x11c: {  	[sflag:s10] =	ssyncadd.s32 $0xFFFFF800  }
0x11d: {  	_ =	swait.ge [sflag:s17], $0x800  }
0x11e: {  	[sflag:s17] =	ssyncset.done $0x0  }
0x11f: {  	[sflag:s17] =	ssyncadd.s32 $0xFFFFF800  }
0x120: {  	_ =	swait.ge [sflag:s11], $0x800  }
0x121: {  	[sflag:s11] =	ssyncset.done $0x0  }
0x122: {  	[sflag:s11] =	ssyncadd.s32 $0xFFFFF800  }
0x123: {  	_ =	swait.ge [sflag:s24], $0x800  }
0x124: {  	[sflag:s24] =	ssyncset.done $0x0  }
0x125: {  	[sflag:s24] =	ssyncadd.s32 $0xFFFFF800  }
0x126: {  	_ =	swait.ge [sflag:s12], $0x800  }
0x127: {  	[sflag:s12] =	ssyncset.done $0x0  }
0x128: {  	[sflag:s12] =	ssyncadd.s32 $0xFFFFF800  }
0x129: {  	_ =	swait.ge [sflag:s25], $0x800  }
0x12a: {  	[sflag:s25] =	ssyncset.done $0x0  }
0x12b: {  	[sflag:s25] =	ssyncadd.s32 $0xFFFFF800  }
0x12c: {  	_ =	swait.ge [sflag:s13], $0x800  }
0x12d: {  	[sflag:s13] =	ssyncset.done $0x0  }
0x12e: {  	[sflag:s13] =	ssyncadd.s32 $0xFFFFF800  }
0x12f: {  	_ =	swait.ge [sflag:s6], $0x800  }
0x130: {  	[sflag:s6] =	ssyncset.done $0x0  }
0x131: {  	[sflag:s6] =	ssyncadd.s32 $0xFFFFF800  }
0x132: {  	_ =	swait.ge [sflag:s14], $0x800  }
0x133: {  	[sflag:s14] =	ssyncset.done $0x0  }
0x134: {  	[sflag:s14] =	ssyncadd.s32 $0xFFFFF800  }
0x135: {  	_ =	swait.ge [sflag:s9], $0x800  }
0x136: {  	[sflag:s9] =	ssyncset.done $0x0  }
0x137: {  	[sflag:s9] =	ssyncadd.s32 $0xFFFFF800  }
0x138: {  	_ =	swait.ge [sflag:s15], $0x800  }
0x139: {  	[sflag:s15] =	ssyncset.done $0x0  }
0x13a: {  	[sflag:s15] =	ssyncadd.s32 $0xFFFFF800  }
0x13b: {  	_ =	swait.ge [sflag:s18], $0x800  }
0x13c: {  	[sflag:s18] =	ssyncset.done $0x0  }
0x13d: {  	[sflag:s18] =	ssyncadd.s32 $0xFFFFF800  }
0x13e: {  	[bflag:$0x0] =	sbarrier.arrive $0xFFFF  }
0x13f: {  	s17 =	rddreg [dreg:$0xc]  }
0x140: {  	s24 =	rddreg [dreg:$0x12]  }
0x141: {  	s9 =	rddreg [dreg:$0x14]  }
0x142: {  	[hbm:s17], [sflag:s9] =	dma.local [spmem:s24], $0x4E2  }
0x143: {  	_ =	swait.ge [sflag:s16], $0x4E2  }
0x144: {  	[sflag:s16] =	ssyncset.done $0x0;
	s25 =	rddreg [dreg:$0xd]  }
0x145: {  	s6 =	rddreg [dreg:$0x13];
	[sflag:s16] =	ssyncadd.s32 $0xFFFFFB1E  }
0x146: {  	[hbm:s25], [sflag:s9] =	dma.local [spmem:s6], $0x4E2  }
0x147: {  	_ =	swait.ge [sflag:s16], $0x4E2  }
0x148: {  	s24 =	rddreg [dreg:$0x15]  }
0x149: {  	s25 =	rddreg [dreg:$0xe];
	s6 =	sadd.s32 $0x1, s24  }
0x14a: {  	p1 =	sne.s32 s6, s25  }
.Ltmp1:
0x14b: {  	_ = 	snop;
	(pc) =	sbr.rel @p1 .LBB2_1-.Ltmp1, $3  }
0x14c: {  	_ =	sdelay $0x1  }
0x14d: {  	[sflag:s16] =	ssyncset.done $0x0  }
0x14e: {  	[sflag:s16] =	ssyncadd.s32 $0xFFFFFB1E  }
0x14f: {  	_ =	sfence.sel $0x180000  }
0x150: {  	[bflag:$0x0] =	sbarrier.arrive $0xFFFF  }
0x151: {  	_ =	strace $0x90000047  }
0x152: {  	s0 =	stileid.u32;
	[bflag:$0x2] =	sbarrier.arrive $0xFFFF  }
0x153: {  	p0 =	sne.s32 s0, $0x0;
	s0 =	rddreg [dreg:$0x6]  }
0x154: {  	s0 =	sadd.s32 @!p0 $0x100000, s0  }
0x155: {  	[sflag:s0] =	ssyncadd.tile.s32 @!p0 $0x1;
	_ =	shalt  }
.Lfunc_end2:
_tile_overlayer_lowered:
.L_overlay_start_2:
0x156: {  	(tag) =	ssettag $0x2  }
0x157: {  	s0 =	rddreg [dreg:$0x0];
	s2 =	stileid.u32  }
0x158: {  	s1 =	rddreg [dreg:$0x1];
	p0 =	sne.s32 s2, $0x0  }
0x159: {  	s3 =	rddreg [dreg:$0x2];
	[bflag:$0x3] =	sbarrier.arrive $0xFFFF;
	s2 =	simm.s32 @!p0 $0x1C13  }
0x15a: {  	[timem:s3], [sflag:s2] =	dma.local @!p0 [hbm:s0], s1  }
0x15b: {  	s0 =	simm.s32 @!p0 $0x13  }
0x15c: {  	_ =	swait.ge @!p0 [sflag:s0], s1  }
0x15d: {  	s1 =	ssub.s32 @!p0 $0x0, s1;
	[sflag:s0] =	ssyncset.done @!p0 $0x0  }
0x15e: {  	[sflag:s0] =	ssyncadd.s32 @!p0 s1  }
0x15f: {  	[bflag:$0x3] =	sbarrier.arrive $0xFFFF  }
0x160: {  	_ =	shalt  }

</sc_bundles>
